<compile_context>
chip_gen: v7x
topology: tpu7x:2x2x1
jax: 0.10.2.dev20260603
libtpu: 0.0.44.dev20260713+nightly
codegen_flags: <defaults>
</compile_context>

<pallas_src>
import jax
import jax.numpy as jnp
from jax import lax
from jax.experimental import pallas as pl
from jax.experimental.pallas import tpu as pltpu
from jax.experimental.pallas import tpu_sc as plsc

_D = 128
_H = 256
_CT = 64

_NC = 2
_NS = 16
_NW = _NC * _NS



def _gather_body(table_hbm, idx_hbm, out_hbm, idx_v, rows_v, sem):
    wid = lax.axis_index("s") * _NC + lax.axis_index("c")
    bpw = idx_v.shape[0]
    base = wid * bpw
    pltpu.sync_copy(idx_hbm.at[pl.ds(base, bpw)], idx_v)
    pltpu.async_copy(table_hbm.at[idx_v], rows_v, sem).wait()
    pltpu.sync_copy(rows_v, out_hbm.at[pl.ds(base, bpw)])


def _sc_gather(table, idx):
    n = idx.shape[0]
    d = table.shape[1]
    bpw = n // _NW
    mesh = plsc.VectorSubcoreMesh(core_axis_name="c", subcore_axis_name="s")
    k = pl.kernel(
        _gather_body,
        mesh=mesh,
        out_type=jax.ShapeDtypeStruct((n, d), jnp.float32),
        scratch_types=[
            pltpu.VMEM((bpw,), jnp.int32),
            pltpu.VMEM((bpw, d), jnp.float32),
            pltpu.SemaphoreType.DMA,
        ],
    )
    return k(table, idx)



def _bilstm_body(len_ref, len_row_ref, embf_ref, embb_ref, wxf_ref, bf_ref,
                 wxb_ref, bb_ref, whf_ref, whb_ref,
                 wm1_ref, wm2_ref, bm_ref,
                 out_ref,
                 zxf_ref, zxb_ref, hfs, hbs, hf_c, cf_c, hb_c, cb_c,
                 uf_s, ub_s):
    g = pl.program_id(0)
    ng = pl.num_programs(0)

    @pl.when(g == 0)
    def _init():
        hf_c[...] = jnp.zeros_like(hf_c)
        cf_c[...] = jnp.zeros_like(cf_c)
        hb_c[...] = jnp.zeros_like(hb_c)
        cb_c[...] = jnp.zeros_like(cb_c)

    embf = embf_ref[...].astype(jnp.bfloat16)
    embb = embb_ref[...].astype(jnp.bfloat16)
    zxf_ref[...] = jnp.dot(embf, wxf_ref[...],
                           preferred_element_type=jnp.float32) + bf_ref[...]
    zxb_ref[...] = jnp.dot(embb, wxb_ref[...],
                           preferred_element_type=jnp.float32) + bb_ref[...]

    lens = len_ref[...]

    def sig(v):
        return 0.5 * jnp.tanh(0.5 * v) + 0.5
    tb_base = (ng - 1 - g) * _CT

    def step(ct, carry):
        hf, cf, hb, cb = carry

        zf = zxf_ref[pl.ds(ct * 8, 8), :] + jnp.dot(
            hf.astype(jnp.bfloat16), whf_ref[...],
            preferred_element_type=jnp.float32)
        i_f = sig(zf[:, 0:_H])
        f_f = sig(zf[:, _H:2 * _H])
        g_f = jnp.tanh(zf[:, 2 * _H:3 * _H])
        o_f = sig(zf[:, 3 * _H:4 * _H])
        cf = f_f * cf + i_f * g_f
        hf = o_f * jnp.tanh(cf)
        hfs[ct] = hf

        tb = _CT - 1 - ct
        zb = zxb_ref[pl.ds(tb * 8, 8), :] + jnp.dot(
            hb.astype(jnp.bfloat16), whb_ref[...],
            preferred_element_type=jnp.float32)
        i_b = sig(zb[:, 0:_H])
        f_b = sig(zb[:, _H:2 * _H])
        g_b = jnp.tanh(zb[:, 2 * _H:3 * _H])
        o_b = sig(zb[:, 3 * _H:4 * _H])
        cb_new = f_b * cb + i_b * g_b
        m = (tb_base + tb < lens).astype(jnp.float32)
        hb = m * (o_b * jnp.tanh(cb_new))
        cb = m * cb_new
        hbs[tb] = hb
        return hf, cf, hb, cb

    hf, cf, hb, cb = lax.fori_loop(
        0, _CT, step, (hf_c[...], cf_c[...], hb_c[...], cb_c[...]),
        unroll=32)
    hf_c[...] = hf
    cf_c[...] = cf
    hb_c[...] = hb
    cb_c[...] = cb

    uf_s[pl.ds(g * _CT, _CT), :] = jnp.sum(hfs[...] * wm1_ref[...], axis=-1)
    ub_s[pl.ds((ng - 1 - g) * _CT, _CT), :] = jnp.sum(
        hbs[...] * wm2_ref[...], axis=-1)

    @pl.when(g == ng - 1)
    def _finish():
        tt = lax.broadcasted_iota(jnp.int32, uf_s.shape, 0)
        mask = (tt < len_row_ref[...]).astype(jnp.float32)
        u = uf_s[...] + ub_s[...] + bm_ref[...]
        probs = (0.5 * jnp.tanh(0.5 * u) + 0.5) * mask
        out_ref[...] = probs.T


def _bilstm(emb, len2, len_row, wxf, bf2, wxb, bb2, whf, whb, wm1, wm2, bm2):
    n = emb.shape[0]
    rows = _CT * 8
    ng = n // rows
    t = n // 8
    full = lambda g: (0, 0)
    out = pl.pallas_call(
        _bilstm_body,
        grid=(ng,),
        in_specs=[
            pl.BlockSpec((8, 1), full),
            pl.BlockSpec((1, 8), full),
            pl.BlockSpec((rows, _D), lambda g: (g, 0)),
            pl.BlockSpec((rows, _D), lambda g: (ng - 1 - g, 0)),
            pl.BlockSpec((_D, 4 * _H), full),
            pl.BlockSpec((1, 4 * _H), full),
            pl.BlockSpec((_D, 4 * _H), full),
            pl.BlockSpec((1, 4 * _H), full),
            pl.BlockSpec((_H, 4 * _H), full),
            pl.BlockSpec((_H, 4 * _H), full),
            pl.BlockSpec((1, _H), full),
            pl.BlockSpec((1, _H), full),
            pl.BlockSpec((1, 1), full),
        ],
        out_specs=pl.BlockSpec((8, t), full),
        out_shape=jax.ShapeDtypeStruct((8, t), jnp.float32),
        scratch_shapes=[
            pltpu.VMEM((rows, 4 * _H), jnp.float32),
            pltpu.VMEM((rows, 4 * _H), jnp.float32),
            pltpu.VMEM((_CT, 8, _H), jnp.float32),
            pltpu.VMEM((_CT, 8, _H), jnp.float32),
            pltpu.VMEM((8, _H), jnp.float32),
            pltpu.VMEM((8, _H), jnp.float32),
            pltpu.VMEM((8, _H), jnp.float32),
            pltpu.VMEM((8, _H), jnp.float32),
            pltpu.VMEM((t, 8), jnp.float32),
            pltpu.VMEM((t, 8), jnp.float32),
        ],
    )(len2, len_row, emb, emb, wxf, bf2, wxb, bb2, whf, whb, wm1, wm2, bm2)
    return out



def kernel(x, len_x, embedding, Wf, bf, Wb, bb, Wm, bm):
    b, t = x.shape
    idx = x.T.reshape(-1).astype(jnp.int32)
    emb = _sc_gather(embedding, idx)

    wxf, whf = Wf[:_D].astype(jnp.bfloat16), Wf[_D:].astype(jnp.bfloat16)
    wxb, whb = Wb[:_D].astype(jnp.bfloat16), Wb[_D:].astype(jnp.bfloat16)
    wm1 = Wm[:_H, 0].reshape(1, _H)
    wm2 = Wm[_H:, 0].reshape(1, _H)
    len2 = len_x.reshape(b, 1).astype(jnp.int32)
    len_row = len_x.reshape(1, b).astype(jnp.int32)

    return _bilstm(emb, len2, len_row, wxf, bf.reshape(1, -1),
                   wxb, bb.reshape(1, -1), whf, whb, wm1, wm2,
                   bm.reshape(1, 1))

# --- scband reference (transcript-rebuilt; emitter-appended) ---
"""Pipeline reference for scband-joint-model-27504970563899 (READ-ONLY COPY).

The authoritative reference and input builder live on the scoring server;
editing this copy changes nothing except your own understanding.
"""

import jax, jax.numpy as jnp
import numpy as np

VOCAB = 100000
D = 128
H = 256
B = 8
T = 512

def setup_inputs(seed: int = 0):
    key = jax.random.key(seed)
    ks = jax.random.split(key, 8)
    x = jax.random.randint(ks[0], (B, T), 0, VOCAB)
    len_x = jax.random.randint(ks[1], (B,), 1, T + 1)
    embedding = jax.random.normal(ks[2], (VOCAB, D), dtype=jnp.float32) * 0.02
    Wf = jax.random.normal(ks[3], (D + H, 4 * H), dtype=jnp.float32) * 0.05
    bf = jnp.zeros((4 * H,), jnp.float32)
    Wb = jax.random.normal(ks[4], (D + H, 4 * H), dtype=jnp.float32) * 0.05
    bb = jnp.zeros((4 * H,), jnp.float32)
    Wm = jax.random.normal(ks[5], (2 * H, 1), dtype=jnp.float32) * 0.05
    bm = jnp.zeros((1,), jnp.float32)
    return {"x": x, "len_x": len_x, "embedding": embedding, "Wf": Wf, "bf": bf, "Wb": Wb, "bb": bb, "Wm": Wm, "bm": bm}

def _lstm(emb_t, mask_t, W, b):
    Bn = emb_t.shape[1]
    Hn = W.shape[1] // 4
    def step(carry, inp):
        h, c = carry
        x_t, m_t = inp
        z = jnp.concatenate([x_t, h], axis=-1) @ W + b
        i, f, g, o = jnp.split(z, 4, axis=-1)
        i = jax.nn.sigmoid(i)
        f = jax.nn.sigmoid(f)
        g = jnp.tanh(g)
        o = jax.nn.sigmoid(o)
        c_new = f * c + i * g
        h_new = o * jnp.tanh(c_new)
        h = jnp.where(m_t, h_new, h)
        c = jnp.where(m_t, c_new, c)
        return (h, c), h
    h0 = jnp.zeros((Bn, Hn), emb_t.dtype)
    c0 = jnp.zeros((Bn, Hn), emb_t.dtype)
    (_, _), hs = jax.lax.scan(step, (h0, c0), (emb_t, mask_t))
    return hs

def reference(x, len_x, embedding, Wf, bf, Wb, bb, Wm, bm):
    Bn, Tn = x.shape
    # WordEncoder ('metaphor' task): embedding lookup over ragged (length-masked) sequences
    emb = jnp.take(embedding, x, axis=0)  # [B, T, D] gather
    mask = jnp.arange(Tn)[None, :] < len_x[:, None]  # [B, T] ragged mask
    emb_t = jnp.transpose(emb, (1, 0, 2))  # [T, B, D]
    mask_t = jnp.transpose(mask)[:, :, None]  # [T, B, 1]
    h_f = _lstm(emb_t, mask_t, Wf, bf)
    h_b = _lstm(emb_t[::-1], mask_t[::-1], Wb, bb)[::-1]
    out = jnp.concatenate([h_f, h_b], axis=-1)  # [T, B, 2H]
    out = jnp.transpose(out, (1, 0, 2))  # [B, T, 2H]
    probs = jax.nn.sigmoid(out @ Wm + bm)[..., 0]  # token-level head + Sigmoid
    return probs * mask.astype(probs.dtype)

if __name__ == "__main__":
    import jax
    _d = setup_inputs()
    print(jax.jit(kernel)(*tuple(_d.values())))

</pallas_src>

<mosaic_0001>
#map = affine_map<(d0, d1) -> (0, 0)>
#map1 = affine_map<(d0, d1) -> (0)>
module attributes {stable_mosaic.version = 14 : i64} {
  func.func @_gather_body(%arg0: i32, %arg1: i32, %arg2: memref<100000x128xf32, #tpu.memory_space<hbm>>, %arg3: memref<4096xi32, #tpu.memory_space<hbm>>, %arg4: memref<4096x128xf32, #tpu.memory_space<hbm>>, %arg5: memref<128xi32, #tpu.memory_space<vmem>>, %arg6: memref<128x128xf32, #tpu.memory_space<vmem>>, %arg7: memref<!tpu.dma_semaphore, #tpu.memory_space<semaphore_mem>>) attributes {dimension_semantics = [#tpu.dimension_semantics<core_parallel>, #tpu.dimension_semantics<subcore_parallel>], iteration_bounds = array<i64: 2, 16>, scalar_prefetch = 0 : i64, scratch_operands = 3 : i64, tpu.core_type = #tpu.core_type<sc_vector_subcore>, window_params = [{transform_indices = #map}, {transform_indices = #map1}, {transform_indices = #map}]} {
    %mul3A = arith.constant 2 : i32
    %mul3A_0 = arith.muli %arg1, %mul3A : i32
    %add3A = arith.addi %mul3A_0, %arg0 : i32
    %mul3A_1 = arith.constant 128 : i32
    %mul3A_2 = arith.muli %add3A, %mul3A_1 : i32
    "tpu.region"() ({
      %run_scoped3A = tpu.sem_alloc : memref<!tpu.dma_semaphore, #tpu.memory_space<semaphore_mem>>
      %dma_start3A_7 = tpu.memref_slice %arg3[%mul3A_2] : memref<4096xi32, #tpu.memory_space<hbm>> -> memref<128xi32, #tpu.memory_space<hbm>>
      %dma_start3A_8 = tpu.memref_slice %arg3[%mul3A_2] : memref<4096xi32, #tpu.memory_space<hbm>> -> memref<128xi32, #tpu.memory_space<hbm>>
      tpu.enqueue_dma source(%dma_start3A_8 : memref<128xi32, #tpu.memory_space<hbm>>) target(%arg5 : memref<128xi32, #tpu.memory_space<vmem>>) target_semaphore(%run_scoped3A : memref<!tpu.dma_semaphore, #tpu.memory_space<semaphore_mem>>)
      %dma_wait3A_9 = tpu.memref_slice %arg3[%mul3A_2] : memref<4096xi32, #tpu.memory_space<hbm>> -> memref<128xi32, #tpu.memory_space<hbm>>
      %dma_wait3A_10 = tpu.memref_slice %arg3[%mul3A_2] : memref<4096xi32, #tpu.memory_space<hbm>> -> memref<128xi32, #tpu.memory_space<hbm>>
      tpu.wait_dma2 semaphore(%run_scoped3A : memref<!tpu.dma_semaphore, #tpu.memory_space<semaphore_mem>>) src(%dma_wait3A_10 : memref<128xi32, #tpu.memory_space<hbm>>) dst(%arg5 : memref<128xi32, #tpu.memory_space<vmem>>)
      tpu.yield
    }) : () -> ()
    %dma_start3A = arith.constant 0 : i32
    %dma_start3A_3 = arith.constant 0 : i32
    %dma_start3A_4 = tpu.memref_slice %arg2[%dma_start3A, %dma_start3A_3] : memref<100000x128xf32, #tpu.memory_space<hbm>> -> memref<100000x128xf32, #tpu.memory_space<hbm>>
    tpu.enqueue_indirect_dma source(%dma_start3A_4 : memref<100000x128xf32, #tpu.memory_space<hbm>>) target(%arg6 : memref<128x128xf32, #tpu.memory_space<vmem>>) offsets(%arg5 : memref<128xi32, #tpu.memory_space<vmem>>) semaphore(%arg7 : memref<!tpu.dma_semaphore, #tpu.memory_space<semaphore_mem>>)
    %dma_wait3A = arith.constant 0 : i32
    %dma_wait3A_5 = arith.constant 0 : i32
    %dma_wait3A_6 = tpu.memref_slice %arg2[%dma_wait3A, %dma_wait3A_5] : memref<100000x128xf32, #tpu.memory_space<hbm>> -> memref<100000x128xf32, #tpu.memory_space<hbm>>
    tpu.wait_indirect_dma semaphore(%arg7 : memref<!tpu.dma_semaphore, #tpu.memory_space<semaphore_mem>>) src(%dma_wait3A_6 : memref<100000x128xf32, #tpu.memory_space<hbm>>) dst(%arg6 : memref<128x128xf32, #tpu.memory_space<vmem>>)
    "tpu.region"() ({
      %run_scoped3A = tpu.sem_alloc : memref<!tpu.dma_semaphore, #tpu.memory_space<semaphore_mem>>
      %dma_start3A_7 = arith.constant 0 : i32
      %dma_start3A_8 = tpu.memref_slice %arg4[%mul3A_2, %dma_start3A_7] : memref<4096x128xf32, #tpu.memory_space<hbm>> -> memref<128x128xf32, #tpu.memory_space<hbm>>
      %dma_start3A_9 = arith.constant 0 : i32
      %dma_start3A_10 = tpu.memref_slice %arg4[%mul3A_2, %dma_start3A_9] : memref<4096x128xf32, #tpu.memory_space<hbm>> -> memref<128x128xf32, #tpu.memory_space<hbm>>
      tpu.enqueue_dma source(%arg6 : memref<128x128xf32, #tpu.memory_space<vmem>>) target(%dma_start3A_10 : memref<128x128xf32, #tpu.memory_space<hbm>>) target_semaphore(%run_scoped3A : memref<!tpu.dma_semaphore, #tpu.memory_space<semaphore_mem>>)
      %dma_wait3A_11 = arith.constant 0 : i32
      %dma_wait3A_12 = tpu.memref_slice %arg4[%mul3A_2, %dma_wait3A_11] : memref<4096x128xf32, #tpu.memory_space<hbm>> -> memref<128x128xf32, #tpu.memory_space<hbm>>
      %dma_wait3A_13 = arith.constant 0 : i32
      %dma_wait3A_14 = tpu.memref_slice %arg4[%mul3A_2, %dma_wait3A_13] : memref<4096x128xf32, #tpu.memory_space<hbm>> -> memref<128x128xf32, #tpu.memory_space<hbm>>
      tpu.wait_dma2 semaphore(%run_scoped3A : memref<!tpu.dma_semaphore, #tpu.memory_space<semaphore_mem>>) src(%arg6 : memref<128x128xf32, #tpu.memory_space<vmem>>) dst(%dma_wait3A_14 : memref<128x128xf32, #tpu.memory_space<hbm>>)
      tpu.yield
    }) : () -> ()
    return
  }
}

module attributes {stable_mosaic.version = 14 : i64} {
  func.func @_bilstm_body(%arg0: i32, %arg1: memref<8x1xi32, #tpu.memory_space<vmem>>, %arg2: memref<1x8xi32, #tpu.memory_space<vmem>>, %arg3: memref<512x128xf32, #tpu.memory_space<vmem>>, %arg4: memref<512x128xf32, #tpu.memory_space<vmem>>, %arg5: memref<128x1024xbf16, #tpu.memory_space<vmem>>, %arg6: memref<1x1024xf32, #tpu.memory_space<vmem>>, %arg7: memref<128x1024xbf16, #tpu.memory_space<vmem>>, %arg8: memref<1x1024xf32, #tpu.memory_space<vmem>>, %arg9: memref<256x1024xbf16, #tpu.memory_space<vmem>>, %arg10: memref<256x1024xbf16, #tpu.memory_space<vmem>>, %arg11: memref<1x256xf32, #tpu.memory_space<vmem>>, %arg12: memref<1x256xf32, #tpu.memory_space<vmem>>, %arg13: memref<1x1xf32, #tpu.memory_space<vmem>>, %arg14: memref<8x512xf32, #tpu.memory_space<vmem>>, %arg15: memref<512x1024xf32, #tpu.memory_space<vmem>>, %arg16: memref<512x1024xf32, #tpu.memory_space<vmem>>, %arg17: memref<64x8x256xf32, #tpu.memory_space<vmem>>, %arg18: memref<64x8x256xf32, #tpu.memory_space<vmem>>, %arg19: memref<8x256xf32, #tpu.memory_space<vmem>>, %arg20: memref<8x256xf32, #tpu.memory_space<vmem>>, %arg21: memref<8x256xf32, #tpu.memory_space<vmem>>, %arg22: memref<8x256xf32, #tpu.memory_space<vmem>>, %arg23: memref<512x8xf32, #tpu.memory_space<vmem>>, %arg24: memref<512x8xf32, #tpu.memory_space<vmem>>) attributes {dimension_semantics = [#tpu.dimension_semantics<arbitrary>], iteration_bounds = array<i64: 8>, scalar_prefetch = 0 : i64, scratch_operands = 10 : i64, tpu.core_type = #tpu.core_type<tc>, window_params = [{pipeline_mode = #tpu.pipeline_mode<synchronous>, transform_indices = @transform_0, window_bounds = array<i64: 8, 1>}, {pipeline_mode = #tpu.pipeline_mode<synchronous>, transform_indices = @transform_1, window_bounds = array<i64: 1, 8>}, {transform_indices = @transform_2, window_bounds = array<i64: 512, 128>}, {transform_indices = @transform_3, window_bounds = array<i64: 512, 128>}, {pipeline_mode = #tpu.pipeline_mode<synchronous>, transform_indices = @transform_4, window_bounds = array<i64: 128, 1024>}, {pipeline_mode = #tpu.pipeline_mode<synchronous>, transform_indices = @transform_5, window_bounds = array<i64: 1, 1024>}, {pipeline_mode = #tpu.pipeline_mode<synchronous>, transform_indices = @transform_6, window_bounds = array<i64: 128, 1024>}, {pipeline_mode = #tpu.pipeline_mode<synchronous>, transform_indices = @transform_7, window_bounds = array<i64: 1, 1024>}, {pipeline_mode = #tpu.pipeline_mode<synchronous>, transform_indices = @transform_8, window_bounds = array<i64: 256, 1024>}, {pipeline_mode = #tpu.pipeline_mode<synchronous>, transform_indices = @transform_9, window_bounds = array<i64: 256, 1024>}, {pipeline_mode = #tpu.pipeline_mode<synchronous>, transform_indices = @transform_10, window_bounds = array<i64: 1, 256>}, {pipeline_mode = #tpu.pipeline_mode<synchronous>, transform_indices = @transform_11, window_bounds = array<i64: 1, 256>}, {pipeline_mode = #tpu.pipeline_mode<synchronous>, transform_indices = @transform_12, window_bounds = array<i64: 1, 1>}, {pipeline_mode = #tpu.pipeline_mode<synchronous>, transform_indices = @transform_13, window_bounds = array<i64: 8, 512>}]} {
    %eq3A = arith.constant 0 : i32
    %eq3A_0 = arith.cmpi eq, %arg0, %eq3A : i32
    %convert_element_type3A = arith.extui %eq3A_0 : i1 to i32
    %cond3A = arith.constant 0 : i32
    %cond3A_1 = arith.cmpi ne, %convert_element_type3A, %cond3A : i32
    scf.if %cond3A_1 {
      %broadcast_in_dim3A_105 = arith.constant 0.000000e+00 : f32
      %broadcast_in_dim3A_106 = vector.broadcast %broadcast_in_dim3A_105 : f32 to vector<8x256xf32>
      %swap3A_107 = arith.constant 0 : index
      %swap3A_108 = arith.constant 0 : index
      %swap3A_109 = vector.load %arg19[%swap3A_107, %swap3A_108] : memref<8x256xf32, #tpu.memory_space<vmem>>, vector<8x256xf32>
      tpu.vector_store %arg19[%swap3A_107, %swap3A_108], %broadcast_in_dim3A_106 {strides = array<i32>} : memref<8x256xf32, #tpu.memory_space<vmem>>, vector<8x256xf32>,
      %broadcast_in_dim3A_110 = arith.constant 0.000000e+00 : f32
      %broadcast_in_dim3A_111 = vector.broadcast %broadcast_in_dim3A_110 : f32 to vector<8x256xf32>
      %swap3A_112 = arith.constant 0 : index
      %swap3A_113 = arith.constant 0 : index
      %swap3A_114 = vector.load %arg20[%swap3A_112, %swap3A_113] : memref<8x256xf32, #tpu.memory_space<vmem>>, vector<8x256xf32>
      tpu.vector_store %arg20[%swap3A_112, %swap3A_113], %broadcast_in_dim3A_111 {strides = array<i32>} : memref<8x256xf32, #tpu.memory_space<vmem>>, vector<8x256xf32>,
      %broadcast_in_dim3A_115 = arith.constant 0.000000e+00 : f32
      %broadcast_in_dim3A_116 = vector.broadcast %broadcast_in_dim3A_115 : f32 to vector<8x256xf32>
      %swap3A_117 = arith.constant 0 : index
      %swap3A_118 = arith.constant 0 : index
      %swap3A_119 = vector.load %arg21[%swap3A_117, %swap3A_118] : memref<8x256xf32, #tpu.memory_space<vmem>>, vector<8x256xf32>
      tpu.vector_store %arg21[%swap3A_117, %swap3A_118], %broadcast_in_dim3A_116 {strides = array<i32>} : memref<8x256xf32, #tpu.memory_space<vmem>>, vector<8x256xf32>,
      %broadcast_in_dim3A_120 = arith.constant 0.000000e+00 : f32
      %broadcast_in_dim3A_121 = vector.broadcast %broadcast_in_dim3A_120 : f32 to vector<8x256xf32>
      %swap3A_122 = arith.constant 0 : index
      %swap3A_123 = arith.constant 0 : index
      %swap3A_124 = vector.load %arg22[%swap3A_122, %swap3A_123] : memref<8x256xf32, #tpu.memory_space<vmem>>, vector<8x256xf32>
      tpu.vector_store %arg22[%swap3A_122, %swap3A_123], %broadcast_in_dim3A_121 {strides = array<i32>} : memref<8x256xf32, #tpu.memory_space<vmem>>, vector<8x256xf32>,
    } else {
    }
    %get3A = arith.constant 0 : index
    %get3A_2 = arith.constant 0 : index
    %get3A_3 = vector.load %arg3[%get3A, %get3A_2] : memref<512x128xf32, #tpu.memory_space<vmem>>, vector<512x128xf32>
    %convert_element_type3A_4 = arith.truncf %get3A_3 : vector<512x128xf32> to vector<512x128xbf16>
    %get3A_5 = arith.constant 0 : index
    %get3A_6 = arith.constant 0 : index
    %get3A_7 = vector.load %arg4[%get3A_5, %get3A_6] : memref<512x128xf32, #tpu.memory_space<vmem>>, vector<512x128xf32>
    %convert_element_type3A_8 = arith.truncf %get3A_7 : vector<512x128xf32> to vector<512x128xbf16>
    %get3A_9 = arith.constant 0 : index
    %get3A_10 = arith.constant 0 : index
    %get3A_11 = vector.load %arg5[%get3A_9, %get3A_10] : memref<128x1024xbf16, #tpu.memory_space<vmem>>, vector<128x1024xbf16>
    %dot_general3A = arith.constant dense<0.000000e+00> : vector<512x1024xf32>
    %dot_general3A_12 = tpu.matmul %convert_element_type3A_4, %get3A_11, %dot_general3A {dimension_numbers = #tpu.dot_dimension_numbers<[1], [0], [0], [1], [0, 0, 1, 1], [], []>, transpose_lhs_hint = false} : vector<512x128xbf16>, vector<128x1024xbf16>, vector<512x1024xf32> -> vector<512x1024xf32>
    %get3A_13 = arith.constant 0 : index
    %get3A_14 = arith.constant 0 : index
    %get3A_15 = vector.load %arg6[%get3A_13, %get3A_14] : memref<1x1024xf32, #tpu.memory_space<vmem>>, vector<1x1024xf32>
    %add3A = vector.broadcast %get3A_15 : vector<1x1024xf32> to vector<512x1024xf32>
    %add3A_16 = arith.addf %dot_general3A_12, %add3A : vector<512x1024xf32>
    %swap3A = arith.constant 0 : index
    %swap3A_17 = arith.constant 0 : index
    %swap3A_18 = vector.load %arg15[%swap3A, %swap3A_17] : memref<512x1024xf32, #tpu.memory_space<vmem>>, vector<512x1024xf32>
    tpu.vector_store %arg15[%swap3A, %swap3A_17], %add3A_16 {strides = array<i32>} : memref<512x1024xf32, #tpu.memory_space<vmem>>, vector<512x1024xf32>,
    %get3A_19 = arith.constant 0 : index
    %get3A_20 = arith.constant 0 : index
    %get3A_21 = vector.load %arg7[%get3A_19, %get3A_20] : memref<128x1024xbf16, #tpu.memory_space<vmem>>, vector<128x1024xbf16>
    %dot_general3A_22 = arith.constant dense<0.000000e+00> : vector<512x1024xf32>
    %dot_general3A_23 = tpu.matmul %convert_element_type3A_8, %get3A_21, %dot_general3A_22 {dimension_numbers = #tpu.dot_dimension_numbers<[1], [0], [0], [1], [0, 0, 1, 1], [], []>, transpose_lhs_hint = false} : vector<512x128xbf16>, vector<128x1024xbf16>, vector<512x1024xf32> -> vector<512x1024xf32>
    %get3A_24 = arith.constant 0 : index
    %get3A_25 = arith.constant 0 : index
    %get3A_26 = vector.load %arg8[%get3A_24, %get3A_25] : memref<1x1024xf32, #tpu.memory_space<vmem>>, vector<1x1024xf32>
    %add3A_27 = vector.broadcast %get3A_26 : vector<1x1024xf32> to vector<512x1024xf32>
    %add3A_28 = arith.addf %dot_general3A_23, %add3A_27 : vector<512x1024xf32>
    %swap3A_29 = arith.constant 0 : index
    %swap3A_30 = arith.constant 0 : index
    %swap3A_31 = vector.load %arg16[%swap3A_29, %swap3A_30] : memref<512x1024xf32, #tpu.memory_space<vmem>>, vector<512x1024xf32>
    tpu.vector_store %arg16[%swap3A_29, %swap3A_30], %add3A_28 {strides = array<i32>} : memref<512x1024xf32, #tpu.memory_space<vmem>>, vector<512x1024xf32>,
    %get3A_32 = arith.constant 0 : index
    %get3A_33 = arith.constant 0 : index
    %get3A_34 = vector.load %arg1[%get3A_32, %get3A_33] : memref<8x1xi32, #tpu.memory_space<vmem>>, vector<8x1xi32>
    %sub3A = arith.constant 7 : i32
    %sub3A_35 = arith.subi %sub3A, %arg0 : i32
    %mul3A = arith.constant 64 : i32
    %mul3A_36 = arith.muli %sub3A_35, %mul3A : i32
    %get3A_37 = arith.constant 0 : index
    %get3A_38 = arith.constant 0 : index
    %get3A_39 = vector.load %arg19[%get3A_37, %get3A_38] : memref<8x256xf32, #tpu.memory_space<vmem>>, vector<8x256xf32>
    %get3A_40 = arith.constant 0 : index
    %get3A_41 = arith.constant 0 : index
    %get3A_42 = vector.load %arg20[%get3A_40, %get3A_41] : memref<8x256xf32, #tpu.memory_space<vmem>>, vector<8x256xf32>
    %get3A_43 = arith.constant 0 : index
    %get3A_44 = arith.constant 0 : index
    %get3A_45 = vector.load %arg21[%get3A_43, %get3A_44] : memref<8x256xf32, #tpu.memory_space<vmem>>, vector<8x256xf32>
    %get3A_46 = arith.constant 0 : index
    %get3A_47 = arith.constant 0 : index
    %get3A_48 = vector.load %arg22[%get3A_46, %get3A_47] : memref<8x256xf32, #tpu.memory_space<vmem>>, vector<8x256xf32>
    %scan3A = arith.constant 0 : i32
    %scan3A_49 = arith.constant 64 : i32
    %scan3A_50 = arith.addi %scan3A, %scan3A_49 : i32
    %scan3A_51 = arith.constant 32 : i32
    %scan3A_52:4 = scf.for %scan3A_105 = %scan3A to %scan3A_50 step %scan3A_51 iter_args(%scan3A_106 = %get3A_39, %scan3A_107 = %get3A_42, %scan3A_108 = %get3A_45, %scan3A_109 = %get3A_48) -> (vector<8x256xf32>, vector<8x256xf32>, vector<8x256xf32>, vector<8x256xf32>)  : i32 {
      %mul3A_110 = arith.constant 8 : i32
      %mul3A_111 = arith.muli %scan3A_105, %mul3A_110 : i32
      %get3A_112 = arith.index_cast %mul3A_111 : i32 to index
      %get3A_113 = arith.constant 0 : index
      %get3A_114 = vector.load %arg15[%get3A_112, %get3A_113] : memref<512x1024xf32, #tpu.memory_space<vmem>>, vector<8x1024xf32>
      %convert_element_type3A_115 = arith.truncf %scan3A_106 : vector<8x256xf32> to vector<8x256xbf16>
      %get3A_116 = arith.constant 0 : index
      %get3A_117 = arith.constant 0 : index
      %get3A_118 = vector.load %arg9[%get3A_116, %get3A_117] : memref<256x1024xbf16, #tpu.memory_space<vmem>>, vector<256x1024xbf16>
      %dot_general3A_119 = arith.constant dense<0.000000e+00> : vector<8x1024xf32>
      %dot_general3A_120 = tpu.matmul %convert_element_type3A_115, %get3A_118, %dot_general3A_119 {dimension_numbers = #tpu.dot_dimension_numbers<[1], [0], [0], [1], [0, 0, 1, 1], [], []>, transpose_lhs_hint = false} : vector<8x256xbf16>, vector<256x1024xbf16>, vector<8x1024xf32> -> vector<8x1024xf32>
      %add3A_121 = arith.addf %get3A_114, %dot_general3A_120 : vector<8x1024xf32>
      %slice3A = vector.extract_strided_slice %add3A_121 {offsets = [0, 0], sizes = [8, 256], strides = [1, 1]} : vector<8x1024xf32> to vector<8x256xf32>
      %mul3A_122 = arith.constant 5.000000e-01 : f32
      %mul3A_123 = vector.broadcast %mul3A_122 : f32 to vector<8x256xf32>
      %mul3A_124 = arith.mulf %mul3A_123, %slice3A : vector<8x256xf32>
      %tanh3A = math.tanh %mul3A_124 : vector<8x256xf32>
      %mul3A_125 = arith.constant 5.000000e-01 : f32
      %mul3A_126 = vector.broadcast %mul3A_125 : f32 to vector<8x256xf32>
      %mul3A_127 = arith.mulf %mul3A_126, %tanh3A : vector<8x256xf32>
      %add3A_128 = arith.constant 5.000000e-01 : f32
      %add3A_129 = vector.broadcast %add3A_128 : f32 to vector<8x256xf32>
      %add3A_130 = arith.addf %mul3A_127, %add3A_129 : vector<8x256xf32>
      %slice3A_131 = vector.extract_strided_slice %add3A_121 {offsets = [0, 256], sizes = [8, 256], strides = [1, 1]} : vector<8x1024xf32> to vector<8x256xf32>
      %mul3A_132 = arith.constant 5.000000e-01 : f32
      %mul3A_133 = vector.broadcast %mul3A_132 : f32 to vector<8x256xf32>
      %mul3A_134 = arith.mulf %mul3A_133, %slice3A_131 : vector<8x256xf32>
      %tanh3A_135 = math.tanh %mul3A_134 : vector<8x256xf32>
      %mul3A_136 = arith.constant 5.000000e-01 : f32
      %mul3A_137 = vector.broadcast %mul3A_136 : f32 to vector<8x256xf32>
      %mul3A_138 = arith.mulf %mul3A_137, %tanh3A_135 : vector<8x256xf32>
      %add3A_139 = arith.constant 5.000000e-01 : f32
      %add3A_140 = vector.broadcast %add3A_139 : f32 to vector<8x256xf32>
      %add3A_141 = arith.addf %mul3A_138, %add3A_140 : vector<8x256xf32>
      %slice3A_142 = vector.extract_strided_slice %add3A_121 {offsets = [0, 512], sizes = [8, 256], strides = [1, 1]} : vector<8x1024xf32> to vector<8x256xf32>
      %tanh3A_143 = math.tanh %slice3A_142 : vector<8x256xf32>
      %slice3A_144 = vector.extract_strided_slice %add3A_121 {offsets = [0, 768], sizes = [8, 256], strides = [1, 1]} : vector<8x1024xf32> to vector<8x256xf32>
      %mul3A_145 = arith.constant 5.000000e-01 : f32
      %mul3A_146 = vector.broadcast %mul3A_145 : f32 to vector<8x256xf32>
      %mul3A_147 = arith.mulf %mul3A_146, %slice3A_144 : vector<8x256xf32>
      %tanh3A_148 = math.tanh %mul3A_147 : vector<8x256xf32>
      %mul3A_149 = arith.constant 5.000000e-01 : f32
      %mul3A_150 = vector.broadcast %mul3A_149 : f32 to vector<8x256xf32>
      %mul3A_151 = arith.mulf %mul3A_150, %tanh3A_148 : vector<8x256xf32>
      %add3A_152 = arith.constant 5.000000e-01 : f32
      %add3A_153 = vector.broadcast %add3A_152 : f32 to vector<8x256xf32>
      %add3A_154 = arith.addf %mul3A_151, %add3A_153 : vector<8x256xf32>
      %mul3A_155 = arith.mulf %add3A_141, %scan3A_107 : vector<8x256xf32>
      %mul3A_156 = arith.mulf %add3A_130, %tanh3A_143 : vector<8x256xf32>
      %add3A_157 = arith.addf %mul3A_155, %mul3A_156 : vector<8x256xf32>
      %tanh3A_158 = math.tanh %add3A_157 : vector<8x256xf32>
      %mul3A_159 = arith.mulf %add3A_154, %tanh3A_158 : vector<8x256xf32>
      %swap3A_160 = arith.index_cast %scan3A_105 : i32 to index
      %swap3A_161 = arith.constant 0 : index
      %swap3A_162 = arith.constant 0 : index
      %swap3A_163 = vector.load %arg17[%swap3A_160, %swap3A_161, %swap3A_162] : memref<64x8x256xf32, #tpu.memory_space<vmem>>, vector<1x8x256xf32>
      %swap3A_164 = vector.shape_cast %swap3A_163 : vector<1x8x256xf32> to vector<8x256xf32>
      %swap3A_165 = vector.shape_cast %mul3A_159 : vector<8x256xf32> to vector<1x8x256xf32>
      tpu.vector_store %arg17[%swap3A_160, %swap3A_161, %swap3A_162], %swap3A_165 {strides = array<i32>} : memref<64x8x256xf32, #tpu.memory_space<vmem>>, vector<1x8x256xf32>,
      %sub3A_166 = arith.constant 63 : i32
      %sub3A_167 = arith.subi %sub3A_166, %scan3A_105 : i32
      %mul3A_168 = arith.constant 8 : i32
      %mul3A_169 = arith.muli %sub3A_167, %mul3A_168 : i32
      %get3A_170 = arith.index_cast %mul3A_169 : i32 to index
      %get3A_171 = arith.constant 0 : index
      %get3A_172 = vector.load %arg16[%get3A_170, %get3A_171] : memref<512x1024xf32, #tpu.memory_space<vmem>>, vector<8x1024xf32>
      %convert_element_type3A_173 = arith.truncf %scan3A_108 : vector<8x256xf32> to vector<8x256xbf16>
      %get3A_174 = arith.constant 0 : index
      %get3A_175 = arith.constant 0 : index
      %get3A_176 = vector.load %arg10[%get3A_174, %get3A_175] : memref<256x1024xbf16, #tpu.memory_space<vmem>>, vector<256x1024xbf16>
      %dot_general3A_177 = arith.constant dense<0.000000e+00> : vector<8x1024xf32>
      %dot_general3A_178 = tpu.matmul %convert_element_type3A_173, %get3A_176, %dot_general3A_177 {dimension_numbers = #tpu.dot_dimension_numbers<[1], [0], [0], [1], [0, 0, 1, 1], [], []>, transpose_lhs_hint = false} : vector<8x256xbf16>, vector<256x1024xbf16>, vector<8x1024xf32> -> vector<8x1024xf32>
      %add3A_179 = arith.addf %get3A_172, %dot_general3A_178 : vector<8x1024xf32>
      %slice3A_180 = vector.extract_strided_slice %add3A_179 {offsets = [0, 0], sizes = [8, 256], strides = [1, 1]} : vector<8x1024xf32> to vector<8x256xf32>
      %mul3A_181 = arith.constant 5.000000e-01 : f32
      %mul3A_182 = vector.broadcast %mul3A_181 : f32 to vector<8x256xf32>
      %mul3A_183 = arith.mulf %mul3A_182, %slice3A_180 : vector<8x256xf32>
      %tanh3A_184 = math.tanh %mul3A_183 : vector<8x256xf32>
      %mul3A_185 = arith.constant 5.000000e-01 : f32
      %mul3A_186 = vector.broadcast %mul3A_185 : f32 to vector<8x256xf32>
      %mul3A_187 = arith.mulf %mul3A_186, %tanh3A_184 : vector<8x256xf32>
      %add3A_188 = arith.constant 5.000000e-01 : f32
      %add3A_189 = vector.broadcast %add3A_188 : f32 to vector<8x256xf32>
      %add3A_190 = arith.addf %mul3A_187, %add3A_189 : vector<8x256xf32>
      %slice3A_191 = vector.extract_strided_slice %add3A_179 {offsets = [0, 256], sizes = [8, 256], strides = [1, 1]} : vector<8x1024xf32> to vector<8x256xf32>
      %mul3A_192 = arith.constant 5.000000e-01 : f32
      %mul3A_193 = vector.broadcast %mul3A_192 : f32 to vector<8x256xf32>
      %mul3A_194 = arith.mulf %mul3A_193, %slice3A_191 : vector<8x256xf32>
      %tanh3A_195 = math.tanh %mul3A_194 : vector<8x256xf32>
      %mul3A_196 = arith.constant 5.000000e-01 : f32
      %mul3A_197 = vector.broadcast %mul3A_196 : f32 to vector<8x256xf32>
      %mul3A_198 = arith.mulf %mul3A_197, %tanh3A_195 : vector<8x256xf32>
      %add3A_199 = arith.constant 5.000000e-01 : f32
      %add3A_200 = vector.broadcast %add3A_199 : f32 to vector<8x256xf32>
      %add3A_201 = arith.addf %mul3A_198, %add3A_200 : vector<8x256xf32>
      %slice3A_202 = vector.extract_strided_slice %add3A_179 {offsets = [0, 512], sizes = [8, 256], strides = [1, 1]} : vector<8x1024xf32> to vector<8x256xf32>
      %tanh3A_203 = math.tanh %slice3A_202 : vector<8x256xf32>
      %slice3A_204 = vector.extract_strided_slice %add3A_179 {offsets = [0, 768], sizes = [8, 256], strides = [1, 1]} : vector<8x1024xf32> to vector<8x256xf32>
      %mul3A_205 = arith.constant 5.000000e-01 : f32
      %mul3A_206 = vector.broadcast %mul3A_205 : f32 to vector<8x256xf32>
      %mul3A_207 = arith.mulf %mul3A_206, %slice3A_204 : vector<8x256xf32>
      %tanh3A_208 = math.tanh %mul3A_207 : vector<8x256xf32>
      %mul3A_209 = arith.constant 5.000000e-01 : f32
      %mul3A_210 = vector.broadcast %mul3A_209 : f32 to vector<8x256xf32>
      %mul3A_211 = arith.mulf %mul3A_210, %tanh3A_208 : vector<8x256xf32>
      %add3A_212 = arith.constant 5.000000e-01 : f32
      %add3A_213 = vector.broadcast %add3A_212 : f32 to vector<8x256xf32>
      %add3A_214 = arith.addf %mul3A_211, %add3A_213 : vector<8x256xf32>
      %mul3A_215 = arith.mulf %add3A_201, %scan3A_109 : vector<8x256xf32>
      %mul3A_216 = arith.mulf %add3A_190, %tanh3A_203 : vector<8x256xf32>
      %add3A_217 = arith.addf %mul3A_215, %mul3A_216 : vector<8x256xf32>
      %add3A_218 = arith.addi %mul3A_36, %sub3A_167 : i32
      %lt3A = vector.broadcast %add3A_218 : i32 to vector<8x1xi32>
      %lt3A_219 = arith.cmpi slt, %lt3A, %get3A_34 : vector<8x1xi32>
      %convert_element_type3A_220 = arith.extui %lt3A_219 : vector<8x1xi1> to vector<8x1xi32>
      %convert_element_type3A_221 = arith.sitofp %convert_element_type3A_220 : vector<8x1xi32> to vector<8x1xf32>
      %tanh3A_222 = math.tanh %add3A_217 : vector<8x256xf32>
      %mul3A_223 = arith.mulf %add3A_214, %tanh3A_222 : vector<8x256xf32>
      %mul3A_224 = vector.broadcast %convert_element_type3A_221 : vector<8x1xf32> to vector<8x256xf32>
      %mul3A_225 = arith.mulf %mul3A_224, %mul3A_223 : vector<8x256xf32>
      %mul3A_226 = vector.broadcast %convert_element_type3A_221 : vector<8x1xf32> to vector<8x256xf32>
      %mul3A_227 = arith.mulf %mul3A_226, %add3A_217 : vector<8x256xf32>
      %swap3A_228 = arith.index_cast %sub3A_167 : i32 to index
      %swap3A_229 = arith.constant 0 : index
      %swap3A_230 = arith.constant 0 : index
      %swap3A_231 = vector.load %arg18[%swap3A_228, %swap3A_229, %swap3A_230] : memref<64x8x256xf32, #tpu.memory_space<vmem>>, vector<1x8x256xf32>
      %swap3A_232 = vector.shape_cast %swap3A_231 : vector<1x8x256xf32> to vector<8x256xf32>
      %swap3A_233 = vector.shape_cast %mul3A_225 : vector<8x256xf32> to vector<1x8x256xf32>
      tpu.vector_store %arg18[%swap3A_228, %swap3A_229, %swap3A_230], %swap3A_233 {strides = array<i32>} : memref<64x8x256xf32, #tpu.memory_space<vmem>>, vector<1x8x256xf32>,
      %scan3A_234 = arith.constant 1 : i32
      %scan3A_235 = arith.addi %scan3A_105, %scan3A_234 : i32
      %mul3A_236 = arith.constant 8 : i32
      %mul3A_237 = arith.muli %scan3A_235, %mul3A_236 : i32
      %get3A_238 = arith.index_cast %mul3A_237 : i32 to index
      %get3A_239 = arith.constant 0 : index
      %get3A_240 = vector.load %arg15[%get3A_238, %get3A_239] : memref<512x1024xf32, #tpu.memory_space<vmem>>, vector<8x1024xf32>
      %convert_element_type3A_241 = arith.truncf %mul3A_159 : vector<8x256xf32> to vector<8x256xbf16>
      %get3A_242 = arith.constant 0 : index
      %get3A_243 = arith.constant 0 : index
      %get3A_244 = vector.load %arg9[%get3A_242, %get3A_243] : memref<256x1024xbf16, #tpu.memory_space<vmem>>, vector<256x1024xbf16>
      %dot_general3A_245 = arith.constant dense<0.000000e+00> : vector<8x1024xf32>
      %dot_general3A_246 = tpu.matmul %convert_element_type3A_241, %get3A_244, %dot_general3A_245 {dimension_numbers = #tpu.dot_dimension_numbers<[1], [0], [0], [1], [0, 0, 1, 1], [], []>, transpose_lhs_hint = false} : vector<8x256xbf16>, vector<256x1024xbf16>, vector<8x1024xf32> -> vector<8x1024xf32>
      %add3A_247 = arith.addf %get3A_240, %dot_general3A_246 : vector<8x1024xf32>
      %slice3A_248 = vector.extract_strided_slice %add3A_247 {offsets = [0, 0], sizes = [8, 256], strides = [1, 1]} : vector<8x1024xf32> to vector<8x256xf32>
      %mul3A_249 = arith.constant 5.000000e-01 : f32
      %mul3A_250 = vector.broadcast %mul3A_249 : f32 to vector<8x256xf32>
      %mul3A_251 = arith.mulf %mul3A_250, %slice3A_248 : vector<8x256xf32>
      %tanh3A_252 = math.tanh %mul3A_251 : vector<8x256xf32>
      %mul3A_253 = arith.constant 5.000000e-01 : f32
      %mul3A_254 = vector.broadcast %mul3A_253 : f32 to vector<8x256xf32>
      %mul3A_255 = arith.mulf %mul3A_254, %tanh3A_252 : vector<8x256xf32>
      %add3A_256 = arith.constant 5.000000e-01 : f32
      %add3A_257 = vector.broadcast %add3A_256 : f32 to vector<8x256xf32>
      %add3A_258 = arith.addf %mul3A_255, %add3A_257 : vector<8x256xf32>
      %slice3A_259 = vector.extract_strided_slice %add3A_247 {offsets = [0, 256], sizes = [8, 256], strides = [1, 1]} : vector<8x1024xf32> to vector<8x256xf32>
      %mul3A_260 = arith.constant 5.000000e-01 : f32
      %mul3A_261 = vector.broadcast %mul3A_260 : f32 to vector<8x256xf32>
      %mul3A_262 = arith.mulf %mul3A_261, %slice3A_259 : vector<8x256xf32>
      %tanh3A_263 = math.tanh %mul3A_262 : vector<8x256xf32>
      %mul3A_264 = arith.constant 5.000000e-01 : f32
      %mul3A_265 = vector.broadcast %mul3A_264 : f32 to vector<8x256xf32>
      %mul3A_266 = arith.mulf %mul3A_265, %tanh3A_263 : vector<8x256xf32>
      %add3A_267 = arith.constant 5.000000e-01 : f32
      %add3A_268 = vector.broadcast %add3A_267 : f32 to vector<8x256xf32>
      %add3A_269 = arith.addf %mul3A_266, %add3A_268 : vector<8x256xf32>
      %slice3A_270 = vector.extract_strided_slice %add3A_247 {offsets = [0, 512], sizes = [8, 256], strides = [1, 1]} : vector<8x1024xf32> to vector<8x256xf32>
      %tanh3A_271 = math.tanh %slice3A_270 : vector<8x256xf32>
      %slice3A_272 = vector.extract_strided_slice %add3A_247 {offsets = [0, 768], sizes = [8, 256], strides = [1, 1]} : vector<8x1024xf32> to vector<8x256xf32>
      %mul3A_273 = arith.constant 5.000000e-01 : f32
      %mul3A_274 = vector.broadcast %mul3A_273 : f32 to vector<8x256xf32>
      %mul3A_275 = arith.mulf %mul3A_274, %slice3A_272 : vector<8x256xf32>
      %tanh3A_276 = math.tanh %mul3A_275 : vector<8x256xf32>
      %mul3A_277 = arith.constant 5.000000e-01 : f32
      %mul3A_278 = vector.broadcast %mul3A_277 : f32 to vector<8x256xf32>
      %mul3A_279 = arith.mulf %mul3A_278, %tanh3A_276 : vector<8x256xf32>
      %add3A_280 = arith.constant 5.000000e-01 : f32
      %add3A_281 = vector.broadcast %add3A_280 : f32 to vector<8x256xf32>
      %add3A_282 = arith.addf %mul3A_279, %add3A_281 : vector<8x256xf32>
      %mul3A_283 = arith.mulf %add3A_269, %add3A_157 : vector<8x256xf32>
      %mul3A_284 = arith.mulf %add3A_258, %tanh3A_271 : vector<8x256xf32>
      %add3A_285 = arith.addf %mul3A_283, %mul3A_284 : vector<8x256xf32>
      %tanh3A_286 = math.tanh %add3A_285 : vector<8x256xf32>
      %mul3A_287 = arith.mulf %add3A_282, %tanh3A_286 : vector<8x256xf32>
      %swap3A_288 = arith.index_cast %scan3A_235 : i32 to index
      %swap3A_289 = arith.constant 0 : index
      %swap3A_290 = arith.constant 0 : index
      %swap3A_291 = vector.load %arg17[%swap3A_288, %swap3A_289, %swap3A_290] : memref<64x8x256xf32, #tpu.memory_space<vmem>>, vector<1x8x256xf32>
      %swap3A_292 = vector.shape_cast %swap3A_291 : vector<1x8x256xf32> to vector<8x256xf32>
      %swap3A_293 = vector.shape_cast %mul3A_287 : vector<8x256xf32> to vector<1x8x256xf32>
      tpu.vector_store %arg17[%swap3A_288, %swap3A_289, %swap3A_290], %swap3A_293 {strides = array<i32>} : memref<64x8x256xf32, #tpu.memory_space<vmem>>, vector<1x8x256xf32>,
      %sub3A_294 = arith.constant 63 : i32
      %sub3A_295 = arith.subi %sub3A_294, %scan3A_235 : i32
      %mul3A_296 = arith.constant 8 : i32
      %mul3A_297 = arith.muli %sub3A_295, %mul3A_296 : i32
      %get3A_298 = arith.index_cast %mul3A_297 : i32 to index
      %get3A_299 = arith.constant 0 : index
      %get3A_300 = vector.load %arg16[%get3A_298, %get3A_299] : memref<512x1024xf32, #tpu.memory_space<vmem>>, vector<8x1024xf32>
      %convert_element_type3A_301 = arith.truncf %mul3A_225 : vector<8x256xf32> to vector<8x256xbf16>
      %get3A_302 = arith.constant 0 : index
      %get3A_303 = arith.constant 0 : index
      %get3A_304 = vector.load %arg10[%get3A_302, %get3A_303] : memref<256x1024xbf16, #tpu.memory_space<vmem>>, vector<256x1024xbf16>
      %dot_general3A_305 = arith.constant dense<0.000000e+00> : vector<8x1024xf32>
      %dot_general3A_306 = tpu.matmul %convert_element_type3A_301, %get3A_304, %dot_general3A_305 {dimension_numbers = #tpu.dot_dimension_numbers<[1], [0], [0], [1], [0, 0, 1, 1], [], []>, transpose_lhs_hint = false} : vector<8x256xbf16>, vector<256x1024xbf16>, vector<8x1024xf32> -> vector<8x1024xf32>
      %add3A_307 = arith.addf %get3A_300, %dot_general3A_306 : vector<8x1024xf32>
      %slice3A_308 = vector.extract_strided_slice %add3A_307 {offsets = [0, 0], sizes = [8, 256], strides = [1, 1]} : vector<8x1024xf32> to vector<8x256xf32>
      %mul3A_309 = arith.constant 5.000000e-01 : f32
      %mul3A_310 = vector.broadcast %mul3A_309 : f32 to vector<8x256xf32>
      %mul3A_311 = arith.mulf %mul3A_310, %slice3A_308 : vector<8x256xf32>
      %tanh3A_312 = math.tanh %mul3A_311 : vector<8x256xf32>
      %mul3A_313 = arith.constant 5.000000e-01 : f32
      %mul3A_314 = vector.broadcast %mul3A_313 : f32 to vector<8x256xf32>
      %mul3A_315 = arith.mulf %mul3A_314, %tanh3A_312 : vector<8x256xf32>
      %add3A_316 = arith.constant 5.000000e-01 : f32
      %add3A_317 = vector.broadcast %add3A_316 : f32 to vector<8x256xf32>
      %add3A_318 = arith.addf %mul3A_315, %add3A_317 : vector<8x256xf32>
      %slice3A_319 = vector.extract_strided_slice %add3A_307 {offsets = [0, 256], sizes = [8, 256], strides = [1, 1]} : vector<8x1024xf32> to vector<8x256xf32>
      %mul3A_320 = arith.constant 5.000000e-01 : f32
      %mul3A_321 = vector.broadcast %mul3A_320 : f32 to vector<8x256xf32>
      %mul3A_322 = arith.mulf %mul3A_321, %slice3A_319 : vector<8x256xf32>
      %tanh3A_323 = math.tanh %mul3A_322 : vector<8x256xf32>
      %mul3A_324 = arith.constant 5.000000e-01 : f32
      %mul3A_325 = vector.broadcast %mul3A_324 : f32 to vector<8x256xf32>
      %mul3A_326 = arith.mulf %mul3A_325, %tanh3A_323 : vector<8x256xf32>
      %add3A_327 = arith.constant 5.000000e-01 : f32
      %add3A_328 = vector.broadcast %add3A_327 : f32 to vector<8x256xf32>
      %add3A_329 = arith.addf %mul3A_326, %add3A_328 : vector<8x256xf32>
      %slice3A_330 = vector.extract_strided_slice %add3A_307 {offsets = [0, 512], sizes = [8, 256], strides = [1, 1]} : vector<8x1024xf32> to vector<8x256xf32>
      %tanh3A_331 = math.tanh %slice3A_330 : vector<8x256xf32>
      %slice3A_332 = vector.extract_strided_slice %add3A_307 {offsets = [0, 768], sizes = [8, 256], strides = [1, 1]} : vector<8x1024xf32> to vector<8x256xf32>
      %mul3A_333 = arith.constant 5.000000e-01 : f32
      %mul3A_334 = vector.broadcast %mul3A_333 : f32 to vector<8x256xf32>
      %mul3A_335 = arith.mulf %mul3A_334, %slice3A_332 : vector<8x256xf32>
      %tanh3A_336 = math.tanh %mul3A_335 : vector<8x256xf32>
      %mul3A_337 = arith.constant 5.000000e-01 : f32
      %mul3A_338 = vector.broadcast %mul3A_337 : f32 to vector<8x256xf32>
      %mul3A_339 = arith.mulf %mul3A_338, %tanh3A_336 : vector<8x256xf32>
      %add3A_340 = arith.constant 5.000000e-01 : f32
      %add3A_341 = vector.broadcast %add3A_340 : f32 to vector<8x256xf32>
      %add3A_342 = arith.addf %mul3A_339, %add3A_341 : vector<8x256xf32>
      %mul3A_343 = arith.mulf %add3A_329, %mul3A_227 : vector<8x256xf32>
      %mul3A_344 = arith.mulf %add3A_318, %tanh3A_331 : vector<8x256xf32>
      %add3A_345 = arith.addf %mul3A_343, %mul3A_344 : vector<8x256xf32>
      %add3A_346 = arith.addi %mul3A_36, %sub3A_295 : i32
      %lt3A_347 = vector.broadcast %add3A_346 : i32 to vector<8x1xi32>
      %lt3A_348 = arith.cmpi slt, %lt3A_347, %get3A_34 : vector<8x1xi32>
      %convert_element_type3A_349 = arith.extui %lt3A_348 : vector<8x1xi1> to vector<8x1xi32>
      %convert_element_type3A_350 = arith.sitofp %convert_element_type3A_349 : vector<8x1xi32> to vector<8x1xf32>
      %tanh3A_351 = math.tanh %add3A_345 : vector<8x256xf32>
      %mul3A_352 = arith.mulf %add3A_342, %tanh3A_351 : vector<8x256xf32>
      %mul3A_353 = vector.broadcast %convert_element_type3A_350 : vector<8x1xf32> to vector<8x256xf32>
      %mul3A_354 = arith.mulf %mul3A_353, %mul3A_352 : vector<8x256xf32>
      %mul3A_355 = vector.broadcast %convert_element_type3A_350 : vector<8x1xf32> to vector<8x256xf32>
      %mul3A_356 = arith.mulf %mul3A_355, %add3A_345 : vector<8x256xf32>
      %swap3A_357 = arith.index_cast %sub3A_295 : i32 to index
      %swap3A_358 = arith.constant 0 : index
      %swap3A_359 = arith.constant 0 : index
      %swap3A_360 = vector.load %arg18[%swap3A_357, %swap3A_358, %swap3A_359] : memref<64x8x256xf32, #tpu.memory_space<vmem>>, vector<1x8x256xf32>
      %swap3A_361 = vector.shape_cast %swap3A_360 : vector<1x8x256xf32> to vector<8x256xf32>
      %swap3A_362 = vector.shape_cast %mul3A_354 : vector<8x256xf32> to vector<1x8x256xf32>
      tpu.vector_store %arg18[%swap3A_357, %swap3A_358, %swap3A_359], %swap3A_362 {strides = array<i32>} : memref<64x8x256xf32, #tpu.memory_space<vmem>>, vector<1x8x256xf32>,
      %scan3A_363 = arith.constant 2 : i32
      %scan3A_364 = arith.addi %scan3A_105, %scan3A_363 : i32
      %mul3A_365 = arith.constant 8 : i32
      %mul3A_366 = arith.muli %scan3A_364, %mul3A_365 : i32
      %get3A_367 = arith.index_cast %mul3A_366 : i32 to index
      %get3A_368 = arith.constant 0 : index
      %get3A_369 = vector.load %arg15[%get3A_367, %get3A_368] : memref<512x1024xf32, #tpu.memory_space<vmem>>, vector<8x1024xf32>
      %convert_element_type3A_370 = arith.truncf %mul3A_287 : vector<8x256xf32> to vector<8x256xbf16>
      %get3A_371 = arith.constant 0 : index
      %get3A_372 = arith.constant 0 : index
      %get3A_373 = vector.load %arg9[%get3A_371, %get3A_372] : memref<256x1024xbf16, #tpu.memory_space<vmem>>, vector<256x1024xbf16>
      %dot_general3A_374 = arith.constant dense<0.000000e+00> : vector<8x1024xf32>
      %dot_general3A_375 = tpu.matmul %convert_element_type3A_370, %get3A_373, %dot_general3A_374 {dimension_numbers = #tpu.dot_dimension_numbers<[1], [0], [0], [1], [0, 0, 1, 1], [], []>, transpose_lhs_hint = false} : vector<8x256xbf16>, vector<256x1024xbf16>, vector<8x1024xf32> -> vector<8x1024xf32>
      %add3A_376 = arith.addf %get3A_369, %dot_general3A_375 : vector<8x1024xf32>
      %slice3A_377 = vector.extract_strided_slice %add3A_376 {offsets = [0, 0], sizes = [8, 256], strides = [1, 1]} : vector<8x1024xf32> to vector<8x256xf32>
      %mul3A_378 = arith.constant 5.000000e-01 : f32
      %mul3A_379 = vector.broadcast %mul3A_378 : f32 to vector<8x256xf32>
      %mul3A_380 = arith.mulf %mul3A_379, %slice3A_377 : vector<8x256xf32>
      %tanh3A_381 = math.tanh %mul3A_380 : vector<8x256xf32>
      %mul3A_382 = arith.constant 5.000000e-01 : f32
      %mul3A_383 = vector.broadcast %mul3A_382 : f32 to vector<8x256xf32>
      %mul3A_384 = arith.mulf %mul3A_383, %tanh3A_381 : vector<8x256xf32>
      %add3A_385 = arith.constant 5.000000e-01 : f32
      %add3A_386 = vector.broadcast %add3A_385 : f32 to vector<8x256xf32>
      %add3A_387 = arith.addf %mul3A_384, %add3A_386 : vector<8x256xf32>
      %slice3A_388 = vector.extract_strided_slice %add3A_376 {offsets = [0, 256], sizes = [8, 256], strides = [1, 1]} : vector<8x1024xf32> to vector<8x256xf32>
      %mul3A_389 = arith.constant 5.000000e-01 : f32
      %mul3A_390 = vector.broadcast %mul3A_389 : f32 to vector<8x256xf32>
      %mul3A_391 = arith.mulf %mul3A_390, %slice3A_388 : vector<8x256xf32>
      %tanh3A_392 = math.tanh %mul3A_391 : vector<8x256xf32>
      %mul3A_393 = arith.constant 5.000000e-01 : f32
      %mul3A_394 = vector.broadcast %mul3A_393 : f32 to vector<8x256xf32>
      %mul3A_395 = arith.mulf %mul3A_394, %tanh3A_392 : vector<8x256xf32>
      %add3A_396 = arith.constant 5.000000e-01 : f32
      %add3A_397 = vector.broadcast %add3A_396 : f32 to vector<8x256xf32>
      %add3A_398 = arith.addf %mul3A_395, %add3A_397 : vector<8x256xf32>
      %slice3A_399 = vector.extract_strided_slice %add3A_376 {offsets = [0, 512], sizes = [8, 256], strides = [1, 1]} : vector<8x1024xf32> to vector<8x256xf32>
      %tanh3A_400 = math.tanh %slice3A_399 : vector<8x256xf32>
      %slice3A_401 = vector.extract_strided_slice %add3A_376 {offsets = [0, 768], sizes = [8, 256], strides = [1, 1]} : vector<8x1024xf32> to vector<8x256xf32>
      %mul3A_402 = arith.constant 5.000000e-01 : f32
      %mul3A_403 = vector.broadcast %mul3A_402 : f32 to vector<8x256xf32>
      %mul3A_404 = arith.mulf %mul3A_403, %slice3A_401 : vector<8x256xf32>
      %tanh3A_405 = math.tanh %mul3A_404 : vector<8x256xf32>
      %mul3A_406 = arith.constant 5.000000e-01 : f32
      %mul3A_407 = vector.broadcast %mul3A_406 : f32 to vector<8x256xf32>
      %mul3A_408 = arith.mulf %mul3A_407, %tanh3A_405 : vector<8x256xf32>
      %add3A_409 = arith.constant 5.000000e-01 : f32
      %add3A_410 = vector.broadcast %add3A_409 : f32 to vector<8x256xf32>
      %add3A_411 = arith.addf %mul3A_408, %add3A_410 : vector<8x256xf32>
      %mul3A_412 = arith.mulf %add3A_398, %add3A_285 : vector<8x256xf32>
      %mul3A_413 = arith.mulf %add3A_387, %tanh3A_400 : vector<8x256xf32>
      %add3A_414 = arith.addf %mul3A_412, %mul3A_413 : vector<8x256xf32>
      %tanh3A_415 = math.tanh %add3A_414 : vector<8x256xf32>
      %mul3A_416 = arith.mulf %add3A_411, %tanh3A_415 : vector<8x256xf32>
      %swap3A_417 = arith.index_cast %scan3A_364 : i32 to index
      %swap3A_418 = arith.constant 0 : index
      %swap3A_419 = arith.constant 0 : index
      %swap3A_420 = vector.load %arg17[%swap3A_417, %swap3A_418, %swap3A_419] : memref<64x8x256xf32, #tpu.memory_space<vmem>>, vector<1x8x256xf32>
      %swap3A_421 = vector.shape_cast %swap3A_420 : vector<1x8x256xf32> to vector<8x256xf32>
      %swap3A_422 = vector.shape_cast %mul3A_416 : vector<8x256xf32> to vector<1x8x256xf32>
      tpu.vector_store %arg17[%swap3A_417, %swap3A_418, %swap3A_419], %swap3A_422 {strides = array<i32>} : memref<64x8x256xf32, #tpu.memory_space<vmem>>, vector<1x8x256xf32>,
      %sub3A_423 = arith.constant 63 : i32
      %sub3A_424 = arith.subi %sub3A_423, %scan3A_364 : i32
      %mul3A_425 = arith.constant 8 : i32
      %mul3A_426 = arith.muli %sub3A_424, %mul3A_425 : i32
      %get3A_427 = arith.index_cast %mul3A_426 : i32 to index
      %get3A_428 = arith.constant 0 : index
      %get3A_429 = vector.load %arg16[%get3A_427, %get3A_428] : memref<512x1024xf32, #tpu.memory_space<vmem>>, vector<8x1024xf32>
      %convert_element_type3A_430 = arith.truncf %mul3A_354 : vector<8x256xf32> to vector<8x256xbf16>
      %get3A_431 = arith.constant 0 : index
      %get3A_432 = arith.constant 0 : index
      %get3A_433 = vector.load %arg10[%get3A_431, %get3A_432] : memref<256x1024xbf16, #tpu.memory_space<vmem>>, vector<256x1024xbf16>
      %dot_general3A_434 = arith.constant dense<0.000000e+00> : vector<8x1024xf32>
      %dot_general3A_435 = tpu.matmul %convert_element_type3A_430, %get3A_433, %dot_general3A_434 {dimension_numbers = #tpu.dot_dimension_numbers<[1], [0], [0], [1], [0, 0, 1, 1], [], []>, transpose_lhs_hint = false} : vector<8x256xbf16>, vector<256x1024xbf16>, vector<8x1024xf32> -> vector<8x1024xf32>
      %add3A_436 = arith.addf %get3A_429, %dot_general3A_435 : vector<8x1024xf32>
      %slice3A_437 = vector.extract_strided_slice %add3A_436 {offsets = [0, 0], sizes = [8, 256], strides = [1, 1]} : vector<8x1024xf32> to vector<8x256xf32>
      %mul3A_438 = arith.constant 5.000000e-01 : f32
      %mul3A_439 = vector.broadcast %mul3A_438 : f32 to vector<8x256xf32>
      %mul3A_440 = arith.mulf %mul3A_439, %slice3A_437 : vector<8x256xf32>
      %tanh3A_441 = math.tanh %mul3A_440 : vector<8x256xf32>
      %mul3A_442 = arith.constant 5.000000e-01 : f32
      %mul3A_443 = vector.broadcast %mul3A_442 : f32 to vector<8x256xf32>
      %mul3A_444 = arith.mulf %mul3A_443, %tanh3A_441 : vector<8x256xf32>
      %add3A_445 = arith.constant 5.000000e-01 : f32
      %add3A_446 = vector.broadcast %add3A_445 : f32 to vector<8x256xf32>
      %add3A_447 = arith.addf %mul3A_444, %add3A_446 : vector<8x256xf32>
      %slice3A_448 = vector.extract_strided_slice %add3A_436 {offsets = [0, 256], sizes = [8, 256], strides = [1, 1]} : vector<8x1024xf32> to vector<8x256xf32>
      %mul3A_449 = arith.constant 5.000000e-01 : f32
      %mul3A_450 = vector.broadcast %mul3A_449 : f32 to vector<8x256xf32>
      %mul3A_451 = arith.mulf %mul3A_450, %slice3A_448 : vector<8x256xf32>
      %tanh3A_452 = math.tanh %mul3A_451 : vector<8x256xf32>
      %mul3A_453 = arith.constant 5.000000e-01 : f32
      %mul3A_454 = vector.broadcast %mul3A_453 : f32 to vector<8x256xf32>
      %mul3A_455 = arith.mulf %mul3A_454, %tanh3A_452 : vector<8x256xf32>
      %add3A_456 = arith.constant 5.000000e-01 : f32
      %add3A_457 = vector.broadcast %add3A_456 : f32 to vector<8x256xf32>
      %add3A_458 = arith.addf %mul3A_455, %add3A_457 : vector<8x256xf32>
      %slice3A_459 = vector.extract_strided_slice %add3A_436 {offsets = [0, 512], sizes = [8, 256], strides = [1, 1]} : vector<8x1024xf32> to vector<8x256xf32>
      %tanh3A_460 = math.tanh %slice3A_459 : vector<8x256xf32>
      %slice3A_461 = vector.extract_strided_slice %add3A_436 {offsets = [0, 768], sizes = [8, 256], strides = [1, 1]} : vector<8x1024xf32> to vector<8x256xf32>
      %mul3A_462 = arith.constant 5.000000e-01 : f32
      %mul3A_463 = vector.broadcast %mul3A_462 : f32 to vector<8x256xf32>
      %mul3A_464 = arith.mulf %mul3A_463, %slice3A_461 : vector<8x256xf32>
      %tanh3A_465 = math.tanh %mul3A_464 : vector<8x256xf32>
      %mul3A_466 = arith.constant 5.000000e-01 : f32
      %mul3A_467 = vector.broadcast %mul3A_466 : f32 to vector<8x256xf32>
      %mul3A_468 = arith.mulf %mul3A_467, %tanh3A_465 : vector<8x256xf32>
      %add3A_469 = arith.constant 5.000000e-01 : f32
      %add3A_470 = vector.broadcast %add3A_469 : f32 to vector<8x256xf32>
      %add3A_471 = arith.addf %mul3A_468, %add3A_470 : vector<8x256xf32>
      %mul3A_472 = arith.mulf %add3A_458, %mul3A_356 : vector<8x256xf32>
      %mul3A_473 = arith.mulf %add3A_447, %tanh3A_460 : vector<8x256xf32>
      %add3A_474 = arith.addf %mul3A_472, %mul3A_473 : vector<8x256xf32>
      %add3A_475 = arith.addi %mul3A_36, %sub3A_424 : i32
      %lt3A_476 = vector.broadcast %add3A_475 : i32 to vector<8x1xi32>
      %lt3A_477 = arith.cmpi slt, %lt3A_476, %get3A_34 : vector<8x1xi32>
      %convert_element_type3A_478 = arith.extui %lt3A_477 : vector<8x1xi1> to vector<8x1xi32>
      %convert_element_type3A_479 = arith.sitofp %convert_element_type3A_478 : vector<8x1xi32> to vector<8x1xf32>
      %tanh3A_480 = math.tanh %add3A_474 : vector<8x256xf32>
      %mul3A_481 = arith.mulf %add3A_471, %tanh3A_480 : vector<8x256xf32>
      %mul3A_482 = vector.broadcast %convert_element_type3A_479 : vector<8x1xf32> to vector<8x256xf32>
      %mul3A_483 = arith.mulf %mul3A_482, %mul3A_481 : vector<8x256xf32>
      %mul3A_484 = vector.broadcast %convert_element_type3A_479 : vector<8x1xf32> to vector<8x256xf32>
      %mul3A_485 = arith.mulf %mul3A_484, %add3A_474 : vector<8x256xf32>
      %swap3A_486 = arith.index_cast %sub3A_424 : i32 to index
      %swap3A_487 = arith.constant 0 : index
      %swap3A_488 = arith.constant 0 : index
      %swap3A_489 = vector.load %arg18[%swap3A_486, %swap3A_487, %swap3A_488] : memref<64x8x256xf32, #tpu.memory_space<vmem>>, vector<1x8x256xf32>
      %swap3A_490 = vector.shape_cast %swap3A_489 : vector<1x8x256xf32> to vector<8x256xf32>
      %swap3A_491 = vector.shape_cast %mul3A_483 : vector<8x256xf32> to vector<1x8x256xf32>
      tpu.vector_store %arg18[%swap3A_486, %swap3A_487, %swap3A_488], %swap3A_491 {strides = array<i32>} : memref<64x8x256xf32, #tpu.memory_space<vmem>>, vector<1x8x256xf32>,
      %scan3A_492 = arith.constant 3 : i32
      %scan3A_493 = arith.addi %scan3A_105, %scan3A_492 : i32
      %mul3A_494 = arith.constant 8 : i32
      %mul3A_495 = arith.muli %scan3A_493, %mul3A_494 : i32
      %get3A_496 = arith.index_cast %mul3A_495 : i32 to index
      %get3A_497 = arith.constant 0 : index
      %get3A_498 = vector.load %arg15[%get3A_496, %get3A_497] : memref<512x1024xf32, #tpu.memory_space<vmem>>, vector<8x1024xf32>
      %convert_element_type3A_499 = arith.truncf %mul3A_416 : vector<8x256xf32> to vector<8x256xbf16>
      %get3A_500 = arith.constant 0 : index
      %get3A_501 = arith.constant 0 : index
      %get3A_502 = vector.load %arg9[%get3A_500, %get3A_501] : memref<256x1024xbf16, #tpu.memory_space<vmem>>, vector<256x1024xbf16>
      %dot_general3A_503 = arith.constant dense<0.000000e+00> : vector<8x1024xf32>
      %dot_general3A_504 = tpu.matmul %convert_element_type3A_499, %get3A_502, %dot_general3A_503 {dimension_numbers = #tpu.dot_dimension_numbers<[1], [0], [0], [1], [0, 0, 1, 1], [], []>, transpose_lhs_hint = false} : vector<8x256xbf16>, vector<256x1024xbf16>, vector<8x1024xf32> -> vector<8x1024xf32>
      %add3A_505 = arith.addf %get3A_498, %dot_general3A_504 : vector<8x1024xf32>
      %slice3A_506 = vector.extract_strided_slice %add3A_505 {offsets = [0, 0], sizes = [8, 256], strides = [1, 1]} : vector<8x1024xf32> to vector<8x256xf32>
      %mul3A_507 = arith.constant 5.000000e-01 : f32
      %mul3A_508 = vector.broadcast %mul3A_507 : f32 to vector<8x256xf32>
      %mul3A_509 = arith.mulf %mul3A_508, %slice3A_506 : vector<8x256xf32>
      %tanh3A_510 = math.tanh %mul3A_509 : vector<8x256xf32>
      %mul3A_511 = arith.constant 5.000000e-01 : f32
      %mul3A_512 = vector.broadcast %mul3A_511 : f32 to vector<8x256xf32>
      %mul3A_513 = arith.mulf %mul3A_512, %tanh3A_510 : vector<8x256xf32>
      %add3A_514 = arith.constant 5.000000e-01 : f32
      %add3A_515 = vector.broadcast %add3A_514 : f32 to vector<8x256xf32>
      %add3A_516 = arith.addf %mul3A_513, %add3A_515 : vector<8x256xf32>
      %slice3A_517 = vector.extract_strided_slice %add3A_505 {offsets = [0, 256], sizes = [8, 256], strides = [1, 1]} : vector<8x1024xf32> to vector<8x256xf32>
      %mul3A_518 = arith.constant 5.000000e-01 : f32
      %mul3A_519 = vector.broadcast %mul3A_518 : f32 to vector<8x256xf32>
      %mul3A_520 = arith.mulf %mul3A_519, %slice3A_517 : vector<8x256xf32>
      %tanh3A_521 = math.tanh %mul3A_520 : vector<8x256xf32>
      %mul3A_522 = arith.constant 5.000000e-01 : f32
      %mul3A_523 = vector.broadcast %mul3A_522 : f32 to vector<8x256xf32>
      %mul3A_524 = arith.mulf %mul3A_523, %tanh3A_521 : vector<8x256xf32>
      %add3A_525 = arith.constant 5.000000e-01 : f32
      %add3A_526 = vector.broadcast %add3A_525 : f32 to vector<8x256xf32>
      %add3A_527 = arith.addf %mul3A_524, %add3A_526 : vector<8x256xf32>
      %slice3A_528 = vector.extract_strided_slice %add3A_505 {offsets = [0, 512], sizes = [8, 256], strides = [1, 1]} : vector<8x1024xf32> to vector<8x256xf32>
      %tanh3A_529 = math.tanh %slice3A_528 : vector<8x256xf32>
      %slice3A_530 = vector.extract_strided_slice %add3A_505 {offsets = [0, 768], sizes = [8, 256], strides = [1, 1]} : vector<8x1024xf32> to vector<8x256xf32>
      %mul3A_531 = arith.constant 5.000000e-01 : f32
      %mul3A_532 = vector.broadcast %mul3A_531 : f32 to vector<8x256xf32>
      %mul3A_533 = arith.mulf %mul3A_532, %slice3A_530 : vector<8x256xf32>
      %tanh3A_534 = math.tanh %mul3A_533 : vector<8x256xf32>
      %mul3A_535 = arith.constant 5.000000e-01 : f32
      %mul3A_536 = vector.broadcast %mul3A_535 : f32 to vector<8x256xf32>
      %mul3A_537 = arith.mulf %mul3A_536, %tanh3A_534 : vector<8x256xf32>
      %add3A_538 = arith.constant 5.000000e-01 : f32
      %add3A_539 = vector.broadcast %add3A_538 : f32 to vector<8x256xf32>
      %add3A_540 = arith.addf %mul3A_537, %add3A_539 : vector<8x256xf32>
      %mul3A_541 = arith.mulf %add3A_527, %add3A_414 : vector<8x256xf32>
      %mul3A_542 = arith.mulf %add3A_516, %tanh3A_529 : vector<8x256xf32>
      %add3A_543 = arith.addf %mul3A_541, %mul3A_542 : vector<8x256xf32>
      %tanh3A_544 = math.tanh %add3A_543 : vector<8x256xf32>
      %mul3A_545 = arith.mulf %add3A_540, %tanh3A_544 : vector<8x256xf32>
      %swap3A_546 = arith.index_cast %scan3A_493 : i32 to index
      %swap3A_547 = arith.constant 0 : index
      %swap3A_548 = arith.constant 0 : index
      %swap3A_549 = vector.load %arg17[%swap3A_546, %swap3A_547, %swap3A_548] : memref<64x8x256xf32, #tpu.memory_space<vmem>>, vector<1x8x256xf32>
      %swap3A_550 = vector.shape_cast %swap3A_549 : vector<1x8x256xf32> to vector<8x256xf32>
      %swap3A_551 = vector.shape_cast %mul3A_545 : vector<8x256xf32> to vector<1x8x256xf32>
      tpu.vector_store %arg17[%swap3A_546, %swap3A_547, %swap3A_548], %swap3A_551 {strides = array<i32>} : memref<64x8x256xf32, #tpu.memory_space<vmem>>, vector<1x8x256xf32>,
      %sub3A_552 = arith.constant 63 : i32
      %sub3A_553 = arith.subi %sub3A_552, %scan3A_493 : i32
      %mul3A_554 = arith.constant 8 : i32
      %mul3A_555 = arith.muli %sub3A_553, %mul3A_554 : i32
      %get3A_556 = arith.index_cast %mul3A_555 : i32 to index
      %get3A_557 = arith.constant 0 : index
      %get3A_558 = vector.load %arg16[%get3A_556, %get3A_557] : memref<512x1024xf32, #tpu.memory_space<vmem>>, vector<8x1024xf32>
      %convert_element_type3A_559 = arith.truncf %mul3A_483 : vector<8x256xf32> to vector<8x256xbf16>
      %get3A_560 = arith.constant 0 : index
      %get3A_561 = arith.constant 0 : index
      %get3A_562 = vector.load %arg10[%get3A_560, %get3A_561] : memref<256x1024xbf16, #tpu.memory_space<vmem>>, vector<256x1024xbf16>
      %dot_general3A_563 = arith.constant dense<0.000000e+00> : vector<8x1024xf32>
      %dot_general3A_564 = tpu.matmul %convert_element_type3A_559, %get3A_562, %dot_general3A_563 {dimension_numbers = #tpu.dot_dimension_numbers<[1], [0], [0], [1], [0, 0, 1, 1], [], []>, transpose_lhs_hint = false} : vector<8x256xbf16>, vector<256x1024xbf16>, vector<8x1024xf32> -> vector<8x1024xf32>
      %add3A_565 = arith.addf %get3A_558, %dot_general3A_564 : vector<8x1024xf32>
      %slice3A_566 = vector.extract_strided_slice %add3A_565 {offsets = [0, 0], sizes = [8, 256], strides = [1, 1]} : vector<8x1024xf32> to vector<8x256xf32>
      %mul3A_567 = arith.constant 5.000000e-01 : f32
      %mul3A_568 = vector.broadcast %mul3A_567 : f32 to vector<8x256xf32>
      %mul3A_569 = arith.mulf %mul3A_568, %slice3A_566 : vector<8x256xf32>
      %tanh3A_570 = math.tanh %mul3A_569 : vector<8x256xf32>
      %mul3A_571 = arith.constant 5.000000e-01 : f32
      %mul3A_572 = vector.broadcast %mul3A_571 : f32 to vector<8x256xf32>
      %mul3A_573 = arith.mulf %mul3A_572, %tanh3A_570 : vector<8x256xf32>
      %add3A_574 = arith.constant 5.000000e-01 : f32
      %add3A_575 = vector.broadcast %add3A_574 : f32 to vector<8x256xf32>
      %add3A_576 = arith.addf %mul3A_573, %add3A_575 : vector<8x256xf32>
      %slice3A_577 = vector.extract_strided_slice %add3A_565 {offsets = [0, 256], sizes = [8, 256], strides = [1, 1]} : vector<8x1024xf32> to vector<8x256xf32>
      %mul3A_578 = arith.constant 5.000000e-01 : f32
      %mul3A_579 = vector.broadcast %mul3A_578 : f32 to vector<8x256xf32>
      %mul3A_580 = arith.mulf %mul3A_579, %slice3A_577 : vector<8x256xf32>
      %tanh3A_581 = math.tanh %mul3A_580 : vector<8x256xf32>
      %mul3A_582 = arith.constant 5.000000e-01 : f32
      %mul3A_583 = vector.broadcast %mul3A_582 : f32 to vector<8x256xf32>
      %mul3A_584 = arith.mulf %mul3A_583, %tanh3A_581 : vector<8x256xf32>
      %add3A_585 = arith.constant 5.000000e-01 : f32
      %add3A_586 = vector.broadcast %add3A_585 : f32 to vector<8x256xf32>
      %add3A_587 = arith.addf %mul3A_584, %add3A_586 : vector<8x256xf32>
      %slice3A_588 = vector.extract_strided_slice %add3A_565 {offsets = [0, 512], sizes = [8, 256], strides = [1, 1]} : vector<8x1024xf32> to vector<8x256xf32>
      %tanh3A_589 = math.tanh %slice3A_588 : vector<8x256xf32>
      %slice3A_590 = vector.extract_strided_slice %add3A_565 {offsets = [0, 768], sizes = [8, 256], strides = [1, 1]} : vector<8x1024xf32> to vector<8x256xf32>
      %mul3A_591 = arith.constant 5.000000e-01 : f32
      %mul3A_592 = vector.broadcast %mul3A_591 : f32 to vector<8x256xf32>
      %mul3A_593 = arith.mulf %mul3A_592, %slice3A_590 : vector<8x256xf32>
      %tanh3A_594 = math.tanh %mul3A_593 : vector<8x256xf32>
      %mul3A_595 = arith.constant 5.000000e-01 : f32
      %mul3A_596 = vector.broadcast %mul3A_595 : f32 to vector<8x256xf32>
      %mul3A_597 = arith.mulf %mul3A_596, %tanh3A_594 : vector<8x256xf32>
      %add3A_598 = arith.constant 5.000000e-01 : f32
      %add3A_599 = vector.broadcast %add3A_598 : f32 to vector<8x256xf32>
      %add3A_600 = arith.addf %mul3A_597, %add3A_599 : vector<8x256xf32>
      %mul3A_601 = arith.mulf %add3A_587, %mul3A_485 : vector<8x256xf32>
      %mul3A_602 = arith.mulf %add3A_576, %tanh3A_589 : vector<8x256xf32>
      %add3A_603 = arith.addf %mul3A_601, %mul3A_602 : vector<8x256xf32>
      %add3A_604 = arith.addi %mul3A_36, %sub3A_553 : i32
      %lt3A_605 = vector.broadcast %add3A_604 : i32 to vector<8x1xi32>
      %lt3A_606 = arith.cmpi slt, %lt3A_605, %get3A_34 : vector<8x1xi32>
      %convert_element_type3A_607 = arith.extui %lt3A_606 : vector<8x1xi1> to vector<8x1xi32>
      %convert_element_type3A_608 = arith.sitofp %convert_element_type3A_607 : vector<8x1xi32> to vector<8x1xf32>
      %tanh3A_609 = math.tanh %add3A_603 : vector<8x256xf32>
      %mul3A_610 = arith.mulf %add3A_600, %tanh3A_609 : vector<8x256xf32>
      %mul3A_611 = vector.broadcast %convert_element_type3A_608 : vector<8x1xf32> to vector<8x256xf32>
      %mul3A_612 = arith.mulf %mul3A_611, %mul3A_610 : vector<8x256xf32>
      %mul3A_613 = vector.broadcast %convert_element_type3A_608 : vector<8x1xf32> to vector<8x256xf32>
      %mul3A_614 = arith.mulf %mul3A_613, %add3A_603 : vector<8x256xf32>
      %swap3A_615 = arith.index_cast %sub3A_553 : i32 to index
      %swap3A_616 = arith.constant 0 : index
      %swap3A_617 = arith.constant 0 : index
      %swap3A_618 = vector.load %arg18[%swap3A_615, %swap3A_616, %swap3A_617] : memref<64x8x256xf32, #tpu.memory_space<vmem>>, vector<1x8x256xf32>
      %swap3A_619 = vector.shape_cast %swap3A_618 : vector<1x8x256xf32> to vector<8x256xf32>
      %swap3A_620 = vector.shape_cast %mul3A_612 : vector<8x256xf32> to vector<1x8x256xf32>
      tpu.vector_store %arg18[%swap3A_615, %swap3A_616, %swap3A_617], %swap3A_620 {strides = array<i32>} : memref<64x8x256xf32, #tpu.memory_space<vmem>>, vector<1x8x256xf32>,
      %scan3A_621 = arith.constant 4 : i32
      %scan3A_622 = arith.addi %scan3A_105, %scan3A_621 : i32
      %mul3A_623 = arith.constant 8 : i32
      %mul3A_624 = arith.muli %scan3A_622, %mul3A_623 : i32
      %get3A_625 = arith.index_cast %mul3A_624 : i32 to index
      %get3A_626 = arith.constant 0 : index
      %get3A_627 = vector.load %arg15[%get3A_625, %get3A_626] : memref<512x1024xf32, #tpu.memory_space<vmem>>, vector<8x1024xf32>
      %convert_element_type3A_628 = arith.truncf %mul3A_545 : vector<8x256xf32> to vector<8x256xbf16>
      %get3A_629 = arith.constant 0 : index
      %get3A_630 = arith.constant 0 : index
      %get3A_631 = vector.load %arg9[%get3A_629, %get3A_630] : memref<256x1024xbf16, #tpu.memory_space<vmem>>, vector<256x1024xbf16>
      %dot_general3A_632 = arith.constant dense<0.000000e+00> : vector<8x1024xf32>
      %dot_general3A_633 = tpu.matmul %convert_element_type3A_628, %get3A_631, %dot_general3A_632 {dimension_numbers = #tpu.dot_dimension_numbers<[1], [0], [0], [1], [0, 0, 1, 1], [], []>, transpose_lhs_hint = false} : vector<8x256xbf16>, vector<256x1024xbf16>, vector<8x1024xf32> -> vector<8x1024xf32>
      %add3A_634 = arith.addf %get3A_627, %dot_general3A_633 : vector<8x1024xf32>
      %slice3A_635 = vector.extract_strided_slice %add3A_634 {offsets = [0, 0], sizes = [8, 256], strides = [1, 1]} : vector<8x1024xf32> to vector<8x256xf32>
      %mul3A_636 = arith.constant 5.000000e-01 : f32
      %mul3A_637 = vector.broadcast %mul3A_636 : f32 to vector<8x256xf32>
      %mul3A_638 = arith.mulf %mul3A_637, %slice3A_635 : vector<8x256xf32>
      %tanh3A_639 = math.tanh %mul3A_638 : vector<8x256xf32>
      %mul3A_640 = arith.constant 5.000000e-01 : f32
      %mul3A_641 = vector.broadcast %mul3A_640 : f32 to vector<8x256xf32>
      %mul3A_642 = arith.mulf %mul3A_641, %tanh3A_639 : vector<8x256xf32>
      %add3A_643 = arith.constant 5.000000e-01 : f32
      %add3A_644 = vector.broadcast %add3A_643 : f32 to vector<8x256xf32>
      %add3A_645 = arith.addf %mul3A_642, %add3A_644 : vector<8x256xf32>
      %slice3A_646 = vector.extract_strided_slice %add3A_634 {offsets = [0, 256], sizes = [8, 256], strides = [1, 1]} : vector<8x1024xf32> to vector<8x256xf32>
      %mul3A_647 = arith.constant 5.000000e-01 : f32
      %mul3A_648 = vector.broadcast %mul3A_647 : f32 to vector<8x256xf32>
      %mul3A_649 = arith.mulf %mul3A_648, %slice3A_646 : vector<8x256xf32>
      %tanh3A_650 = math.tanh %mul3A_649 : vector<8x256xf32>
      %mul3A_651 = arith.constant 5.000000e-01 : f32
      %mul3A_652 = vector.broadcast %mul3A_651 : f32 to vector<8x256xf32>
      %mul3A_653 = arith.mulf %mul3A_652, %tanh3A_650 : vector<8x256xf32>
      %add3A_654 = arith.constant 5.000000e-01 : f32
      %add3A_655 = vector.broadcast %add3A_654 : f32 to vector<8x256xf32>
      %add3A_656 = arith.addf %mul3A_653, %add3A_655 : vector<8x256xf32>
      %slice3A_657 = vector.extract_strided_slice %add3A_634 {offsets = [0, 512], sizes = [8, 256], strides = [1, 1]} : vector<8x1024xf32> to vector<8x256xf32>
      %tanh3A_658 = math.tanh %slice3A_657 : vector<8x256xf32>
      %slice3A_659 = vector.extract_strided_slice %add3A_634 {offsets = [0, 768], sizes = [8, 256], strides = [1, 1]} : vector<8x1024xf32> to vector<8x256xf32>
      %mul3A_660 = arith.constant 5.000000e-01 : f32
      %mul3A_661 = vector.broadcast %mul3A_660 : f32 to vector<8x256xf32>
      %mul3A_662 = arith.mulf %mul3A_661, %slice3A_659 : vector<8x256xf32>
      %tanh3A_663 = math.tanh %mul3A_662 : vector<8x256xf32>
      %mul3A_664 = arith.constant 5.000000e-01 : f32
      %mul3A_665 = vector.broadcast %mul3A_664 : f32 to vector<8x256xf32>
      %mul3A_666 = arith.mulf %mul3A_665, %tanh3A_663 : vector<8x256xf32>
      %add3A_667 = arith.constant 5.000000e-01 : f32
      %add3A_668 = vector.broadcast %add3A_667 : f32 to vector<8x256xf32>
      %add3A_669 = arith.addf %mul3A_666, %add3A_668 : vector<8x256xf32>
      %mul3A_670 = arith.mulf %add3A_656, %add3A_543 : vector<8x256xf32>
      %mul3A_671 = arith.mulf %add3A_645, %tanh3A_658 : vector<8x256xf32>
      %add3A_672 = arith.addf %mul3A_670, %mul3A_671 : vector<8x256xf32>
      %tanh3A_673 = math.tanh %add3A_672 : vector<8x256xf32>
      %mul3A_674 = arith.mulf %add3A_669, %tanh3A_673 : vector<8x256xf32>
      %swap3A_675 = arith.index_cast %scan3A_622 : i32 to index
      %swap3A_676 = arith.constant 0 : index
      %swap3A_677 = arith.constant 0 : index
      %swap3A_678 = vector.load %arg17[%swap3A_675, %swap3A_676, %swap3A_677] : memref<64x8x256xf32, #tpu.memory_space<vmem>>, vector<1x8x256xf32>
      %swap3A_679 = vector.shape_cast %swap3A_678 : vector<1x8x256xf32> to vector<8x256xf32>
      %swap3A_680 = vector.shape_cast %mul3A_674 : vector<8x256xf32> to vector<1x8x256xf32>
      tpu.vector_store %arg17[%swap3A_675, %swap3A_676, %swap3A_677], %swap3A_680 {strides = array<i32>} : memref<64x8x256xf32, #tpu.memory_space<vmem>>, vector<1x8x256xf32>,
      %sub3A_681 = arith.constant 63 : i32
      %sub3A_682 = arith.subi %sub3A_681, %scan3A_622 : i32
      %mul3A_683 = arith.constant 8 : i32
      %mul3A_684 = arith.muli %sub3A_682, %mul3A_683 : i32
      %get3A_685 = arith.index_cast %mul3A_684 : i32 to index
      %get3A_686 = arith.constant 0 : index
      %get3A_687 = vector.load %arg16[%get3A_685, %get3A_686] : memref<512x1024xf32, #tpu.memory_space<vmem>>, vector<8x1024xf32>
      %convert_element_type3A_688 = arith.truncf %mul3A_612 : vector<8x256xf32> to vector<8x256xbf16>
      %get3A_689 = arith.constant 0 : index
      %get3A_690 = arith.constant 0 : index
      %get3A_691 = vector.load %arg10[%get3A_689, %get3A_690] : memref<256x1024xbf16, #tpu.memory_space<vmem>>, vector<256x1024xbf16>
      %dot_general3A_692 = arith.constant dense<0.000000e+00> : vector<8x1024xf32>
      %dot_general3A_693 = tpu.matmul %convert_element_type3A_688, %get3A_691, %dot_general3A_692 {dimension_numbers = #tpu.dot_dimension_numbers<[1], [0], [0], [1], [0, 0, 1, 1], [], []>, transpose_lhs_hint = false} : vector<8x256xbf16>, vector<256x1024xbf16>, vector<8x1024xf32> -> vector<8x1024xf32>
      %add3A_694 = arith.addf %get3A_687, %dot_general3A_693 : vector<8x1024xf32>
      %slice3A_695 = vector.extract_strided_slice %add3A_694 {offsets = [0, 0], sizes = [8, 256], strides = [1, 1]} : vector<8x1024xf32> to vector<8x256xf32>
      %mul3A_696 = arith.constant 5.000000e-01 : f32
      %mul3A_697 = vector.broadcast %mul3A_696 : f32 to vector<8x256xf32>
      %mul3A_698 = arith.mulf %mul3A_697, %slice3A_695 : vector<8x256xf32>
      %tanh3A_699 = math.tanh %mul3A_698 : vector<8x256xf32>
      %mul3A_700 = arith.constant 5.000000e-01 : f32
      %mul3A_701 = vector.broadcast %mul3A_700 : f32 to vector<8x256xf32>
      %mul3A_702 = arith.mulf %mul3A_701, %tanh3A_699 : vector<8x256xf32>
      %add3A_703 = arith.constant 5.000000e-01 : f32
      %add3A_704 = vector.broadcast %add3A_703 : f32 to vector<8x256xf32>
      %add3A_705 = arith.addf %mul3A_702, %add3A_704 : vector<8x256xf32>
      %slice3A_706 = vector.extract_strided_slice %add3A_694 {offsets = [0, 256], sizes = [8, 256], strides = [1, 1]} : vector<8x1024xf32> to vector<8x256xf32>
      %mul3A_707 = arith.constant 5.000000e-01 : f32
      %mul3A_708 = vector.broadcast %mul3A_707 : f32 to vector<8x256xf32>
      %mul3A_709 = arith.mulf %mul3A_708, %slice3A_706 : vector<8x256xf32>
      %tanh3A_710 = math.tanh %mul3A_709 : vector<8x256xf32>
      %mul3A_711 = arith.constant 5.000000e-01 : f32
      %mul3A_712 = vector.broadcast %mul3A_711 : f32 to vector<8x256xf32>
      %mul3A_713 = arith.mulf %mul3A_712, %tanh3A_710 : vector<8x256xf32>
      %add3A_714 = arith.constant 5.000000e-01 : f32
      %add3A_715 = vector.broadcast %add3A_714 : f32 to vector<8x256xf32>
      %add3A_716 = arith.addf %mul3A_713, %add3A_715 : vector<8x256xf32>
      %slice3A_717 = vector.extract_strided_slice %add3A_694 {offsets = [0, 512], sizes = [8, 256], strides = [1, 1]} : vector<8x1024xf32> to vector<8x256xf32>
      %tanh3A_718 = math.tanh %slice3A_717 : vector<8x256xf32>
      %slice3A_719 = vector.extract_strided_slice %add3A_694 {offsets = [0, 768], sizes = [8, 256], strides = [1, 1]} : vector<8x1024xf32> to vector<8x256xf32>
      %mul3A_720 = arith.constant 5.000000e-01 : f32
      %mul3A_721 = vector.broadcast %mul3A_720 : f32 to vector<8x256xf32>
      %mul3A_722 = arith.mulf %mul3A_721, %slice3A_719 : vector<8x256xf32>
      %tanh3A_723 = math.tanh %mul3A_722 : vector<8x256xf32>
      %mul3A_724 = arith.constant 5.000000e-01 : f32
      %mul3A_725 = vector.broadcast %mul3A_724 : f32 to vector<8x256xf32>
      %mul3A_726 = arith.mulf %mul3A_725, %tanh3A_723 : vector<8x256xf32>
      %add3A_727 = arith.constant 5.000000e-01 : f32
      %add3A_728 = vector.broadcast %add3A_727 : f32 to vector<8x256xf32>
      %add3A_729 = arith.addf %mul3A_726, %add3A_728 : vector<8x256xf32>
      %mul3A_730 = arith.mulf %add3A_716, %mul3A_614 : vector<8x256xf32>
      %mul3A_731 = arith.mulf %add3A_705, %tanh3A_718 : vector<8x256xf32>
      %add3A_732 = arith.addf %mul3A_730, %mul3A_731 : vector<8x256xf32>
      %add3A_733 = arith.addi %mul3A_36, %sub3A_682 : i32
      %lt3A_734 = vector.broadcast %add3A_733 : i32 to vector<8x1xi32>
      %lt3A_735 = arith.cmpi slt, %lt3A_734, %get3A_34 : vector<8x1xi32>
      %convert_element_type3A_736 = arith.extui %lt3A_735 : vector<8x1xi1> to vector<8x1xi32>
      %convert_element_type3A_737 = arith.sitofp %convert_element_type3A_736 : vector<8x1xi32> to vector<8x1xf32>
      %tanh3A_738 = math.tanh %add3A_732 : vector<8x256xf32>
      %mul3A_739 = arith.mulf %add3A_729, %tanh3A_738 : vector<8x256xf32>
      %mul3A_740 = vector.broadcast %convert_element_type3A_737 : vector<8x1xf32> to vector<8x256xf32>
      %mul3A_741 = arith.mulf %mul3A_740, %mul3A_739 : vector<8x256xf32>
      %mul3A_742 = vector.broadcast %convert_element_type3A_737 : vector<8x1xf32> to vector<8x256xf32>
      %mul3A_743 = arith.mulf %mul3A_742, %add3A_732 : vector<8x256xf32>
      %swap3A_744 = arith.index_cast %sub3A_682 : i32 to index
      %swap3A_745 = arith.constant 0 : index
      %swap3A_746 = arith.constant 0 : index
      %swap3A_747 = vector.load %arg18[%swap3A_744, %swap3A_745, %swap3A_746] : memref<64x8x256xf32, #tpu.memory_space<vmem>>, vector<1x8x256xf32>
      %swap3A_748 = vector.shape_cast %swap3A_747 : vector<1x8x256xf32> to vector<8x256xf32>
      %swap3A_749 = vector.shape_cast %mul3A_741 : vector<8x256xf32> to vector<1x8x256xf32>
      tpu.vector_store %arg18[%swap3A_744, %swap3A_745, %swap3A_746], %swap3A_749 {strides = array<i32>} : memref<64x8x256xf32, #tpu.memory_space<vmem>>, vector<1x8x256xf32>,
      %scan3A_750 = arith.constant 5 : i32
      %scan3A_751 = arith.addi %scan3A_105, %scan3A_750 : i32
      %mul3A_752 = arith.constant 8 : i32
      %mul3A_753 = arith.muli %scan3A_751, %mul3A_752 : i32
      %get3A_754 = arith.index_cast %mul3A_753 : i32 to index
      %get3A_755 = arith.constant 0 : index
      %get3A_756 = vector.load %arg15[%get3A_754, %get3A_755] : memref<512x1024xf32, #tpu.memory_space<vmem>>, vector<8x1024xf32>
      %convert_element_type3A_757 = arith.truncf %mul3A_674 : vector<8x256xf32> to vector<8x256xbf16>
      %get3A_758 = arith.constant 0 : index
      %get3A_759 = arith.constant 0 : index
      %get3A_760 = vector.load %arg9[%get3A_758, %get3A_759] : memref<256x1024xbf16, #tpu.memory_space<vmem>>, vector<256x1024xbf16>
      %dot_general3A_761 = arith.constant dense<0.000000e+00> : vector<8x1024xf32>
      %dot_general3A_762 = tpu.matmul %convert_element_type3A_757, %get3A_760, %dot_general3A_761 {dimension_numbers = #tpu.dot_dimension_numbers<[1], [0], [0], [1], [0, 0, 1, 1], [], []>, transpose_lhs_hint = false} : vector<8x256xbf16>, vector<256x1024xbf16>, vector<8x1024xf32> -> vector<8x1024xf32>
      %add3A_763 = arith.addf %get3A_756, %dot_general3A_762 : vector<8x1024xf32>
      %slice3A_764 = vector.extract_strided_slice %add3A_763 {offsets = [0, 0], sizes = [8, 256], strides = [1, 1]} : vector<8x1024xf32> to vector<8x256xf32>
      %mul3A_765 = arith.constant 5.000000e-01 : f32
      %mul3A_766 = vector.broadcast %mul3A_765 : f32 to vector<8x256xf32>
      %mul3A_767 = arith.mulf %mul3A_766, %slice3A_764 : vector<8x256xf32>
      %tanh3A_768 = math.tanh %mul3A_767 : vector<8x256xf32>
      %mul3A_769 = arith.constant 5.000000e-01 : f32
      %mul3A_770 = vector.broadcast %mul3A_769 : f32 to vector<8x256xf32>
      %mul3A_771 = arith.mulf %mul3A_770, %tanh3A_768 : vector<8x256xf32>
      %add3A_772 = arith.constant 5.000000e-01 : f32
      %add3A_773 = vector.broadcast %add3A_772 : f32 to vector<8x256xf32>
      %add3A_774 = arith.addf %mul3A_771, %add3A_773 : vector<8x256xf32>
      %slice3A_775 = vector.extract_strided_slice %add3A_763 {offsets = [0, 256], sizes = [8, 256], strides = [1, 1]} : vector<8x1024xf32> to vector<8x256xf32>
      %mul3A_776 = arith.constant 5.000000e-01 : f32
      %mul3A_777 = vector.broadcast %mul3A_776 : f32 to vector<8x256xf32>
      %mul3A_778 = arith.mulf %mul3A_777, %slice3A_775 : vector<8x256xf32>
      %tanh3A_779 = math.tanh %mul3A_778 : vector<8x256xf32>
      %mul3A_780 = arith.constant 5.000000e-01 : f32
      %mul3A_781 = vector.broadcast %mul3A_780 : f32 to vector<8x256xf32>
      %mul3A_782 = arith.mulf %mul3A_781, %tanh3A_779 : vector<8x256xf32>
      %add3A_783 = arith.constant 5.000000e-01 : f32
      %add3A_784 = vector.broadcast %add3A_783 : f32 to vector<8x256xf32>
      %add3A_785 = arith.addf %mul3A_782, %add3A_784 : vector<8x256xf32>
      %slice3A_786 = vector.extract_strided_slice %add3A_763 {offsets = [0, 512], sizes = [8, 256], strides = [1, 1]} : vector<8x1024xf32> to vector<8x256xf32>
      %tanh3A_787 = math.tanh %slice3A_786 : vector<8x256xf32>
      %slice3A_788 = vector.extract_strided_slice %add3A_763 {offsets = [0, 768], sizes = [8, 256], strides = [1, 1]} : vector<8x1024xf32> to vector<8x256xf32>
      %mul3A_789 = arith.constant 5.000000e-01 : f32
      %mul3A_790 = vector.broadcast %mul3A_789 : f32 to vector<8x256xf32>
      %mul3A_791 = arith.mulf %mul3A_790, %slice3A_788 : vector<8x256xf32>
      %tanh3A_792 = math.tanh %mul3A_791 : vector<8x256xf32>
      %mul3A_793 = arith.constant 5.000000e-01 : f32
      %mul3A_794 = vector.broadcast %mul3A_793 : f32 to vector<8x256xf32>
      %mul3A_795 = arith.mulf %mul3A_794, %tanh3A_792 : vector<8x256xf32>
      %add3A_796 = arith.constant 5.000000e-01 : f32
      %add3A_797 = vector.broadcast %add3A_796 : f32 to vector<8x256xf32>
      %add3A_798 = arith.addf %mul3A_795, %add3A_797 : vector<8x256xf32>
      %mul3A_799 = arith.mulf %add3A_785, %add3A_672 : vector<8x256xf32>
      %mul3A_800 = arith.mulf %add3A_774, %tanh3A_787 : vector<8x256xf32>
      %add3A_801 = arith.addf %mul3A_799, %mul3A_800 : vector<8x256xf32>
      %tanh3A_802 = math.tanh %add3A_801 : vector<8x256xf32>
      %mul3A_803 = arith.mulf %add3A_798, %tanh3A_802 : vector<8x256xf32>
      %swap3A_804 = arith.index_cast %scan3A_751 : i32 to index
      %swap3A_805 = arith.constant 0 : index
      %swap3A_806 = arith.constant 0 : index
      %swap3A_807 = vector.load %arg17[%swap3A_804, %swap3A_805, %swap3A_806] : memref<64x8x256xf32, #tpu.memory_space<vmem>>, vector<1x8x256xf32>
      %swap3A_808 = vector.shape_cast %swap3A_807 : vector<1x8x256xf32> to vector<8x256xf32>
      %swap3A_809 = vector.shape_cast %mul3A_803 : vector<8x256xf32> to vector<1x8x256xf32>
      tpu.vector_store %arg17[%swap3A_804, %swap3A_805, %swap3A_806], %swap3A_809 {strides = array<i32>} : memref<64x8x256xf32, #tpu.memory_space<vmem>>, vector<1x8x256xf32>,
      %sub3A_810 = arith.constant 63 : i32
      %sub3A_811 = arith.subi %sub3A_810, %scan3A_751 : i32
      %mul3A_812 = arith.constant 8 : i32
      %mul3A_813 = arith.muli %sub3A_811, %mul3A_812 : i32
      %get3A_814 = arith.index_cast %mul3A_813 : i32 to index
      %get3A_815 = arith.constant 0 : index
      %get3A_816 = vector.load %arg16[%get3A_814, %get3A_815] : memref<512x1024xf32, #tpu.memory_space<vmem>>, vector<8x1024xf32>
      %convert_element_type3A_817 = arith.truncf %mul3A_741 : vector<8x256xf32> to vector<8x256xbf16>
      %get3A_818 = arith.constant 0 : index
      %get3A_819 = arith.constant 0 : index
      %get3A_820 = vector.load %arg10[%get3A_818, %get3A_819] : memref<256x1024xbf16, #tpu.memory_space<vmem>>, vector<256x1024xbf16>
      %dot_general3A_821 = arith.constant dense<0.000000e+00> : vector<8x1024xf32>
      %dot_general3A_822 = tpu.matmul %convert_element_type3A_817, %get3A_820, %dot_general3A_821 {dimension_numbers = #tpu.dot_dimension_numbers<[1], [0], [0], [1], [0, 0, 1, 1], [], []>, transpose_lhs_hint = false} : vector<8x256xbf16>, vector<256x1024xbf16>, vector<8x1024xf32> -> vector<8x1024xf32>
      %add3A_823 = arith.addf %get3A_816, %dot_general3A_822 : vector<8x1024xf32>
      %slice3A_824 = vector.extract_strided_slice %add3A_823 {offsets = [0, 0], sizes = [8, 256], strides = [1, 1]} : vector<8x1024xf32> to vector<8x256xf32>
      %mul3A_825 = arith.constant 5.000000e-01 : f32
      %mul3A_826 = vector.broadcast %mul3A_825 : f32 to vector<8x256xf32>
      %mul3A_827 = arith.mulf %mul3A_826, %slice3A_824 : vector<8x256xf32>
      %tanh3A_828 = math.tanh %mul3A_827 : vector<8x256xf32>
      %mul3A_829 = arith.constant 5.000000e-01 : f32
      %mul3A_830 = vector.broadcast %mul3A_829 : f32 to vector<8x256xf32>
      %mul3A_831 = arith.mulf %mul3A_830, %tanh3A_828 : vector<8x256xf32>
      %add3A_832 = arith.constant 5.000000e-01 : f32
      %add3A_833 = vector.broadcast %add3A_832 : f32 to vector<8x256xf32>
      %add3A_834 = arith.addf %mul3A_831, %add3A_833 : vector<8x256xf32>
      %slice3A_835 = vector.extract_strided_slice %add3A_823 {offsets = [0, 256], sizes = [8, 256], strides = [1, 1]} : vector<8x1024xf32> to vector<8x256xf32>
      %mul3A_836 = arith.constant 5.000000e-01 : f32
      %mul3A_837 = vector.broadcast %mul3A_836 : f32 to vector<8x256xf32>
      %mul3A_838 = arith.mulf %mul3A_837, %slice3A_835 : vector<8x256xf32>
      %tanh3A_839 = math.tanh %mul3A_838 : vector<8x256xf32>
      %mul3A_840 = arith.constant 5.000000e-01 : f32
      %mul3A_841 = vector.broadcast %mul3A_840 : f32 to vector<8x256xf32>
      %mul3A_842 = arith.mulf %mul3A_841, %tanh3A_839 : vector<8x256xf32>
      %add3A_843 = arith.constant 5.000000e-01 : f32
      %add3A_844 = vector.broadcast %add3A_843 : f32 to vector<8x256xf32>
      %add3A_845 = arith.addf %mul3A_842, %add3A_844 : vector<8x256xf32>
      %slice3A_846 = vector.extract_strided_slice %add3A_823 {offsets = [0, 512], sizes = [8, 256], strides = [1, 1]} : vector<8x1024xf32> to vector<8x256xf32>
      %tanh3A_847 = math.tanh %slice3A_846 : vector<8x256xf32>
      %slice3A_848 = vector.extract_strided_slice %add3A_823 {offsets = [0, 768], sizes = [8, 256], strides = [1, 1]} : vector<8x1024xf32> to vector<8x256xf32>
      %mul3A_849 = arith.constant 5.000000e-01 : f32
      %mul3A_850 = vector.broadcast %mul3A_849 : f32 to vector<8x256xf32>
      %mul3A_851 = arith.mulf %mul3A_850, %slice3A_848 : vector<8x256xf32>
      %tanh3A_852 = math.tanh %mul3A_851 : vector<8x256xf32>
      %mul3A_853 = arith.constant 5.000000e-01 : f32
      %mul3A_854 = vector.broadcast %mul3A_853 : f32 to vector<8x256xf32>
      %mul3A_855 = arith.mulf %mul3A_854, %tanh3A_852 : vector<8x256xf32>
      %add3A_856 = arith.constant 5.000000e-01 : f32
      %add3A_857 = vector.broadcast %add3A_856 : f32 to vector<8x256xf32>
      %add3A_858 = arith.addf %mul3A_855, %add3A_857 : vector<8x256xf32>
      %mul3A_859 = arith.mulf %add3A_845, %mul3A_743 : vector<8x256xf32>
      %mul3A_860 = arith.mulf %add3A_834, %tanh3A_847 : vector<8x256xf32>
      %add3A_861 = arith.addf %mul3A_859, %mul3A_860 : vector<8x256xf32>
      %add3A_862 = arith.addi %mul3A_36, %sub3A_811 : i32
      %lt3A_863 = vector.broadcast %add3A_862 : i32 to vector<8x1xi32>
      %lt3A_864 = arith.cmpi slt, %lt3A_863, %get3A_34 : vector<8x1xi32>
      %convert_element_type3A_865 = arith.extui %lt3A_864 : vector<8x1xi1> to vector<8x1xi32>
      %convert_element_type3A_866 = arith.sitofp %convert_element_type3A_865 : vector<8x1xi32> to vector<8x1xf32>
      %tanh3A_867 = math.tanh %add3A_861 : vector<8x256xf32>
      %mul3A_868 = arith.mulf %add3A_858, %tanh3A_867 : vector<8x256xf32>
      %mul3A_869 = vector.broadcast %convert_element_type3A_866 : vector<8x1xf32> to vector<8x256xf32>
      %mul3A_870 = arith.mulf %mul3A_869, %mul3A_868 : vector<8x256xf32>
      %mul3A_871 = vector.broadcast %convert_element_type3A_866 : vector<8x1xf32> to vector<8x256xf32>
      %mul3A_872 = arith.mulf %mul3A_871, %add3A_861 : vector<8x256xf32>
      %swap3A_873 = arith.index_cast %sub3A_811 : i32 to index
      %swap3A_874 = arith.constant 0 : index
      %swap3A_875 = arith.constant 0 : index
      %swap3A_876 = vector.load %arg18[%swap3A_873, %swap3A_874, %swap3A_875] : memref<64x8x256xf32, #tpu.memory_space<vmem>>, vector<1x8x256xf32>
      %swap3A_877 = vector.shape_cast %swap3A_876 : vector<1x8x256xf32> to vector<8x256xf32>
      %swap3A_878 = vector.shape_cast %mul3A_870 : vector<8x256xf32> to vector<1x8x256xf32>
      tpu.vector_store %arg18[%swap3A_873, %swap3A_874, %swap3A_875], %swap3A_878 {strides = array<i32>} : memref<64x8x256xf32, #tpu.memory_space<vmem>>, vector<1x8x256xf32>,
      %scan3A_879 = arith.constant 6 : i32
      %scan3A_880 = arith.addi %scan3A_105, %scan3A_879 : i32
      %mul3A_881 = arith.constant 8 : i32
      %mul3A_882 = arith.muli %scan3A_880, %mul3A_881 : i32
      %get3A_883 = arith.index_cast %mul3A_882 : i32 to index
      %get3A_884 = arith.constant 0 : index
      %get3A_885 = vector.load %arg15[%get3A_883, %get3A_884] : memref<512x1024xf32, #tpu.memory_space<vmem>>, vector<8x1024xf32>
      %convert_element_type3A_886 = arith.truncf %mul3A_803 : vector<8x256xf32> to vector<8x256xbf16>
      %get3A_887 = arith.constant 0 : index
      %get3A_888 = arith.constant 0 : index
      %get3A_889 = vector.load %arg9[%get3A_887, %get3A_888] : memref<256x1024xbf16, #tpu.memory_space<vmem>>, vector<256x1024xbf16>
      %dot_general3A_890 = arith.constant dense<0.000000e+00> : vector<8x1024xf32>
      %dot_general3A_891 = tpu.matmul %convert_element_type3A_886, %get3A_889, %dot_general3A_890 {dimension_numbers = #tpu.dot_dimension_numbers<[1], [0], [0], [1], [0, 0, 1, 1], [], []>, transpose_lhs_hint = false} : vector<8x256xbf16>, vector<256x1024xbf16>, vector<8x1024xf32> -> vector<8x1024xf32>
      %add3A_892 = arith.addf %get3A_885, %dot_general3A_891 : vector<8x1024xf32>
      %slice3A_893 = vector.extract_strided_slice %add3A_892 {offsets = [0, 0], sizes = [8, 256], strides = [1, 1]} : vector<8x1024xf32> to vector<8x256xf32>
      %mul3A_894 = arith.constant 5.000000e-01 : f32
      %mul3A_895 = vector.broadcast %mul3A_894 : f32 to vector<8x256xf32>
      %mul3A_896 = arith.mulf %mul3A_895, %slice3A_893 : vector<8x256xf32>
      %tanh3A_897 = math.tanh %mul3A_896 : vector<8x256xf32>
      %mul3A_898 = arith.constant 5.000000e-01 : f32
      %mul3A_899 = vector.broadcast %mul3A_898 : f32 to vector<8x256xf32>
      %mul3A_900 = arith.mulf %mul3A_899, %tanh3A_897 : vector<8x256xf32>
      %add3A_901 = arith.constant 5.000000e-01 : f32
      %add3A_902 = vector.broadcast %add3A_901 : f32 to vector<8x256xf32>
      %add3A_903 = arith.addf %mul3A_900, %add3A_902 : vector<8x256xf32>
      %slice3A_904 = vector.extract_strided_slice %add3A_892 {offsets = [0, 256], sizes = [8, 256], strides = [1, 1]} : vector<8x1024xf32> to vector<8x256xf32>
      %mul3A_905 = arith.constant 5.000000e-01 : f32
      %mul3A_906 = vector.broadcast %mul3A_905 : f32 to vector<8x256xf32>
      %mul3A_907 = arith.mulf %mul3A_906, %slice3A_904 : vector<8x256xf32>
      %tanh3A_908 = math.tanh %mul3A_907 : vector<8x256xf32>
      %mul3A_909 = arith.constant 5.000000e-01 : f32
      %mul3A_910 = vector.broadcast %mul3A_909 : f32 to vector<8x256xf32>
      %mul3A_911 = arith.mulf %mul3A_910, %tanh3A_908 : vector<8x256xf32>
      %add3A_912 = arith.constant 5.000000e-01 : f32
      %add3A_913 = vector.broadcast %add3A_912 : f32 to vector<8x256xf32>
      %add3A_914 = arith.addf %mul3A_911, %add3A_913 : vector<8x256xf32>
      %slice3A_915 = vector.extract_strided_slice %add3A_892 {offsets = [0, 512], sizes = [8, 256], strides = [1, 1]} : vector<8x1024xf32> to vector<8x256xf32>
      %tanh3A_916 = math.tanh %slice3A_915 : vector<8x256xf32>
      %slice3A_917 = vector.extract_strided_slice %add3A_892 {offsets = [0, 768], sizes = [8, 256], strides = [1, 1]} : vector<8x1024xf32> to vector<8x256xf32>
      %mul3A_918 = arith.constant 5.000000e-01 : f32
      %mul3A_919 = vector.broadcast %mul3A_918 : f32 to vector<8x256xf32>
      %mul3A_920 = arith.mulf %mul3A_919, %slice3A_917 : vector<8x256xf32>
      %tanh3A_921 = math.tanh %mul3A_920 : vector<8x256xf32>
      %mul3A_922 = arith.constant 5.000000e-01 : f32
      %mul3A_923 = vector.broadcast %mul3A_922 : f32 to vector<8x256xf32>
      %mul3A_924 = arith.mulf %mul3A_923, %tanh3A_921 : vector<8x256xf32>
      %add3A_925 = arith.constant 5.000000e-01 : f32
      %add3A_926 = vector.broadcast %add3A_925 : f32 to vector<8x256xf32>
      %add3A_927 = arith.addf %mul3A_924, %add3A_926 : vector<8x256xf32>
      %mul3A_928 = arith.mulf %add3A_914, %add3A_801 : vector<8x256xf32>
      %mul3A_929 = arith.mulf %add3A_903, %tanh3A_916 : vector<8x256xf32>
      %add3A_930 = arith.addf %mul3A_928, %mul3A_929 : vector<8x256xf32>
      %tanh3A_931 = math.tanh %add3A_930 : vector<8x256xf32>
      %mul3A_932 = arith.mulf %add3A_927, %tanh3A_931 : vector<8x256xf32>
      %swap3A_933 = arith.index_cast %scan3A_880 : i32 to index
      %swap3A_934 = arith.constant 0 : index
      %swap3A_935 = arith.constant 0 : index
      %swap3A_936 = vector.load %arg17[%swap3A_933, %swap3A_934, %swap3A_935] : memref<64x8x256xf32, #tpu.memory_space<vmem>>, vector<1x8x256xf32>
      %swap3A_937 = vector.shape_cast %swap3A_936 : vector<1x8x256xf32> to vector<8x256xf32>
      %swap3A_938 = vector.shape_cast %mul3A_932 : vector<8x256xf32> to vector<1x8x256xf32>
      tpu.vector_store %arg17[%swap3A_933, %swap3A_934, %swap3A_935], %swap3A_938 {strides = array<i32>} : memref<64x8x256xf32, #tpu.memory_space<vmem>>, vector<1x8x256xf32>,
      %sub3A_939 = arith.constant 63 : i32
      %sub3A_940 = arith.subi %sub3A_939, %scan3A_880 : i32
      %mul3A_941 = arith.constant 8 : i32
      %mul3A_942 = arith.muli %sub3A_940, %mul3A_941 : i32
      %get3A_943 = arith.index_cast %mul3A_942 : i32 to index
      %get3A_944 = arith.constant 0 : index
      %get3A_945 = vector.load %arg16[%get3A_943, %get3A_944] : memref<512x1024xf32, #tpu.memory_space<vmem>>, vector<8x1024xf32>
      %convert_element_type3A_946 = arith.truncf %mul3A_870 : vector<8x256xf32> to vector<8x256xbf16>
      %get3A_947 = arith.constant 0 : index
      %get3A_948 = arith.constant 0 : index
      %get3A_949 = vector.load %arg10[%get3A_947, %get3A_948] : memref<256x1024xbf16, #tpu.memory_space<vmem>>, vector<256x1024xbf16>
      %dot_general3A_950 = arith.constant dense<0.000000e+00> : vector<8x1024xf32>
      %dot_general3A_951 = tpu.matmul %convert_element_type3A_946, %get3A_949, %dot_general3A_950 {dimension_numbers = #tpu.dot_dimension_numbers<[1], [0], [0], [1], [0, 0, 1, 1], [], []>, transpose_lhs_hint = false} : vector<8x256xbf16>, vector<256x1024xbf16>, vector<8x1024xf32> -> vector<8x1024xf32>
      %add3A_952 = arith.addf %get3A_945, %dot_general3A_951 : vector<8x1024xf32>
      %slice3A_953 = vector.extract_strided_slice %add3A_952 {offsets = [0, 0], sizes = [8, 256], strides = [1, 1]} : vector<8x1024xf32> to vector<8x256xf32>
      %mul3A_954 = arith.constant 5.000000e-01 : f32
      %mul3A_955 = vector.broadcast %mul3A_954 : f32 to vector<8x256xf32>
      %mul3A_956 = arith.mulf %mul3A_955, %slice3A_953 : vector<8x256xf32>
      %tanh3A_957 = math.tanh %mul3A_956 : vector<8x256xf32>
      %mul3A_958 = arith.constant 5.000000e-01 : f32
      %mul3A_959 = vector.broadcast %mul3A_958 : f32 to vector<8x256xf32>
      %mul3A_960 = arith.mulf %mul3A_959, %tanh3A_957 : vector<8x256xf32>
      %add3A_961 = arith.constant 5.000000e-01 : f32
      %add3A_962 = vector.broadcast %add3A_961 : f32 to vector<8x256xf32>
      %add3A_963 = arith.addf %mul3A_960, %add3A_962 : vector<8x256xf32>
      %slice3A_964 = vector.extract_strided_slice %add3A_952 {offsets = [0, 256], sizes = [8, 256], strides = [1, 1]} : vector<8x1024xf32> to vector<8x256xf32>
      %mul3A_965 = arith.constant 5.000000e-01 : f32
      %mul3A_966 = vector.broadcast %mul3A_965 : f32 to vector<8x256xf32>
      %mul3A_967 = arith.mulf %mul3A_966, %slice3A_964 : vector<8x256xf32>
      %tanh3A_968 = math.tanh %mul3A_967 : vector<8x256xf32>
      %mul3A_969 = arith.constant 5.000000e-01 : f32
      %mul3A_970 = vector.broadcast %mul3A_969 : f32 to vector<8x256xf32>
      %mul3A_971 = arith.mulf %mul3A_970, %tanh3A_968 : vector<8x256xf32>
      %add3A_972 = arith.constant 5.000000e-01 : f32
      %add3A_973 = vector.broadcast %add3A_972 : f32 to vector<8x256xf32>
      %add3A_974 = arith.addf %mul3A_971, %add3A_973 : vector<8x256xf32>
      %slice3A_975 = vector.extract_strided_slice %add3A_952 {offsets = [0, 512], sizes = [8, 256], strides = [1, 1]} : vector<8x1024xf32> to vector<8x256xf32>
      %tanh3A_976 = math.tanh %slice3A_975 : vector<8x256xf32>
      %slice3A_977 = vector.extract_strided_slice %add3A_952 {offsets = [0, 768], sizes = [8, 256], strides = [1, 1]} : vector<8x1024xf32> to vector<8x256xf32>
      %mul3A_978 = arith.constant 5.000000e-01 : f32
      %mul3A_979 = vector.broadcast %mul3A_978 : f32 to vector<8x256xf32>
      %mul3A_980 = arith.mulf %mul3A_979, %slice3A_977 : vector<8x256xf32>
      %tanh3A_981 = math.tanh %mul3A_980 : vector<8x256xf32>
      %mul3A_982 = arith.constant 5.000000e-01 : f32
      %mul3A_983 = vector.broadcast %mul3A_982 : f32 to vector<8x256xf32>
      %mul3A_984 = arith.mulf %mul3A_983, %tanh3A_981 : vector<8x256xf32>
      %add3A_985 = arith.constant 5.000000e-01 : f32
      %add3A_986 = vector.broadcast %add3A_985 : f32 to vector<8x256xf32>
      %add3A_987 = arith.addf %mul3A_984, %add3A_986 : vector<8x256xf32>
      %mul3A_988 = arith.mulf %add3A_974, %mul3A_872 : vector<8x256xf32>
      %mul3A_989 = arith.mulf %add3A_963, %tanh3A_976 : vector<8x256xf32>
      %add3A_990 = arith.addf %mul3A_988, %mul3A_989 : vector<8x256xf32>
      %add3A_991 = arith.addi %mul3A_36, %sub3A_940 : i32
      %lt3A_992 = vector.broadcast %add3A_991 : i32 to vector<8x1xi32>
      %lt3A_993 = arith.cmpi slt, %lt3A_992, %get3A_34 : vector<8x1xi32>
      %convert_element_type3A_994 = arith.extui %lt3A_993 : vector<8x1xi1> to vector<8x1xi32>
      %convert_element_type3A_995 = arith.sitofp %convert_element_type3A_994 : vector<8x1xi32> to vector<8x1xf32>
      %tanh3A_996 = math.tanh %add3A_990 : vector<8x256xf32>
      %mul3A_997 = arith.mulf %add3A_987, %tanh3A_996 : vector<8x256xf32>
      %mul3A_998 = vector.broadcast %convert_element_type3A_995 : vector<8x1xf32> to vector<8x256xf32>
      %mul3A_999 = arith.mulf %mul3A_998, %mul3A_997 : vector<8x256xf32>
      %mul3A_1000 = vector.broadcast %convert_element_type3A_995 : vector<8x1xf32> to vector<8x256xf32>
      %mul3A_1001 = arith.mulf %mul3A_1000, %add3A_990 : vector<8x256xf32>
      %swap3A_1002 = arith.index_cast %sub3A_940 : i32 to index
      %swap3A_1003 = arith.constant 0 : index
      %swap3A_1004 = arith.constant 0 : index
      %swap3A_1005 = vector.load %arg18[%swap3A_1002, %swap3A_1003, %swap3A_1004] : memref<64x8x256xf32, #tpu.memory_space<vmem>>, vector<1x8x256xf32>
      %swap3A_1006 = vector.shape_cast %swap3A_1005 : vector<1x8x256xf32> to vector<8x256xf32>
      %swap3A_1007 = vector.shape_cast %mul3A_999 : vector<8x256xf32> to vector<1x8x256xf32>
      tpu.vector_store %arg18[%swap3A_1002, %swap3A_1003, %swap3A_1004], %swap3A_1007 {strides = array<i32>} : memref<64x8x256xf32, #tpu.memory_space<vmem>>, vector<1x8x256xf32>,
      %scan3A_1008 = arith.constant 7 : i32
      %scan3A_1009 = arith.addi %scan3A_105, %scan3A_1008 : i32
      %mul3A_1010 = arith.constant 8 : i32
      %mul3A_1011 = arith.muli %scan3A_1009, %mul3A_1010 : i32
      %get3A_1012 = arith.index_cast %mul3A_1011 : i32 to index
      %get3A_1013 = arith.constant 0 : index
      %get3A_1014 = vector.load %arg15[%get3A_1012, %get3A_1013] : memref<512x1024xf32, #tpu.memory_space<vmem>>, vector<8x1024xf32>
      %convert_element_type3A_1015 = arith.truncf %mul3A_932 : vector<8x256xf32> to vector<8x256xbf16>
      %get3A_1016 = arith.constant 0 : index
      %get3A_1017 = arith.constant 0 : index
      %get3A_1018 = vector.load %arg9[%get3A_1016, %get3A_1017] : memref<256x1024xbf16, #tpu.memory_space<vmem>>, vector<256x1024xbf16>
      %dot_general3A_1019 = arith.constant dense<0.000000e+00> : vector<8x1024xf32>
      %dot_general3A_1020 = tpu.matmul %convert_element_type3A_1015, %get3A_1018, %dot_general3A_1019 {dimension_numbers = #tpu.dot_dimension_numbers<[1], [0], [0], [1], [0, 0, 1, 1], [], []>, transpose_lhs_hint = false} : vector<8x256xbf16>, vector<256x1024xbf16>, vector<8x1024xf32> -> vector<8x1024xf32>
      %add3A_1021 = arith.addf %get3A_1014, %dot_general3A_1020 : vector<8x1024xf32>
      %slice3A_1022 = vector.extract_strided_slice %add3A_1021 {offsets = [0, 0], sizes = [8, 256], strides = [1, 1]} : vector<8x1024xf32> to vector<8x256xf32>
      %mul3A_1023 = arith.constant 5.000000e-01 : f32
      %mul3A_1024 = vector.broadcast %mul3A_1023 : f32 to vector<8x256xf32>
      %mul3A_1025 = arith.mulf %mul3A_1024, %slice3A_1022 : vector<8x256xf32>
      %tanh3A_1026 = math.tanh %mul3A_1025 : vector<8x256xf32>
      %mul3A_1027 = arith.constant 5.000000e-01 : f32
      %mul3A_1028 = vector.broadcast %mul3A_1027 : f32 to vector<8x256xf32>
      %mul3A_1029 = arith.mulf %mul3A_1028, %tanh3A_1026 : vector<8x256xf32>
      %add3A_1030 = arith.constant 5.000000e-01 : f32
      %add3A_1031 = vector.broadcast %add3A_1030 : f32 to vector<8x256xf32>
      %add3A_1032 = arith.addf %mul3A_1029, %add3A_1031 : vector<8x256xf32>
      %slice3A_1033 = vector.extract_strided_slice %add3A_1021 {offsets = [0, 256], sizes = [8, 256], strides = [1, 1]} : vector<8x1024xf32> to vector<8x256xf32>
      %mul3A_1034 = arith.constant 5.000000e-01 : f32
      %mul3A_1035 = vector.broadcast %mul3A_1034 : f32 to vector<8x256xf32>
      %mul3A_1036 = arith.mulf %mul3A_1035, %slice3A_1033 : vector<8x256xf32>
      %tanh3A_1037 = math.tanh %mul3A_1036 : vector<8x256xf32>
      %mul3A_1038 = arith.constant 5.000000e-01 : f32
      %mul3A_1039 = vector.broadcast %mul3A_1038 : f32 to vector<8x256xf32>
      %mul3A_1040 = arith.mulf %mul3A_1039, %tanh3A_1037 : vector<8x256xf32>
      %add3A_1041 = arith.constant 5.000000e-01 : f32
      %add3A_1042 = vector.broadcast %add3A_1041 : f32 to vector<8x256xf32>
      %add3A_1043 = arith.addf %mul3A_1040, %add3A_1042 : vector<8x256xf32>
      %slice3A_1044 = vector.extract_strided_slice %add3A_1021 {offsets = [0, 512], sizes = [8, 256], strides = [1, 1]} : vector<8x1024xf32> to vector<8x256xf32>
      %tanh3A_1045 = math.tanh %slice3A_1044 : vector<8x256xf32>
      %slice3A_1046 = vector.extract_strided_slice %add3A_1021 {offsets = [0, 768], sizes = [8, 256], strides = [1, 1]} : vector<8x1024xf32> to vector<8x256xf32>
      %mul3A_1047 = arith.constant 5.000000e-01 : f32
      %mul3A_1048 = vector.broadcast %mul3A_1047 : f32 to vector<8x256xf32>
      %mul3A_1049 = arith.mulf %mul3A_1048, %slice3A_1046 : vector<8x256xf32>
      %tanh3A_1050 = math.tanh %mul3A_1049 : vector<8x256xf32>
      %mul3A_1051 = arith.constant 5.000000e-01 : f32
      %mul3A_1052 = vector.broadcast %mul3A_1051 : f32 to vector<8x256xf32>
      %mul3A_1053 = arith.mulf %mul3A_1052, %tanh3A_1050 : vector<8x256xf32>
      %add3A_1054 = arith.constant 5.000000e-01 : f32
      %add3A_1055 = vector.broadcast %add3A_1054 : f32 to vector<8x256xf32>
      %add3A_1056 = arith.addf %mul3A_1053, %add3A_1055 : vector<8x256xf32>
      %mul3A_1057 = arith.mulf %add3A_1043, %add3A_930 : vector<8x256xf32>
      %mul3A_1058 = arith.mulf %add3A_1032, %tanh3A_1045 : vector<8x256xf32>
      %add3A_1059 = arith.addf %mul3A_1057, %mul3A_1058 : vector<8x256xf32>
      %tanh3A_1060 = math.tanh %add3A_1059 : vector<8x256xf32>
      %mul3A_1061 = arith.mulf %add3A_1056, %tanh3A_1060 : vector<8x256xf32>
      %swap3A_1062 = arith.index_cast %scan3A_1009 : i32 to index
      %swap3A_1063 = arith.constant 0 : index
      %swap3A_1064 = arith.constant 0 : index
      %swap3A_1065 = vector.load %arg17[%swap3A_1062, %swap3A_1063, %swap3A_1064] : memref<64x8x256xf32, #tpu.memory_space<vmem>>, vector<1x8x256xf32>
      %swap3A_1066 = vector.shape_cast %swap3A_1065 : vector<1x8x256xf32> to vector<8x256xf32>
      %swap3A_1067 = vector.shape_cast %mul3A_1061 : vector<8x256xf32> to vector<1x8x256xf32>
      tpu.vector_store %arg17[%swap3A_1062, %swap3A_1063, %swap3A_1064], %swap3A_1067 {strides = array<i32>} : memref<64x8x256xf32, #tpu.memory_space<vmem>>, vector<1x8x256xf32>,
      %sub3A_1068 = arith.constant 63 : i32
      %sub3A_1069 = arith.subi %sub3A_1068, %scan3A_1009 : i32
      %mul3A_1070 = arith.constant 8 : i32
      %mul3A_1071 = arith.muli %sub3A_1069, %mul3A_1070 : i32
      %get3A_1072 = arith.index_cast %mul3A_1071 : i32 to index
      %get3A_1073 = arith.constant 0 : index
      %get3A_1074 = vector.load %arg16[%get3A_1072, %get3A_1073] : memref<512x1024xf32, #tpu.memory_space<vmem>>, vector<8x1024xf32>
      %convert_element_type3A_1075 = arith.truncf %mul3A_999 : vector<8x256xf32> to vector<8x256xbf16>
      %get3A_1076 = arith.constant 0 : index
      %get3A_1077 = arith.constant 0 : index
      %get3A_1078 = vector.load %arg10[%get3A_1076, %get3A_1077] : memref<256x1024xbf16, #tpu.memory_space<vmem>>, vector<256x1024xbf16>
      %dot_general3A_1079 = arith.constant dense<0.000000e+00> : vector<8x1024xf32>
      %dot_general3A_1080 = tpu.matmul %convert_element_type3A_1075, %get3A_1078, %dot_general3A_1079 {dimension_numbers = #tpu.dot_dimension_numbers<[1], [0], [0], [1], [0, 0, 1, 1], [], []>, transpose_lhs_hint = false} : vector<8x256xbf16>, vector<256x1024xbf16>, vector<8x1024xf32> -> vector<8x1024xf32>
      %add3A_1081 = arith.addf %get3A_1074, %dot_general3A_1080 : vector<8x1024xf32>
      %slice3A_1082 = vector.extract_strided_slice %add3A_1081 {offsets = [0, 0], sizes = [8, 256], strides = [1, 1]} : vector<8x1024xf32> to vector<8x256xf32>
      %mul3A_1083 = arith.constant 5.000000e-01 : f32
      %mul3A_1084 = vector.broadcast %mul3A_1083 : f32 to vector<8x256xf32>
      %mul3A_1085 = arith.mulf %mul3A_1084, %slice3A_1082 : vector<8x256xf32>
      %tanh3A_1086 = math.tanh %mul3A_1085 : vector<8x256xf32>
      %mul3A_1087 = arith.constant 5.000000e-01 : f32
      %mul3A_1088 = vector.broadcast %mul3A_1087 : f32 to vector<8x256xf32>
      %mul3A_1089 = arith.mulf %mul3A_1088, %tanh3A_1086 : vector<8x256xf32>
      %add3A_1090 = arith.constant 5.000000e-01 : f32
      %add3A_1091 = vector.broadcast %add3A_1090 : f32 to vector<8x256xf32>
      %add3A_1092 = arith.addf %mul3A_1089, %add3A_1091 : vector<8x256xf32>
      %slice3A_1093 = vector.extract_strided_slice %add3A_1081 {offsets = [0, 256], sizes = [8, 256], strides = [1, 1]} : vector<8x1024xf32> to vector<8x256xf32>
      %mul3A_1094 = arith.constant 5.000000e-01 : f32
      %mul3A_1095 = vector.broadcast %mul3A_1094 : f32 to vector<8x256xf32>
      %mul3A_1096 = arith.mulf %mul3A_1095, %slice3A_1093 : vector<8x256xf32>
      %tanh3A_1097 = math.tanh %mul3A_1096 : vector<8x256xf32>
      %mul3A_1098 = arith.constant 5.000000e-01 : f32
      %mul3A_1099 = vector.broadcast %mul3A_1098 : f32 to vector<8x256xf32>
      %mul3A_1100 = arith.mulf %mul3A_1099, %tanh3A_1097 : vector<8x256xf32>
      %add3A_1101 = arith.constant 5.000000e-01 : f32
      %add3A_1102 = vector.broadcast %add3A_1101 : f32 to vector<8x256xf32>
      %add3A_1103 = arith.addf %mul3A_1100, %add3A_1102 : vector<8x256xf32>
      %slice3A_1104 = vector.extract_strided_slice %add3A_1081 {offsets = [0, 512], sizes = [8, 256], strides = [1, 1]} : vector<8x1024xf32> to vector<8x256xf32>
      %tanh3A_1105 = math.tanh %slice3A_1104 : vector<8x256xf32>
      %slice3A_1106 = vector.extract_strided_slice %add3A_1081 {offsets = [0, 768], sizes = [8, 256], strides = [1, 1]} : vector<8x1024xf32> to vector<8x256xf32>
      %mul3A_1107 = arith.constant 5.000000e-01 : f32
      %mul3A_1108 = vector.broadcast %mul3A_1107 : f32 to vector<8x256xf32>
      %mul3A_1109 = arith.mulf %mul3A_1108, %slice3A_1106 : vector<8x256xf32>
      %tanh3A_1110 = math.tanh %mul3A_1109 : vector<8x256xf32>
      %mul3A_1111 = arith.constant 5.000000e-01 : f32
      %mul3A_1112 = vector.broadcast %mul3A_1111 : f32 to vector<8x256xf32>
      %mul3A_1113 = arith.mulf %mul3A_1112, %tanh3A_1110 : vector<8x256xf32>
      %add3A_1114 = arith.constant 5.000000e-01 : f32
      %add3A_1115 = vector.broadcast %add3A_1114 : f32 to vector<8x256xf32>
      %add3A_1116 = arith.addf %mul3A_1113, %add3A_1115 : vector<8x256xf32>
      %mul3A_1117 = arith.mulf %add3A_1103, %mul3A_1001 : vector<8x256xf32>
      %mul3A_1118 = arith.mulf %add3A_1092, %tanh3A_1105 : vector<8x256xf32>
      %add3A_1119 = arith.addf %mul3A_1117, %mul3A_1118 : vector<8x256xf32>
      %add3A_1120 = arith.addi %mul3A_36, %sub3A_1069 : i32
      %lt3A_1121 = vector.broadcast %add3A_1120 : i32 to vector<8x1xi32>
      %lt3A_1122 = arith.cmpi slt, %lt3A_1121, %get3A_34 : vector<8x1xi32>
      %convert_element_type3A_1123 = arith.extui %lt3A_1122 : vector<8x1xi1> to vector<8x1xi32>
      %convert_element_type3A_1124 = arith.sitofp %convert_element_type3A_1123 : vector<8x1xi32> to vector<8x1xf32>
      %tanh3A_1125 = math.tanh %add3A_1119 : vector<8x256xf32>
      %mul3A_1126 = arith.mulf %add3A_1116, %tanh3A_1125 : vector<8x256xf32>
      %mul3A_1127 = vector.broadcast %convert_element_type3A_1124 : vector<8x1xf32> to vector<8x256xf32>
      %mul3A_1128 = arith.mulf %mul3A_1127, %mul3A_1126 : vector<8x256xf32>
      %mul3A_1129 = vector.broadcast %convert_element_type3A_1124 : vector<8x1xf32> to vector<8x256xf32>
      %mul3A_1130 = arith.mulf %mul3A_1129, %add3A_1119 : vector<8x256xf32>
      %swap3A_1131 = arith.index_cast %sub3A_1069 : i32 to index
      %swap3A_1132 = arith.constant 0 : index
      %swap3A_1133 = arith.constant 0 : index
      %swap3A_1134 = vector.load %arg18[%swap3A_1131, %swap3A_1132, %swap3A_1133] : memref<64x8x256xf32, #tpu.memory_space<vmem>>, vector<1x8x256xf32>
      %swap3A_1135 = vector.shape_cast %swap3A_1134 : vector<1x8x256xf32> to vector<8x256xf32>
      %swap3A_1136 = vector.shape_cast %mul3A_1128 : vector<8x256xf32> to vector<1x8x256xf32>
      tpu.vector_store %arg18[%swap3A_1131, %swap3A_1132, %swap3A_1133], %swap3A_1136 {strides = array<i32>} : memref<64x8x256xf32, #tpu.memory_space<vmem>>, vector<1x8x256xf32>,
      %scan3A_1137 = arith.constant 8 : i32
      %scan3A_1138 = arith.addi %scan3A_105, %scan3A_1137 : i32
      %mul3A_1139 = arith.constant 8 : i32
      %mul3A_1140 = arith.muli %scan3A_1138, %mul3A_1139 : i32
      %get3A_1141 = arith.index_cast %mul3A_1140 : i32 to index
      %get3A_1142 = arith.constant 0 : index
      %get3A_1143 = vector.load %arg15[%get3A_1141, %get3A_1142] : memref<512x1024xf32, #tpu.memory_space<vmem>>, vector<8x1024xf32>
      %convert_element_type3A_1144 = arith.truncf %mul3A_1061 : vector<8x256xf32> to vector<8x256xbf16>
      %get3A_1145 = arith.constant 0 : index
      %get3A_1146 = arith.constant 0 : index
      %get3A_1147 = vector.load %arg9[%get3A_1145, %get3A_1146] : memref<256x1024xbf16, #tpu.memory_space<vmem>>, vector<256x1024xbf16>
      %dot_general3A_1148 = arith.constant dense<0.000000e+00> : vector<8x1024xf32>
      %dot_general3A_1149 = tpu.matmul %convert_element_type3A_1144, %get3A_1147, %dot_general3A_1148 {dimension_numbers = #tpu.dot_dimension_numbers<[1], [0], [0], [1], [0, 0, 1, 1], [], []>, transpose_lhs_hint = false} : vector<8x256xbf16>, vector<256x1024xbf16>, vector<8x1024xf32> -> vector<8x1024xf32>
      %add3A_1150 = arith.addf %get3A_1143, %dot_general3A_1149 : vector<8x1024xf32>
      %slice3A_1151 = vector.extract_strided_slice %add3A_1150 {offsets = [0, 0], sizes = [8, 256], strides = [1, 1]} : vector<8x1024xf32> to vector<8x256xf32>
      %mul3A_1152 = arith.constant 5.000000e-01 : f32
      %mul3A_1153 = vector.broadcast %mul3A_1152 : f32 to vector<8x256xf32>
      %mul3A_1154 = arith.mulf %mul3A_1153, %slice3A_1151 : vector<8x256xf32>
      %tanh3A_1155 = math.tanh %mul3A_1154 : vector<8x256xf32>
      %mul3A_1156 = arith.constant 5.000000e-01 : f32
      %mul3A_1157 = vector.broadcast %mul3A_1156 : f32 to vector<8x256xf32>
      %mul3A_1158 = arith.mulf %mul3A_1157, %tanh3A_1155 : vector<8x256xf32>
      %add3A_1159 = arith.constant 5.000000e-01 : f32
      %add3A_1160 = vector.broadcast %add3A_1159 : f32 to vector<8x256xf32>
      %add3A_1161 = arith.addf %mul3A_1158, %add3A_1160 : vector<8x256xf32>
      %slice3A_1162 = vector.extract_strided_slice %add3A_1150 {offsets = [0, 256], sizes = [8, 256], strides = [1, 1]} : vector<8x1024xf32> to vector<8x256xf32>
      %mul3A_1163 = arith.constant 5.000000e-01 : f32
      %mul3A_1164 = vector.broadcast %mul3A_1163 : f32 to vector<8x256xf32>
      %mul3A_1165 = arith.mulf %mul3A_1164, %slice3A_1162 : vector<8x256xf32>
      %tanh3A_1166 = math.tanh %mul3A_1165 : vector<8x256xf32>
      %mul3A_1167 = arith.constant 5.000000e-01 : f32
      %mul3A_1168 = vector.broadcast %mul3A_1167 : f32 to vector<8x256xf32>
      %mul3A_1169 = arith.mulf %mul3A_1168, %tanh3A_1166 : vector<8x256xf32>
      %add3A_1170 = arith.constant 5.000000e-01 : f32
      %add3A_1171 = vector.broadcast %add3A_1170 : f32 to vector<8x256xf32>
      %add3A_1172 = arith.addf %mul3A_1169, %add3A_1171 : vector<8x256xf32>
      %slice3A_1173 = vector.extract_strided_slice %add3A_1150 {offsets = [0, 512], sizes = [8, 256], strides = [1, 1]} : vector<8x1024xf32> to vector<8x256xf32>
      %tanh3A_1174 = math.tanh %slice3A_1173 : vector<8x256xf32>
      %slice3A_1175 = vector.extract_strided_slice %add3A_1150 {offsets = [0, 768], sizes = [8, 256], strides = [1, 1]} : vector<8x1024xf32> to vector<8x256xf32>
      %mul3A_1176 = arith.constant 5.000000e-01 : f32
      %mul3A_1177 = vector.broadcast %mul3A_1176 : f32 to vector<8x256xf32>
      %mul3A_1178 = arith.mulf %mul3A_1177, %slice3A_1175 : vector<8x256xf32>
      %tanh3A_1179 = math.tanh %mul3A_1178 : vector<8x256xf32>
      %mul3A_1180 = arith.constant 5.000000e-01 : f32
      %mul3A_1181 = vector.broadcast %mul3A_1180 : f32 to vector<8x256xf32>
      %mul3A_1182 = arith.mulf %mul3A_1181, %tanh3A_1179 : vector<8x256xf32>
      %add3A_1183 = arith.constant 5.000000e-01 : f32
      %add3A_1184 = vector.broadcast %add3A_1183 : f32 to vector<8x256xf32>
      %add3A_1185 = arith.addf %mul3A_1182, %add3A_1184 : vector<8x256xf32>
      %mul3A_1186 = arith.mulf %add3A_1172, %add3A_1059 : vector<8x256xf32>
      %mul3A_1187 = arith.mulf %add3A_1161, %tanh3A_1174 : vector<8x256xf32>
      %add3A_1188 = arith.addf %mul3A_1186, %mul3A_1187 : vector<8x256xf32>
      %tanh3A_1189 = math.tanh %add3A_1188 : vector<8x256xf32>
      %mul3A_1190 = arith.mulf %add3A_1185, %tanh3A_1189 : vector<8x256xf32>
      %swap3A_1191 = arith.index_cast %scan3A_1138 : i32 to index
      %swap3A_1192 = arith.constant 0 : index
      %swap3A_1193 = arith.constant 0 : index
      %swap3A_1194 = vector.load %arg17[%swap3A_1191, %swap3A_1192, %swap3A_1193] : memref<64x8x256xf32, #tpu.memory_space<vmem>>, vector<1x8x256xf32>
      %swap3A_1195 = vector.shape_cast %swap3A_1194 : vector<1x8x256xf32> to vector<8x256xf32>
      %swap3A_1196 = vector.shape_cast %mul3A_1190 : vector<8x256xf32> to vector<1x8x256xf32>
      tpu.vector_store %arg17[%swap3A_1191, %swap3A_1192, %swap3A_1193], %swap3A_1196 {strides = array<i32>} : memref<64x8x256xf32, #tpu.memory_space<vmem>>, vector<1x8x256xf32>,
      %sub3A_1197 = arith.constant 63 : i32
      %sub3A_1198 = arith.subi %sub3A_1197, %scan3A_1138 : i32
      %mul3A_1199 = arith.constant 8 : i32
      %mul3A_1200 = arith.muli %sub3A_1198, %mul3A_1199 : i32
      %get3A_1201 = arith.index_cast %mul3A_1200 : i32 to index
      %get3A_1202 = arith.constant 0 : index
      %get3A_1203 = vector.load %arg16[%get3A_1201, %get3A_1202] : memref<512x1024xf32, #tpu.memory_space<vmem>>, vector<8x1024xf32>
      %convert_element_type3A_1204 = arith.truncf %mul3A_1128 : vector<8x256xf32> to vector<8x256xbf16>
      %get3A_1205 = arith.constant 0 : index
      %get3A_1206 = arith.constant 0 : index
      %get3A_1207 = vector.load %arg10[%get3A_1205, %get3A_1206] : memref<256x1024xbf16, #tpu.memory_space<vmem>>, vector<256x1024xbf16>
      %dot_general3A_1208 = arith.constant dense<0.000000e+00> : vector<8x1024xf32>
      %dot_general3A_1209 = tpu.matmul %convert_element_type3A_1204, %get3A_1207, %dot_general3A_1208 {dimension_numbers = #tpu.dot_dimension_numbers<[1], [0], [0], [1], [0, 0, 1, 1], [], []>, transpose_lhs_hint = false} : vector<8x256xbf16>, vector<256x1024xbf16>, vector<8x1024xf32> -> vector<8x1024xf32>
      %add3A_1210 = arith.addf %get3A_1203, %dot_general3A_1209 : vector<8x1024xf32>
      %slice3A_1211 = vector.extract_strided_slice %add3A_1210 {offsets = [0, 0], sizes = [8, 256], strides = [1, 1]} : vector<8x1024xf32> to vector<8x256xf32>
      %mul3A_1212 = arith.constant 5.000000e-01 : f32
      %mul3A_1213 = vector.broadcast %mul3A_1212 : f32 to vector<8x256xf32>
      %mul3A_1214 = arith.mulf %mul3A_1213, %slice3A_1211 : vector<8x256xf32>
      %tanh3A_1215 = math.tanh %mul3A_1214 : vector<8x256xf32>
      %mul3A_1216 = arith.constant 5.000000e-01 : f32
      %mul3A_1217 = vector.broadcast %mul3A_1216 : f32 to vector<8x256xf32>
      %mul3A_1218 = arith.mulf %mul3A_1217, %tanh3A_1215 : vector<8x256xf32>
      %add3A_1219 = arith.constant 5.000000e-01 : f32
      %add3A_1220 = vector.broadcast %add3A_1219 : f32 to vector<8x256xf32>
      %add3A_1221 = arith.addf %mul3A_1218, %add3A_1220 : vector<8x256xf32>
      %slice3A_1222 = vector.extract_strided_slice %add3A_1210 {offsets = [0, 256], sizes = [8, 256], strides = [1, 1]} : vector<8x1024xf32> to vector<8x256xf32>
      %mul3A_1223 = arith.constant 5.000000e-01 : f32
      %mul3A_1224 = vector.broadcast %mul3A_1223 : f32 to vector<8x256xf32>
      %mul3A_1225 = arith.mulf %mul3A_1224, %slice3A_1222 : vector<8x256xf32>
      %tanh3A_1226 = math.tanh %mul3A_1225 : vector<8x256xf32>
      %mul3A_1227 = arith.constant 5.000000e-01 : f32
      %mul3A_1228 = vector.broadcast %mul3A_1227 : f32 to vector<8x256xf32>
      %mul3A_1229 = arith.mulf %mul3A_1228, %tanh3A_1226 : vector<8x256xf32>
      %add3A_1230 = arith.constant 5.000000e-01 : f32
      %add3A_1231 = vector.broadcast %add3A_1230 : f32 to vector<8x256xf32>
      %add3A_1232 = arith.addf %mul3A_1229, %add3A_1231 : vector<8x256xf32>
      %slice3A_1233 = vector.extract_strided_slice %add3A_1210 {offsets = [0, 512], sizes = [8, 256], strides = [1, 1]} : vector<8x1024xf32> to vector<8x256xf32>
      %tanh3A_1234 = math.tanh %slice3A_1233 : vector<8x256xf32>
      %slice3A_1235 = vector.extract_strided_slice %add3A_1210 {offsets = [0, 768], sizes = [8, 256], strides = [1, 1]} : vector<8x1024xf32> to vector<8x256xf32>
      %mul3A_1236 = arith.constant 5.000000e-01 : f32
      %mul3A_1237 = vector.broadcast %mul3A_1236 : f32 to vector<8x256xf32>
      %mul3A_1238 = arith.mulf %mul3A_1237, %slice3A_1235 : vector<8x256xf32>
      %tanh3A_1239 = math.tanh %mul3A_1238 : vector<8x256xf32>
      %mul3A_1240 = arith.constant 5.000000e-01 : f32
      %mul3A_1241 = vector.broadcast %mul3A_1240 : f32 to vector<8x256xf32>
      %mul3A_1242 = arith.mulf %mul3A_1241, %tanh3A_1239 : vector<8x256xf32>
      %add3A_1243 = arith.constant 5.000000e-01 : f32
      %add3A_1244 = vector.broadcast %add3A_1243 : f32 to vector<8x256xf32>
      %add3A_1245 = arith.addf %mul3A_1242, %add3A_1244 : vector<8x256xf32>
      %mul3A_1246 = arith.mulf %add3A_1232, %mul3A_1130 : vector<8x256xf32>
      %mul3A_1247 = arith.mulf %add3A_1221, %tanh3A_1234 : vector<8x256xf32>
      %add3A_1248 = arith.addf %mul3A_1246, %mul3A_1247 : vector<8x256xf32>
      %add3A_1249 = arith.addi %mul3A_36, %sub3A_1198 : i32
      %lt3A_1250 = vector.broadcast %add3A_1249 : i32 to vector<8x1xi32>
      %lt3A_1251 = arith.cmpi slt, %lt3A_1250, %get3A_34 : vector<8x1xi32>
      %convert_element_type3A_1252 = arith.extui %lt3A_1251 : vector<8x1xi1> to vector<8x1xi32>
      %convert_element_type3A_1253 = arith.sitofp %convert_element_type3A_1252 : vector<8x1xi32> to vector<8x1xf32>
      %tanh3A_1254 = math.tanh %add3A_1248 : vector<8x256xf32>
      %mul3A_1255 = arith.mulf %add3A_1245, %tanh3A_1254 : vector<8x256xf32>
      %mul3A_1256 = vector.broadcast %convert_element_type3A_1253 : vector<8x1xf32> to vector<8x256xf32>
      %mul3A_1257 = arith.mulf %mul3A_1256, %mul3A_1255 : vector<8x256xf32>
      %mul3A_1258 = vector.broadcast %convert_element_type3A_1253 : vector<8x1xf32> to vector<8x256xf32>
      %mul3A_1259 = arith.mulf %mul3A_1258, %add3A_1248 : vector<8x256xf32>
      %swap3A_1260 = arith.index_cast %sub3A_1198 : i32 to index
      %swap3A_1261 = arith.constant 0 : index
      %swap3A_1262 = arith.constant 0 : index
      %swap3A_1263 = vector.load %arg18[%swap3A_1260, %swap3A_1261, %swap3A_1262] : memref<64x8x256xf32, #tpu.memory_space<vmem>>, vector<1x8x256xf32>
      %swap3A_1264 = vector.shape_cast %swap3A_1263 : vector<1x8x256xf32> to vector<8x256xf32>
      %swap3A_1265 = vector.shape_cast %mul3A_1257 : vector<8x256xf32> to vector<1x8x256xf32>
      tpu.vector_store %arg18[%swap3A_1260, %swap3A_1261, %swap3A_1262], %swap3A_1265 {strides = array<i32>} : memref<64x8x256xf32, #tpu.memory_space<vmem>>, vector<1x8x256xf32>,
      %scan3A_1266 = arith.constant 9 : i32
      %scan3A_1267 = arith.addi %scan3A_105, %scan3A_1266 : i32
      %mul3A_1268 = arith.constant 8 : i32
      %mul3A_1269 = arith.muli %scan3A_1267, %mul3A_1268 : i32
      %get3A_1270 = arith.index_cast %mul3A_1269 : i32 to index
      %get3A_1271 = arith.constant 0 : index
      %get3A_1272 = vector.load %arg15[%get3A_1270, %get3A_1271] : memref<512x1024xf32, #tpu.memory_space<vmem>>, vector<8x1024xf32>
      %convert_element_type3A_1273 = arith.truncf %mul3A_1190 : vector<8x256xf32> to vector<8x256xbf16>
      %get3A_1274 = arith.constant 0 : index
      %get3A_1275 = arith.constant 0 : index
      %get3A_1276 = vector.load %arg9[%get3A_1274, %get3A_1275] : memref<256x1024xbf16, #tpu.memory_space<vmem>>, vector<256x1024xbf16>
      %dot_general3A_1277 = arith.constant dense<0.000000e+00> : vector<8x1024xf32>
      %dot_general3A_1278 = tpu.matmul %convert_element_type3A_1273, %get3A_1276, %dot_general3A_1277 {dimension_numbers = #tpu.dot_dimension_numbers<[1], [0], [0], [1], [0, 0, 1, 1], [], []>, transpose_lhs_hint = false} : vector<8x256xbf16>, vector<256x1024xbf16>, vector<8x1024xf32> -> vector<8x1024xf32>
      %add3A_1279 = arith.addf %get3A_1272, %dot_general3A_1278 : vector<8x1024xf32>
      %slice3A_1280 = vector.extract_strided_slice %add3A_1279 {offsets = [0, 0], sizes = [8, 256], strides = [1, 1]} : vector<8x1024xf32> to vector<8x256xf32>
      %mul3A_1281 = arith.constant 5.000000e-01 : f32
      %mul3A_1282 = vector.broadcast %mul3A_1281 : f32 to vector<8x256xf32>
      %mul3A_1283 = arith.mulf %mul3A_1282, %slice3A_1280 : vector<8x256xf32>
      %tanh3A_1284 = math.tanh %mul3A_1283 : vector<8x256xf32>
      %mul3A_1285 = arith.constant 5.000000e-01 : f32
      %mul3A_1286 = vector.broadcast %mul3A_1285 : f32 to vector<8x256xf32>
      %mul3A_1287 = arith.mulf %mul3A_1286, %tanh3A_1284 : vector<8x256xf32>
      %add3A_1288 = arith.constant 5.000000e-01 : f32
      %add3A_1289 = vector.broadcast %add3A_1288 : f32 to vector<8x256xf32>
      %add3A_1290 = arith.addf %mul3A_1287, %add3A_1289 : vector<8x256xf32>
      %slice3A_1291 = vector.extract_strided_slice %add3A_1279 {offsets = [0, 256], sizes = [8, 256], strides = [1, 1]} : vector<8x1024xf32> to vector<8x256xf32>
      %mul3A_1292 = arith.constant 5.000000e-01 : f32
      %mul3A_1293 = vector.broadcast %mul3A_1292 : f32 to vector<8x256xf32>
      %mul3A_1294 = arith.mulf %mul3A_1293, %slice3A_1291 : vector<8x256xf32>
      %tanh3A_1295 = math.tanh %mul3A_1294 : vector<8x256xf32>
      %mul3A_1296 = arith.constant 5.000000e-01 : f32
      %mul3A_1297 = vector.broadcast %mul3A_1296 : f32 to vector<8x256xf32>
      %mul3A_1298 = arith.mulf %mul3A_1297, %tanh3A_1295 : vector<8x256xf32>
      %add3A_1299 = arith.constant 5.000000e-01 : f32
      %add3A_1300 = vector.broadcast %add3A_1299 : f32 to vector<8x256xf32>
      %add3A_1301 = arith.addf %mul3A_1298, %add3A_1300 : vector<8x256xf32>
      %slice3A_1302 = vector.extract_strided_slice %add3A_1279 {offsets = [0, 512], sizes = [8, 256], strides = [1, 1]} : vector<8x1024xf32> to vector<8x256xf32>
      %tanh3A_1303 = math.tanh %slice3A_1302 : vector<8x256xf32>
      %slice3A_1304 = vector.extract_strided_slice %add3A_1279 {offsets = [0, 768], sizes = [8, 256], strides = [1, 1]} : vector<8x1024xf32> to vector<8x256xf32>
      %mul3A_1305 = arith.constant 5.000000e-01 : f32
      %mul3A_1306 = vector.broadcast %mul3A_1305 : f32 to vector<8x256xf32>
      %mul3A_1307 = arith.mulf %mul3A_1306, %slice3A_1304 : vector<8x256xf32>
      %tanh3A_1308 = math.tanh %mul3A_1307 : vector<8x256xf32>
      %mul3A_1309 = arith.constant 5.000000e-01 : f32
      %mul3A_1310 = vector.broadcast %mul3A_1309 : f32 to vector<8x256xf32>
      %mul3A_1311 = arith.mulf %mul3A_1310, %tanh3A_1308 : vector<8x256xf32>
      %add3A_1312 = arith.constant 5.000000e-01 : f32
      %add3A_1313 = vector.broadcast %add3A_1312 : f32 to vector<8x256xf32>
      %add3A_1314 = arith.addf %mul3A_1311, %add3A_1313 : vector<8x256xf32>
      %mul3A_1315 = arith.mulf %add3A_1301, %add3A_1188 : vector<8x256xf32>
      %mul3A_1316 = arith.mulf %add3A_1290, %tanh3A_1303 : vector<8x256xf32>
      %add3A_1317 = arith.addf %mul3A_1315, %mul3A_1316 : vector<8x256xf32>
      %tanh3A_1318 = math.tanh %add3A_1317 : vector<8x256xf32>
      %mul3A_1319 = arith.mulf %add3A_1314, %tanh3A_1318 : vector<8x256xf32>
      %swap3A_1320 = arith.index_cast %scan3A_1267 : i32 to index
      %swap3A_1321 = arith.constant 0 : index
      %swap3A_1322 = arith.constant 0 : index
      %swap3A_1323 = vector.load %arg17[%swap3A_1320, %swap3A_1321, %swap3A_1322] : memref<64x8x256xf32, #tpu.memory_space<vmem>>, vector<1x8x256xf32>
      %swap3A_1324 = vector.shape_cast %swap3A_1323 : vector<1x8x256xf32> to vector<8x256xf32>
      %swap3A_1325 = vector.shape_cast %mul3A_1319 : vector<8x256xf32> to vector<1x8x256xf32>
      tpu.vector_store %arg17[%swap3A_1320, %swap3A_1321, %swap3A_1322], %swap3A_1325 {strides = array<i32>} : memref<64x8x256xf32, #tpu.memory_space<vmem>>, vector<1x8x256xf32>,
      %sub3A_1326 = arith.constant 63 : i32
      %sub3A_1327 = arith.subi %sub3A_1326, %scan3A_1267 : i32
      %mul3A_1328 = arith.constant 8 : i32
      %mul3A_1329 = arith.muli %sub3A_1327, %mul3A_1328 : i32
      %get3A_1330 = arith.index_cast %mul3A_1329 : i32 to index
      %get3A_1331 = arith.constant 0 : index
      %get3A_1332 = vector.load %arg16[%get3A_1330, %get3A_1331] : memref<512x1024xf32, #tpu.memory_space<vmem>>, vector<8x1024xf32>
      %convert_element_type3A_1333 = arith.truncf %mul3A_1257 : vector<8x256xf32> to vector<8x256xbf16>
      %get3A_1334 = arith.constant 0 : index
      %get3A_1335 = arith.constant 0 : index
      %get3A_1336 = vector.load %arg10[%get3A_1334, %get3A_1335] : memref<256x1024xbf16, #tpu.memory_space<vmem>>, vector<256x1024xbf16>
      %dot_general3A_1337 = arith.constant dense<0.000000e+00> : vector<8x1024xf32>
      %dot_general3A_1338 = tpu.matmul %convert_element_type3A_1333, %get3A_1336, %dot_general3A_1337 {dimension_numbers = #tpu.dot_dimension_numbers<[1], [0], [0], [1], [0, 0, 1, 1], [], []>, transpose_lhs_hint = false} : vector<8x256xbf16>, vector<256x1024xbf16>, vector<8x1024xf32> -> vector<8x1024xf32>
      %add3A_1339 = arith.addf %get3A_1332, %dot_general3A_1338 : vector<8x1024xf32>
      %slice3A_1340 = vector.extract_strided_slice %add3A_1339 {offsets = [0, 0], sizes = [8, 256], strides = [1, 1]} : vector<8x1024xf32> to vector<8x256xf32>
      %mul3A_1341 = arith.constant 5.000000e-01 : f32
      %mul3A_1342 = vector.broadcast %mul3A_1341 : f32 to vector<8x256xf32>
      %mul3A_1343 = arith.mulf %mul3A_1342, %slice3A_1340 : vector<8x256xf32>
      %tanh3A_1344 = math.tanh %mul3A_1343 : vector<8x256xf32>
      %mul3A_1345 = arith.constant 5.000000e-01 : f32
      %mul3A_1346 = vector.broadcast %mul3A_1345 : f32 to vector<8x256xf32>
      %mul3A_1347 = arith.mulf %mul3A_1346, %tanh3A_1344 : vector<8x256xf32>
      %add3A_1348 = arith.constant 5.000000e-01 : f32
      %add3A_1349 = vector.broadcast %add3A_1348 : f32 to vector<8x256xf32>
      %add3A_1350 = arith.addf %mul3A_1347, %add3A_1349 : vector<8x256xf32>
      %slice3A_1351 = vector.extract_strided_slice %add3A_1339 {offsets = [0, 256], sizes = [8, 256], strides = [1, 1]} : vector<8x1024xf32> to vector<8x256xf32>
      %mul3A_1352 = arith.constant 5.000000e-01 : f32
      %mul3A_1353 = vector.broadcast %mul3A_1352 : f32 to vector<8x256xf32>
      %mul3A_1354 = arith.mulf %mul3A_1353, %slice3A_1351 : vector<8x256xf32>
      %tanh3A_1355 = math.tanh %mul3A_1354 : vector<8x256xf32>
      %mul3A_1356 = arith.constant 5.000000e-01 : f32
      %mul3A_1357 = vector.broadcast %mul3A_1356 : f32 to vector<8x256xf32>
      %mul3A_1358 = arith.mulf %mul3A_1357, %tanh3A_1355 : vector<8x256xf32>
      %add3A_1359 = arith.constant 5.000000e-01 : f32
      %add3A_1360 = vector.broadcast %add3A_1359 : f32 to vector<8x256xf32>
      %add3A_1361 = arith.addf %mul3A_1358, %add3A_1360 : vector<8x256xf32>
      %slice3A_1362 = vector.extract_strided_slice %add3A_1339 {offsets = [0, 512], sizes = [8, 256], strides = [1, 1]} : vector<8x1024xf32> to vector<8x256xf32>
      %tanh3A_1363 = math.tanh %slice3A_1362 : vector<8x256xf32>
      %slice3A_1364 = vector.extract_strided_slice %add3A_1339 {offsets = [0, 768], sizes = [8, 256], strides = [1, 1]} : vector<8x1024xf32> to vector<8x256xf32>
      %mul3A_1365 = arith.constant 5.000000e-01 : f32
      %mul3A_1366 = vector.broadcast %mul3A_1365 : f32 to vector<8x256xf32>
      %mul3A_1367 = arith.mulf %mul3A_1366, %slice3A_1364 : vector<8x256xf32>
      %tanh3A_1368 = math.tanh %mul3A_1367 : vector<8x256xf32>
      %mul3A_1369 = arith.constant 5.000000e-01 : f32
      %mul3A_1370 = vector.broadcast %mul3A_1369 : f32 to vector<8x256xf32>
      %mul3A_1371 = arith.mulf %mul3A_1370, %tanh3A_1368 : vector<8x256xf32>
      %add3A_1372 = arith.constant 5.000000e-01 : f32
      %add3A_1373 = vector.broadcast %add3A_1372 : f32 to vector<8x256xf32>
      %add3A_1374 = arith.addf %mul3A_1371, %add3A_1373 : vector<8x256xf32>
      %mul3A_1375 = arith.mulf %add3A_1361, %mul3A_1259 : vector<8x256xf32>
      %mul3A_1376 = arith.mulf %add3A_1350, %tanh3A_1363 : vector<8x256xf32>
      %add3A_1377 = arith.addf %mul3A_1375, %mul3A_1376 : vector<8x256xf32>
      %add3A_1378 = arith.addi %mul3A_36, %sub3A_1327 : i32
      %lt3A_1379 = vector.broadcast %add3A_1378 : i32 to vector<8x1xi32>
      %lt3A_1380 = arith.cmpi slt, %lt3A_1379, %get3A_34 : vector<8x1xi32>
      %convert_element_type3A_1381 = arith.extui %lt3A_1380 : vector<8x1xi1> to vector<8x1xi32>
      %convert_element_type3A_1382 = arith.sitofp %convert_element_type3A_1381 : vector<8x1xi32> to vector<8x1xf32>
      %tanh3A_1383 = math.tanh %add3A_1377 : vector<8x256xf32>
      %mul3A_1384 = arith.mulf %add3A_1374, %tanh3A_1383 : vector<8x256xf32>
      %mul3A_1385 = vector.broadcast %convert_element_type3A_1382 : vector<8x1xf32> to vector<8x256xf32>
      %mul3A_1386 = arith.mulf %mul3A_1385, %mul3A_1384 : vector<8x256xf32>
      %mul3A_1387 = vector.broadcast %convert_element_type3A_1382 : vector<8x1xf32> to vector<8x256xf32>
      %mul3A_1388 = arith.mulf %mul3A_1387, %add3A_1377 : vector<8x256xf32>
      %swap3A_1389 = arith.index_cast %sub3A_1327 : i32 to index
      %swap3A_1390 = arith.constant 0 : index
      %swap3A_1391 = arith.constant 0 : index
      %swap3A_1392 = vector.load %arg18[%swap3A_1389, %swap3A_1390, %swap3A_1391] : memref<64x8x256xf32, #tpu.memory_space<vmem>>, vector<1x8x256xf32>
      %swap3A_1393 = vector.shape_cast %swap3A_1392 : vector<1x8x256xf32> to vector<8x256xf32>
      %swap3A_1394 = vector.shape_cast %mul3A_1386 : vector<8x256xf32> to vector<1x8x256xf32>
      tpu.vector_store %arg18[%swap3A_1389, %swap3A_1390, %swap3A_1391], %swap3A_1394 {strides = array<i32>} : memref<64x8x256xf32, #tpu.memory_space<vmem>>, vector<1x8x256xf32>,
      %scan3A_1395 = arith.constant 10 : i32
      %scan3A_1396 = arith.addi %scan3A_105, %scan3A_1395 : i32
      %mul3A_1397 = arith.constant 8 : i32
      %mul3A_1398 = arith.muli %scan3A_1396, %mul3A_1397 : i32
      %get3A_1399 = arith.index_cast %mul3A_1398 : i32 to index
      %get3A_1400 = arith.constant 0 : index
      %get3A_1401 = vector.load %arg15[%get3A_1399, %get3A_1400] : memref<512x1024xf32, #tpu.memory_space<vmem>>, vector<8x1024xf32>
      %convert_element_type3A_1402 = arith.truncf %mul3A_1319 : vector<8x256xf32> to vector<8x256xbf16>
      %get3A_1403 = arith.constant 0 : index
      %get3A_1404 = arith.constant 0 : index
      %get3A_1405 = vector.load %arg9[%get3A_1403, %get3A_1404] : memref<256x1024xbf16, #tpu.memory_space<vmem>>, vector<256x1024xbf16>
      %dot_general3A_1406 = arith.constant dense<0.000000e+00> : vector<8x1024xf32>
      %dot_general3A_1407 = tpu.matmul %convert_element_type3A_1402, %get3A_1405, %dot_general3A_1406 {dimension_numbers = #tpu.dot_dimension_numbers<[1], [0], [0], [1], [0, 0, 1, 1], [], []>, transpose_lhs_hint = false} : vector<8x256xbf16>, vector<256x1024xbf16>, vector<8x1024xf32> -> vector<8x1024xf32>
      %add3A_1408 = arith.addf %get3A_1401, %dot_general3A_1407 : vector<8x1024xf32>
      %slice3A_1409 = vector.extract_strided_slice %add3A_1408 {offsets = [0, 0], sizes = [8, 256], strides = [1, 1]} : vector<8x1024xf32> to vector<8x256xf32>
      %mul3A_1410 = arith.constant 5.000000e-01 : f32
      %mul3A_1411 = vector.broadcast %mul3A_1410 : f32 to vector<8x256xf32>
      %mul3A_1412 = arith.mulf %mul3A_1411, %slice3A_1409 : vector<8x256xf32>
      %tanh3A_1413 = math.tanh %mul3A_1412 : vector<8x256xf32>
      %mul3A_1414 = arith.constant 5.000000e-01 : f32
      %mul3A_1415 = vector.broadcast %mul3A_1414 : f32 to vector<8x256xf32>
      %mul3A_1416 = arith.mulf %mul3A_1415, %tanh3A_1413 : vector<8x256xf32>
      %add3A_1417 = arith.constant 5.000000e-01 : f32
      %add3A_1418 = vector.broadcast %add3A_1417 : f32 to vector<8x256xf32>
      %add3A_1419 = arith.addf %mul3A_1416, %add3A_1418 : vector<8x256xf32>
      %slice3A_1420 = vector.extract_strided_slice %add3A_1408 {offsets = [0, 256], sizes = [8, 256], strides = [1, 1]} : vector<8x1024xf32> to vector<8x256xf32>
      %mul3A_1421 = arith.constant 5.000000e-01 : f32
      %mul3A_1422 = vector.broadcast %mul3A_1421 : f32 to vector<8x256xf32>
      %mul3A_1423 = arith.mulf %mul3A_1422, %slice3A_1420 : vector<8x256xf32>
      %tanh3A_1424 = math.tanh %mul3A_1423 : vector<8x256xf32>
      %mul3A_1425 = arith.constant 5.000000e-01 : f32
      %mul3A_1426 = vector.broadcast %mul3A_1425 : f32 to vector<8x256xf32>
      %mul3A_1427 = arith.mulf %mul3A_1426, %tanh3A_1424 : vector<8x256xf32>
      %add3A_1428 = arith.constant 5.000000e-01 : f32
      %add3A_1429 = vector.broadcast %add3A_1428 : f32 to vector<8x256xf32>
      %add3A_1430 = arith.addf %mul3A_1427, %add3A_1429 : vector<8x256xf32>
      %slice3A_1431 = vector.extract_strided_slice %add3A_1408 {offsets = [0, 512], sizes = [8, 256], strides = [1, 1]} : vector<8x1024xf32> to vector<8x256xf32>
      %tanh3A_1432 = math.tanh %slice3A_1431 : vector<8x256xf32>
      %slice3A_1433 = vector.extract_strided_slice %add3A_1408 {offsets = [0, 768], sizes = [8, 256], strides = [1, 1]} : vector<8x1024xf32> to vector<8x256xf32>
      %mul3A_1434 = arith.constant 5.000000e-01 : f32
      %mul3A_1435 = vector.broadcast %mul3A_1434 : f32 to vector<8x256xf32>
      %mul3A_1436 = arith.mulf %mul3A_1435, %slice3A_1433 : vector<8x256xf32>
      %tanh3A_1437 = math.tanh %mul3A_1436 : vector<8x256xf32>
      %mul3A_1438 = arith.constant 5.000000e-01 : f32
      %mul3A_1439 = vector.broadcast %mul3A_1438 : f32 to vector<8x256xf32>
      %mul3A_1440 = arith.mulf %mul3A_1439, %tanh3A_1437 : vector<8x256xf32>
      %add3A_1441 = arith.constant 5.000000e-01 : f32
      %add3A_1442 = vector.broadcast %add3A_1441 : f32 to vector<8x256xf32>
      %add3A_1443 = arith.addf %mul3A_1440, %add3A_1442 : vector<8x256xf32>
      %mul3A_1444 = arith.mulf %add3A_1430, %add3A_1317 : vector<8x256xf32>
      %mul3A_1445 = arith.mulf %add3A_1419, %tanh3A_1432 : vector<8x256xf32>
      %add3A_1446 = arith.addf %mul3A_1444, %mul3A_1445 : vector<8x256xf32>
      %tanh3A_1447 = math.tanh %add3A_1446 : vector<8x256xf32>
      %mul3A_1448 = arith.mulf %add3A_1443, %tanh3A_1447 : vector<8x256xf32>
      %swap3A_1449 = arith.index_cast %scan3A_1396 : i32 to index
      %swap3A_1450 = arith.constant 0 : index
      %swap3A_1451 = arith.constant 0 : index
      %swap3A_1452 = vector.load %arg17[%swap3A_1449, %swap3A_1450, %swap3A_1451] : memref<64x8x256xf32, #tpu.memory_space<vmem>>, vector<1x8x256xf32>
      %swap3A_1453 = vector.shape_cast %swap3A_1452 : vector<1x8x256xf32> to vector<8x256xf32>
      %swap3A_1454 = vector.shape_cast %mul3A_1448 : vector<8x256xf32> to vector<1x8x256xf32>
      tpu.vector_store %arg17[%swap3A_1449, %swap3A_1450, %swap3A_1451], %swap3A_1454 {strides = array<i32>} : memref<64x8x256xf32, #tpu.memory_space<vmem>>, vector<1x8x256xf32>,
      %sub3A_1455 = arith.constant 63 : i32
      %sub3A_1456 = arith.subi %sub3A_1455, %scan3A_1396 : i32
      %mul3A_1457 = arith.constant 8 : i32
      %mul3A_1458 = arith.muli %sub3A_1456, %mul3A_1457 : i32
      %get3A_1459 = arith.index_cast %mul3A_1458 : i32 to index
      %get3A_1460 = arith.constant 0 : index
      %get3A_1461 = vector.load %arg16[%get3A_1459, %get3A_1460] : memref<512x1024xf32, #tpu.memory_space<vmem>>, vector<8x1024xf32>
      %convert_element_type3A_1462 = arith.truncf %mul3A_1386 : vector<8x256xf32> to vector<8x256xbf16>
      %get3A_1463 = arith.constant 0 : index
      %get3A_1464 = arith.constant 0 : index
      %get3A_1465 = vector.load %arg10[%get3A_1463, %get3A_1464] : memref<256x1024xbf16, #tpu.memory_space<vmem>>, vector<256x1024xbf16>
      %dot_general3A_1466 = arith.constant dense<0.000000e+00> : vector<8x1024xf32>
      %dot_general3A_1467 = tpu.matmul %convert_element_type3A_1462, %get3A_1465, %dot_general3A_1466 {dimension_numbers = #tpu.dot_dimension_numbers<[1], [0], [0], [1], [0, 0, 1, 1], [], []>, transpose_lhs_hint = false} : vector<8x256xbf16>, vector<256x1024xbf16>, vector<8x1024xf32> -> vector<8x1024xf32>
      %add3A_1468 = arith.addf %get3A_1461, %dot_general3A_1467 : vector<8x1024xf32>
      %slice3A_1469 = vector.extract_strided_slice %add3A_1468 {offsets = [0, 0], sizes = [8, 256], strides = [1, 1]} : vector<8x1024xf32> to vector<8x256xf32>
      %mul3A_1470 = arith.constant 5.000000e-01 : f32
      %mul3A_1471 = vector.broadcast %mul3A_1470 : f32 to vector<8x256xf32>
      %mul3A_1472 = arith.mulf %mul3A_1471, %slice3A_1469 : vector<8x256xf32>
      %tanh3A_1473 = math.tanh %mul3A_1472 : vector<8x256xf32>
      %mul3A_1474 = arith.constant 5.000000e-01 : f32
      %mul3A_1475 = vector.broadcast %mul3A_1474 : f32 to vector<8x256xf32>
      %mul3A_1476 = arith.mulf %mul3A_1475, %tanh3A_1473 : vector<8x256xf32>
      %add3A_1477 = arith.constant 5.000000e-01 : f32
      %add3A_1478 = vector.broadcast %add3A_1477 : f32 to vector<8x256xf32>
      %add3A_1479 = arith.addf %mul3A_1476, %add3A_1478 : vector<8x256xf32>
      %slice3A_1480 = vector.extract_strided_slice %add3A_1468 {offsets = [0, 256], sizes = [8, 256], strides = [1, 1]} : vector<8x1024xf32> to vector<8x256xf32>
      %mul3A_1481 = arith.constant 5.000000e-01 : f32
      %mul3A_1482 = vector.broadcast %mul3A_1481 : f32 to vector<8x256xf32>
      %mul3A_1483 = arith.mulf %mul3A_1482, %slice3A_1480 : vector<8x256xf32>
      %tanh3A_1484 = math.tanh %mul3A_1483 : vector<8x256xf32>
      %mul3A_1485 = arith.constant 5.000000e-01 : f32
      %mul3A_1486 = vector.broadcast %mul3A_1485 : f32 to vector<8x256xf32>
      %mul3A_1487 = arith.mulf %mul3A_1486, %tanh3A_1484 : vector<8x256xf32>
      %add3A_1488 = arith.constant 5.000000e-01 : f32
      %add3A_1489 = vector.broadcast %add3A_1488 : f32 to vector<8x256xf32>
      %add3A_1490 = arith.addf %mul3A_1487, %add3A_1489 : vector<8x256xf32>
      %slice3A_1491 = vector.extract_strided_slice %add3A_1468 {offsets = [0, 512], sizes = [8, 256], strides = [1, 1]} : vector<8x1024xf32> to vector<8x256xf32>
      %tanh3A_1492 = math.tanh %slice3A_1491 : vector<8x256xf32>
      %slice3A_1493 = vector.extract_strided_slice %add3A_1468 {offsets = [0, 768], sizes = [8, 256], strides = [1, 1]} : vector<8x1024xf32> to vector<8x256xf32>
      %mul3A_1494 = arith.constant 5.000000e-01 : f32
      %mul3A_1495 = vector.broadcast %mul3A_1494 : f32 to vector<8x256xf32>
      %mul3A_1496 = arith.mulf %mul3A_1495, %slice3A_1493 : vector<8x256xf32>
      %tanh3A_1497 = math.tanh %mul3A_1496 : vector<8x256xf32>
      %mul3A_1498 = arith.constant 5.000000e-01 : f32
      %mul3A_1499 = vector.broadcast %mul3A_1498 : f32 to vector<8x256xf32>
      %mul3A_1500 = arith.mulf %mul3A_1499, %tanh3A_1497 : vector<8x256xf32>
      %add3A_1501 = arith.constant 5.000000e-01 : f32
      %add3A_1502 = vector.broadcast %add3A_1501 : f32 to vector<8x256xf32>
      %add3A_1503 = arith.addf %mul3A_1500, %add3A_1502 : vector<8x256xf32>
      %mul3A_1504 = arith.mulf %add3A_1490, %mul3A_1388 : vector<8x256xf32>
      %mul3A_1505 = arith.mulf %add3A_1479, %tanh3A_1492 : vector<8x256xf32>
      %add3A_1506 = arith.addf %mul3A_1504, %mul3A_1505 : vector<8x256xf32>
      %add3A_1507 = arith.addi %mul3A_36, %sub3A_1456 : i32
      %lt3A_1508 = vector.broadcast %add3A_1507 : i32 to vector<8x1xi32>
      %lt3A_1509 = arith.cmpi slt, %lt3A_1508, %get3A_34 : vector<8x1xi32>
      %convert_element_type3A_1510 = arith.extui %lt3A_1509 : vector<8x1xi1> to vector<8x1xi32>
      %convert_element_type3A_1511 = arith.sitofp %convert_element_type3A_1510 : vector<8x1xi32> to vector<8x1xf32>
      %tanh3A_1512 = math.tanh %add3A_1506 : vector<8x256xf32>
      %mul3A_1513 = arith.mulf %add3A_1503, %tanh3A_1512 : vector<8x256xf32>
      %mul3A_1514 = vector.broadcast %convert_element_type3A_1511 : vector<8x1xf32> to vector<8x256xf32>
      %mul3A_1515 = arith.mulf %mul3A_1514, %mul3A_1513 : vector<8x256xf32>
      %mul3A_1516 = vector.broadcast %convert_element_type3A_1511 : vector<8x1xf32> to vector<8x256xf32>
      %mul3A_1517 = arith.mulf %mul3A_1516, %add3A_1506 : vector<8x256xf32>
      %swap3A_1518 = arith.index_cast %sub3A_1456 : i32 to index
      %swap3A_1519 = arith.constant 0 : index
      %swap3A_1520 = arith.constant 0 : index
      %swap3A_1521 = vector.load %arg18[%swap3A_1518, %swap3A_1519, %swap3A_1520] : memref<64x8x256xf32, #tpu.memory_space<vmem>>, vector<1x8x256xf32>
      %swap3A_1522 = vector.shape_cast %swap3A_1521 : vector<1x8x256xf32> to vector<8x256xf32>
      %swap3A_1523 = vector.shape_cast %mul3A_1515 : vector<8x256xf32> to vector<1x8x256xf32>
      tpu.vector_store %arg18[%swap3A_1518, %swap3A_1519, %swap3A_1520], %swap3A_1523 {strides = array<i32>} : memref<64x8x256xf32, #tpu.memory_space<vmem>>, vector<1x8x256xf32>,
      %scan3A_1524 = arith.constant 11 : i32
      %scan3A_1525 = arith.addi %scan3A_105, %scan3A_1524 : i32
      %mul3A_1526 = arith.constant 8 : i32
      %mul3A_1527 = arith.muli %scan3A_1525, %mul3A_1526 : i32
      %get3A_1528 = arith.index_cast %mul3A_1527 : i32 to index
      %get3A_1529 = arith.constant 0 : index
      %get3A_1530 = vector.load %arg15[%get3A_1528, %get3A_1529] : memref<512x1024xf32, #tpu.memory_space<vmem>>, vector<8x1024xf32>
      %convert_element_type3A_1531 = arith.truncf %mul3A_1448 : vector<8x256xf32> to vector<8x256xbf16>
      %get3A_1532 = arith.constant 0 : index
      %get3A_1533 = arith.constant 0 : index
      %get3A_1534 = vector.load %arg9[%get3A_1532, %get3A_1533] : memref<256x1024xbf16, #tpu.memory_space<vmem>>, vector<256x1024xbf16>
      %dot_general3A_1535 = arith.constant dense<0.000000e+00> : vector<8x1024xf32>
      %dot_general3A_1536 = tpu.matmul %convert_element_type3A_1531, %get3A_1534, %dot_general3A_1535 {dimension_numbers = #tpu.dot_dimension_numbers<[1], [0], [0], [1], [0, 0, 1, 1], [], []>, transpose_lhs_hint = false} : vector<8x256xbf16>, vector<256x1024xbf16>, vector<8x1024xf32> -> vector<8x1024xf32>
      %add3A_1537 = arith.addf %get3A_1530, %dot_general3A_1536 : vector<8x1024xf32>
      %slice3A_1538 = vector.extract_strided_slice %add3A_1537 {offsets = [0, 0], sizes = [8, 256], strides = [1, 1]} : vector<8x1024xf32> to vector<8x256xf32>
      %mul3A_1539 = arith.constant 5.000000e-01 : f32
      %mul3A_1540 = vector.broadcast %mul3A_1539 : f32 to vector<8x256xf32>
      %mul3A_1541 = arith.mulf %mul3A_1540, %slice3A_1538 : vector<8x256xf32>
      %tanh3A_1542 = math.tanh %mul3A_1541 : vector<8x256xf32>
      %mul3A_1543 = arith.constant 5.000000e-01 : f32
      %mul3A_1544 = vector.broadcast %mul3A_1543 : f32 to vector<8x256xf32>
      %mul3A_1545 = arith.mulf %mul3A_1544, %tanh3A_1542 : vector<8x256xf32>
      %add3A_1546 = arith.constant 5.000000e-01 : f32
      %add3A_1547 = vector.broadcast %add3A_1546 : f32 to vector<8x256xf32>
      %add3A_1548 = arith.addf %mul3A_1545, %add3A_1547 : vector<8x256xf32>
      %slice3A_1549 = vector.extract_strided_slice %add3A_1537 {offsets = [0, 256], sizes = [8, 256], strides = [1, 1]} : vector<8x1024xf32> to vector<8x256xf32>
      %mul3A_1550 = arith.constant 5.000000e-01 : f32
      %mul3A_1551 = vector.broadcast %mul3A_1550 : f32 to vector<8x256xf32>
      %mul3A_1552 = arith.mulf %mul3A_1551, %slice3A_1549 : vector<8x256xf32>
      %tanh3A_1553 = math.tanh %mul3A_1552 : vector<8x256xf32>
      %mul3A_1554 = arith.constant 5.000000e-01 : f32
      %mul3A_1555 = vector.broadcast %mul3A_1554 : f32 to vector<8x256xf32>
      %mul3A_1556 = arith.mulf %mul3A_1555, %tanh3A_1553 : vector<8x256xf32>
      %add3A_1557 = arith.constant 5.000000e-01 : f32
      %add3A_1558 = vector.broadcast %add3A_1557 : f32 to vector<8x256xf32>
      %add3A_1559 = arith.addf %mul3A_1556, %add3A_1558 : vector<8x256xf32>
      %slice3A_1560 = vector.extract_strided_slice %add3A_1537 {offsets = [0, 512], sizes = [8, 256], strides = [1, 1]} : vector<8x1024xf32> to vector<8x256xf32>
      %tanh3A_1561 = math.tanh %slice3A_1560 : vector<8x256xf32>
      %slice3A_1562 = vector.extract_strided_slice %add3A_1537 {offsets = [0, 768], sizes = [8, 256], strides = [1, 1]} : vector<8x1024xf32> to vector<8x256xf32>
      %mul3A_1563 = arith.constant 5.000000e-01 : f32
      %mul3A_1564 = vector.broadcast %mul3A_1563 : f32 to vector<8x256xf32>
      %mul3A_1565 = arith.mulf %mul3A_1564, %slice3A_1562 : vector<8x256xf32>
      %tanh3A_1566 = math.tanh %mul3A_1565 : vector<8x256xf32>
      %mul3A_1567 = arith.constant 5.000000e-01 : f32
      %mul3A_1568 = vector.broadcast %mul3A_1567 : f32 to vector<8x256xf32>
      %mul3A_1569 = arith.mulf %mul3A_1568, %tanh3A_1566 : vector<8x256xf32>
      %add3A_1570 = arith.constant 5.000000e-01 : f32
      %add3A_1571 = vector.broadcast %add3A_1570 : f32 to vector<8x256xf32>
      %add3A_1572 = arith.addf %mul3A_1569, %add3A_1571 : vector<8x256xf32>
      %mul3A_1573 = arith.mulf %add3A_1559, %add3A_1446 : vector<8x256xf32>
      %mul3A_1574 = arith.mulf %add3A_1548, %tanh3A_1561 : vector<8x256xf32>
      %add3A_1575 = arith.addf %mul3A_1573, %mul3A_1574 : vector<8x256xf32>
      %tanh3A_1576 = math.tanh %add3A_1575 : vector<8x256xf32>
      %mul3A_1577 = arith.mulf %add3A_1572, %tanh3A_1576 : vector<8x256xf32>
      %swap3A_1578 = arith.index_cast %scan3A_1525 : i32 to index
      %swap3A_1579 = arith.constant 0 : index
      %swap3A_1580 = arith.constant 0 : index
      %swap3A_1581 = vector.load %arg17[%swap3A_1578, %swap3A_1579, %swap3A_1580] : memref<64x8x256xf32, #tpu.memory_space<vmem>>, vector<1x8x256xf32>
      %swap3A_1582 = vector.shape_cast %swap3A_1581 : vector<1x8x256xf32> to vector<8x256xf32>
      %swap3A_1583 = vector.shape_cast %mul3A_1577 : vector<8x256xf32> to vector<1x8x256xf32>
      tpu.vector_store %arg17[%swap3A_1578, %swap3A_1579, %swap3A_1580], %swap3A_1583 {strides = array<i32>} : memref<64x8x256xf32, #tpu.memory_space<vmem>>, vector<1x8x256xf32>,
      %sub3A_1584 = arith.constant 63 : i32
      %sub3A_1585 = arith.subi %sub3A_1584, %scan3A_1525 : i32
      %mul3A_1586 = arith.constant 8 : i32
      %mul3A_1587 = arith.muli %sub3A_1585, %mul3A_1586 : i32
      %get3A_1588 = arith.index_cast %mul3A_1587 : i32 to index
      %get3A_1589 = arith.constant 0 : index
      %get3A_1590 = vector.load %arg16[%get3A_1588, %get3A_1589] : memref<512x1024xf32, #tpu.memory_space<vmem>>, vector<8x1024xf32>
      %convert_element_type3A_1591 = arith.truncf %mul3A_1515 : vector<8x256xf32> to vector<8x256xbf16>
      %get3A_1592 = arith.constant 0 : index
      %get3A_1593 = arith.constant 0 : index
      %get3A_1594 = vector.load %arg10[%get3A_1592, %get3A_1593] : memref<256x1024xbf16, #tpu.memory_space<vmem>>, vector<256x1024xbf16>
      %dot_general3A_1595 = arith.constant dense<0.000000e+00> : vector<8x1024xf32>
      %dot_general3A_1596 = tpu.matmul %convert_element_type3A_1591, %get3A_1594, %dot_general3A_1595 {dimension_numbers = #tpu.dot_dimension_numbers<[1], [0], [0], [1], [0, 0, 1, 1], [], []>, transpose_lhs_hint = false} : vector<8x256xbf16>, vector<256x1024xbf16>, vector<8x1024xf32> -> vector<8x1024xf32>
      %add3A_1597 = arith.addf %get3A_1590, %dot_general3A_1596 : vector<8x1024xf32>
      %slice3A_1598 = vector.extract_strided_slice %add3A_1597 {offsets = [0, 0], sizes = [8, 256], strides = [1, 1]} : vector<8x1024xf32> to vector<8x256xf32>
      %mul3A_1599 = arith.constant 5.000000e-01 : f32
      %mul3A_1600 = vector.broadcast %mul3A_1599 : f32 to vector<8x256xf32>
      %mul3A_1601 = arith.mulf %mul3A_1600, %slice3A_1598 : vector<8x256xf32>
      %tanh3A_1602 = math.tanh %mul3A_1601 : vector<8x256xf32>
      %mul3A_1603 = arith.constant 5.000000e-01 : f32
      %mul3A_1604 = vector.broadcast %mul3A_1603 : f32 to vector<8x256xf32>
      %mul3A_1605 = arith.mulf %mul3A_1604, %tanh3A_1602 : vector<8x256xf32>
      %add3A_1606 = arith.constant 5.000000e-01 : f32
      %add3A_1607 = vector.broadcast %add3A_1606 : f32 to vector<8x256xf32>
      %add3A_1608 = arith.addf %mul3A_1605, %add3A_1607 : vector<8x256xf32>
      %slice3A_1609 = vector.extract_strided_slice %add3A_1597 {offsets = [0, 256], sizes = [8, 256], strides = [1, 1]} : vector<8x1024xf32> to vector<8x256xf32>
      %mul3A_1610 = arith.constant 5.000000e-01 : f32
      %mul3A_1611 = vector.broadcast %mul3A_1610 : f32 to vector<8x256xf32>
      %mul3A_1612 = arith.mulf %mul3A_1611, %slice3A_1609 : vector<8x256xf32>
      %tanh3A_1613 = math.tanh %mul3A_1612 : vector<8x256xf32>
      %mul3A_1614 = arith.constant 5.000000e-01 : f32
      %mul3A_1615 = vector.broadcast %mul3A_1614 : f32 to vector<8x256xf32>
      %mul3A_1616 = arith.mulf %mul3A_1615, %tanh3A_1613 : vector<8x256xf32>
      %add3A_1617 = arith.constant 5.000000e-01 : f32
      %add3A_1618 = vector.broadcast %add3A_1617 : f32 to vector<8x256xf32>
      %add3A_1619 = arith.addf %mul3A_1616, %add3A_1618 : vector<8x256xf32>
      %slice3A_1620 = vector.extract_strided_slice %add3A_1597 {offsets = [0, 512], sizes = [8, 256], strides = [1, 1]} : vector<8x1024xf32> to vector<8x256xf32>
      %tanh3A_1621 = math.tanh %slice3A_1620 : vector<8x256xf32>
      %slice3A_1622 = vector.extract_strided_slice %add3A_1597 {offsets = [0, 768], sizes = [8, 256], strides = [1, 1]} : vector<8x1024xf32> to vector<8x256xf32>
      %mul3A_1623 = arith.constant 5.000000e-01 : f32
      %mul3A_1624 = vector.broadcast %mul3A_1623 : f32 to vector<8x256xf32>
      %mul3A_1625 = arith.mulf %mul3A_1624, %slice3A_1622 : vector<8x256xf32>
      %tanh3A_1626 = math.tanh %mul3A_1625 : vector<8x256xf32>
      %mul3A_1627 = arith.constant 5.000000e-01 : f32
      %mul3A_1628 = vector.broadcast %mul3A_1627 : f32 to vector<8x256xf32>
      %mul3A_1629 = arith.mulf %mul3A_1628, %tanh3A_1626 : vector<8x256xf32>
      %add3A_1630 = arith.constant 5.000000e-01 : f32
      %add3A_1631 = vector.broadcast %add3A_1630 : f32 to vector<8x256xf32>
      %add3A_1632 = arith.addf %mul3A_1629, %add3A_1631 : vector<8x256xf32>
      %mul3A_1633 = arith.mulf %add3A_1619, %mul3A_1517 : vector<8x256xf32>
      %mul3A_1634 = arith.mulf %add3A_1608, %tanh3A_1621 : vector<8x256xf32>
      %add3A_1635 = arith.addf %mul3A_1633, %mul3A_1634 : vector<8x256xf32>
      %add3A_1636 = arith.addi %mul3A_36, %sub3A_1585 : i32
      %lt3A_1637 = vector.broadcast %add3A_1636 : i32 to vector<8x1xi32>
      %lt3A_1638 = arith.cmpi slt, %lt3A_1637, %get3A_34 : vector<8x1xi32>
      %convert_element_type3A_1639 = arith.extui %lt3A_1638 : vector<8x1xi1> to vector<8x1xi32>
      %convert_element_type3A_1640 = arith.sitofp %convert_element_type3A_1639 : vector<8x1xi32> to vector<8x1xf32>
      %tanh3A_1641 = math.tanh %add3A_1635 : vector<8x256xf32>
      %mul3A_1642 = arith.mulf %add3A_1632, %tanh3A_1641 : vector<8x256xf32>
      %mul3A_1643 = vector.broadcast %convert_element_type3A_1640 : vector<8x1xf32> to vector<8x256xf32>
      %mul3A_1644 = arith.mulf %mul3A_1643, %mul3A_1642 : vector<8x256xf32>
      %mul3A_1645 = vector.broadcast %convert_element_type3A_1640 : vector<8x1xf32> to vector<8x256xf32>
      %mul3A_1646 = arith.mulf %mul3A_1645, %add3A_1635 : vector<8x256xf32>
      %swap3A_1647 = arith.index_cast %sub3A_1585 : i32 to index
      %swap3A_1648 = arith.constant 0 : index
      %swap3A_1649 = arith.constant 0 : index
      %swap3A_1650 = vector.load %arg18[%swap3A_1647, %swap3A_1648, %swap3A_1649] : memref<64x8x256xf32, #tpu.memory_space<vmem>>, vector<1x8x256xf32>
      %swap3A_1651 = vector.shape_cast %swap3A_1650 : vector<1x8x256xf32> to vector<8x256xf32>
      %swap3A_1652 = vector.shape_cast %mul3A_1644 : vector<8x256xf32> to vector<1x8x256xf32>
      tpu.vector_store %arg18[%swap3A_1647, %swap3A_1648, %swap3A_1649], %swap3A_1652 {strides = array<i32>} : memref<64x8x256xf32, #tpu.memory_space<vmem>>, vector<1x8x256xf32>,
      %scan3A_1653 = arith.constant 12 : i32
      %scan3A_1654 = arith.addi %scan3A_105, %scan3A_1653 : i32
      %mul3A_1655 = arith.constant 8 : i32
      %mul3A_1656 = arith.muli %scan3A_1654, %mul3A_1655 : i32
      %get3A_1657 = arith.index_cast %mul3A_1656 : i32 to index
      %get3A_1658 = arith.constant 0 : index
      %get3A_1659 = vector.load %arg15[%get3A_1657, %get3A_1658] : memref<512x1024xf32, #tpu.memory_space<vmem>>, vector<8x1024xf32>
      %convert_element_type3A_1660 = arith.truncf %mul3A_1577 : vector<8x256xf32> to vector<8x256xbf16>
      %get3A_1661 = arith.constant 0 : index
      %get3A_1662 = arith.constant 0 : index
      %get3A_1663 = vector.load %arg9[%get3A_1661, %get3A_1662] : memref<256x1024xbf16, #tpu.memory_space<vmem>>, vector<256x1024xbf16>
      %dot_general3A_1664 = arith.constant dense<0.000000e+00> : vector<8x1024xf32>
      %dot_general3A_1665 = tpu.matmul %convert_element_type3A_1660, %get3A_1663, %dot_general3A_1664 {dimension_numbers = #tpu.dot_dimension_numbers<[1], [0], [0], [1], [0, 0, 1, 1], [], []>, transpose_lhs_hint = false} : vector<8x256xbf16>, vector<256x1024xbf16>, vector<8x1024xf32> -> vector<8x1024xf32>
      %add3A_1666 = arith.addf %get3A_1659, %dot_general3A_1665 : vector<8x1024xf32>
      %slice3A_1667 = vector.extract_strided_slice %add3A_1666 {offsets = [0, 0], sizes = [8, 256], strides = [1, 1]} : vector<8x1024xf32> to vector<8x256xf32>
      %mul3A_1668 = arith.constant 5.000000e-01 : f32
      %mul3A_1669 = vector.broadcast %mul3A_1668 : f32 to vector<8x256xf32>
      %mul3A_1670 = arith.mulf %mul3A_1669, %slice3A_1667 : vector<8x256xf32>
      %tanh3A_1671 = math.tanh %mul3A_1670 : vector<8x256xf32>
      %mul3A_1672 = arith.constant 5.000000e-01 : f32
      %mul3A_1673 = vector.broadcast %mul3A_1672 : f32 to vector<8x256xf32>
      %mul3A_1674 = arith.mulf %mul3A_1673, %tanh3A_1671 : vector<8x256xf32>
      %add3A_1675 = arith.constant 5.000000e-01 : f32
      %add3A_1676 = vector.broadcast %add3A_1675 : f32 to vector<8x256xf32>
      %add3A_1677 = arith.addf %mul3A_1674, %add3A_1676 : vector<8x256xf32>
      %slice3A_1678 = vector.extract_strided_slice %add3A_1666 {offsets = [0, 256], sizes = [8, 256], strides = [1, 1]} : vector<8x1024xf32> to vector<8x256xf32>
      %mul3A_1679 = arith.constant 5.000000e-01 : f32
      %mul3A_1680 = vector.broadcast %mul3A_1679 : f32 to vector<8x256xf32>
      %mul3A_1681 = arith.mulf %mul3A_1680, %slice3A_1678 : vector<8x256xf32>
      %tanh3A_1682 = math.tanh %mul3A_1681 : vector<8x256xf32>
      %mul3A_1683 = arith.constant 5.000000e-01 : f32
      %mul3A_1684 = vector.broadcast %mul3A_1683 : f32 to vector<8x256xf32>
      %mul3A_1685 = arith.mulf %mul3A_1684, %tanh3A_1682 : vector<8x256xf32>
      %add3A_1686 = arith.constant 5.000000e-01 : f32
      %add3A_1687 = vector.broadcast %add3A_1686 : f32 to vector<8x256xf32>
      %add3A_1688 = arith.addf %mul3A_1685, %add3A_1687 : vector<8x256xf32>
      %slice3A_1689 = vector.extract_strided_slice %add3A_1666 {offsets = [0, 512], sizes = [8, 256], strides = [1, 1]} : vector<8x1024xf32> to vector<8x256xf32>
      %tanh3A_1690 = math.tanh %slice3A_1689 : vector<8x256xf32>
      %slice3A_1691 = vector.extract_strided_slice %add3A_1666 {offsets = [0, 768], sizes = [8, 256], strides = [1, 1]} : vector<8x1024xf32> to vector<8x256xf32>
      %mul3A_1692 = arith.constant 5.000000e-01 : f32
      %mul3A_1693 = vector.broadcast %mul3A_1692 : f32 to vector<8x256xf32>
      %mul3A_1694 = arith.mulf %mul3A_1693, %slice3A_1691 : vector<8x256xf32>
      %tanh3A_1695 = math.tanh %mul3A_1694 : vector<8x256xf32>
      %mul3A_1696 = arith.constant 5.000000e-01 : f32
      %mul3A_1697 = vector.broadcast %mul3A_1696 : f32 to vector<8x256xf32>
      %mul3A_1698 = arith.mulf %mul3A_1697, %tanh3A_1695 : vector<8x256xf32>
      %add3A_1699 = arith.constant 5.000000e-01 : f32
      %add3A_1700 = vector.broadcast %add3A_1699 : f32 to vector<8x256xf32>
      %add3A_1701 = arith.addf %mul3A_1698, %add3A_1700 : vector<8x256xf32>
      %mul3A_1702 = arith.mulf %add3A_1688, %add3A_1575 : vector<8x256xf32>
      %mul3A_1703 = arith.mulf %add3A_1677, %tanh3A_1690 : vector<8x256xf32>
      %add3A_1704 = arith.addf %mul3A_1702, %mul3A_1703 : vector<8x256xf32>
      %tanh3A_1705 = math.tanh %add3A_1704 : vector<8x256xf32>
      %mul3A_1706 = arith.mulf %add3A_1701, %tanh3A_1705 : vector<8x256xf32>
      %swap3A_1707 = arith.index_cast %scan3A_1654 : i32 to index
      %swap3A_1708 = arith.constant 0 : index
      %swap3A_1709 = arith.constant 0 : index
      %swap3A_1710 = vector.load %arg17[%swap3A_1707, %swap3A_1708, %swap3A_1709] : memref<64x8x256xf32, #tpu.memory_space<vmem>>, vector<1x8x256xf32>
      %swap3A_1711 = vector.shape_cast %swap3A_1710 : vector<1x8x256xf32> to vector<8x256xf32>
      %swap3A_1712 = vector.shape_cast %mul3A_1706 : vector<8x256xf32> to vector<1x8x256xf32>
      tpu.vector_store %arg17[%swap3A_1707, %swap3A_1708, %swap3A_1709], %swap3A_1712 {strides = array<i32>} : memref<64x8x256xf32, #tpu.memory_space<vmem>>, vector<1x8x256xf32>,
      %sub3A_1713 = arith.constant 63 : i32
      %sub3A_1714 = arith.subi %sub3A_1713, %scan3A_1654 : i32
      %mul3A_1715 = arith.constant 8 : i32
      %mul3A_1716 = arith.muli %sub3A_1714, %mul3A_1715 : i32
      %get3A_1717 = arith.index_cast %mul3A_1716 : i32 to index
      %get3A_1718 = arith.constant 0 : index
      %get3A_1719 = vector.load %arg16[%get3A_1717, %get3A_1718] : memref<512x1024xf32, #tpu.memory_space<vmem>>, vector<8x1024xf32>
      %convert_element_type3A_1720 = arith.truncf %mul3A_1644 : vector<8x256xf32> to vector<8x256xbf16>
      %get3A_1721 = arith.constant 0 : index
      %get3A_1722 = arith.constant 0 : index
      %get3A_1723 = vector.load %arg10[%get3A_1721, %get3A_1722] : memref<256x1024xbf16, #tpu.memory_space<vmem>>, vector<256x1024xbf16>
      %dot_general3A_1724 = arith.constant dense<0.000000e+00> : vector<8x1024xf32>
      %dot_general3A_1725 = tpu.matmul %convert_element_type3A_1720, %get3A_1723, %dot_general3A_1724 {dimension_numbers = #tpu.dot_dimension_numbers<[1], [0], [0], [1], [0, 0, 1, 1], [], []>, transpose_lhs_hint = false} : vector<8x256xbf16>, vector<256x1024xbf16>, vector<8x1024xf32> -> vector<8x1024xf32>
      %add3A_1726 = arith.addf %get3A_1719, %dot_general3A_1725 : vector<8x1024xf32>
      %slice3A_1727 = vector.extract_strided_slice %add3A_1726 {offsets = [0, 0], sizes = [8, 256], strides = [1, 1]} : vector<8x1024xf32> to vector<8x256xf32>
      %mul3A_1728 = arith.constant 5.000000e-01 : f32
      %mul3A_1729 = vector.broadcast %mul3A_1728 : f32 to vector<8x256xf32>
      %mul3A_1730 = arith.mulf %mul3A_1729, %slice3A_1727 : vector<8x256xf32>
      %tanh3A_1731 = math.tanh %mul3A_1730 : vector<8x256xf32>
      %mul3A_1732 = arith.constant 5.000000e-01 : f32
      %mul3A_1733 = vector.broadcast %mul3A_1732 : f32 to vector<8x256xf32>
      %mul3A_1734 = arith.mulf %mul3A_1733, %tanh3A_1731 : vector<8x256xf32>
      %add3A_1735 = arith.constant 5.000000e-01 : f32
      %add3A_1736 = vector.broadcast %add3A_1735 : f32 to vector<8x256xf32>
      %add3A_1737 = arith.addf %mul3A_1734, %add3A_1736 : vector<8x256xf32>
      %slice3A_1738 = vector.extract_strided_slice %add3A_1726 {offsets = [0, 256], sizes = [8, 256], strides = [1, 1]} : vector<8x1024xf32> to vector<8x256xf32>
      %mul3A_1739 = arith.constant 5.000000e-01 : f32
      %mul3A_1740 = vector.broadcast %mul3A_1739 : f32 to vector<8x256xf32>
      %mul3A_1741 = arith.mulf %mul3A_1740, %slice3A_1738 : vector<8x256xf32>
      %tanh3A_1742 = math.tanh %mul3A_1741 : vector<8x256xf32>
      %mul3A_1743 = arith.constant 5.000000e-01 : f32
      %mul3A_1744 = vector.broadcast %mul3A_1743 : f32 to vector<8x256xf32>
      %mul3A_1745 = arith.mulf %mul3A_1744, %tanh3A_1742 : vector<8x256xf32>
      %add3A_1746 = arith.constant 5.000000e-01 : f32
      %add3A_1747 = vector.broadcast %add3A_1746 : f32 to vector<8x256xf32>
      %add3A_1748 = arith.addf %mul3A_1745, %add3A_1747 : vector<8x256xf32>
      %slice3A_1749 = vector.extract_strided_slice %add3A_1726 {offsets = [0, 512], sizes = [8, 256], strides = [1, 1]} : vector<8x1024xf32> to vector<8x256xf32>
      %tanh3A_1750 = math.tanh %slice3A_1749 : vector<8x256xf32>
      %slice3A_1751 = vector.extract_strided_slice %add3A_1726 {offsets = [0, 768], sizes = [8, 256], strides = [1, 1]} : vector<8x1024xf32> to vector<8x256xf32>
      %mul3A_1752 = arith.constant 5.000000e-01 : f32
      %mul3A_1753 = vector.broadcast %mul3A_1752 : f32 to vector<8x256xf32>
      %mul3A_1754 = arith.mulf %mul3A_1753, %slice3A_1751 : vector<8x256xf32>
      %tanh3A_1755 = math.tanh %mul3A_1754 : vector<8x256xf32>
      %mul3A_1756 = arith.constant 5.000000e-01 : f32
      %mul3A_1757 = vector.broadcast %mul3A_1756 : f32 to vector<8x256xf32>
      %mul3A_1758 = arith.mulf %mul3A_1757, %tanh3A_1755 : vector<8x256xf32>
      %add3A_1759 = arith.constant 5.000000e-01 : f32
      %add3A_1760 = vector.broadcast %add3A_1759 : f32 to vector<8x256xf32>
      %add3A_1761 = arith.addf %mul3A_1758, %add3A_1760 : vector<8x256xf32>
      %mul3A_1762 = arith.mulf %add3A_1748, %mul3A_1646 : vector<8x256xf32>
      %mul3A_1763 = arith.mulf %add3A_1737, %tanh3A_1750 : vector<8x256xf32>
      %add3A_1764 = arith.addf %mul3A_1762, %mul3A_1763 : vector<8x256xf32>
      %add3A_1765 = arith.addi %mul3A_36, %sub3A_1714 : i32
      %lt3A_1766 = vector.broadcast %add3A_1765 : i32 to vector<8x1xi32>
      %lt3A_1767 = arith.cmpi slt, %lt3A_1766, %get3A_34 : vector<8x1xi32>
      %convert_element_type3A_1768 = arith.extui %lt3A_1767 : vector<8x1xi1> to vector<8x1xi32>
      %convert_element_type3A_1769 = arith.sitofp %convert_element_type3A_1768 : vector<8x1xi32> to vector<8x1xf32>
      %tanh3A_1770 = math.tanh %add3A_1764 : vector<8x256xf32>
      %mul3A_1771 = arith.mulf %add3A_1761, %tanh3A_1770 : vector<8x256xf32>
      %mul3A_1772 = vector.broadcast %convert_element_type3A_1769 : vector<8x1xf32> to vector<8x256xf32>
      %mul3A_1773 = arith.mulf %mul3A_1772, %mul3A_1771 : vector<8x256xf32>
      %mul3A_1774 = vector.broadcast %convert_element_type3A_1769 : vector<8x1xf32> to vector<8x256xf32>
      %mul3A_1775 = arith.mulf %mul3A_1774, %add3A_1764 : vector<8x256xf32>
      %swap3A_1776 = arith.index_cast %sub3A_1714 : i32 to index
      %swap3A_1777 = arith.constant 0 : index
      %swap3A_1778 = arith.constant 0 : index
      %swap3A_1779 = vector.load %arg18[%swap3A_1776, %swap3A_1777, %swap3A_1778] : memref<64x8x256xf32, #tpu.memory_space<vmem>>, vector<1x8x256xf32>
      %swap3A_1780 = vector.shape_cast %swap3A_1779 : vector<1x8x256xf32> to vector<8x256xf32>
      %swap3A_1781 = vector.shape_cast %mul3A_1773 : vector<8x256xf32> to vector<1x8x256xf32>
      tpu.vector_store %arg18[%swap3A_1776, %swap3A_1777, %swap3A_1778], %swap3A_1781 {strides = array<i32>} : memref<64x8x256xf32, #tpu.memory_space<vmem>>, vector<1x8x256xf32>,
      %scan3A_1782 = arith.constant 13 : i32
      %scan3A_1783 = arith.addi %scan3A_105, %scan3A_1782 : i32
      %mul3A_1784 = arith.constant 8 : i32
      %mul3A_1785 = arith.muli %scan3A_1783, %mul3A_1784 : i32
      %get3A_1786 = arith.index_cast %mul3A_1785 : i32 to index
      %get3A_1787 = arith.constant 0 : index
      %get3A_1788 = vector.load %arg15[%get3A_1786, %get3A_1787] : memref<512x1024xf32, #tpu.memory_space<vmem>>, vector<8x1024xf32>
      %convert_element_type3A_1789 = arith.truncf %mul3A_1706 : vector<8x256xf32> to vector<8x256xbf16>
      %get3A_1790 = arith.constant 0 : index
      %get3A_1791 = arith.constant 0 : index
      %get3A_1792 = vector.load %arg9[%get3A_1790, %get3A_1791] : memref<256x1024xbf16, #tpu.memory_space<vmem>>, vector<256x1024xbf16>
      %dot_general3A_1793 = arith.constant dense<0.000000e+00> : vector<8x1024xf32>
      %dot_general3A_1794 = tpu.matmul %convert_element_type3A_1789, %get3A_1792, %dot_general3A_1793 {dimension_numbers = #tpu.dot_dimension_numbers<[1], [0], [0], [1], [0, 0, 1, 1], [], []>, transpose_lhs_hint = false} : vector<8x256xbf16>, vector<256x1024xbf16>, vector<8x1024xf32> -> vector<8x1024xf32>
      %add3A_1795 = arith.addf %get3A_1788, %dot_general3A_1794 : vector<8x1024xf32>
      %slice3A_1796 = vector.extract_strided_slice %add3A_1795 {offsets = [0, 0], sizes = [8, 256], strides = [1, 1]} : vector<8x1024xf32> to vector<8x256xf32>
      %mul3A_1797 = arith.constant 5.000000e-01 : f32
      %mul3A_1798 = vector.broadcast %mul3A_1797 : f32 to vector<8x256xf32>
      %mul3A_1799 = arith.mulf %mul3A_1798, %slice3A_1796 : vector<8x256xf32>
      %tanh3A_1800 = math.tanh %mul3A_1799 : vector<8x256xf32>
      %mul3A_1801 = arith.constant 5.000000e-01 : f32
      %mul3A_1802 = vector.broadcast %mul3A_1801 : f32 to vector<8x256xf32>
      %mul3A_1803 = arith.mulf %mul3A_1802, %tanh3A_1800 : vector<8x256xf32>
      %add3A_1804 = arith.constant 5.000000e-01 : f32
      %add3A_1805 = vector.broadcast %add3A_1804 : f32 to vector<8x256xf32>
      %add3A_1806 = arith.addf %mul3A_1803, %add3A_1805 : vector<8x256xf32>
      %slice3A_1807 = vector.extract_strided_slice %add3A_1795 {offsets = [0, 256], sizes = [8, 256], strides = [1, 1]} : vector<8x1024xf32> to vector<8x256xf32>
      %mul3A_1808 = arith.constant 5.000000e-01 : f32
      %mul3A_1809 = vector.broadcast %mul3A_1808 : f32 to vector<8x256xf32>
      %mul3A_1810 = arith.mulf %mul3A_1809, %slice3A_1807 : vector<8x256xf32>
      %tanh3A_1811 = math.tanh %mul3A_1810 : vector<8x256xf32>
      %mul3A_1812 = arith.constant 5.000000e-01 : f32
      %mul3A_1813 = vector.broadcast %mul3A_1812 : f32 to vector<8x256xf32>
      %mul3A_1814 = arith.mulf %mul3A_1813, %tanh3A_1811 : vector<8x256xf32>
      %add3A_1815 = arith.constant 5.000000e-01 : f32
      %add3A_1816 = vector.broadcast %add3A_1815 : f32 to vector<8x256xf32>
      %add3A_1817 = arith.addf %mul3A_1814, %add3A_1816 : vector<8x256xf32>
      %slice3A_1818 = vector.extract_strided_slice %add3A_1795 {offsets = [0, 512], sizes = [8, 256], strides = [1, 1]} : vector<8x1024xf32> to vector<8x256xf32>
      %tanh3A_1819 = math.tanh %slice3A_1818 : vector<8x256xf32>
      %slice3A_1820 = vector.extract_strided_slice %add3A_1795 {offsets = [0, 768], sizes = [8, 256], strides = [1, 1]} : vector<8x1024xf32> to vector<8x256xf32>
      %mul3A_1821 = arith.constant 5.000000e-01 : f32
      %mul3A_1822 = vector.broadcast %mul3A_1821 : f32 to vector<8x256xf32>
      %mul3A_1823 = arith.mulf %mul3A_1822, %slice3A_1820 : vector<8x256xf32>
      %tanh3A_1824 = math.tanh %mul3A_1823 : vector<8x256xf32>
      %mul3A_1825 = arith.constant 5.000000e-01 : f32
      %mul3A_1826 = vector.broadcast %mul3A_1825 : f32 to vector<8x256xf32>
      %mul3A_1827 = arith.mulf %mul3A_1826, %tanh3A_1824 : vector<8x256xf32>
      %add3A_1828 = arith.constant 5.000000e-01 : f32
      %add3A_1829 = vector.broadcast %add3A_1828 : f32 to vector<8x256xf32>
      %add3A_1830 = arith.addf %mul3A_1827, %add3A_1829 : vector<8x256xf32>
      %mul3A_1831 = arith.mulf %add3A_1817, %add3A_1704 : vector<8x256xf32>
      %mul3A_1832 = arith.mulf %add3A_1806, %tanh3A_1819 : vector<8x256xf32>
      %add3A_1833 = arith.addf %mul3A_1831, %mul3A_1832 : vector<8x256xf32>
      %tanh3A_1834 = math.tanh %add3A_1833 : vector<8x256xf32>
      %mul3A_1835 = arith.mulf %add3A_1830, %tanh3A_1834 : vector<8x256xf32>
      %swap3A_1836 = arith.index_cast %scan3A_1783 : i32 to index
      %swap3A_1837 = arith.constant 0 : index
      %swap3A_1838 = arith.constant 0 : index
      %swap3A_1839 = vector.load %arg17[%swap3A_1836, %swap3A_1837, %swap3A_1838] : memref<64x8x256xf32, #tpu.memory_space<vmem>>, vector<1x8x256xf32>
      %swap3A_1840 = vector.shape_cast %swap3A_1839 : vector<1x8x256xf32> to vector<8x256xf32>
      %swap3A_1841 = vector.shape_cast %mul3A_1835 : vector<8x256xf32> to vector<1x8x256xf32>
      tpu.vector_store %arg17[%swap3A_1836, %swap3A_1837, %swap3A_1838], %swap3A_1841 {strides = array<i32>} : memref<64x8x256xf32, #tpu.memory_space<vmem>>, vector<1x8x256xf32>,
      %sub3A_1842 = arith.constant 63 : i32
      %sub3A_1843 = arith.subi %sub3A_1842, %scan3A_1783 : i32
      %mul3A_1844 = arith.constant 8 : i32
      %mul3A_1845 = arith.muli %sub3A_1843, %mul3A_1844 : i32
      %get3A_1846 = arith.index_cast %mul3A_1845 : i32 to index
      %get3A_1847 = arith.constant 0 : index
      %get3A_1848 = vector.load %arg16[%get3A_1846, %get3A_1847] : memref<512x1024xf32, #tpu.memory_space<vmem>>, vector<8x1024xf32>
      %convert_element_type3A_1849 = arith.truncf %mul3A_1773 : vector<8x256xf32> to vector<8x256xbf16>
      %get3A_1850 = arith.constant 0 : index
      %get3A_1851 = arith.constant 0 : index
      %get3A_1852 = vector.load %arg10[%get3A_1850, %get3A_1851] : memref<256x1024xbf16, #tpu.memory_space<vmem>>, vector<256x1024xbf16>
      %dot_general3A_1853 = arith.constant dense<0.000000e+00> : vector<8x1024xf32>
      %dot_general3A_1854 = tpu.matmul %convert_element_type3A_1849, %get3A_1852, %dot_general3A_1853 {dimension_numbers = #tpu.dot_dimension_numbers<[1], [0], [0], [1], [0, 0, 1, 1], [], []>, transpose_lhs_hint = false} : vector<8x256xbf16>, vector<256x1024xbf16>, vector<8x1024xf32> -> vector<8x1024xf32>
      %add3A_1855 = arith.addf %get3A_1848, %dot_general3A_1854 : vector<8x1024xf32>
      %slice3A_1856 = vector.extract_strided_slice %add3A_1855 {offsets = [0, 0], sizes = [8, 256], strides = [1, 1]} : vector<8x1024xf32> to vector<8x256xf32>
      %mul3A_1857 = arith.constant 5.000000e-01 : f32
      %mul3A_1858 = vector.broadcast %mul3A_1857 : f32 to vector<8x256xf32>
      %mul3A_1859 = arith.mulf %mul3A_1858, %slice3A_1856 : vector<8x256xf32>
      %tanh3A_1860 = math.tanh %mul3A_1859 : vector<8x256xf32>
      %mul3A_1861 = arith.constant 5.000000e-01 : f32
      %mul3A_1862 = vector.broadcast %mul3A_1861 : f32 to vector<8x256xf32>
      %mul3A_1863 = arith.mulf %mul3A_1862, %tanh3A_1860 : vector<8x256xf32>
      %add3A_1864 = arith.constant 5.000000e-01 : f32
      %add3A_1865 = vector.broadcast %add3A_1864 : f32 to vector<8x256xf32>
      %add3A_1866 = arith.addf %mul3A_1863, %add3A_1865 : vector<8x256xf32>
      %slice3A_1867 = vector.extract_strided_slice %add3A_1855 {offsets = [0, 256], sizes = [8, 256], strides = [1, 1]} : vector<8x1024xf32> to vector<8x256xf32>
      %mul3A_1868 = arith.constant 5.000000e-01 : f32
      %mul3A_1869 = vector.broadcast %mul3A_1868 : f32 to vector<8x256xf32>
      %mul3A_1870 = arith.mulf %mul3A_1869, %slice3A_1867 : vector<8x256xf32>
      %tanh3A_1871 = math.tanh %mul3A_1870 : vector<8x256xf32>
      %mul3A_1872 = arith.constant 5.000000e-01 : f32
      %mul3A_1873 = vector.broadcast %mul3A_1872 : f32 to vector<8x256xf32>
      %mul3A_1874 = arith.mulf %mul3A_1873, %tanh3A_1871 : vector<8x256xf32>
      %add3A_1875 = arith.constant 5.000000e-01 : f32
      %add3A_1876 = vector.broadcast %add3A_1875 : f32 to vector<8x256xf32>
      %add3A_1877 = arith.addf %mul3A_1874, %add3A_1876 : vector<8x256xf32>
      %slice3A_1878 = vector.extract_strided_slice %add3A_1855 {offsets = [0, 512], sizes = [8, 256], strides = [1, 1]} : vector<8x1024xf32> to vector<8x256xf32>
      %tanh3A_1879 = math.tanh %slice3A_1878 : vector<8x256xf32>
      %slice3A_1880 = vector.extract_strided_slice %add3A_1855 {offsets = [0, 768], sizes = [8, 256], strides = [1, 1]} : vector<8x1024xf32> to vector<8x256xf32>
      %mul3A_1881 = arith.constant 5.000000e-01 : f32
      %mul3A_1882 = vector.broadcast %mul3A_1881 : f32 to vector<8x256xf32>
      %mul3A_1883 = arith.mulf %mul3A_1882, %slice3A_1880 : vector<8x256xf32>
      %tanh3A_1884 = math.tanh %mul3A_1883 : vector<8x256xf32>
      %mul3A_1885 = arith.constant 5.000000e-01 : f32
      %mul3A_1886 = vector.broadcast %mul3A_1885 : f32 to vector<8x256xf32>
      %mul3A_1887 = arith.mulf %mul3A_1886, %tanh3A_1884 : vector<8x256xf32>
      %add3A_1888 = arith.constant 5.000000e-01 : f32
      %add3A_1889 = vector.broadcast %add3A_1888 : f32 to vector<8x256xf32>
      %add3A_1890 = arith.addf %mul3A_1887, %add3A_1889 : vector<8x256xf32>
      %mul3A_1891 = arith.mulf %add3A_1877, %mul3A_1775 : vector<8x256xf32>
      %mul3A_1892 = arith.mulf %add3A_1866, %tanh3A_1879 : vector<8x256xf32>
      %add3A_1893 = arith.addf %mul3A_1891, %mul3A_1892 : vector<8x256xf32>
      %add3A_1894 = arith.addi %mul3A_36, %sub3A_1843 : i32
      %lt3A_1895 = vector.broadcast %add3A_1894 : i32 to vector<8x1xi32>
      %lt3A_1896 = arith.cmpi slt, %lt3A_1895, %get3A_34 : vector<8x1xi32>
      %convert_element_type3A_1897 = arith.extui %lt3A_1896 : vector<8x1xi1> to vector<8x1xi32>
      %convert_element_type3A_1898 = arith.sitofp %convert_element_type3A_1897 : vector<8x1xi32> to vector<8x1xf32>
      %tanh3A_1899 = math.tanh %add3A_1893 : vector<8x256xf32>
      %mul3A_1900 = arith.mulf %add3A_1890, %tanh3A_1899 : vector<8x256xf32>
      %mul3A_1901 = vector.broadcast %convert_element_type3A_1898 : vector<8x1xf32> to vector<8x256xf32>
      %mul3A_1902 = arith.mulf %mul3A_1901, %mul3A_1900 : vector<8x256xf32>
      %mul3A_1903 = vector.broadcast %convert_element_type3A_1898 : vector<8x1xf32> to vector<8x256xf32>
      %mul3A_1904 = arith.mulf %mul3A_1903, %add3A_1893 : vector<8x256xf32>
      %swap3A_1905 = arith.index_cast %sub3A_1843 : i32 to index
      %swap3A_1906 = arith.constant 0 : index
      %swap3A_1907 = arith.constant 0 : index
      %swap3A_1908 = vector.load %arg18[%swap3A_1905, %swap3A_1906, %swap3A_1907] : memref<64x8x256xf32, #tpu.memory_space<vmem>>, vector<1x8x256xf32>
      %swap3A_1909 = vector.shape_cast %swap3A_1908 : vector<1x8x256xf32> to vector<8x256xf32>
      %swap3A_1910 = vector.shape_cast %mul3A_1902 : vector<8x256xf32> to vector<1x8x256xf32>
      tpu.vector_store %arg18[%swap3A_1905, %swap3A_1906, %swap3A_1907], %swap3A_1910 {strides = array<i32>} : memref<64x8x256xf32, #tpu.memory_space<vmem>>, vector<1x8x256xf32>,
      %scan3A_1911 = arith.constant 14 : i32
      %scan3A_1912 = arith.addi %scan3A_105, %scan3A_1911 : i32
      %mul3A_1913 = arith.constant 8 : i32
      %mul3A_1914 = arith.muli %scan3A_1912, %mul3A_1913 : i32
      %get3A_1915 = arith.index_cast %mul3A_1914 : i32 to index
      %get3A_1916 = arith.constant 0 : index
      %get3A_1917 = vector.load %arg15[%get3A_1915, %get3A_1916] : memref<512x1024xf32, #tpu.memory_space<vmem>>, vector<8x1024xf32>
      %convert_element_type3A_1918 = arith.truncf %mul3A_1835 : vector<8x256xf32> to vector<8x256xbf16>
      %get3A_1919 = arith.constant 0 : index
      %get3A_1920 = arith.constant 0 : index
      %get3A_1921 = vector.load %arg9[%get3A_1919, %get3A_1920] : memref<256x1024xbf16, #tpu.memory_space<vmem>>, vector<256x1024xbf16>
      %dot_general3A_1922 = arith.constant dense<0.000000e+00> : vector<8x1024xf32>
      %dot_general3A_1923 = tpu.matmul %convert_element_type3A_1918, %get3A_1921, %dot_general3A_1922 {dimension_numbers = #tpu.dot_dimension_numbers<[1], [0], [0], [1], [0, 0, 1, 1], [], []>, transpose_lhs_hint = false} : vector<8x256xbf16>, vector<256x1024xbf16>, vector<8x1024xf32> -> vector<8x1024xf32>
      %add3A_1924 = arith.addf %get3A_1917, %dot_general3A_1923 : vector<8x1024xf32>
      %slice3A_1925 = vector.extract_strided_slice %add3A_1924 {offsets = [0, 0], sizes = [8, 256], strides = [1, 1]} : vector<8x1024xf32> to vector<8x256xf32>
      %mul3A_1926 = arith.constant 5.000000e-01 : f32
      %mul3A_1927 = vector.broadcast %mul3A_1926 : f32 to vector<8x256xf32>
      %mul3A_1928 = arith.mulf %mul3A_1927, %slice3A_1925 : vector<8x256xf32>
      %tanh3A_1929 = math.tanh %mul3A_1928 : vector<8x256xf32>
      %mul3A_1930 = arith.constant 5.000000e-01 : f32
      %mul3A_1931 = vector.broadcast %mul3A_1930 : f32 to vector<8x256xf32>
      %mul3A_1932 = arith.mulf %mul3A_1931, %tanh3A_1929 : vector<8x256xf32>
      %add3A_1933 = arith.constant 5.000000e-01 : f32
      %add3A_1934 = vector.broadcast %add3A_1933 : f32 to vector<8x256xf32>
      %add3A_1935 = arith.addf %mul3A_1932, %add3A_1934 : vector<8x256xf32>
      %slice3A_1936 = vector.extract_strided_slice %add3A_1924 {offsets = [0, 256], sizes = [8, 256], strides = [1, 1]} : vector<8x1024xf32> to vector<8x256xf32>
      %mul3A_1937 = arith.constant 5.000000e-01 : f32
      %mul3A_1938 = vector.broadcast %mul3A_1937 : f32 to vector<8x256xf32>
      %mul3A_1939 = arith.mulf %mul3A_1938, %slice3A_1936 : vector<8x256xf32>
      %tanh3A_1940 = math.tanh %mul3A_1939 : vector<8x256xf32>
      %mul3A_1941 = arith.constant 5.000000e-01 : f32
      %mul3A_1942 = vector.broadcast %mul3A_1941 : f32 to vector<8x256xf32>
      %mul3A_1943 = arith.mulf %mul3A_1942, %tanh3A_1940 : vector<8x256xf32>
      %add3A_1944 = arith.constant 5.000000e-01 : f32
      %add3A_1945 = vector.broadcast %add3A_1944 : f32 to vector<8x256xf32>
      %add3A_1946 = arith.addf %mul3A_1943, %add3A_1945 : vector<8x256xf32>
      %slice3A_1947 = vector.extract_strided_slice %add3A_1924 {offsets = [0, 512], sizes = [8, 256], strides = [1, 1]} : vector<8x1024xf32> to vector<8x256xf32>
      %tanh3A_1948 = math.tanh %slice3A_1947 : vector<8x256xf32>
      %slice3A_1949 = vector.extract_strided_slice %add3A_1924 {offsets = [0, 768], sizes = [8, 256], strides = [1, 1]} : vector<8x1024xf32> to vector<8x256xf32>
      %mul3A_1950 = arith.constant 5.000000e-01 : f32
      %mul3A_1951 = vector.broadcast %mul3A_1950 : f32 to vector<8x256xf32>
      %mul3A_1952 = arith.mulf %mul3A_1951, %slice3A_1949 : vector<8x256xf32>
      %tanh3A_1953 = math.tanh %mul3A_1952 : vector<8x256xf32>
      %mul3A_1954 = arith.constant 5.000000e-01 : f32
      %mul3A_1955 = vector.broadcast %mul3A_1954 : f32 to vector<8x256xf32>
      %mul3A_1956 = arith.mulf %mul3A_1955, %tanh3A_1953 : vector<8x256xf32>
      %add3A_1957 = arith.constant 5.000000e-01 : f32
      %add3A_1958 = vector.broadcast %add3A_1957 : f32 to vector<8x256xf32>
      %add3A_1959 = arith.addf %mul3A_1956, %add3A_1958 : vector<8x256xf32>
      %mul3A_1960 = arith.mulf %add3A_1946, %add3A_1833 : vector<8x256xf32>
      %mul3A_1961 = arith.mulf %add3A_1935, %tanh3A_1948 : vector<8x256xf32>
      %add3A_1962 = arith.addf %mul3A_1960, %mul3A_1961 : vector<8x256xf32>
      %tanh3A_1963 = math.tanh %add3A_1962 : vector<8x256xf32>
      %mul3A_1964 = arith.mulf %add3A_1959, %tanh3A_1963 : vector<8x256xf32>
      %swap3A_1965 = arith.index_cast %scan3A_1912 : i32 to index
      %swap3A_1966 = arith.constant 0 : index
      %swap3A_1967 = arith.constant 0 : index
      %swap3A_1968 = vector.load %arg17[%swap3A_1965, %swap3A_1966, %swap3A_1967] : memref<64x8x256xf32, #tpu.memory_space<vmem>>, vector<1x8x256xf32>
      %swap3A_1969 = vector.shape_cast %swap3A_1968 : vector<1x8x256xf32> to vector<8x256xf32>
      %swap3A_1970 = vector.shape_cast %mul3A_1964 : vector<8x256xf32> to vector<1x8x256xf32>
      tpu.vector_store %arg17[%swap3A_1965, %swap3A_1966, %swap3A_1967], %swap3A_1970 {strides = array<i32>} : memref<64x8x256xf32, #tpu.memory_space<vmem>>, vector<1x8x256xf32>,
      %sub3A_1971 = arith.constant 63 : i32
      %sub3A_1972 = arith.subi %sub3A_1971, %scan3A_1912 : i32
      %mul3A_1973 = arith.constant 8 : i32
      %mul3A_1974 = arith.muli %sub3A_1972, %mul3A_1973 : i32
      %get3A_1975 = arith.index_cast %mul3A_1974 : i32 to index
      %get3A_1976 = arith.constant 0 : index
      %get3A_1977 = vector.load %arg16[%get3A_1975, %get3A_1976] : memref<512x1024xf32, #tpu.memory_space<vmem>>, vector<8x1024xf32>
      %convert_element_type3A_1978 = arith.truncf %mul3A_1902 : vector<8x256xf32> to vector<8x256xbf16>
      %get3A_1979 = arith.constant 0 : index
      %get3A_1980 = arith.constant 0 : index
      %get3A_1981 = vector.load %arg10[%get3A_1979, %get3A_1980] : memref<256x1024xbf16, #tpu.memory_space<vmem>>, vector<256x1024xbf16>
      %dot_general3A_1982 = arith.constant dense<0.000000e+00> : vector<8x1024xf32>
      %dot_general3A_1983 = tpu.matmul %convert_element_type3A_1978, %get3A_1981, %dot_general3A_1982 {dimension_numbers = #tpu.dot_dimension_numbers<[1], [0], [0], [1], [0, 0, 1, 1], [], []>, transpose_lhs_hint = false} : vector<8x256xbf16>, vector<256x1024xbf16>, vector<8x1024xf32> -> vector<8x1024xf32>
      %add3A_1984 = arith.addf %get3A_1977, %dot_general3A_1983 : vector<8x1024xf32>
      %slice3A_1985 = vector.extract_strided_slice %add3A_1984 {offsets = [0, 0], sizes = [8, 256], strides = [1, 1]} : vector<8x1024xf32> to vector<8x256xf32>
      %mul3A_1986 = arith.constant 5.000000e-01 : f32
      %mul3A_1987 = vector.broadcast %mul3A_1986 : f32 to vector<8x256xf32>
      %mul3A_1988 = arith.mulf %mul3A_1987, %slice3A_1985 : vector<8x256xf32>
      %tanh3A_1989 = math.tanh %mul3A_1988 : vector<8x256xf32>
      %mul3A_1990 = arith.constant 5.000000e-01 : f32
      %mul3A_1991 = vector.broadcast %mul3A_1990 : f32 to vector<8x256xf32>
      %mul3A_1992 = arith.mulf %mul3A_1991, %tanh3A_1989 : vector<8x256xf32>
      %add3A_1993 = arith.constant 5.000000e-01 : f32
      %add3A_1994 = vector.broadcast %add3A_1993 : f32 to vector<8x256xf32>
      %add3A_1995 = arith.addf %mul3A_1992, %add3A_1994 : vector<8x256xf32>
      %slice3A_1996 = vector.extract_strided_slice %add3A_1984 {offsets = [0, 256], sizes = [8, 256], strides = [1, 1]} : vector<8x1024xf32> to vector<8x256xf32>
      %mul3A_1997 = arith.constant 5.000000e-01 : f32
      %mul3A_1998 = vector.broadcast %mul3A_1997 : f32 to vector<8x256xf32>
      %mul3A_1999 = arith.mulf %mul3A_1998, %slice3A_1996 : vector<8x256xf32>
      %tanh3A_2000 = math.tanh %mul3A_1999 : vector<8x256xf32>
      %mul3A_2001 = arith.constant 5.000000e-01 : f32
      %mul3A_2002 = vector.broadcast %mul3A_2001 : f32 to vector<8x256xf32>
      %mul3A_2003 = arith.mulf %mul3A_2002, %tanh3A_2000 : vector<8x256xf32>
      %add3A_2004 = arith.constant 5.000000e-01 : f32
      %add3A_2005 = vector.broadcast %add3A_2004 : f32 to vector<8x256xf32>
      %add3A_2006 = arith.addf %mul3A_2003, %add3A_2005 : vector<8x256xf32>
      %slice3A_2007 = vector.extract_strided_slice %add3A_1984 {offsets = [0, 512], sizes = [8, 256], strides = [1, 1]} : vector<8x1024xf32> to vector<8x256xf32>
      %tanh3A_2008 = math.tanh %slice3A_2007 : vector<8x256xf32>
      %slice3A_2009 = vector.extract_strided_slice %add3A_1984 {offsets = [0, 768], sizes = [8, 256], strides = [1, 1]} : vector<8x1024xf32> to vector<8x256xf32>
      %mul3A_2010 = arith.constant 5.000000e-01 : f32
      %mul3A_2011 = vector.broadcast %mul3A_2010 : f32 to vector<8x256xf32>
      %mul3A_2012 = arith.mulf %mul3A_2011, %slice3A_2009 : vector<8x256xf32>
      %tanh3A_2013 = math.tanh %mul3A_2012 : vector<8x256xf32>
      %mul3A_2014 = arith.constant 5.000000e-01 : f32
      %mul3A_2015 = vector.broadcast %mul3A_2014 : f32 to vector<8x256xf32>
      %mul3A_2016 = arith.mulf %mul3A_2015, %tanh3A_2013 : vector<8x256xf32>
      %add3A_2017 = arith.constant 5.000000e-01 : f32
      %add3A_2018 = vector.broadcast %add3A_2017 : f32 to vector<8x256xf32>
      %add3A_2019 = arith.addf %mul3A_2016, %add3A_2018 : vector<8x256xf32>
      %mul3A_2020 = arith.mulf %add3A_2006, %mul3A_1904 : vector<8x256xf32>
      %mul3A_2021 = arith.mulf %add3A_1995, %tanh3A_2008 : vector<8x256xf32>
      %add3A_2022 = arith.addf %mul3A_2020, %mul3A_2021 : vector<8x256xf32>
      %add3A_2023 = arith.addi %mul3A_36, %sub3A_1972 : i32
      %lt3A_2024 = vector.broadcast %add3A_2023 : i32 to vector<8x1xi32>
      %lt3A_2025 = arith.cmpi slt, %lt3A_2024, %get3A_34 : vector<8x1xi32>
      %convert_element_type3A_2026 = arith.extui %lt3A_2025 : vector<8x1xi1> to vector<8x1xi32>
      %convert_element_type3A_2027 = arith.sitofp %convert_element_type3A_2026 : vector<8x1xi32> to vector<8x1xf32>
      %tanh3A_2028 = math.tanh %add3A_2022 : vector<8x256xf32>
      %mul3A_2029 = arith.mulf %add3A_2019, %tanh3A_2028 : vector<8x256xf32>
      %mul3A_2030 = vector.broadcast %convert_element_type3A_2027 : vector<8x1xf32> to vector<8x256xf32>
      %mul3A_2031 = arith.mulf %mul3A_2030, %mul3A_2029 : vector<8x256xf32>
      %mul3A_2032 = vector.broadcast %convert_element_type3A_2027 : vector<8x1xf32> to vector<8x256xf32>
      %mul3A_2033 = arith.mulf %mul3A_2032, %add3A_2022 : vector<8x256xf32>
      %swap3A_2034 = arith.index_cast %sub3A_1972 : i32 to index
      %swap3A_2035 = arith.constant 0 : index
      %swap3A_2036 = arith.constant 0 : index
      %swap3A_2037 = vector.load %arg18[%swap3A_2034, %swap3A_2035, %swap3A_2036] : memref<64x8x256xf32, #tpu.memory_space<vmem>>, vector<1x8x256xf32>
      %swap3A_2038 = vector.shape_cast %swap3A_2037 : vector<1x8x256xf32> to vector<8x256xf32>
      %swap3A_2039 = vector.shape_cast %mul3A_2031 : vector<8x256xf32> to vector<1x8x256xf32>
      tpu.vector_store %arg18[%swap3A_2034, %swap3A_2035, %swap3A_2036], %swap3A_2039 {strides = array<i32>} : memref<64x8x256xf32, #tpu.memory_space<vmem>>, vector<1x8x256xf32>,
      %scan3A_2040 = arith.constant 15 : i32
      %scan3A_2041 = arith.addi %scan3A_105, %scan3A_2040 : i32
      %mul3A_2042 = arith.constant 8 : i32
      %mul3A_2043 = arith.muli %scan3A_2041, %mul3A_2042 : i32
      %get3A_2044 = arith.index_cast %mul3A_2043 : i32 to index
      %get3A_2045 = arith.constant 0 : index
      %get3A_2046 = vector.load %arg15[%get3A_2044, %get3A_2045] : memref<512x1024xf32, #tpu.memory_space<vmem>>, vector<8x1024xf32>
      %convert_element_type3A_2047 = arith.truncf %mul3A_1964 : vector<8x256xf32> to vector<8x256xbf16>
      %get3A_2048 = arith.constant 0 : index
      %get3A_2049 = arith.constant 0 : index
      %get3A_2050 = vector.load %arg9[%get3A_2048, %get3A_2049] : memref<256x1024xbf16, #tpu.memory_space<vmem>>, vector<256x1024xbf16>
      %dot_general3A_2051 = arith.constant dense<0.000000e+00> : vector<8x1024xf32>
      %dot_general3A_2052 = tpu.matmul %convert_element_type3A_2047, %get3A_2050, %dot_general3A_2051 {dimension_numbers = #tpu.dot_dimension_numbers<[1], [0], [0], [1], [0, 0, 1, 1], [], []>, transpose_lhs_hint = false} : vector<8x256xbf16>, vector<256x1024xbf16>, vector<8x1024xf32> -> vector<8x1024xf32>
      %add3A_2053 = arith.addf %get3A_2046, %dot_general3A_2052 : vector<8x1024xf32>
      %slice3A_2054 = vector.extract_strided_slice %add3A_2053 {offsets = [0, 0], sizes = [8, 256], strides = [1, 1]} : vector<8x1024xf32> to vector<8x256xf32>
      %mul3A_2055 = arith.constant 5.000000e-01 : f32
      %mul3A_2056 = vector.broadcast %mul3A_2055 : f32 to vector<8x256xf32>
      %mul3A_2057 = arith.mulf %mul3A_2056, %slice3A_2054 : vector<8x256xf32>
      %tanh3A_2058 = math.tanh %mul3A_2057 : vector<8x256xf32>
      %mul3A_2059 = arith.constant 5.000000e-01 : f32
      %mul3A_2060 = vector.broadcast %mul3A_2059 : f32 to vector<8x256xf32>
      %mul3A_2061 = arith.mulf %mul3A_2060, %tanh3A_2058 : vector<8x256xf32>
      %add3A_2062 = arith.constant 5.000000e-01 : f32
      %add3A_2063 = vector.broadcast %add3A_2062 : f32 to vector<8x256xf32>
      %add3A_2064 = arith.addf %mul3A_2061, %add3A_2063 : vector<8x256xf32>
      %slice3A_2065 = vector.extract_strided_slice %add3A_2053 {offsets = [0, 256], sizes = [8, 256], strides = [1, 1]} : vector<8x1024xf32> to vector<8x256xf32>
      %mul3A_2066 = arith.constant 5.000000e-01 : f32
      %mul3A_2067 = vector.broadcast %mul3A_2066 : f32 to vector<8x256xf32>
      %mul3A_2068 = arith.mulf %mul3A_2067, %slice3A_2065 : vector<8x256xf32>
      %tanh3A_2069 = math.tanh %mul3A_2068 : vector<8x256xf32>
      %mul3A_2070 = arith.constant 5.000000e-01 : f32
      %mul3A_2071 = vector.broadcast %mul3A_2070 : f32 to vector<8x256xf32>
      %mul3A_2072 = arith.mulf %mul3A_2071, %tanh3A_2069 : vector<8x256xf32>
      %add3A_2073 = arith.constant 5.000000e-01 : f32
      %add3A_2074 = vector.broadcast %add3A_2073 : f32 to vector<8x256xf32>
      %add3A_2075 = arith.addf %mul3A_2072, %add3A_2074 : vector<8x256xf32>
      %slice3A_2076 = vector.extract_strided_slice %add3A_2053 {offsets = [0, 512], sizes = [8, 256], strides = [1, 1]} : vector<8x1024xf32> to vector<8x256xf32>
      %tanh3A_2077 = math.tanh %slice3A_2076 : vector<8x256xf32>
      %slice3A_2078 = vector.extract_strided_slice %add3A_2053 {offsets = [0, 768], sizes = [8, 256], strides = [1, 1]} : vector<8x1024xf32> to vector<8x256xf32>
      %mul3A_2079 = arith.constant 5.000000e-01 : f32
      %mul3A_2080 = vector.broadcast %mul3A_2079 : f32 to vector<8x256xf32>
      %mul3A_2081 = arith.mulf %mul3A_2080, %slice3A_2078 : vector<8x256xf32>
      %tanh3A_2082 = math.tanh %mul3A_2081 : vector<8x256xf32>
      %mul3A_2083 = arith.constant 5.000000e-01 : f32
      %mul3A_2084 = vector.broadcast %mul3A_2083 : f32 to vector<8x256xf32>
      %mul3A_2085 = arith.mulf %mul3A_2084, %tanh3A_2082 : vector<8x256xf32>
      %add3A_2086 = arith.constant 5.000000e-01 : f32
      %add3A_2087 = vector.broadcast %add3A_2086 : f32 to vector<8x256xf32>
      %add3A_2088 = arith.addf %mul3A_2085, %add3A_2087 : vector<8x256xf32>
      %mul3A_2089 = arith.mulf %add3A_2075, %add3A_1962 : vector<8x256xf32>
      %mul3A_2090 = arith.mulf %add3A_2064, %tanh3A_2077 : vector<8x256xf32>
      %add3A_2091 = arith.addf %mul3A_2089, %mul3A_2090 : vector<8x256xf32>
      %tanh3A_2092 = math.tanh %add3A_2091 : vector<8x256xf32>
      %mul3A_2093 = arith.mulf %add3A_2088, %tanh3A_2092 : vector<8x256xf32>
      %swap3A_2094 = arith.index_cast %scan3A_2041 : i32 to index
      %swap3A_2095 = arith.constant 0 : index
      %swap3A_2096 = arith.constant 0 : index
      %swap3A_2097 = vector.load %arg17[%swap3A_2094, %swap3A_2095, %swap3A_2096] : memref<64x8x256xf32, #tpu.memory_space<vmem>>, vector<1x8x256xf32>
      %swap3A_2098 = vector.shape_cast %swap3A_2097 : vector<1x8x256xf32> to vector<8x256xf32>
      %swap3A_2099 = vector.shape_cast %mul3A_2093 : vector<8x256xf32> to vector<1x8x256xf32>
      tpu.vector_store %arg17[%swap3A_2094, %swap3A_2095, %swap3A_2096], %swap3A_2099 {strides = array<i32>} : memref<64x8x256xf32, #tpu.memory_space<vmem>>, vector<1x8x256xf32>,
      %sub3A_2100 = arith.constant 63 : i32
      %sub3A_2101 = arith.subi %sub3A_2100, %scan3A_2041 : i32
      %mul3A_2102 = arith.constant 8 : i32
      %mul3A_2103 = arith.muli %sub3A_2101, %mul3A_2102 : i32
      %get3A_2104 = arith.index_cast %mul3A_2103 : i32 to index
      %get3A_2105 = arith.constant 0 : index
      %get3A_2106 = vector.load %arg16[%get3A_2104, %get3A_2105] : memref<512x1024xf32, #tpu.memory_space<vmem>>, vector<8x1024xf32>
      %convert_element_type3A_2107 = arith.truncf %mul3A_2031 : vector<8x256xf32> to vector<8x256xbf16>
      %get3A_2108 = arith.constant 0 : index
      %get3A_2109 = arith.constant 0 : index
      %get3A_2110 = vector.load %arg10[%get3A_2108, %get3A_2109] : memref<256x1024xbf16, #tpu.memory_space<vmem>>, vector<256x1024xbf16>
      %dot_general3A_2111 = arith.constant dense<0.000000e+00> : vector<8x1024xf32>
      %dot_general3A_2112 = tpu.matmul %convert_element_type3A_2107, %get3A_2110, %dot_general3A_2111 {dimension_numbers = #tpu.dot_dimension_numbers<[1], [0], [0], [1], [0, 0, 1, 1], [], []>, transpose_lhs_hint = false} : vector<8x256xbf16>, vector<256x1024xbf16>, vector<8x1024xf32> -> vector<8x1024xf32>
      %add3A_2113 = arith.addf %get3A_2106, %dot_general3A_2112 : vector<8x1024xf32>
      %slice3A_2114 = vector.extract_strided_slice %add3A_2113 {offsets = [0, 0], sizes = [8, 256], strides = [1, 1]} : vector<8x1024xf32> to vector<8x256xf32>
      %mul3A_2115 = arith.constant 5.000000e-01 : f32
      %mul3A_2116 = vector.broadcast %mul3A_2115 : f32 to vector<8x256xf32>
      %mul3A_2117 = arith.mulf %mul3A_2116, %slice3A_2114 : vector<8x256xf32>
      %tanh3A_2118 = math.tanh %mul3A_2117 : vector<8x256xf32>
      %mul3A_2119 = arith.constant 5.000000e-01 : f32
      %mul3A_2120 = vector.broadcast %mul3A_2119 : f32 to vector<8x256xf32>
      %mul3A_2121 = arith.mulf %mul3A_2120, %tanh3A_2118 : vector<8x256xf32>
      %add3A_2122 = arith.constant 5.000000e-01 : f32
      %add3A_2123 = vector.broadcast %add3A_2122 : f32 to vector<8x256xf32>
      %add3A_2124 = arith.addf %mul3A_2121, %add3A_2123 : vector<8x256xf32>
      %slice3A_2125 = vector.extract_strided_slice %add3A_2113 {offsets = [0, 256], sizes = [8, 256], strides = [1, 1]} : vector<8x1024xf32> to vector<8x256xf32>
      %mul3A_2126 = arith.constant 5.000000e-01 : f32
      %mul3A_2127 = vector.broadcast %mul3A_2126 : f32 to vector<8x256xf32>
      %mul3A_2128 = arith.mulf %mul3A_2127, %slice3A_2125 : vector<8x256xf32>
      %tanh3A_2129 = math.tanh %mul3A_2128 : vector<8x256xf32>
      %mul3A_2130 = arith.constant 5.000000e-01 : f32
      %mul3A_2131 = vector.broadcast %mul3A_2130 : f32 to vector<8x256xf32>
      %mul3A_2132 = arith.mulf %mul3A_2131, %tanh3A_2129 : vector<8x256xf32>
      %add3A_2133 = arith.constant 5.000000e-01 : f32
      %add3A_2134 = vector.broadcast %add3A_2133 : f32 to vector<8x256xf32>
      %add3A_2135 = arith.addf %mul3A_2132, %add3A_2134 : vector<8x256xf32>
      %slice3A_2136 = vector.extract_strided_slice %add3A_2113 {offsets = [0, 512], sizes = [8, 256], strides = [1, 1]} : vector<8x1024xf32> to vector<8x256xf32>
      %tanh3A_2137 = math.tanh %slice3A_2136 : vector<8x256xf32>
      %slice3A_2138 = vector.extract_strided_slice %add3A_2113 {offsets = [0, 768], sizes = [8, 256], strides = [1, 1]} : vector<8x1024xf32> to vector<8x256xf32>
      %mul3A_2139 = arith.constant 5.000000e-01 : f32
      %mul3A_2140 = vector.broadcast %mul3A_2139 : f32 to vector<8x256xf32>
      %mul3A_2141 = arith.mulf %mul3A_2140, %slice3A_2138 : vector<8x256xf32>
      %tanh3A_2142 = math.tanh %mul3A_2141 : vector<8x256xf32>
      %mul3A_2143 = arith.constant 5.000000e-01 : f32
      %mul3A_2144 = vector.broadcast %mul3A_2143 : f32 to vector<8x256xf32>
      %mul3A_2145 = arith.mulf %mul3A_2144, %tanh3A_2142 : vector<8x256xf32>
      %add3A_2146 = arith.constant 5.000000e-01 : f32
      %add3A_2147 = vector.broadcast %add3A_2146 : f32 to vector<8x256xf32>
      %add3A_2148 = arith.addf %mul3A_2145, %add3A_2147 : vector<8x256xf32>
      %mul3A_2149 = arith.mulf %add3A_2135, %mul3A_2033 : vector<8x256xf32>
      %mul3A_2150 = arith.mulf %add3A_2124, %tanh3A_2137 : vector<8x256xf32>
      %add3A_2151 = arith.addf %mul3A_2149, %mul3A_2150 : vector<8x256xf32>
      %add3A_2152 = arith.addi %mul3A_36, %sub3A_2101 : i32
      %lt3A_2153 = vector.broadcast %add3A_2152 : i32 to vector<8x1xi32>
      %lt3A_2154 = arith.cmpi slt, %lt3A_2153, %get3A_34 : vector<8x1xi32>
      %convert_element_type3A_2155 = arith.extui %lt3A_2154 : vector<8x1xi1> to vector<8x1xi32>
      %convert_element_type3A_2156 = arith.sitofp %convert_element_type3A_2155 : vector<8x1xi32> to vector<8x1xf32>
      %tanh3A_2157 = math.tanh %add3A_2151 : vector<8x256xf32>
      %mul3A_2158 = arith.mulf %add3A_2148, %tanh3A_2157 : vector<8x256xf32>
      %mul3A_2159 = vector.broadcast %convert_element_type3A_2156 : vector<8x1xf32> to vector<8x256xf32>
      %mul3A_2160 = arith.mulf %mul3A_2159, %mul3A_2158 : vector<8x256xf32>
      %mul3A_2161 = vector.broadcast %convert_element_type3A_2156 : vector<8x1xf32> to vector<8x256xf32>
      %mul3A_2162 = arith.mulf %mul3A_2161, %add3A_2151 : vector<8x256xf32>
      %swap3A_2163 = arith.index_cast %sub3A_2101 : i32 to index
      %swap3A_2164 = arith.constant 0 : index
      %swap3A_2165 = arith.constant 0 : index
      %swap3A_2166 = vector.load %arg18[%swap3A_2163, %swap3A_2164, %swap3A_2165] : memref<64x8x256xf32, #tpu.memory_space<vmem>>, vector<1x8x256xf32>
      %swap3A_2167 = vector.shape_cast %swap3A_2166 : vector<1x8x256xf32> to vector<8x256xf32>
      %swap3A_2168 = vector.shape_cast %mul3A_2160 : vector<8x256xf32> to vector<1x8x256xf32>
      tpu.vector_store %arg18[%swap3A_2163, %swap3A_2164, %swap3A_2165], %swap3A_2168 {strides = array<i32>} : memref<64x8x256xf32, #tpu.memory_space<vmem>>, vector<1x8x256xf32>,
      %scan3A_2169 = arith.constant 16 : i32
      %scan3A_2170 = arith.addi %scan3A_105, %scan3A_2169 : i32
      %mul3A_2171 = arith.constant 8 : i32
      %mul3A_2172 = arith.muli %scan3A_2170, %mul3A_2171 : i32
      %get3A_2173 = arith.index_cast %mul3A_2172 : i32 to index
      %get3A_2174 = arith.constant 0 : index
      %get3A_2175 = vector.load %arg15[%get3A_2173, %get3A_2174] : memref<512x1024xf32, #tpu.memory_space<vmem>>, vector<8x1024xf32>
      %convert_element_type3A_2176 = arith.truncf %mul3A_2093 : vector<8x256xf32> to vector<8x256xbf16>
      %get3A_2177 = arith.constant 0 : index
      %get3A_2178 = arith.constant 0 : index
      %get3A_2179 = vector.load %arg9[%get3A_2177, %get3A_2178] : memref<256x1024xbf16, #tpu.memory_space<vmem>>, vector<256x1024xbf16>
      %dot_general3A_2180 = arith.constant dense<0.000000e+00> : vector<8x1024xf32>
      %dot_general3A_2181 = tpu.matmul %convert_element_type3A_2176, %get3A_2179, %dot_general3A_2180 {dimension_numbers = #tpu.dot_dimension_numbers<[1], [0], [0], [1], [0, 0, 1, 1], [], []>, transpose_lhs_hint = false} : vector<8x256xbf16>, vector<256x1024xbf16>, vector<8x1024xf32> -> vector<8x1024xf32>
      %add3A_2182 = arith.addf %get3A_2175, %dot_general3A_2181 : vector<8x1024xf32>
      %slice3A_2183 = vector.extract_strided_slice %add3A_2182 {offsets = [0, 0], sizes = [8, 256], strides = [1, 1]} : vector<8x1024xf32> to vector<8x256xf32>
      %mul3A_2184 = arith.constant 5.000000e-01 : f32
      %mul3A_2185 = vector.broadcast %mul3A_2184 : f32 to vector<8x256xf32>
      %mul3A_2186 = arith.mulf %mul3A_2185, %slice3A_2183 : vector<8x256xf32>
      %tanh3A_2187 = math.tanh %mul3A_2186 : vector<8x256xf32>
      %mul3A_2188 = arith.constant 5.000000e-01 : f32
      %mul3A_2189 = vector.broadcast %mul3A_2188 : f32 to vector<8x256xf32>
      %mul3A_2190 = arith.mulf %mul3A_2189, %tanh3A_2187 : vector<8x256xf32>
      %add3A_2191 = arith.constant 5.000000e-01 : f32
      %add3A_2192 = vector.broadcast %add3A_2191 : f32 to vector<8x256xf32>
      %add3A_2193 = arith.addf %mul3A_2190, %add3A_2192 : vector<8x256xf32>
      %slice3A_2194 = vector.extract_strided_slice %add3A_2182 {offsets = [0, 256], sizes = [8, 256], strides = [1, 1]} : vector<8x1024xf32> to vector<8x256xf32>
      %mul3A_2195 = arith.constant 5.000000e-01 : f32
      %mul3A_2196 = vector.broadcast %mul3A_2195 : f32 to vector<8x256xf32>
      %mul3A_2197 = arith.mulf %mul3A_2196, %slice3A_2194 : vector<8x256xf32>
      %tanh3A_2198 = math.tanh %mul3A_2197 : vector<8x256xf32>
      %mul3A_2199 = arith.constant 5.000000e-01 : f32
      %mul3A_2200 = vector.broadcast %mul3A_2199 : f32 to vector<8x256xf32>
      %mul3A_2201 = arith.mulf %mul3A_2200, %tanh3A_2198 : vector<8x256xf32>
      %add3A_2202 = arith.constant 5.000000e-01 : f32
      %add3A_2203 = vector.broadcast %add3A_2202 : f32 to vector<8x256xf32>
      %add3A_2204 = arith.addf %mul3A_2201, %add3A_2203 : vector<8x256xf32>
      %slice3A_2205 = vector.extract_strided_slice %add3A_2182 {offsets = [0, 512], sizes = [8, 256], strides = [1, 1]} : vector<8x1024xf32> to vector<8x256xf32>
      %tanh3A_2206 = math.tanh %slice3A_2205 : vector<8x256xf32>
      %slice3A_2207 = vector.extract_strided_slice %add3A_2182 {offsets = [0, 768], sizes = [8, 256], strides = [1, 1]} : vector<8x1024xf32> to vector<8x256xf32>
      %mul3A_2208 = arith.constant 5.000000e-01 : f32
      %mul3A_2209 = vector.broadcast %mul3A_2208 : f32 to vector<8x256xf32>
      %mul3A_2210 = arith.mulf %mul3A_2209, %slice3A_2207 : vector<8x256xf32>
      %tanh3A_2211 = math.tanh %mul3A_2210 : vector<8x256xf32>
      %mul3A_2212 = arith.constant 5.000000e-01 : f32
      %mul3A_2213 = vector.broadcast %mul3A_2212 : f32 to vector<8x256xf32>
      %mul3A_2214 = arith.mulf %mul3A_2213, %tanh3A_2211 : vector<8x256xf32>
      %add3A_2215 = arith.constant 5.000000e-01 : f32
      %add3A_2216 = vector.broadcast %add3A_2215 : f32 to vector<8x256xf32>
      %add3A_2217 = arith.addf %mul3A_2214, %add3A_2216 : vector<8x256xf32>
      %mul3A_2218 = arith.mulf %add3A_2204, %add3A_2091 : vector<8x256xf32>
      %mul3A_2219 = arith.mulf %add3A_2193, %tanh3A_2206 : vector<8x256xf32>
      %add3A_2220 = arith.addf %mul3A_2218, %mul3A_2219 : vector<8x256xf32>
      %tanh3A_2221 = math.tanh %add3A_2220 : vector<8x256xf32>
      %mul3A_2222 = arith.mulf %add3A_2217, %tanh3A_2221 : vector<8x256xf32>
      %swap3A_2223 = arith.index_cast %scan3A_2170 : i32 to index
      %swap3A_2224 = arith.constant 0 : index
      %swap3A_2225 = arith.constant 0 : index
      %swap3A_2226 = vector.load %arg17[%swap3A_2223, %swap3A_2224, %swap3A_2225] : memref<64x8x256xf32, #tpu.memory_space<vmem>>, vector<1x8x256xf32>
      %swap3A_2227 = vector.shape_cast %swap3A_2226 : vector<1x8x256xf32> to vector<8x256xf32>
      %swap3A_2228 = vector.shape_cast %mul3A_2222 : vector<8x256xf32> to vector<1x8x256xf32>
      tpu.vector_store %arg17[%swap3A_2223, %swap3A_2224, %swap3A_2225], %swap3A_2228 {strides = array<i32>} : memref<64x8x256xf32, #tpu.memory_space<vmem>>, vector<1x8x256xf32>,
      %sub3A_2229 = arith.constant 63 : i32
      %sub3A_2230 = arith.subi %sub3A_2229, %scan3A_2170 : i32
      %mul3A_2231 = arith.constant 8 : i32
      %mul3A_2232 = arith.muli %sub3A_2230, %mul3A_2231 : i32
      %get3A_2233 = arith.index_cast %mul3A_2232 : i32 to index
      %get3A_2234 = arith.constant 0 : index
      %get3A_2235 = vector.load %arg16[%get3A_2233, %get3A_2234] : memref<512x1024xf32, #tpu.memory_space<vmem>>, vector<8x1024xf32>
      %convert_element_type3A_2236 = arith.truncf %mul3A_2160 : vector<8x256xf32> to vector<8x256xbf16>
      %get3A_2237 = arith.constant 0 : index
      %get3A_2238 = arith.constant 0 : index
      %get3A_2239 = vector.load %arg10[%get3A_2237, %get3A_2238] : memref<256x1024xbf16, #tpu.memory_space<vmem>>, vector<256x1024xbf16>
      %dot_general3A_2240 = arith.constant dense<0.000000e+00> : vector<8x1024xf32>
      %dot_general3A_2241 = tpu.matmul %convert_element_type3A_2236, %get3A_2239, %dot_general3A_2240 {dimension_numbers = #tpu.dot_dimension_numbers<[1], [0], [0], [1], [0, 0, 1, 1], [], []>, transpose_lhs_hint = false} : vector<8x256xbf16>, vector<256x1024xbf16>, vector<8x1024xf32> -> vector<8x1024xf32>
      %add3A_2242 = arith.addf %get3A_2235, %dot_general3A_2241 : vector<8x1024xf32>
      %slice3A_2243 = vector.extract_strided_slice %add3A_2242 {offsets = [0, 0], sizes = [8, 256], strides = [1, 1]} : vector<8x1024xf32> to vector<8x256xf32>
      %mul3A_2244 = arith.constant 5.000000e-01 : f32
      %mul3A_2245 = vector.broadcast %mul3A_2244 : f32 to vector<8x256xf32>
      %mul3A_2246 = arith.mulf %mul3A_2245, %slice3A_2243 : vector<8x256xf32>
      %tanh3A_2247 = math.tanh %mul3A_2246 : vector<8x256xf32>
      %mul3A_2248 = arith.constant 5.000000e-01 : f32
      %mul3A_2249 = vector.broadcast %mul3A_2248 : f32 to vector<8x256xf32>
      %mul3A_2250 = arith.mulf %mul3A_2249, %tanh3A_2247 : vector<8x256xf32>
      %add3A_2251 = arith.constant 5.000000e-01 : f32
      %add3A_2252 = vector.broadcast %add3A_2251 : f32 to vector<8x256xf32>
      %add3A_2253 = arith.addf %mul3A_2250, %add3A_2252 : vector<8x256xf32>
      %slice3A_2254 = vector.extract_strided_slice %add3A_2242 {offsets = [0, 256], sizes = [8, 256], strides = [1, 1]} : vector<8x1024xf32> to vector<8x256xf32>
      %mul3A_2255 = arith.constant 5.000000e-01 : f32
      %mul3A_2256 = vector.broadcast %mul3A_2255 : f32 to vector<8x256xf32>
      %mul3A_2257 = arith.mulf %mul3A_2256, %slice3A_2254 : vector<8x256xf32>
      %tanh3A_2258 = math.tanh %mul3A_2257 : vector<8x256xf32>
      %mul3A_2259 = arith.constant 5.000000e-01 : f32
      %mul3A_2260 = vector.broadcast %mul3A_2259 : f32 to vector<8x256xf32>
      %mul3A_2261 = arith.mulf %mul3A_2260, %tanh3A_2258 : vector<8x256xf32>
      %add3A_2262 = arith.constant 5.000000e-01 : f32
      %add3A_2263 = vector.broadcast %add3A_2262 : f32 to vector<8x256xf32>
      %add3A_2264 = arith.addf %mul3A_2261, %add3A_2263 : vector<8x256xf32>
      %slice3A_2265 = vector.extract_strided_slice %add3A_2242 {offsets = [0, 512], sizes = [8, 256], strides = [1, 1]} : vector<8x1024xf32> to vector<8x256xf32>
      %tanh3A_2266 = math.tanh %slice3A_2265 : vector<8x256xf32>
      %slice3A_2267 = vector.extract_strided_slice %add3A_2242 {offsets = [0, 768], sizes = [8, 256], strides = [1, 1]} : vector<8x1024xf32> to vector<8x256xf32>
      %mul3A_2268 = arith.constant 5.000000e-01 : f32
      %mul3A_2269 = vector.broadcast %mul3A_2268 : f32 to vector<8x256xf32>
      %mul3A_2270 = arith.mulf %mul3A_2269, %slice3A_2267 : vector<8x256xf32>
      %tanh3A_2271 = math.tanh %mul3A_2270 : vector<8x256xf32>
      %mul3A_2272 = arith.constant 5.000000e-01 : f32
      %mul3A_2273 = vector.broadcast %mul3A_2272 : f32 to vector<8x256xf32>
      %mul3A_2274 = arith.mulf %mul3A_2273, %tanh3A_2271 : vector<8x256xf32>
      %add3A_2275 = arith.constant 5.000000e-01 : f32
      %add3A_2276 = vector.broadcast %add3A_2275 : f32 to vector<8x256xf32>
      %add3A_2277 = arith.addf %mul3A_2274, %add3A_2276 : vector<8x256xf32>
      %mul3A_2278 = arith.mulf %add3A_2264, %mul3A_2162 : vector<8x256xf32>
      %mul3A_2279 = arith.mulf %add3A_2253, %tanh3A_2266 : vector<8x256xf32>
      %add3A_2280 = arith.addf %mul3A_2278, %mul3A_2279 : vector<8x256xf32>
      %add3A_2281 = arith.addi %mul3A_36, %sub3A_2230 : i32
      %lt3A_2282 = vector.broadcast %add3A_2281 : i32 to vector<8x1xi32>
      %lt3A_2283 = arith.cmpi slt, %lt3A_2282, %get3A_34 : vector<8x1xi32>
      %convert_element_type3A_2284 = arith.extui %lt3A_2283 : vector<8x1xi1> to vector<8x1xi32>
      %convert_element_type3A_2285 = arith.sitofp %convert_element_type3A_2284 : vector<8x1xi32> to vector<8x1xf32>
      %tanh3A_2286 = math.tanh %add3A_2280 : vector<8x256xf32>
      %mul3A_2287 = arith.mulf %add3A_2277, %tanh3A_2286 : vector<8x256xf32>
      %mul3A_2288 = vector.broadcast %convert_element_type3A_2285 : vector<8x1xf32> to vector<8x256xf32>
      %mul3A_2289 = arith.mulf %mul3A_2288, %mul3A_2287 : vector<8x256xf32>
      %mul3A_2290 = vector.broadcast %convert_element_type3A_2285 : vector<8x1xf32> to vector<8x256xf32>
      %mul3A_2291 = arith.mulf %mul3A_2290, %add3A_2280 : vector<8x256xf32>
      %swap3A_2292 = arith.index_cast %sub3A_2230 : i32 to index
      %swap3A_2293 = arith.constant 0 : index
      %swap3A_2294 = arith.constant 0 : index
      %swap3A_2295 = vector.load %arg18[%swap3A_2292, %swap3A_2293, %swap3A_2294] : memref<64x8x256xf32, #tpu.memory_space<vmem>>, vector<1x8x256xf32>
      %swap3A_2296 = vector.shape_cast %swap3A_2295 : vector<1x8x256xf32> to vector<8x256xf32>
      %swap3A_2297 = vector.shape_cast %mul3A_2289 : vector<8x256xf32> to vector<1x8x256xf32>
      tpu.vector_store %arg18[%swap3A_2292, %swap3A_2293, %swap3A_2294], %swap3A_2297 {strides = array<i32>} : memref<64x8x256xf32, #tpu.memory_space<vmem>>, vector<1x8x256xf32>,
      %scan3A_2298 = arith.constant 17 : i32
      %scan3A_2299 = arith.addi %scan3A_105, %scan3A_2298 : i32
      %mul3A_2300 = arith.constant 8 : i32
      %mul3A_2301 = arith.muli %scan3A_2299, %mul3A_2300 : i32
      %get3A_2302 = arith.index_cast %mul3A_2301 : i32 to index
      %get3A_2303 = arith.constant 0 : index
      %get3A_2304 = vector.load %arg15[%get3A_2302, %get3A_2303] : memref<512x1024xf32, #tpu.memory_space<vmem>>, vector<8x1024xf32>
      %convert_element_type3A_2305 = arith.truncf %mul3A_2222 : vector<8x256xf32> to vector<8x256xbf16>
      %get3A_2306 = arith.constant 0 : index
      %get3A_2307 = arith.constant 0 : index
      %get3A_2308 = vector.load %arg9[%get3A_2306, %get3A_2307] : memref<256x1024xbf16, #tpu.memory_space<vmem>>, vector<256x1024xbf16>
      %dot_general3A_2309 = arith.constant dense<0.000000e+00> : vector<8x1024xf32>
      %dot_general3A_2310 = tpu.matmul %convert_element_type3A_2305, %get3A_2308, %dot_general3A_2309 {dimension_numbers = #tpu.dot_dimension_numbers<[1], [0], [0], [1], [0, 0, 1, 1], [], []>, transpose_lhs_hint = false} : vector<8x256xbf16>, vector<256x1024xbf16>, vector<8x1024xf32> -> vector<8x1024xf32>
      %add3A_2311 = arith.addf %get3A_2304, %dot_general3A_2310 : vector<8x1024xf32>
      %slice3A_2312 = vector.extract_strided_slice %add3A_2311 {offsets = [0, 0], sizes = [8, 256], strides = [1, 1]} : vector<8x1024xf32> to vector<8x256xf32>
      %mul3A_2313 = arith.constant 5.000000e-01 : f32
      %mul3A_2314 = vector.broadcast %mul3A_2313 : f32 to vector<8x256xf32>
      %mul3A_2315 = arith.mulf %mul3A_2314, %slice3A_2312 : vector<8x256xf32>
      %tanh3A_2316 = math.tanh %mul3A_2315 : vector<8x256xf32>
      %mul3A_2317 = arith.constant 5.000000e-01 : f32
      %mul3A_2318 = vector.broadcast %mul3A_2317 : f32 to vector<8x256xf32>
      %mul3A_2319 = arith.mulf %mul3A_2318, %tanh3A_2316 : vector<8x256xf32>
      %add3A_2320 = arith.constant 5.000000e-01 : f32
      %add3A_2321 = vector.broadcast %add3A_2320 : f32 to vector<8x256xf32>
      %add3A_2322 = arith.addf %mul3A_2319, %add3A_2321 : vector<8x256xf32>
      %slice3A_2323 = vector.extract_strided_slice %add3A_2311 {offsets = [0, 256], sizes = [8, 256], strides = [1, 1]} : vector<8x1024xf32> to vector<8x256xf32>
      %mul3A_2324 = arith.constant 5.000000e-01 : f32
      %mul3A_2325 = vector.broadcast %mul3A_2324 : f32 to vector<8x256xf32>
      %mul3A_2326 = arith.mulf %mul3A_2325, %slice3A_2323 : vector<8x256xf32>
      %tanh3A_2327 = math.tanh %mul3A_2326 : vector<8x256xf32>
      %mul3A_2328 = arith.constant 5.000000e-01 : f32
      %mul3A_2329 = vector.broadcast %mul3A_2328 : f32 to vector<8x256xf32>
      %mul3A_2330 = arith.mulf %mul3A_2329, %tanh3A_2327 : vector<8x256xf32>
      %add3A_2331 = arith.constant 5.000000e-01 : f32
      %add3A_2332 = vector.broadcast %add3A_2331 : f32 to vector<8x256xf32>
      %add3A_2333 = arith.addf %mul3A_2330, %add3A_2332 : vector<8x256xf32>
      %slice3A_2334 = vector.extract_strided_slice %add3A_2311 {offsets = [0, 512], sizes = [8, 256], strides = [1, 1]} : vector<8x1024xf32> to vector<8x256xf32>
      %tanh3A_2335 = math.tanh %slice3A_2334 : vector<8x256xf32>
      %slice3A_2336 = vector.extract_strided_slice %add3A_2311 {offsets = [0, 768], sizes = [8, 256], strides = [1, 1]} : vector<8x1024xf32> to vector<8x256xf32>
      %mul3A_2337 = arith.constant 5.000000e-01 : f32
      %mul3A_2338 = vector.broadcast %mul3A_2337 : f32 to vector<8x256xf32>
      %mul3A_2339 = arith.mulf %mul3A_2338, %slice3A_2336 : vector<8x256xf32>
      %tanh3A_2340 = math.tanh %mul3A_2339 : vector<8x256xf32>
      %mul3A_2341 = arith.constant 5.000000e-01 : f32
      %mul3A_2342 = vector.broadcast %mul3A_2341 : f32 to vector<8x256xf32>
      %mul3A_2343 = arith.mulf %mul3A_2342, %tanh3A_2340 : vector<8x256xf32>
      %add3A_2344 = arith.constant 5.000000e-01 : f32
      %add3A_2345 = vector.broadcast %add3A_2344 : f32 to vector<8x256xf32>
      %add3A_2346 = arith.addf %mul3A_2343, %add3A_2345 : vector<8x256xf32>
      %mul3A_2347 = arith.mulf %add3A_2333, %add3A_2220 : vector<8x256xf32>
      %mul3A_2348 = arith.mulf %add3A_2322, %tanh3A_2335 : vector<8x256xf32>
      %add3A_2349 = arith.addf %mul3A_2347, %mul3A_2348 : vector<8x256xf32>
      %tanh3A_2350 = math.tanh %add3A_2349 : vector<8x256xf32>
      %mul3A_2351 = arith.mulf %add3A_2346, %tanh3A_2350 : vector<8x256xf32>
      %swap3A_2352 = arith.index_cast %scan3A_2299 : i32 to index
      %swap3A_2353 = arith.constant 0 : index
      %swap3A_2354 = arith.constant 0 : index
      %swap3A_2355 = vector.load %arg17[%swap3A_2352, %swap3A_2353, %swap3A_2354] : memref<64x8x256xf32, #tpu.memory_space<vmem>>, vector<1x8x256xf32>
      %swap3A_2356 = vector.shape_cast %swap3A_2355 : vector<1x8x256xf32> to vector<8x256xf32>
      %swap3A_2357 = vector.shape_cast %mul3A_2351 : vector<8x256xf32> to vector<1x8x256xf32>
      tpu.vector_store %arg17[%swap3A_2352, %swap3A_2353, %swap3A_2354], %swap3A_2357 {strides = array<i32>} : memref<64x8x256xf32, #tpu.memory_space<vmem>>, vector<1x8x256xf32>,
      %sub3A_2358 = arith.constant 63 : i32
      %sub3A_2359 = arith.subi %sub3A_2358, %scan3A_2299 : i32
      %mul3A_2360 = arith.constant 8 : i32
      %mul3A_2361 = arith.muli %sub3A_2359, %mul3A_2360 : i32
      %get3A_2362 = arith.index_cast %mul3A_2361 : i32 to index
      %get3A_2363 = arith.constant 0 : index
      %get3A_2364 = vector.load %arg16[%get3A_2362, %get3A_2363] : memref<512x1024xf32, #tpu.memory_space<vmem>>, vector<8x1024xf32>
      %convert_element_type3A_2365 = arith.truncf %mul3A_2289 : vector<8x256xf32> to vector<8x256xbf16>
      %get3A_2366 = arith.constant 0 : index
      %get3A_2367 = arith.constant 0 : index
      %get3A_2368 = vector.load %arg10[%get3A_2366, %get3A_2367] : memref<256x1024xbf16, #tpu.memory_space<vmem>>, vector<256x1024xbf16>
      %dot_general3A_2369 = arith.constant dense<0.000000e+00> : vector<8x1024xf32>
      %dot_general3A_2370 = tpu.matmul %convert_element_type3A_2365, %get3A_2368, %dot_general3A_2369 {dimension_numbers = #tpu.dot_dimension_numbers<[1], [0], [0], [1], [0, 0, 1, 1], [], []>, transpose_lhs_hint = false} : vector<8x256xbf16>, vector<256x1024xbf16>, vector<8x1024xf32> -> vector<8x1024xf32>
      %add3A_2371 = arith.addf %get3A_2364, %dot_general3A_2370 : vector<8x1024xf32>
      %slice3A_2372 = vector.extract_strided_slice %add3A_2371 {offsets = [0, 0], sizes = [8, 256], strides = [1, 1]} : vector<8x1024xf32> to vector<8x256xf32>
      %mul3A_2373 = arith.constant 5.000000e-01 : f32
      %mul3A_2374 = vector.broadcast %mul3A_2373 : f32 to vector<8x256xf32>
      %mul3A_2375 = arith.mulf %mul3A_2374, %slice3A_2372 : vector<8x256xf32>
      %tanh3A_2376 = math.tanh %mul3A_2375 : vector<8x256xf32>
      %mul3A_2377 = arith.constant 5.000000e-01 : f32
      %mul3A_2378 = vector.broadcast %mul3A_2377 : f32 to vector<8x256xf32>
      %mul3A_2379 = arith.mulf %mul3A_2378, %tanh3A_2376 : vector<8x256xf32>
      %add3A_2380 = arith.constant 5.000000e-01 : f32
      %add3A_2381 = vector.broadcast %add3A_2380 : f32 to vector<8x256xf32>
      %add3A_2382 = arith.addf %mul3A_2379, %add3A_2381 : vector<8x256xf32>
      %slice3A_2383 = vector.extract_strided_slice %add3A_2371 {offsets = [0, 256], sizes = [8, 256], strides = [1, 1]} : vector<8x1024xf32> to vector<8x256xf32>
      %mul3A_2384 = arith.constant 5.000000e-01 : f32
      %mul3A_2385 = vector.broadcast %mul3A_2384 : f32 to vector<8x256xf32>
      %mul3A_2386 = arith.mulf %mul3A_2385, %slice3A_2383 : vector<8x256xf32>
      %tanh3A_2387 = math.tanh %mul3A_2386 : vector<8x256xf32>
      %mul3A_2388 = arith.constant 5.000000e-01 : f32
      %mul3A_2389 = vector.broadcast %mul3A_2388 : f32 to vector<8x256xf32>
      %mul3A_2390 = arith.mulf %mul3A_2389, %tanh3A_2387 : vector<8x256xf32>
      %add3A_2391 = arith.constant 5.000000e-01 : f32
      %add3A_2392 = vector.broadcast %add3A_2391 : f32 to vector<8x256xf32>
      %add3A_2393 = arith.addf %mul3A_2390, %add3A_2392 : vector<8x256xf32>
      %slice3A_2394 = vector.extract_strided_slice %add3A_2371 {offsets = [0, 512], sizes = [8, 256], strides = [1, 1]} : vector<8x1024xf32> to vector<8x256xf32>
      %tanh3A_2395 = math.tanh %slice3A_2394 : vector<8x256xf32>
      %slice3A_2396 = vector.extract_strided_slice %add3A_2371 {offsets = [0, 768], sizes = [8, 256], strides = [1, 1]} : vector<8x1024xf32> to vector<8x256xf32>
      %mul3A_2397 = arith.constant 5.000000e-01 : f32
      %mul3A_2398 = vector.broadcast %mul3A_2397 : f32 to vector<8x256xf32>
      %mul3A_2399 = arith.mulf %mul3A_2398, %slice3A_2396 : vector<8x256xf32>
      %tanh3A_2400 = math.tanh %mul3A_2399 : vector<8x256xf32>
      %mul3A_2401 = arith.constant 5.000000e-01 : f32
      %mul3A_2402 = vector.broadcast %mul3A_2401 : f32 to vector<8x256xf32>
      %mul3A_2403 = arith.mulf %mul3A_2402, %tanh3A_2400 : vector<8x256xf32>
      %add3A_2404 = arith.constant 5.000000e-01 : f32
      %add3A_2405 = vector.broadcast %add3A_2404 : f32 to vector<8x256xf32>
      %add3A_2406 = arith.addf %mul3A_2403, %add3A_2405 : vector<8x256xf32>
      %mul3A_2407 = arith.mulf %add3A_2393, %mul3A_2291 : vector<8x256xf32>
      %mul3A_2408 = arith.mulf %add3A_2382, %tanh3A_2395 : vector<8x256xf32>
      %add3A_2409 = arith.addf %mul3A_2407, %mul3A_2408 : vector<8x256xf32>
      %add3A_2410 = arith.addi %mul3A_36, %sub3A_2359 : i32
      %lt3A_2411 = vector.broadcast %add3A_2410 : i32 to vector<8x1xi32>
      %lt3A_2412 = arith.cmpi slt, %lt3A_2411, %get3A_34 : vector<8x1xi32>
      %convert_element_type3A_2413 = arith.extui %lt3A_2412 : vector<8x1xi1> to vector<8x1xi32>
      %convert_element_type3A_2414 = arith.sitofp %convert_element_type3A_2413 : vector<8x1xi32> to vector<8x1xf32>
      %tanh3A_2415 = math.tanh %add3A_2409 : vector<8x256xf32>
      %mul3A_2416 = arith.mulf %add3A_2406, %tanh3A_2415 : vector<8x256xf32>
      %mul3A_2417 = vector.broadcast %convert_element_type3A_2414 : vector<8x1xf32> to vector<8x256xf32>
      %mul3A_2418 = arith.mulf %mul3A_2417, %mul3A_2416 : vector<8x256xf32>
      %mul3A_2419 = vector.broadcast %convert_element_type3A_2414 : vector<8x1xf32> to vector<8x256xf32>
      %mul3A_2420 = arith.mulf %mul3A_2419, %add3A_2409 : vector<8x256xf32>
      %swap3A_2421 = arith.index_cast %sub3A_2359 : i32 to index
      %swap3A_2422 = arith.constant 0 : index
      %swap3A_2423 = arith.constant 0 : index
      %swap3A_2424 = vector.load %arg18[%swap3A_2421, %swap3A_2422, %swap3A_2423] : memref<64x8x256xf32, #tpu.memory_space<vmem>>, vector<1x8x256xf32>
      %swap3A_2425 = vector.shape_cast %swap3A_2424 : vector<1x8x256xf32> to vector<8x256xf32>
      %swap3A_2426 = vector.shape_cast %mul3A_2418 : vector<8x256xf32> to vector<1x8x256xf32>
      tpu.vector_store %arg18[%swap3A_2421, %swap3A_2422, %swap3A_2423], %swap3A_2426 {strides = array<i32>} : memref<64x8x256xf32, #tpu.memory_space<vmem>>, vector<1x8x256xf32>,
      %scan3A_2427 = arith.constant 18 : i32
      %scan3A_2428 = arith.addi %scan3A_105, %scan3A_2427 : i32
      %mul3A_2429 = arith.constant 8 : i32
      %mul3A_2430 = arith.muli %scan3A_2428, %mul3A_2429 : i32
      %get3A_2431 = arith.index_cast %mul3A_2430 : i32 to index
      %get3A_2432 = arith.constant 0 : index
      %get3A_2433 = vector.load %arg15[%get3A_2431, %get3A_2432] : memref<512x1024xf32, #tpu.memory_space<vmem>>, vector<8x1024xf32>
      %convert_element_type3A_2434 = arith.truncf %mul3A_2351 : vector<8x256xf32> to vector<8x256xbf16>
      %get3A_2435 = arith.constant 0 : index
      %get3A_2436 = arith.constant 0 : index
      %get3A_2437 = vector.load %arg9[%get3A_2435, %get3A_2436] : memref<256x1024xbf16, #tpu.memory_space<vmem>>, vector<256x1024xbf16>
      %dot_general3A_2438 = arith.constant dense<0.000000e+00> : vector<8x1024xf32>
      %dot_general3A_2439 = tpu.matmul %convert_element_type3A_2434, %get3A_2437, %dot_general3A_2438 {dimension_numbers = #tpu.dot_dimension_numbers<[1], [0], [0], [1], [0, 0, 1, 1], [], []>, transpose_lhs_hint = false} : vector<8x256xbf16>, vector<256x1024xbf16>, vector<8x1024xf32> -> vector<8x1024xf32>
      %add3A_2440 = arith.addf %get3A_2433, %dot_general3A_2439 : vector<8x1024xf32>
      %slice3A_2441 = vector.extract_strided_slice %add3A_2440 {offsets = [0, 0], sizes = [8, 256], strides = [1, 1]} : vector<8x1024xf32> to vector<8x256xf32>
      %mul3A_2442 = arith.constant 5.000000e-01 : f32
      %mul3A_2443 = vector.broadcast %mul3A_2442 : f32 to vector<8x256xf32>
      %mul3A_2444 = arith.mulf %mul3A_2443, %slice3A_2441 : vector<8x256xf32>
      %tanh3A_2445 = math.tanh %mul3A_2444 : vector<8x256xf32>
      %mul3A_2446 = arith.constant 5.000000e-01 : f32
      %mul3A_2447 = vector.broadcast %mul3A_2446 : f32 to vector<8x256xf32>
      %mul3A_2448 = arith.mulf %mul3A_2447, %tanh3A_2445 : vector<8x256xf32>
      %add3A_2449 = arith.constant 5.000000e-01 : f32
      %add3A_2450 = vector.broadcast %add3A_2449 : f32 to vector<8x256xf32>
      %add3A_2451 = arith.addf %mul3A_2448, %add3A_2450 : vector<8x256xf32>
      %slice3A_2452 = vector.extract_strided_slice %add3A_2440 {offsets = [0, 256], sizes = [8, 256], strides = [1, 1]} : vector<8x1024xf32> to vector<8x256xf32>
      %mul3A_2453 = arith.constant 5.000000e-01 : f32
      %mul3A_2454 = vector.broadcast %mul3A_2453 : f32 to vector<8x256xf32>
      %mul3A_2455 = arith.mulf %mul3A_2454, %slice3A_2452 : vector<8x256xf32>
      %tanh3A_2456 = math.tanh %mul3A_2455 : vector<8x256xf32>
      %mul3A_2457 = arith.constant 5.000000e-01 : f32
      %mul3A_2458 = vector.broadcast %mul3A_2457 : f32 to vector<8x256xf32>
      %mul3A_2459 = arith.mulf %mul3A_2458, %tanh3A_2456 : vector<8x256xf32>
      %add3A_2460 = arith.constant 5.000000e-01 : f32
      %add3A_2461 = vector.broadcast %add3A_2460 : f32 to vector<8x256xf32>
      %add3A_2462 = arith.addf %mul3A_2459, %add3A_2461 : vector<8x256xf32>
      %slice3A_2463 = vector.extract_strided_slice %add3A_2440 {offsets = [0, 512], sizes = [8, 256], strides = [1, 1]} : vector<8x1024xf32> to vector<8x256xf32>
      %tanh3A_2464 = math.tanh %slice3A_2463 : vector<8x256xf32>
      %slice3A_2465 = vector.extract_strided_slice %add3A_2440 {offsets = [0, 768], sizes = [8, 256], strides = [1, 1]} : vector<8x1024xf32> to vector<8x256xf32>
      %mul3A_2466 = arith.constant 5.000000e-01 : f32
      %mul3A_2467 = vector.broadcast %mul3A_2466 : f32 to vector<8x256xf32>
      %mul3A_2468 = arith.mulf %mul3A_2467, %slice3A_2465 : vector<8x256xf32>
      %tanh3A_2469 = math.tanh %mul3A_2468 : vector<8x256xf32>
      %mul3A_2470 = arith.constant 5.000000e-01 : f32
      %mul3A_2471 = vector.broadcast %mul3A_2470 : f32 to vector<8x256xf32>
      %mul3A_2472 = arith.mulf %mul3A_2471, %tanh3A_2469 : vector<8x256xf32>
      %add3A_2473 = arith.constant 5.000000e-01 : f32
      %add3A_2474 = vector.broadcast %add3A_2473 : f32 to vector<8x256xf32>
      %add3A_2475 = arith.addf %mul3A_2472, %add3A_2474 : vector<8x256xf32>
      %mul3A_2476 = arith.mulf %add3A_2462, %add3A_2349 : vector<8x256xf32>
      %mul3A_2477 = arith.mulf %add3A_2451, %tanh3A_2464 : vector<8x256xf32>
      %add3A_2478 = arith.addf %mul3A_2476, %mul3A_2477 : vector<8x256xf32>
      %tanh3A_2479 = math.tanh %add3A_2478 : vector<8x256xf32>
      %mul3A_2480 = arith.mulf %add3A_2475, %tanh3A_2479 : vector<8x256xf32>
      %swap3A_2481 = arith.index_cast %scan3A_2428 : i32 to index
      %swap3A_2482 = arith.constant 0 : index
      %swap3A_2483 = arith.constant 0 : index
      %swap3A_2484 = vector.load %arg17[%swap3A_2481, %swap3A_2482, %swap3A_2483] : memref<64x8x256xf32, #tpu.memory_space<vmem>>, vector<1x8x256xf32>
      %swap3A_2485 = vector.shape_cast %swap3A_2484 : vector<1x8x256xf32> to vector<8x256xf32>
      %swap3A_2486 = vector.shape_cast %mul3A_2480 : vector<8x256xf32> to vector<1x8x256xf32>
      tpu.vector_store %arg17[%swap3A_2481, %swap3A_2482, %swap3A_2483], %swap3A_2486 {strides = array<i32>} : memref<64x8x256xf32, #tpu.memory_space<vmem>>, vector<1x8x256xf32>,
      %sub3A_2487 = arith.constant 63 : i32
      %sub3A_2488 = arith.subi %sub3A_2487, %scan3A_2428 : i32
      %mul3A_2489 = arith.constant 8 : i32
      %mul3A_2490 = arith.muli %sub3A_2488, %mul3A_2489 : i32
      %get3A_2491 = arith.index_cast %mul3A_2490 : i32 to index
      %get3A_2492 = arith.constant 0 : index
      %get3A_2493 = vector.load %arg16[%get3A_2491, %get3A_2492] : memref<512x1024xf32, #tpu.memory_space<vmem>>, vector<8x1024xf32>
      %convert_element_type3A_2494 = arith.truncf %mul3A_2418 : vector<8x256xf32> to vector<8x256xbf16>
      %get3A_2495 = arith.constant 0 : index
      %get3A_2496 = arith.constant 0 : index
      %get3A_2497 = vector.load %arg10[%get3A_2495, %get3A_2496] : memref<256x1024xbf16, #tpu.memory_space<vmem>>, vector<256x1024xbf16>
      %dot_general3A_2498 = arith.constant dense<0.000000e+00> : vector<8x1024xf32>
      %dot_general3A_2499 = tpu.matmul %convert_element_type3A_2494, %get3A_2497, %dot_general3A_2498 {dimension_numbers = #tpu.dot_dimension_numbers<[1], [0], [0], [1], [0, 0, 1, 1], [], []>, transpose_lhs_hint = false} : vector<8x256xbf16>, vector<256x1024xbf16>, vector<8x1024xf32> -> vector<8x1024xf32>
      %add3A_2500 = arith.addf %get3A_2493, %dot_general3A_2499 : vector<8x1024xf32>
      %slice3A_2501 = vector.extract_strided_slice %add3A_2500 {offsets = [0, 0], sizes = [8, 256], strides = [1, 1]} : vector<8x1024xf32> to vector<8x256xf32>
      %mul3A_2502 = arith.constant 5.000000e-01 : f32
      %mul3A_2503 = vector.broadcast %mul3A_2502 : f32 to vector<8x256xf32>
      %mul3A_2504 = arith.mulf %mul3A_2503, %slice3A_2501 : vector<8x256xf32>
      %tanh3A_2505 = math.tanh %mul3A_2504 : vector<8x256xf32>
      %mul3A_2506 = arith.constant 5.000000e-01 : f32
      %mul3A_2507 = vector.broadcast %mul3A_2506 : f32 to vector<8x256xf32>
      %mul3A_2508 = arith.mulf %mul3A_2507, %tanh3A_2505 : vector<8x256xf32>
      %add3A_2509 = arith.constant 5.000000e-01 : f32
      %add3A_2510 = vector.broadcast %add3A_2509 : f32 to vector<8x256xf32>
      %add3A_2511 = arith.addf %mul3A_2508, %add3A_2510 : vector<8x256xf32>
      %slice3A_2512 = vector.extract_strided_slice %add3A_2500 {offsets = [0, 256], sizes = [8, 256], strides = [1, 1]} : vector<8x1024xf32> to vector<8x256xf32>
      %mul3A_2513 = arith.constant 5.000000e-01 : f32
      %mul3A_2514 = vector.broadcast %mul3A_2513 : f32 to vector<8x256xf32>
      %mul3A_2515 = arith.mulf %mul3A_2514, %slice3A_2512 : vector<8x256xf32>
      %tanh3A_2516 = math.tanh %mul3A_2515 : vector<8x256xf32>
      %mul3A_2517 = arith.constant 5.000000e-01 : f32
      %mul3A_2518 = vector.broadcast %mul3A_2517 : f32 to vector<8x256xf32>
      %mul3A_2519 = arith.mulf %mul3A_2518, %tanh3A_2516 : vector<8x256xf32>
      %add3A_2520 = arith.constant 5.000000e-01 : f32
      %add3A_2521 = vector.broadcast %add3A_2520 : f32 to vector<8x256xf32>
      %add3A_2522 = arith.addf %mul3A_2519, %add3A_2521 : vector<8x256xf32>
      %slice3A_2523 = vector.extract_strided_slice %add3A_2500 {offsets = [0, 512], sizes = [8, 256], strides = [1, 1]} : vector<8x1024xf32> to vector<8x256xf32>
      %tanh3A_2524 = math.tanh %slice3A_2523 : vector<8x256xf32>
      %slice3A_2525 = vector.extract_strided_slice %add3A_2500 {offsets = [0, 768], sizes = [8, 256], strides = [1, 1]} : vector<8x1024xf32> to vector<8x256xf32>
      %mul3A_2526 = arith.constant 5.000000e-01 : f32
      %mul3A_2527 = vector.broadcast %mul3A_2526 : f32 to vector<8x256xf32>
      %mul3A_2528 = arith.mulf %mul3A_2527, %slice3A_2525 : vector<8x256xf32>
      %tanh3A_2529 = math.tanh %mul3A_2528 : vector<8x256xf32>
      %mul3A_2530 = arith.constant 5.000000e-01 : f32
      %mul3A_2531 = vector.broadcast %mul3A_2530 : f32 to vector<8x256xf32>
      %mul3A_2532 = arith.mulf %mul3A_2531, %tanh3A_2529 : vector<8x256xf32>
      %add3A_2533 = arith.constant 5.000000e-01 : f32
      %add3A_2534 = vector.broadcast %add3A_2533 : f32 to vector<8x256xf32>
      %add3A_2535 = arith.addf %mul3A_2532, %add3A_2534 : vector<8x256xf32>
      %mul3A_2536 = arith.mulf %add3A_2522, %mul3A_2420 : vector<8x256xf32>
      %mul3A_2537 = arith.mulf %add3A_2511, %tanh3A_2524 : vector<8x256xf32>
      %add3A_2538 = arith.addf %mul3A_2536, %mul3A_2537 : vector<8x256xf32>
      %add3A_2539 = arith.addi %mul3A_36, %sub3A_2488 : i32
      %lt3A_2540 = vector.broadcast %add3A_2539 : i32 to vector<8x1xi32>
      %lt3A_2541 = arith.cmpi slt, %lt3A_2540, %get3A_34 : vector<8x1xi32>
      %convert_element_type3A_2542 = arith.extui %lt3A_2541 : vector<8x1xi1> to vector<8x1xi32>
      %convert_element_type3A_2543 = arith.sitofp %convert_element_type3A_2542 : vector<8x1xi32> to vector<8x1xf32>
      %tanh3A_2544 = math.tanh %add3A_2538 : vector<8x256xf32>
      %mul3A_2545 = arith.mulf %add3A_2535, %tanh3A_2544 : vector<8x256xf32>
      %mul3A_2546 = vector.broadcast %convert_element_type3A_2543 : vector<8x1xf32> to vector<8x256xf32>
      %mul3A_2547 = arith.mulf %mul3A_2546, %mul3A_2545 : vector<8x256xf32>
      %mul3A_2548 = vector.broadcast %convert_element_type3A_2543 : vector<8x1xf32> to vector<8x256xf32>
      %mul3A_2549 = arith.mulf %mul3A_2548, %add3A_2538 : vector<8x256xf32>
      %swap3A_2550 = arith.index_cast %sub3A_2488 : i32 to index
      %swap3A_2551 = arith.constant 0 : index
      %swap3A_2552 = arith.constant 0 : index
      %swap3A_2553 = vector.load %arg18[%swap3A_2550, %swap3A_2551, %swap3A_2552] : memref<64x8x256xf32, #tpu.memory_space<vmem>>, vector<1x8x256xf32>
      %swap3A_2554 = vector.shape_cast %swap3A_2553 : vector<1x8x256xf32> to vector<8x256xf32>
      %swap3A_2555 = vector.shape_cast %mul3A_2547 : vector<8x256xf32> to vector<1x8x256xf32>
      tpu.vector_store %arg18[%swap3A_2550, %swap3A_2551, %swap3A_2552], %swap3A_2555 {strides = array<i32>} : memref<64x8x256xf32, #tpu.memory_space<vmem>>, vector<1x8x256xf32>,
      %scan3A_2556 = arith.constant 19 : i32
      %scan3A_2557 = arith.addi %scan3A_105, %scan3A_2556 : i32
      %mul3A_2558 = arith.constant 8 : i32
      %mul3A_2559 = arith.muli %scan3A_2557, %mul3A_2558 : i32
      %get3A_2560 = arith.index_cast %mul3A_2559 : i32 to index
      %get3A_2561 = arith.constant 0 : index
      %get3A_2562 = vector.load %arg15[%get3A_2560, %get3A_2561] : memref<512x1024xf32, #tpu.memory_space<vmem>>, vector<8x1024xf32>
      %convert_element_type3A_2563 = arith.truncf %mul3A_2480 : vector<8x256xf32> to vector<8x256xbf16>
      %get3A_2564 = arith.constant 0 : index
      %get3A_2565 = arith.constant 0 : index
      %get3A_2566 = vector.load %arg9[%get3A_2564, %get3A_2565] : memref<256x1024xbf16, #tpu.memory_space<vmem>>, vector<256x1024xbf16>
      %dot_general3A_2567 = arith.constant dense<0.000000e+00> : vector<8x1024xf32>
      %dot_general3A_2568 = tpu.matmul %convert_element_type3A_2563, %get3A_2566, %dot_general3A_2567 {dimension_numbers = #tpu.dot_dimension_numbers<[1], [0], [0], [1], [0, 0, 1, 1], [], []>, transpose_lhs_hint = false} : vector<8x256xbf16>, vector<256x1024xbf16>, vector<8x1024xf32> -> vector<8x1024xf32>
      %add3A_2569 = arith.addf %get3A_2562, %dot_general3A_2568 : vector<8x1024xf32>
      %slice3A_2570 = vector.extract_strided_slice %add3A_2569 {offsets = [0, 0], sizes = [8, 256], strides = [1, 1]} : vector<8x1024xf32> to vector<8x256xf32>
      %mul3A_2571 = arith.constant 5.000000e-01 : f32
      %mul3A_2572 = vector.broadcast %mul3A_2571 : f32 to vector<8x256xf32>
      %mul3A_2573 = arith.mulf %mul3A_2572, %slice3A_2570 : vector<8x256xf32>
      %tanh3A_2574 = math.tanh %mul3A_2573 : vector<8x256xf32>
      %mul3A_2575 = arith.constant 5.000000e-01 : f32
      %mul3A_2576 = vector.broadcast %mul3A_2575 : f32 to vector<8x256xf32>
      %mul3A_2577 = arith.mulf %mul3A_2576, %tanh3A_2574 : vector<8x256xf32>
      %add3A_2578 = arith.constant 5.000000e-01 : f32
      %add3A_2579 = vector.broadcast %add3A_2578 : f32 to vector<8x256xf32>
      %add3A_2580 = arith.addf %mul3A_2577, %add3A_2579 : vector<8x256xf32>
      %slice3A_2581 = vector.extract_strided_slice %add3A_2569 {offsets = [0, 256], sizes = [8, 256], strides = [1, 1]} : vector<8x1024xf32> to vector<8x256xf32>
      %mul3A_2582 = arith.constant 5.000000e-01 : f32
      %mul3A_2583 = vector.broadcast %mul3A_2582 : f32 to vector<8x256xf32>
      %mul3A_2584 = arith.mulf %mul3A_2583, %slice3A_2581 : vector<8x256xf32>
      %tanh3A_2585 = math.tanh %mul3A_2584 : vector<8x256xf32>
      %mul3A_2586 = arith.constant 5.000000e-01 : f32
      %mul3A_2587 = vector.broadcast %mul3A_2586 : f32 to vector<8x256xf32>
      %mul3A_2588 = arith.mulf %mul3A_2587, %tanh3A_2585 : vector<8x256xf32>
      %add3A_2589 = arith.constant 5.000000e-01 : f32
      %add3A_2590 = vector.broadcast %add3A_2589 : f32 to vector<8x256xf32>
      %add3A_2591 = arith.addf %mul3A_2588, %add3A_2590 : vector<8x256xf32>
      %slice3A_2592 = vector.extract_strided_slice %add3A_2569 {offsets = [0, 512], sizes = [8, 256], strides = [1, 1]} : vector<8x1024xf32> to vector<8x256xf32>
      %tanh3A_2593 = math.tanh %slice3A_2592 : vector<8x256xf32>
      %slice3A_2594 = vector.extract_strided_slice %add3A_2569 {offsets = [0, 768], sizes = [8, 256], strides = [1, 1]} : vector<8x1024xf32> to vector<8x256xf32>
      %mul3A_2595 = arith.constant 5.000000e-01 : f32
      %mul3A_2596 = vector.broadcast %mul3A_2595 : f32 to vector<8x256xf32>
      %mul3A_2597 = arith.mulf %mul3A_2596, %slice3A_2594 : vector<8x256xf32>
      %tanh3A_2598 = math.tanh %mul3A_2597 : vector<8x256xf32>
      %mul3A_2599 = arith.constant 5.000000e-01 : f32
      %mul3A_2600 = vector.broadcast %mul3A_2599 : f32 to vector<8x256xf32>
      %mul3A_2601 = arith.mulf %mul3A_2600, %tanh3A_2598 : vector<8x256xf32>
      %add3A_2602 = arith.constant 5.000000e-01 : f32
      %add3A_2603 = vector.broadcast %add3A_2602 : f32 to vector<8x256xf32>
      %add3A_2604 = arith.addf %mul3A_2601, %add3A_2603 : vector<8x256xf32>
      %mul3A_2605 = arith.mulf %add3A_2591, %add3A_2478 : vector<8x256xf32>
      %mul3A_2606 = arith.mulf %add3A_2580, %tanh3A_2593 : vector<8x256xf32>
      %add3A_2607 = arith.addf %mul3A_2605, %mul3A_2606 : vector<8x256xf32>
      %tanh3A_2608 = math.tanh %add3A_2607 : vector<8x256xf32>
      %mul3A_2609 = arith.mulf %add3A_2604, %tanh3A_2608 : vector<8x256xf32>
      %swap3A_2610 = arith.index_cast %scan3A_2557 : i32 to index
      %swap3A_2611 = arith.constant 0 : index
      %swap3A_2612 = arith.constant 0 : index
      %swap3A_2613 = vector.load %arg17[%swap3A_2610, %swap3A_2611, %swap3A_2612] : memref<64x8x256xf32, #tpu.memory_space<vmem>>, vector<1x8x256xf32>
      %swap3A_2614 = vector.shape_cast %swap3A_2613 : vector<1x8x256xf32> to vector<8x256xf32>
      %swap3A_2615 = vector.shape_cast %mul3A_2609 : vector<8x256xf32> to vector<1x8x256xf32>
      tpu.vector_store %arg17[%swap3A_2610, %swap3A_2611, %swap3A_2612], %swap3A_2615 {strides = array<i32>} : memref<64x8x256xf32, #tpu.memory_space<vmem>>, vector<1x8x256xf32>,
      %sub3A_2616 = arith.constant 63 : i32
      %sub3A_2617 = arith.subi %sub3A_2616, %scan3A_2557 : i32
      %mul3A_2618 = arith.constant 8 : i32
      %mul3A_2619 = arith.muli %sub3A_2617, %mul3A_2618 : i32
      %get3A_2620 = arith.index_cast %mul3A_2619 : i32 to index
      %get3A_2621 = arith.constant 0 : index
      %get3A_2622 = vector.load %arg16[%get3A_2620, %get3A_2621] : memref<512x1024xf32, #tpu.memory_space<vmem>>, vector<8x1024xf32>
      %convert_element_type3A_2623 = arith.truncf %mul3A_2547 : vector<8x256xf32> to vector<8x256xbf16>
      %get3A_2624 = arith.constant 0 : index
      %get3A_2625 = arith.constant 0 : index
      %get3A_2626 = vector.load %arg10[%get3A_2624, %get3A_2625] : memref<256x1024xbf16, #tpu.memory_space<vmem>>, vector<256x1024xbf16>
      %dot_general3A_2627 = arith.constant dense<0.000000e+00> : vector<8x1024xf32>
      %dot_general3A_2628 = tpu.matmul %convert_element_type3A_2623, %get3A_2626, %dot_general3A_2627 {dimension_numbers = #tpu.dot_dimension_numbers<[1], [0], [0], [1], [0, 0, 1, 1], [], []>, transpose_lhs_hint = false} : vector<8x256xbf16>, vector<256x1024xbf16>, vector<8x1024xf32> -> vector<8x1024xf32>
      %add3A_2629 = arith.addf %get3A_2622, %dot_general3A_2628 : vector<8x1024xf32>
      %slice3A_2630 = vector.extract_strided_slice %add3A_2629 {offsets = [0, 0], sizes = [8, 256], strides = [1, 1]} : vector<8x1024xf32> to vector<8x256xf32>
      %mul3A_2631 = arith.constant 5.000000e-01 : f32
      %mul3A_2632 = vector.broadcast %mul3A_2631 : f32 to vector<8x256xf32>
      %mul3A_2633 = arith.mulf %mul3A_2632, %slice3A_2630 : vector<8x256xf32>
      %tanh3A_2634 = math.tanh %mul3A_2633 : vector<8x256xf32>
      %mul3A_2635 = arith.constant 5.000000e-01 : f32
      %mul3A_2636 = vector.broadcast %mul3A_2635 : f32 to vector<8x256xf32>
      %mul3A_2637 = arith.mulf %mul3A_2636, %tanh3A_2634 : vector<8x256xf32>
      %add3A_2638 = arith.constant 5.000000e-01 : f32
      %add3A_2639 = vector.broadcast %add3A_2638 : f32 to vector<8x256xf32>
      %add3A_2640 = arith.addf %mul3A_2637, %add3A_2639 : vector<8x256xf32>
      %slice3A_2641 = vector.extract_strided_slice %add3A_2629 {offsets = [0, 256], sizes = [8, 256], strides = [1, 1]} : vector<8x1024xf32> to vector<8x256xf32>
      %mul3A_2642 = arith.constant 5.000000e-01 : f32
      %mul3A_2643 = vector.broadcast %mul3A_2642 : f32 to vector<8x256xf32>
      %mul3A_2644 = arith.mulf %mul3A_2643, %slice3A_2641 : vector<8x256xf32>
      %tanh3A_2645 = math.tanh %mul3A_2644 : vector<8x256xf32>
      %mul3A_2646 = arith.constant 5.000000e-01 : f32
      %mul3A_2647 = vector.broadcast %mul3A_2646 : f32 to vector<8x256xf32>
      %mul3A_2648 = arith.mulf %mul3A_2647, %tanh3A_2645 : vector<8x256xf32>
      %add3A_2649 = arith.constant 5.000000e-01 : f32
      %add3A_2650 = vector.broadcast %add3A_2649 : f32 to vector<8x256xf32>
      %add3A_2651 = arith.addf %mul3A_2648, %add3A_2650 : vector<8x256xf32>
      %slice3A_2652 = vector.extract_strided_slice %add3A_2629 {offsets = [0, 512], sizes = [8, 256], strides = [1, 1]} : vector<8x1024xf32> to vector<8x256xf32>
      %tanh3A_2653 = math.tanh %slice3A_2652 : vector<8x256xf32>
      %slice3A_2654 = vector.extract_strided_slice %add3A_2629 {offsets = [0, 768], sizes = [8, 256], strides = [1, 1]} : vector<8x1024xf32> to vector<8x256xf32>
      %mul3A_2655 = arith.constant 5.000000e-01 : f32
      %mul3A_2656 = vector.broadcast %mul3A_2655 : f32 to vector<8x256xf32>
      %mul3A_2657 = arith.mulf %mul3A_2656, %slice3A_2654 : vector<8x256xf32>
      %tanh3A_2658 = math.tanh %mul3A_2657 : vector<8x256xf32>
      %mul3A_2659 = arith.constant 5.000000e-01 : f32
      %mul3A_2660 = vector.broadcast %mul3A_2659 : f32 to vector<8x256xf32>
      %mul3A_2661 = arith.mulf %mul3A_2660, %tanh3A_2658 : vector<8x256xf32>
      %add3A_2662 = arith.constant 5.000000e-01 : f32
      %add3A_2663 = vector.broadcast %add3A_2662 : f32 to vector<8x256xf32>
      %add3A_2664 = arith.addf %mul3A_2661, %add3A_2663 : vector<8x256xf32>
      %mul3A_2665 = arith.mulf %add3A_2651, %mul3A_2549 : vector<8x256xf32>
      %mul3A_2666 = arith.mulf %add3A_2640, %tanh3A_2653 : vector<8x256xf32>
      %add3A_2667 = arith.addf %mul3A_2665, %mul3A_2666 : vector<8x256xf32>
      %add3A_2668 = arith.addi %mul3A_36, %sub3A_2617 : i32
      %lt3A_2669 = vector.broadcast %add3A_2668 : i32 to vector<8x1xi32>
      %lt3A_2670 = arith.cmpi slt, %lt3A_2669, %get3A_34 : vector<8x1xi32>
      %convert_element_type3A_2671 = arith.extui %lt3A_2670 : vector<8x1xi1> to vector<8x1xi32>
      %convert_element_type3A_2672 = arith.sitofp %convert_element_type3A_2671 : vector<8x1xi32> to vector<8x1xf32>
      %tanh3A_2673 = math.tanh %add3A_2667 : vector<8x256xf32>
      %mul3A_2674 = arith.mulf %add3A_2664, %tanh3A_2673 : vector<8x256xf32>
      %mul3A_2675 = vector.broadcast %convert_element_type3A_2672 : vector<8x1xf32> to vector<8x256xf32>
      %mul3A_2676 = arith.mulf %mul3A_2675, %mul3A_2674 : vector<8x256xf32>
      %mul3A_2677 = vector.broadcast %convert_element_type3A_2672 : vector<8x1xf32> to vector<8x256xf32>
      %mul3A_2678 = arith.mulf %mul3A_2677, %add3A_2667 : vector<8x256xf32>
      %swap3A_2679 = arith.index_cast %sub3A_2617 : i32 to index
      %swap3A_2680 = arith.constant 0 : index
      %swap3A_2681 = arith.constant 0 : index
      %swap3A_2682 = vector.load %arg18[%swap3A_2679, %swap3A_2680, %swap3A_2681] : memref<64x8x256xf32, #tpu.memory_space<vmem>>, vector<1x8x256xf32>
      %swap3A_2683 = vector.shape_cast %swap3A_2682 : vector<1x8x256xf32> to vector<8x256xf32>
      %swap3A_2684 = vector.shape_cast %mul3A_2676 : vector<8x256xf32> to vector<1x8x256xf32>
      tpu.vector_store %arg18[%swap3A_2679, %swap3A_2680, %swap3A_2681], %swap3A_2684 {strides = array<i32>} : memref<64x8x256xf32, #tpu.memory_space<vmem>>, vector<1x8x256xf32>,
      %scan3A_2685 = arith.constant 20 : i32
      %scan3A_2686 = arith.addi %scan3A_105, %scan3A_2685 : i32
      %mul3A_2687 = arith.constant 8 : i32
      %mul3A_2688 = arith.muli %scan3A_2686, %mul3A_2687 : i32
      %get3A_2689 = arith.index_cast %mul3A_2688 : i32 to index
      %get3A_2690 = arith.constant 0 : index
      %get3A_2691 = vector.load %arg15[%get3A_2689, %get3A_2690] : memref<512x1024xf32, #tpu.memory_space<vmem>>, vector<8x1024xf32>
      %convert_element_type3A_2692 = arith.truncf %mul3A_2609 : vector<8x256xf32> to vector<8x256xbf16>
      %get3A_2693 = arith.constant 0 : index
      %get3A_2694 = arith.constant 0 : index
      %get3A_2695 = vector.load %arg9[%get3A_2693, %get3A_2694] : memref<256x1024xbf16, #tpu.memory_space<vmem>>, vector<256x1024xbf16>
      %dot_general3A_2696 = arith.constant dense<0.000000e+00> : vector<8x1024xf32>
      %dot_general3A_2697 = tpu.matmul %convert_element_type3A_2692, %get3A_2695, %dot_general3A_2696 {dimension_numbers = #tpu.dot_dimension_numbers<[1], [0], [0], [1], [0, 0, 1, 1], [], []>, transpose_lhs_hint = false} : vector<8x256xbf16>, vector<256x1024xbf16>, vector<8x1024xf32> -> vector<8x1024xf32>
      %add3A_2698 = arith.addf %get3A_2691, %dot_general3A_2697 : vector<8x1024xf32>
      %slice3A_2699 = vector.extract_strided_slice %add3A_2698 {offsets = [0, 0], sizes = [8, 256], strides = [1, 1]} : vector<8x1024xf32> to vector<8x256xf32>
      %mul3A_2700 = arith.constant 5.000000e-01 : f32
      %mul3A_2701 = vector.broadcast %mul3A_2700 : f32 to vector<8x256xf32>
      %mul3A_2702 = arith.mulf %mul3A_2701, %slice3A_2699 : vector<8x256xf32>
      %tanh3A_2703 = math.tanh %mul3A_2702 : vector<8x256xf32>
      %mul3A_2704 = arith.constant 5.000000e-01 : f32
      %mul3A_2705 = vector.broadcast %mul3A_2704 : f32 to vector<8x256xf32>
      %mul3A_2706 = arith.mulf %mul3A_2705, %tanh3A_2703 : vector<8x256xf32>
      %add3A_2707 = arith.constant 5.000000e-01 : f32
      %add3A_2708 = vector.broadcast %add3A_2707 : f32 to vector<8x256xf32>
      %add3A_2709 = arith.addf %mul3A_2706, %add3A_2708 : vector<8x256xf32>
      %slice3A_2710 = vector.extract_strided_slice %add3A_2698 {offsets = [0, 256], sizes = [8, 256], strides = [1, 1]} : vector<8x1024xf32> to vector<8x256xf32>
      %mul3A_2711 = arith.constant 5.000000e-01 : f32
      %mul3A_2712 = vector.broadcast %mul3A_2711 : f32 to vector<8x256xf32>
      %mul3A_2713 = arith.mulf %mul3A_2712, %slice3A_2710 : vector<8x256xf32>
      %tanh3A_2714 = math.tanh %mul3A_2713 : vector<8x256xf32>
      %mul3A_2715 = arith.constant 5.000000e-01 : f32
      %mul3A_2716 = vector.broadcast %mul3A_2715 : f32 to vector<8x256xf32>
      %mul3A_2717 = arith.mulf %mul3A_2716, %tanh3A_2714 : vector<8x256xf32>
      %add3A_2718 = arith.constant 5.000000e-01 : f32
      %add3A_2719 = vector.broadcast %add3A_2718 : f32 to vector<8x256xf32>
      %add3A_2720 = arith.addf %mul3A_2717, %add3A_2719 : vector<8x256xf32>
      %slice3A_2721 = vector.extract_strided_slice %add3A_2698 {offsets = [0, 512], sizes = [8, 256], strides = [1, 1]} : vector<8x1024xf32> to vector<8x256xf32>
      %tanh3A_2722 = math.tanh %slice3A_2721 : vector<8x256xf32>
      %slice3A_2723 = vector.extract_strided_slice %add3A_2698 {offsets = [0, 768], sizes = [8, 256], strides = [1, 1]} : vector<8x1024xf32> to vector<8x256xf32>
      %mul3A_2724 = arith.constant 5.000000e-01 : f32
      %mul3A_2725 = vector.broadcast %mul3A_2724 : f32 to vector<8x256xf32>
      %mul3A_2726 = arith.mulf %mul3A_2725, %slice3A_2723 : vector<8x256xf32>
      %tanh3A_2727 = math.tanh %mul3A_2726 : vector<8x256xf32>
      %mul3A_2728 = arith.constant 5.000000e-01 : f32
      %mul3A_2729 = vector.broadcast %mul3A_2728 : f32 to vector<8x256xf32>
      %mul3A_2730 = arith.mulf %mul3A_2729, %tanh3A_2727 : vector<8x256xf32>
      %add3A_2731 = arith.constant 5.000000e-01 : f32
      %add3A_2732 = vector.broadcast %add3A_2731 : f32 to vector<8x256xf32>
      %add3A_2733 = arith.addf %mul3A_2730, %add3A_2732 : vector<8x256xf32>
      %mul3A_2734 = arith.mulf %add3A_2720, %add3A_2607 : vector<8x256xf32>
      %mul3A_2735 = arith.mulf %add3A_2709, %tanh3A_2722 : vector<8x256xf32>
      %add3A_2736 = arith.addf %mul3A_2734, %mul3A_2735 : vector<8x256xf32>
      %tanh3A_2737 = math.tanh %add3A_2736 : vector<8x256xf32>
      %mul3A_2738 = arith.mulf %add3A_2733, %tanh3A_2737 : vector<8x256xf32>
      %swap3A_2739 = arith.index_cast %scan3A_2686 : i32 to index
      %swap3A_2740 = arith.constant 0 : index
      %swap3A_2741 = arith.constant 0 : index
      %swap3A_2742 = vector.load %arg17[%swap3A_2739, %swap3A_2740, %swap3A_2741] : memref<64x8x256xf32, #tpu.memory_space<vmem>>, vector<1x8x256xf32>
      %swap3A_2743 = vector.shape_cast %swap3A_2742 : vector<1x8x256xf32> to vector<8x256xf32>
      %swap3A_2744 = vector.shape_cast %mul3A_2738 : vector<8x256xf32> to vector<1x8x256xf32>
      tpu.vector_store %arg17[%swap3A_2739, %swap3A_2740, %swap3A_2741], %swap3A_2744 {strides = array<i32>} : memref<64x8x256xf32, #tpu.memory_space<vmem>>, vector<1x8x256xf32>,
      %sub3A_2745 = arith.constant 63 : i32
      %sub3A_2746 = arith.subi %sub3A_2745, %scan3A_2686 : i32
      %mul3A_2747 = arith.constant 8 : i32
      %mul3A_2748 = arith.muli %sub3A_2746, %mul3A_2747 : i32
      %get3A_2749 = arith.index_cast %mul3A_2748 : i32 to index
      %get3A_2750 = arith.constant 0 : index
      %get3A_2751 = vector.load %arg16[%get3A_2749, %get3A_2750] : memref<512x1024xf32, #tpu.memory_space<vmem>>, vector<8x1024xf32>
      %convert_element_type3A_2752 = arith.truncf %mul3A_2676 : vector<8x256xf32> to vector<8x256xbf16>
      %get3A_2753 = arith.constant 0 : index
      %get3A_2754 = arith.constant 0 : index
      %get3A_2755 = vector.load %arg10[%get3A_2753, %get3A_2754] : memref<256x1024xbf16, #tpu.memory_space<vmem>>, vector<256x1024xbf16>
      %dot_general3A_2756 = arith.constant dense<0.000000e+00> : vector<8x1024xf32>
      %dot_general3A_2757 = tpu.matmul %convert_element_type3A_2752, %get3A_2755, %dot_general3A_2756 {dimension_numbers = #tpu.dot_dimension_numbers<[1], [0], [0], [1], [0, 0, 1, 1], [], []>, transpose_lhs_hint = false} : vector<8x256xbf16>, vector<256x1024xbf16>, vector<8x1024xf32> -> vector<8x1024xf32>
      %add3A_2758 = arith.addf %get3A_2751, %dot_general3A_2757 : vector<8x1024xf32>
      %slice3A_2759 = vector.extract_strided_slice %add3A_2758 {offsets = [0, 0], sizes = [8, 256], strides = [1, 1]} : vector<8x1024xf32> to vector<8x256xf32>
      %mul3A_2760 = arith.constant 5.000000e-01 : f32
      %mul3A_2761 = vector.broadcast %mul3A_2760 : f32 to vector<8x256xf32>
      %mul3A_2762 = arith.mulf %mul3A_2761, %slice3A_2759 : vector<8x256xf32>
      %tanh3A_2763 = math.tanh %mul3A_2762 : vector<8x256xf32>
      %mul3A_2764 = arith.constant 5.000000e-01 : f32
      %mul3A_2765 = vector.broadcast %mul3A_2764 : f32 to vector<8x256xf32>
      %mul3A_2766 = arith.mulf %mul3A_2765, %tanh3A_2763 : vector<8x256xf32>
      %add3A_2767 = arith.constant 5.000000e-01 : f32
      %add3A_2768 = vector.broadcast %add3A_2767 : f32 to vector<8x256xf32>
      %add3A_2769 = arith.addf %mul3A_2766, %add3A_2768 : vector<8x256xf32>
      %slice3A_2770 = vector.extract_strided_slice %add3A_2758 {offsets = [0, 256], sizes = [8, 256], strides = [1, 1]} : vector<8x1024xf32> to vector<8x256xf32>
      %mul3A_2771 = arith.constant 5.000000e-01 : f32
      %mul3A_2772 = vector.broadcast %mul3A_2771 : f32 to vector<8x256xf32>
      %mul3A_2773 = arith.mulf %mul3A_2772, %slice3A_2770 : vector<8x256xf32>
      %tanh3A_2774 = math.tanh %mul3A_2773 : vector<8x256xf32>
      %mul3A_2775 = arith.constant 5.000000e-01 : f32
      %mul3A_2776 = vector.broadcast %mul3A_2775 : f32 to vector<8x256xf32>
      %mul3A_2777 = arith.mulf %mul3A_2776, %tanh3A_2774 : vector<8x256xf32>
      %add3A_2778 = arith.constant 5.000000e-01 : f32
      %add3A_2779 = vector.broadcast %add3A_2778 : f32 to vector<8x256xf32>
      %add3A_2780 = arith.addf %mul3A_2777, %add3A_2779 : vector<8x256xf32>
      %slice3A_2781 = vector.extract_strided_slice %add3A_2758 {offsets = [0, 512], sizes = [8, 256], strides = [1, 1]} : vector<8x1024xf32> to vector<8x256xf32>
      %tanh3A_2782 = math.tanh %slice3A_2781 : vector<8x256xf32>
      %slice3A_2783 = vector.extract_strided_slice %add3A_2758 {offsets = [0, 768], sizes = [8, 256], strides = [1, 1]} : vector<8x1024xf32> to vector<8x256xf32>
      %mul3A_2784 = arith.constant 5.000000e-01 : f32
      %mul3A_2785 = vector.broadcast %mul3A_2784 : f32 to vector<8x256xf32>
      %mul3A_2786 = arith.mulf %mul3A_2785, %slice3A_2783 : vector<8x256xf32>
      %tanh3A_2787 = math.tanh %mul3A_2786 : vector<8x256xf32>
      %mul3A_2788 = arith.constant 5.000000e-01 : f32
      %mul3A_2789 = vector.broadcast %mul3A_2788 : f32 to vector<8x256xf32>
      %mul3A_2790 = arith.mulf %mul3A_2789, %tanh3A_2787 : vector<8x256xf32>
      %add3A_2791 = arith.constant 5.000000e-01 : f32
      %add3A_2792 = vector.broadcast %add3A_2791 : f32 to vector<8x256xf32>
      %add3A_2793 = arith.addf %mul3A_2790, %add3A_2792 : vector<8x256xf32>
      %mul3A_2794 = arith.mulf %add3A_2780, %mul3A_2678 : vector<8x256xf32>
      %mul3A_2795 = arith.mulf %add3A_2769, %tanh3A_2782 : vector<8x256xf32>
      %add3A_2796 = arith.addf %mul3A_2794, %mul3A_2795 : vector<8x256xf32>
      %add3A_2797 = arith.addi %mul3A_36, %sub3A_2746 : i32
      %lt3A_2798 = vector.broadcast %add3A_2797 : i32 to vector<8x1xi32>
      %lt3A_2799 = arith.cmpi slt, %lt3A_2798, %get3A_34 : vector<8x1xi32>
      %convert_element_type3A_2800 = arith.extui %lt3A_2799 : vector<8x1xi1> to vector<8x1xi32>
      %convert_element_type3A_2801 = arith.sitofp %convert_element_type3A_2800 : vector<8x1xi32> to vector<8x1xf32>
      %tanh3A_2802 = math.tanh %add3A_2796 : vector<8x256xf32>
      %mul3A_2803 = arith.mulf %add3A_2793, %tanh3A_2802 : vector<8x256xf32>
      %mul3A_2804 = vector.broadcast %convert_element_type3A_2801 : vector<8x1xf32> to vector<8x256xf32>
      %mul3A_2805 = arith.mulf %mul3A_2804, %mul3A_2803 : vector<8x256xf32>
      %mul3A_2806 = vector.broadcast %convert_element_type3A_2801 : vector<8x1xf32> to vector<8x256xf32>
      %mul3A_2807 = arith.mulf %mul3A_2806, %add3A_2796 : vector<8x256xf32>
      %swap3A_2808 = arith.index_cast %sub3A_2746 : i32 to index
      %swap3A_2809 = arith.constant 0 : index
      %swap3A_2810 = arith.constant 0 : index
      %swap3A_2811 = vector.load %arg18[%swap3A_2808, %swap3A_2809, %swap3A_2810] : memref<64x8x256xf32, #tpu.memory_space<vmem>>, vector<1x8x256xf32>
      %swap3A_2812 = vector.shape_cast %swap3A_2811 : vector<1x8x256xf32> to vector<8x256xf32>
      %swap3A_2813 = vector.shape_cast %mul3A_2805 : vector<8x256xf32> to vector<1x8x256xf32>
      tpu.vector_store %arg18[%swap3A_2808, %swap3A_2809, %swap3A_2810], %swap3A_2813 {strides = array<i32>} : memref<64x8x256xf32, #tpu.memory_space<vmem>>, vector<1x8x256xf32>,
      %scan3A_2814 = arith.constant 21 : i32
      %scan3A_2815 = arith.addi %scan3A_105, %scan3A_2814 : i32
      %mul3A_2816 = arith.constant 8 : i32
      %mul3A_2817 = arith.muli %scan3A_2815, %mul3A_2816 : i32
      %get3A_2818 = arith.index_cast %mul3A_2817 : i32 to index
      %get3A_2819 = arith.constant 0 : index
      %get3A_2820 = vector.load %arg15[%get3A_2818, %get3A_2819] : memref<512x1024xf32, #tpu.memory_space<vmem>>, vector<8x1024xf32>
      %convert_element_type3A_2821 = arith.truncf %mul3A_2738 : vector<8x256xf32> to vector<8x256xbf16>
      %get3A_2822 = arith.constant 0 : index
      %get3A_2823 = arith.constant 0 : index
      %get3A_2824 = vector.load %arg9[%get3A_2822, %get3A_2823] : memref<256x1024xbf16, #tpu.memory_space<vmem>>, vector<256x1024xbf16>
      %dot_general3A_2825 = arith.constant dense<0.000000e+00> : vector<8x1024xf32>
      %dot_general3A_2826 = tpu.matmul %convert_element_type3A_2821, %get3A_2824, %dot_general3A_2825 {dimension_numbers = #tpu.dot_dimension_numbers<[1], [0], [0], [1], [0, 0, 1, 1], [], []>, transpose_lhs_hint = false} : vector<8x256xbf16>, vector<256x1024xbf16>, vector<8x1024xf32> -> vector<8x1024xf32>
      %add3A_2827 = arith.addf %get3A_2820, %dot_general3A_2826 : vector<8x1024xf32>
      %slice3A_2828 = vector.extract_strided_slice %add3A_2827 {offsets = [0, 0], sizes = [8, 256], strides = [1, 1]} : vector<8x1024xf32> to vector<8x256xf32>
      %mul3A_2829 = arith.constant 5.000000e-01 : f32
      %mul3A_2830 = vector.broadcast %mul3A_2829 : f32 to vector<8x256xf32>
      %mul3A_2831 = arith.mulf %mul3A_2830, %slice3A_2828 : vector<8x256xf32>
      %tanh3A_2832 = math.tanh %mul3A_2831 : vector<8x256xf32>
      %mul3A_2833 = arith.constant 5.000000e-01 : f32
      %mul3A_2834 = vector.broadcast %mul3A_2833 : f32 to vector<8x256xf32>
      %mul3A_2835 = arith.mulf %mul3A_2834, %tanh3A_2832 : vector<8x256xf32>
      %add3A_2836 = arith.constant 5.000000e-01 : f32
      %add3A_2837 = vector.broadcast %add3A_2836 : f32 to vector<8x256xf32>
      %add3A_2838 = arith.addf %mul3A_2835, %add3A_2837 : vector<8x256xf32>
      %slice3A_2839 = vector.extract_strided_slice %add3A_2827 {offsets = [0, 256], sizes = [8, 256], strides = [1, 1]} : vector<8x1024xf32> to vector<8x256xf32>
      %mul3A_2840 = arith.constant 5.000000e-01 : f32
      %mul3A_2841 = vector.broadcast %mul3A_2840 : f32 to vector<8x256xf32>
      %mul3A_2842 = arith.mulf %mul3A_2841, %slice3A_2839 : vector<8x256xf32>
      %tanh3A_2843 = math.tanh %mul3A_2842 : vector<8x256xf32>
      %mul3A_2844 = arith.constant 5.000000e-01 : f32
      %mul3A_2845 = vector.broadcast %mul3A_2844 : f32 to vector<8x256xf32>
      %mul3A_2846 = arith.mulf %mul3A_2845, %tanh3A_2843 : vector<8x256xf32>
      %add3A_2847 = arith.constant 5.000000e-01 : f32
      %add3A_2848 = vector.broadcast %add3A_2847 : f32 to vector<8x256xf32>
      %add3A_2849 = arith.addf %mul3A_2846, %add3A_2848 : vector<8x256xf32>
      %slice3A_2850 = vector.extract_strided_slice %add3A_2827 {offsets = [0, 512], sizes = [8, 256], strides = [1, 1]} : vector<8x1024xf32> to vector<8x256xf32>
      %tanh3A_2851 = math.tanh %slice3A_2850 : vector<8x256xf32>
      %slice3A_2852 = vector.extract_strided_slice %add3A_2827 {offsets = [0, 768], sizes = [8, 256], strides = [1, 1]} : vector<8x1024xf32> to vector<8x256xf32>
      %mul3A_2853 = arith.constant 5.000000e-01 : f32
      %mul3A_2854 = vector.broadcast %mul3A_2853 : f32 to vector<8x256xf32>
      %mul3A_2855 = arith.mulf %mul3A_2854, %slice3A_2852 : vector<8x256xf32>
      %tanh3A_2856 = math.tanh %mul3A_2855 : vector<8x256xf32>
      %mul3A_2857 = arith.constant 5.000000e-01 : f32
      %mul3A_2858 = vector.broadcast %mul3A_2857 : f32 to vector<8x256xf32>
      %mul3A_2859 = arith.mulf %mul3A_2858, %tanh3A_2856 : vector<8x256xf32>
      %add3A_2860 = arith.constant 5.000000e-01 : f32
      %add3A_2861 = vector.broadcast %add3A_2860 : f32 to vector<8x256xf32>
      %add3A_2862 = arith.addf %mul3A_2859, %add3A_2861 : vector<8x256xf32>
      %mul3A_2863 = arith.mulf %add3A_2849, %add3A_2736 : vector<8x256xf32>
      %mul3A_2864 = arith.mulf %add3A_2838, %tanh3A_2851 : vector<8x256xf32>
      %add3A_2865 = arith.addf %mul3A_2863, %mul3A_2864 : vector<8x256xf32>
      %tanh3A_2866 = math.tanh %add3A_2865 : vector<8x256xf32>
      %mul3A_2867 = arith.mulf %add3A_2862, %tanh3A_2866 : vector<8x256xf32>
      %swap3A_2868 = arith.index_cast %scan3A_2815 : i32 to index
      %swap3A_2869 = arith.constant 0 : index
      %swap3A_2870 = arith.constant 0 : index
      %swap3A_2871 = vector.load %arg17[%swap3A_2868, %swap3A_2869, %swap3A_2870] : memref<64x8x256xf32, #tpu.memory_space<vmem>>, vector<1x8x256xf32>
      %swap3A_2872 = vector.shape_cast %swap3A_2871 : vector<1x8x256xf32> to vector<8x256xf32>
      %swap3A_2873 = vector.shape_cast %mul3A_2867 : vector<8x256xf32> to vector<1x8x256xf32>
      tpu.vector_store %arg17[%swap3A_2868, %swap3A_2869, %swap3A_2870], %swap3A_2873 {strides = array<i32>} : memref<64x8x256xf32, #tpu.memory_space<vmem>>, vector<1x8x256xf32>,
      %sub3A_2874 = arith.constant 63 : i32
      %sub3A_2875 = arith.subi %sub3A_2874, %scan3A_2815 : i32
      %mul3A_2876 = arith.constant 8 : i32
      %mul3A_2877 = arith.muli %sub3A_2875, %mul3A_2876 : i32
      %get3A_2878 = arith.index_cast %mul3A_2877 : i32 to index
      %get3A_2879 = arith.constant 0 : index
      %get3A_2880 = vector.load %arg16[%get3A_2878, %get3A_2879] : memref<512x1024xf32, #tpu.memory_space<vmem>>, vector<8x1024xf32>
      %convert_element_type3A_2881 = arith.truncf %mul3A_2805 : vector<8x256xf32> to vector<8x256xbf16>
      %get3A_2882 = arith.constant 0 : index
      %get3A_2883 = arith.constant 0 : index
      %get3A_2884 = vector.load %arg10[%get3A_2882, %get3A_2883] : memref<256x1024xbf16, #tpu.memory_space<vmem>>, vector<256x1024xbf16>
      %dot_general3A_2885 = arith.constant dense<0.000000e+00> : vector<8x1024xf32>
      %dot_general3A_2886 = tpu.matmul %convert_element_type3A_2881, %get3A_2884, %dot_general3A_2885 {dimension_numbers = #tpu.dot_dimension_numbers<[1], [0], [0], [1], [0, 0, 1, 1], [], []>, transpose_lhs_hint = false} : vector<8x256xbf16>, vector<256x1024xbf16>, vector<8x1024xf32> -> vector<8x1024xf32>
      %add3A_2887 = arith.addf %get3A_2880, %dot_general3A_2886 : vector<8x1024xf32>
      %slice3A_2888 = vector.extract_strided_slice %add3A_2887 {offsets = [0, 0], sizes = [8, 256], strides = [1, 1]} : vector<8x1024xf32> to vector<8x256xf32>
      %mul3A_2889 = arith.constant 5.000000e-01 : f32
      %mul3A_2890 = vector.broadcast %mul3A_2889 : f32 to vector<8x256xf32>
      %mul3A_2891 = arith.mulf %mul3A_2890, %slice3A_2888 : vector<8x256xf32>
      %tanh3A_2892 = math.tanh %mul3A_2891 : vector<8x256xf32>
      %mul3A_2893 = arith.constant 5.000000e-01 : f32
      %mul3A_2894 = vector.broadcast %mul3A_2893 : f32 to vector<8x256xf32>
      %mul3A_2895 = arith.mulf %mul3A_2894, %tanh3A_2892 : vector<8x256xf32>
      %add3A_2896 = arith.constant 5.000000e-01 : f32
      %add3A_2897 = vector.broadcast %add3A_2896 : f32 to vector<8x256xf32>
      %add3A_2898 = arith.addf %mul3A_2895, %add3A_2897 : vector<8x256xf32>
      %slice3A_2899 = vector.extract_strided_slice %add3A_2887 {offsets = [0, 256], sizes = [8, 256], strides = [1, 1]} : vector<8x1024xf32> to vector<8x256xf32>
      %mul3A_2900 = arith.constant 5.000000e-01 : f32
      %mul3A_2901 = vector.broadcast %mul3A_2900 : f32 to vector<8x256xf32>
      %mul3A_2902 = arith.mulf %mul3A_2901, %slice3A_2899 : vector<8x256xf32>
      %tanh3A_2903 = math.tanh %mul3A_2902 : vector<8x256xf32>
      %mul3A_2904 = arith.constant 5.000000e-01 : f32
      %mul3A_2905 = vector.broadcast %mul3A_2904 : f32 to vector<8x256xf32>
      %mul3A_2906 = arith.mulf %mul3A_2905, %tanh3A_2903 : vector<8x256xf32>
      %add3A_2907 = arith.constant 5.000000e-01 : f32
      %add3A_2908 = vector.broadcast %add3A_2907 : f32 to vector<8x256xf32>
      %add3A_2909 = arith.addf %mul3A_2906, %add3A_2908 : vector<8x256xf32>
      %slice3A_2910 = vector.extract_strided_slice %add3A_2887 {offsets = [0, 512], sizes = [8, 256], strides = [1, 1]} : vector<8x1024xf32> to vector<8x256xf32>
      %tanh3A_2911 = math.tanh %slice3A_2910 : vector<8x256xf32>
      %slice3A_2912 = vector.extract_strided_slice %add3A_2887 {offsets = [0, 768], sizes = [8, 256], strides = [1, 1]} : vector<8x1024xf32> to vector<8x256xf32>
      %mul3A_2913 = arith.constant 5.000000e-01 : f32
      %mul3A_2914 = vector.broadcast %mul3A_2913 : f32 to vector<8x256xf32>
      %mul3A_2915 = arith.mulf %mul3A_2914, %slice3A_2912 : vector<8x256xf32>
      %tanh3A_2916 = math.tanh %mul3A_2915 : vector<8x256xf32>
      %mul3A_2917 = arith.constant 5.000000e-01 : f32
      %mul3A_2918 = vector.broadcast %mul3A_2917 : f32 to vector<8x256xf32>
      %mul3A_2919 = arith.mulf %mul3A_2918, %tanh3A_2916 : vector<8x256xf32>
      %add3A_2920 = arith.constant 5.000000e-01 : f32
      %add3A_2921 = vector.broadcast %add3A_2920 : f32 to vector<8x256xf32>
      %add3A_2922 = arith.addf %mul3A_2919, %add3A_2921 : vector<8x256xf32>
      %mul3A_2923 = arith.mulf %add3A_2909, %mul3A_2807 : vector<8x256xf32>
      %mul3A_2924 = arith.mulf %add3A_2898, %tanh3A_2911 : vector<8x256xf32>
      %add3A_2925 = arith.addf %mul3A_2923, %mul3A_2924 : vector<8x256xf32>
      %add3A_2926 = arith.addi %mul3A_36, %sub3A_2875 : i32
      %lt3A_2927 = vector.broadcast %add3A_2926 : i32 to vector<8x1xi32>
      %lt3A_2928 = arith.cmpi slt, %lt3A_2927, %get3A_34 : vector<8x1xi32>
      %convert_element_type3A_2929 = arith.extui %lt3A_2928 : vector<8x1xi1> to vector<8x1xi32>
      %convert_element_type3A_2930 = arith.sitofp %convert_element_type3A_2929 : vector<8x1xi32> to vector<8x1xf32>
      %tanh3A_2931 = math.tanh %add3A_2925 : vector<8x256xf32>
      %mul3A_2932 = arith.mulf %add3A_2922, %tanh3A_2931 : vector<8x256xf32>
      %mul3A_2933 = vector.broadcast %convert_element_type3A_2930 : vector<8x1xf32> to vector<8x256xf32>
      %mul3A_2934 = arith.mulf %mul3A_2933, %mul3A_2932 : vector<8x256xf32>
      %mul3A_2935 = vector.broadcast %convert_element_type3A_2930 : vector<8x1xf32> to vector<8x256xf32>
      %mul3A_2936 = arith.mulf %mul3A_2935, %add3A_2925 : vector<8x256xf32>
      %swap3A_2937 = arith.index_cast %sub3A_2875 : i32 to index
      %swap3A_2938 = arith.constant 0 : index
      %swap3A_2939 = arith.constant 0 : index
      %swap3A_2940 = vector.load %arg18[%swap3A_2937, %swap3A_2938, %swap3A_2939] : memref<64x8x256xf32, #tpu.memory_space<vmem>>, vector<1x8x256xf32>
      %swap3A_2941 = vector.shape_cast %swap3A_2940 : vector<1x8x256xf32> to vector<8x256xf32>
      %swap3A_2942 = vector.shape_cast %mul3A_2934 : vector<8x256xf32> to vector<1x8x256xf32>
      tpu.vector_store %arg18[%swap3A_2937, %swap3A_2938, %swap3A_2939], %swap3A_2942 {strides = array<i32>} : memref<64x8x256xf32, #tpu.memory_space<vmem>>, vector<1x8x256xf32>,
      %scan3A_2943 = arith.constant 22 : i32
      %scan3A_2944 = arith.addi %scan3A_105, %scan3A_2943 : i32
      %mul3A_2945 = arith.constant 8 : i32
      %mul3A_2946 = arith.muli %scan3A_2944, %mul3A_2945 : i32
      %get3A_2947 = arith.index_cast %mul3A_2946 : i32 to index
      %get3A_2948 = arith.constant 0 : index
      %get3A_2949 = vector.load %arg15[%get3A_2947, %get3A_2948] : memref<512x1024xf32, #tpu.memory_space<vmem>>, vector<8x1024xf32>
      %convert_element_type3A_2950 = arith.truncf %mul3A_2867 : vector<8x256xf32> to vector<8x256xbf16>
      %get3A_2951 = arith.constant 0 : index
      %get3A_2952 = arith.constant 0 : index
      %get3A_2953 = vector.load %arg9[%get3A_2951, %get3A_2952] : memref<256x1024xbf16, #tpu.memory_space<vmem>>, vector<256x1024xbf16>
      %dot_general3A_2954 = arith.constant dense<0.000000e+00> : vector<8x1024xf32>
      %dot_general3A_2955 = tpu.matmul %convert_element_type3A_2950, %get3A_2953, %dot_general3A_2954 {dimension_numbers = #tpu.dot_dimension_numbers<[1], [0], [0], [1], [0, 0, 1, 1], [], []>, transpose_lhs_hint = false} : vector<8x256xbf16>, vector<256x1024xbf16>, vector<8x1024xf32> -> vector<8x1024xf32>
      %add3A_2956 = arith.addf %get3A_2949, %dot_general3A_2955 : vector<8x1024xf32>
      %slice3A_2957 = vector.extract_strided_slice %add3A_2956 {offsets = [0, 0], sizes = [8, 256], strides = [1, 1]} : vector<8x1024xf32> to vector<8x256xf32>
      %mul3A_2958 = arith.constant 5.000000e-01 : f32
      %mul3A_2959 = vector.broadcast %mul3A_2958 : f32 to vector<8x256xf32>
      %mul3A_2960 = arith.mulf %mul3A_2959, %slice3A_2957 : vector<8x256xf32>
      %tanh3A_2961 = math.tanh %mul3A_2960 : vector<8x256xf32>
      %mul3A_2962 = arith.constant 5.000000e-01 : f32
      %mul3A_2963 = vector.broadcast %mul3A_2962 : f32 to vector<8x256xf32>
      %mul3A_2964 = arith.mulf %mul3A_2963, %tanh3A_2961 : vector<8x256xf32>
      %add3A_2965 = arith.constant 5.000000e-01 : f32
      %add3A_2966 = vector.broadcast %add3A_2965 : f32 to vector<8x256xf32>
      %add3A_2967 = arith.addf %mul3A_2964, %add3A_2966 : vector<8x256xf32>
      %slice3A_2968 = vector.extract_strided_slice %add3A_2956 {offsets = [0, 256], sizes = [8, 256], strides = [1, 1]} : vector<8x1024xf32> to vector<8x256xf32>
      %mul3A_2969 = arith.constant 5.000000e-01 : f32
      %mul3A_2970 = vector.broadcast %mul3A_2969 : f32 to vector<8x256xf32>
      %mul3A_2971 = arith.mulf %mul3A_2970, %slice3A_2968 : vector<8x256xf32>
      %tanh3A_2972 = math.tanh %mul3A_2971 : vector<8x256xf32>
      %mul3A_2973 = arith.constant 5.000000e-01 : f32
      %mul3A_2974 = vector.broadcast %mul3A_2973 : f32 to vector<8x256xf32>
      %mul3A_2975 = arith.mulf %mul3A_2974, %tanh3A_2972 : vector<8x256xf32>
      %add3A_2976 = arith.constant 5.000000e-01 : f32
      %add3A_2977 = vector.broadcast %add3A_2976 : f32 to vector<8x256xf32>
      %add3A_2978 = arith.addf %mul3A_2975, %add3A_2977 : vector<8x256xf32>
      %slice3A_2979 = vector.extract_strided_slice %add3A_2956 {offsets = [0, 512], sizes = [8, 256], strides = [1, 1]} : vector<8x1024xf32> to vector<8x256xf32>
      %tanh3A_2980 = math.tanh %slice3A_2979 : vector<8x256xf32>
      %slice3A_2981 = vector.extract_strided_slice %add3A_2956 {offsets = [0, 768], sizes = [8, 256], strides = [1, 1]} : vector<8x1024xf32> to vector<8x256xf32>
      %mul3A_2982 = arith.constant 5.000000e-01 : f32
      %mul3A_2983 = vector.broadcast %mul3A_2982 : f32 to vector<8x256xf32>
      %mul3A_2984 = arith.mulf %mul3A_2983, %slice3A_2981 : vector<8x256xf32>
      %tanh3A_2985 = math.tanh %mul3A_2984 : vector<8x256xf32>
      %mul3A_2986 = arith.constant 5.000000e-01 : f32
      %mul3A_2987 = vector.broadcast %mul3A_2986 : f32 to vector<8x256xf32>
      %mul3A_2988 = arith.mulf %mul3A_2987, %tanh3A_2985 : vector<8x256xf32>
      %add3A_2989 = arith.constant 5.000000e-01 : f32
      %add3A_2990 = vector.broadcast %add3A_2989 : f32 to vector<8x256xf32>
      %add3A_2991 = arith.addf %mul3A_2988, %add3A_2990 : vector<8x256xf32>
      %mul3A_2992 = arith.mulf %add3A_2978, %add3A_2865 : vector<8x256xf32>
      %mul3A_2993 = arith.mulf %add3A_2967, %tanh3A_2980 : vector<8x256xf32>
      %add3A_2994 = arith.addf %mul3A_2992, %mul3A_2993 : vector<8x256xf32>
      %tanh3A_2995 = math.tanh %add3A_2994 : vector<8x256xf32>
      %mul3A_2996 = arith.mulf %add3A_2991, %tanh3A_2995 : vector<8x256xf32>
      %swap3A_2997 = arith.index_cast %scan3A_2944 : i32 to index
      %swap3A_2998 = arith.constant 0 : index
      %swap3A_2999 = arith.constant 0 : index
      %swap3A_3000 = vector.load %arg17[%swap3A_2997, %swap3A_2998, %swap3A_2999] : memref<64x8x256xf32, #tpu.memory_space<vmem>>, vector<1x8x256xf32>
      %swap3A_3001 = vector.shape_cast %swap3A_3000 : vector<1x8x256xf32> to vector<8x256xf32>
      %swap3A_3002 = vector.shape_cast %mul3A_2996 : vector<8x256xf32> to vector<1x8x256xf32>
      tpu.vector_store %arg17[%swap3A_2997, %swap3A_2998, %swap3A_2999], %swap3A_3002 {strides = array<i32>} : memref<64x8x256xf32, #tpu.memory_space<vmem>>, vector<1x8x256xf32>,
      %sub3A_3003 = arith.constant 63 : i32
      %sub3A_3004 = arith.subi %sub3A_3003, %scan3A_2944 : i32
      %mul3A_3005 = arith.constant 8 : i32
      %mul3A_3006 = arith.muli %sub3A_3004, %mul3A_3005 : i32
      %get3A_3007 = arith.index_cast %mul3A_3006 : i32 to index
      %get3A_3008 = arith.constant 0 : index
      %get3A_3009 = vector.load %arg16[%get3A_3007, %get3A_3008] : memref<512x1024xf32, #tpu.memory_space<vmem>>, vector<8x1024xf32>
      %convert_element_type3A_3010 = arith.truncf %mul3A_2934 : vector<8x256xf32> to vector<8x256xbf16>
      %get3A_3011 = arith.constant 0 : index
      %get3A_3012 = arith.constant 0 : index
      %get3A_3013 = vector.load %arg10[%get3A_3011, %get3A_3012] : memref<256x1024xbf16, #tpu.memory_space<vmem>>, vector<256x1024xbf16>
      %dot_general3A_3014 = arith.constant dense<0.000000e+00> : vector<8x1024xf32>
      %dot_general3A_3015 = tpu.matmul %convert_element_type3A_3010, %get3A_3013, %dot_general3A_3014 {dimension_numbers = #tpu.dot_dimension_numbers<[1], [0], [0], [1], [0, 0, 1, 1], [], []>, transpose_lhs_hint = false} : vector<8x256xbf16>, vector<256x1024xbf16>, vector<8x1024xf32> -> vector<8x1024xf32>
      %add3A_3016 = arith.addf %get3A_3009, %dot_general3A_3015 : vector<8x1024xf32>
      %slice3A_3017 = vector.extract_strided_slice %add3A_3016 {offsets = [0, 0], sizes = [8, 256], strides = [1, 1]} : vector<8x1024xf32> to vector<8x256xf32>
      %mul3A_3018 = arith.constant 5.000000e-01 : f32
      %mul3A_3019 = vector.broadcast %mul3A_3018 : f32 to vector<8x256xf32>
      %mul3A_3020 = arith.mulf %mul3A_3019, %slice3A_3017 : vector<8x256xf32>
      %tanh3A_3021 = math.tanh %mul3A_3020 : vector<8x256xf32>
      %mul3A_3022 = arith.constant 5.000000e-01 : f32
      %mul3A_3023 = vector.broadcast %mul3A_3022 : f32 to vector<8x256xf32>
      %mul3A_3024 = arith.mulf %mul3A_3023, %tanh3A_3021 : vector<8x256xf32>
      %add3A_3025 = arith.constant 5.000000e-01 : f32
      %add3A_3026 = vector.broadcast %add3A_3025 : f32 to vector<8x256xf32>
      %add3A_3027 = arith.addf %mul3A_3024, %add3A_3026 : vector<8x256xf32>
      %slice3A_3028 = vector.extract_strided_slice %add3A_3016 {offsets = [0, 256], sizes = [8, 256], strides = [1, 1]} : vector<8x1024xf32> to vector<8x256xf32>
      %mul3A_3029 = arith.constant 5.000000e-01 : f32
      %mul3A_3030 = vector.broadcast %mul3A_3029 : f32 to vector<8x256xf32>
      %mul3A_3031 = arith.mulf %mul3A_3030, %slice3A_3028 : vector<8x256xf32>
      %tanh3A_3032 = math.tanh %mul3A_3031 : vector<8x256xf32>
      %mul3A_3033 = arith.constant 5.000000e-01 : f32
      %mul3A_3034 = vector.broadcast %mul3A_3033 : f32 to vector<8x256xf32>
      %mul3A_3035 = arith.mulf %mul3A_3034, %tanh3A_3032 : vector<8x256xf32>
      %add3A_3036 = arith.constant 5.000000e-01 : f32
      %add3A_3037 = vector.broadcast %add3A_3036 : f32 to vector<8x256xf32>
      %add3A_3038 = arith.addf %mul3A_3035, %add3A_3037 : vector<8x256xf32>
      %slice3A_3039 = vector.extract_strided_slice %add3A_3016 {offsets = [0, 512], sizes = [8, 256], strides = [1, 1]} : vector<8x1024xf32> to vector<8x256xf32>
      %tanh3A_3040 = math.tanh %slice3A_3039 : vector<8x256xf32>
      %slice3A_3041 = vector.extract_strided_slice %add3A_3016 {offsets = [0, 768], sizes = [8, 256], strides = [1, 1]} : vector<8x1024xf32> to vector<8x256xf32>
      %mul3A_3042 = arith.constant 5.000000e-01 : f32
      %mul3A_3043 = vector.broadcast %mul3A_3042 : f32 to vector<8x256xf32>
      %mul3A_3044 = arith.mulf %mul3A_3043, %slice3A_3041 : vector<8x256xf32>
      %tanh3A_3045 = math.tanh %mul3A_3044 : vector<8x256xf32>
      %mul3A_3046 = arith.constant 5.000000e-01 : f32
      %mul3A_3047 = vector.broadcast %mul3A_3046 : f32 to vector<8x256xf32>
      %mul3A_3048 = arith.mulf %mul3A_3047, %tanh3A_3045 : vector<8x256xf32>
      %add3A_3049 = arith.constant 5.000000e-01 : f32
      %add3A_3050 = vector.broadcast %add3A_3049 : f32 to vector<8x256xf32>
      %add3A_3051 = arith.addf %mul3A_3048, %add3A_3050 : vector<8x256xf32>
      %mul3A_3052 = arith.mulf %add3A_3038, %mul3A_2936 : vector<8x256xf32>
      %mul3A_3053 = arith.mulf %add3A_3027, %tanh3A_3040 : vector<8x256xf32>
      %add3A_3054 = arith.addf %mul3A_3052, %mul3A_3053 : vector<8x256xf32>
      %add3A_3055 = arith.addi %mul3A_36, %sub3A_3004 : i32
      %lt3A_3056 = vector.broadcast %add3A_3055 : i32 to vector<8x1xi32>
      %lt3A_3057 = arith.cmpi slt, %lt3A_3056, %get3A_34 : vector<8x1xi32>
      %convert_element_type3A_3058 = arith.extui %lt3A_3057 : vector<8x1xi1> to vector<8x1xi32>
      %convert_element_type3A_3059 = arith.sitofp %convert_element_type3A_3058 : vector<8x1xi32> to vector<8x1xf32>
      %tanh3A_3060 = math.tanh %add3A_3054 : vector<8x256xf32>
      %mul3A_3061 = arith.mulf %add3A_3051, %tanh3A_3060 : vector<8x256xf32>
      %mul3A_3062 = vector.broadcast %convert_element_type3A_3059 : vector<8x1xf32> to vector<8x256xf32>
      %mul3A_3063 = arith.mulf %mul3A_3062, %mul3A_3061 : vector<8x256xf32>
      %mul3A_3064 = vector.broadcast %convert_element_type3A_3059 : vector<8x1xf32> to vector<8x256xf32>
      %mul3A_3065 = arith.mulf %mul3A_3064, %add3A_3054 : vector<8x256xf32>
      %swap3A_3066 = arith.index_cast %sub3A_3004 : i32 to index
      %swap3A_3067 = arith.constant 0 : index
      %swap3A_3068 = arith.constant 0 : index
      %swap3A_3069 = vector.load %arg18[%swap3A_3066, %swap3A_3067, %swap3A_3068] : memref<64x8x256xf32, #tpu.memory_space<vmem>>, vector<1x8x256xf32>
      %swap3A_3070 = vector.shape_cast %swap3A_3069 : vector<1x8x256xf32> to vector<8x256xf32>
      %swap3A_3071 = vector.shape_cast %mul3A_3063 : vector<8x256xf32> to vector<1x8x256xf32>
      tpu.vector_store %arg18[%swap3A_3066, %swap3A_3067, %swap3A_3068], %swap3A_3071 {strides = array<i32>} : memref<64x8x256xf32, #tpu.memory_space<vmem>>, vector<1x8x256xf32>,
      %scan3A_3072 = arith.constant 23 : i32
      %scan3A_3073 = arith.addi %scan3A_105, %scan3A_3072 : i32
      %mul3A_3074 = arith.constant 8 : i32
      %mul3A_3075 = arith.muli %scan3A_3073, %mul3A_3074 : i32
      %get3A_3076 = arith.index_cast %mul3A_3075 : i32 to index
      %get3A_3077 = arith.constant 0 : index
      %get3A_3078 = vector.load %arg15[%get3A_3076, %get3A_3077] : memref<512x1024xf32, #tpu.memory_space<vmem>>, vector<8x1024xf32>
      %convert_element_type3A_3079 = arith.truncf %mul3A_2996 : vector<8x256xf32> to vector<8x256xbf16>
      %get3A_3080 = arith.constant 0 : index
      %get3A_3081 = arith.constant 0 : index
      %get3A_3082 = vector.load %arg9[%get3A_3080, %get3A_3081] : memref<256x1024xbf16, #tpu.memory_space<vmem>>, vector<256x1024xbf16>
      %dot_general3A_3083 = arith.constant dense<0.000000e+00> : vector<8x1024xf32>
      %dot_general3A_3084 = tpu.matmul %convert_element_type3A_3079, %get3A_3082, %dot_general3A_3083 {dimension_numbers = #tpu.dot_dimension_numbers<[1], [0], [0], [1], [0, 0, 1, 1], [], []>, transpose_lhs_hint = false} : vector<8x256xbf16>, vector<256x1024xbf16>, vector<8x1024xf32> -> vector<8x1024xf32>
      %add3A_3085 = arith.addf %get3A_3078, %dot_general3A_3084 : vector<8x1024xf32>
      %slice3A_3086 = vector.extract_strided_slice %add3A_3085 {offsets = [0, 0], sizes = [8, 256], strides = [1, 1]} : vector<8x1024xf32> to vector<8x256xf32>
      %mul3A_3087 = arith.constant 5.000000e-01 : f32
      %mul3A_3088 = vector.broadcast %mul3A_3087 : f32 to vector<8x256xf32>
      %mul3A_3089 = arith.mulf %mul3A_3088, %slice3A_3086 : vector<8x256xf32>
      %tanh3A_3090 = math.tanh %mul3A_3089 : vector<8x256xf32>
      %mul3A_3091 = arith.constant 5.000000e-01 : f32
      %mul3A_3092 = vector.broadcast %mul3A_3091 : f32 to vector<8x256xf32>
      %mul3A_3093 = arith.mulf %mul3A_3092, %tanh3A_3090 : vector<8x256xf32>
      %add3A_3094 = arith.constant 5.000000e-01 : f32
      %add3A_3095 = vector.broadcast %add3A_3094 : f32 to vector<8x256xf32>
      %add3A_3096 = arith.addf %mul3A_3093, %add3A_3095 : vector<8x256xf32>
      %slice3A_3097 = vector.extract_strided_slice %add3A_3085 {offsets = [0, 256], sizes = [8, 256], strides = [1, 1]} : vector<8x1024xf32> to vector<8x256xf32>
      %mul3A_3098 = arith.constant 5.000000e-01 : f32
      %mul3A_3099 = vector.broadcast %mul3A_3098 : f32 to vector<8x256xf32>
      %mul3A_3100 = arith.mulf %mul3A_3099, %slice3A_3097 : vector<8x256xf32>
      %tanh3A_3101 = math.tanh %mul3A_3100 : vector<8x256xf32>
      %mul3A_3102 = arith.constant 5.000000e-01 : f32
      %mul3A_3103 = vector.broadcast %mul3A_3102 : f32 to vector<8x256xf32>
      %mul3A_3104 = arith.mulf %mul3A_3103, %tanh3A_3101 : vector<8x256xf32>
      %add3A_3105 = arith.constant 5.000000e-01 : f32
      %add3A_3106 = vector.broadcast %add3A_3105 : f32 to vector<8x256xf32>
      %add3A_3107 = arith.addf %mul3A_3104, %add3A_3106 : vector<8x256xf32>
      %slice3A_3108 = vector.extract_strided_slice %add3A_3085 {offsets = [0, 512], sizes = [8, 256], strides = [1, 1]} : vector<8x1024xf32> to vector<8x256xf32>
      %tanh3A_3109 = math.tanh %slice3A_3108 : vector<8x256xf32>
      %slice3A_3110 = vector.extract_strided_slice %add3A_3085 {offsets = [0, 768], sizes = [8, 256], strides = [1, 1]} : vector<8x1024xf32> to vector<8x256xf32>
      %mul3A_3111 = arith.constant 5.000000e-01 : f32
      %mul3A_3112 = vector.broadcast %mul3A_3111 : f32 to vector<8x256xf32>
      %mul3A_3113 = arith.mulf %mul3A_3112, %slice3A_3110 : vector<8x256xf32>
      %tanh3A_3114 = math.tanh %mul3A_3113 : vector<8x256xf32>
      %mul3A_3115 = arith.constant 5.000000e-01 : f32
      %mul3A_3116 = vector.broadcast %mul3A_3115 : f32 to vector<8x256xf32>
      %mul3A_3117 = arith.mulf %mul3A_3116, %tanh3A_3114 : vector<8x256xf32>
      %add3A_3118 = arith.constant 5.000000e-01 : f32
      %add3A_3119 = vector.broadcast %add3A_3118 : f32 to vector<8x256xf32>
      %add3A_3120 = arith.addf %mul3A_3117, %add3A_3119 : vector<8x256xf32>
      %mul3A_3121 = arith.mulf %add3A_3107, %add3A_2994 : vector<8x256xf32>
      %mul3A_3122 = arith.mulf %add3A_3096, %tanh3A_3109 : vector<8x256xf32>
      %add3A_3123 = arith.addf %mul3A_3121, %mul3A_3122 : vector<8x256xf32>
      %tanh3A_3124 = math.tanh %add3A_3123 : vector<8x256xf32>
      %mul3A_3125 = arith.mulf %add3A_3120, %tanh3A_3124 : vector<8x256xf32>
      %swap3A_3126 = arith.index_cast %scan3A_3073 : i32 to index
      %swap3A_3127 = arith.constant 0 : index
      %swap3A_3128 = arith.constant 0 : index
      %swap3A_3129 = vector.load %arg17[%swap3A_3126, %swap3A_3127, %swap3A_3128] : memref<64x8x256xf32, #tpu.memory_space<vmem>>, vector<1x8x256xf32>
      %swap3A_3130 = vector.shape_cast %swap3A_3129 : vector<1x8x256xf32> to vector<8x256xf32>
      %swap3A_3131 = vector.shape_cast %mul3A_3125 : vector<8x256xf32> to vector<1x8x256xf32>
      tpu.vector_store %arg17[%swap3A_3126, %swap3A_3127, %swap3A_3128], %swap3A_3131 {strides = array<i32>} : memref<64x8x256xf32, #tpu.memory_space<vmem>>, vector<1x8x256xf32>,
      %sub3A_3132 = arith.constant 63 : i32
      %sub3A_3133 = arith.subi %sub3A_3132, %scan3A_3073 : i32
      %mul3A_3134 = arith.constant 8 : i32
      %mul3A_3135 = arith.muli %sub3A_3133, %mul3A_3134 : i32
      %get3A_3136 = arith.index_cast %mul3A_3135 : i32 to index
      %get3A_3137 = arith.constant 0 : index
      %get3A_3138 = vector.load %arg16[%get3A_3136, %get3A_3137] : memref<512x1024xf32, #tpu.memory_space<vmem>>, vector<8x1024xf32>
      %convert_element_type3A_3139 = arith.truncf %mul3A_3063 : vector<8x256xf32> to vector<8x256xbf16>
      %get3A_3140 = arith.constant 0 : index
      %get3A_3141 = arith.constant 0 : index
      %get3A_3142 = vector.load %arg10[%get3A_3140, %get3A_3141] : memref<256x1024xbf16, #tpu.memory_space<vmem>>, vector<256x1024xbf16>
      %dot_general3A_3143 = arith.constant dense<0.000000e+00> : vector<8x1024xf32>
      %dot_general3A_3144 = tpu.matmul %convert_element_type3A_3139, %get3A_3142, %dot_general3A_3143 {dimension_numbers = #tpu.dot_dimension_numbers<[1], [0], [0], [1], [0, 0, 1, 1], [], []>, transpose_lhs_hint = false} : vector<8x256xbf16>, vector<256x1024xbf16>, vector<8x1024xf32> -> vector<8x1024xf32>
      %add3A_3145 = arith.addf %get3A_3138, %dot_general3A_3144 : vector<8x1024xf32>
      %slice3A_3146 = vector.extract_strided_slice %add3A_3145 {offsets = [0, 0], sizes = [8, 256], strides = [1, 1]} : vector<8x1024xf32> to vector<8x256xf32>
      %mul3A_3147 = arith.constant 5.000000e-01 : f32
      %mul3A_3148 = vector.broadcast %mul3A_3147 : f32 to vector<8x256xf32>
      %mul3A_3149 = arith.mulf %mul3A_3148, %slice3A_3146 : vector<8x256xf32>
      %tanh3A_3150 = math.tanh %mul3A_3149 : vector<8x256xf32>
      %mul3A_3151 = arith.constant 5.000000e-01 : f32
      %mul3A_3152 = vector.broadcast %mul3A_3151 : f32 to vector<8x256xf32>
      %mul3A_3153 = arith.mulf %mul3A_3152, %tanh3A_3150 : vector<8x256xf32>
      %add3A_3154 = arith.constant 5.000000e-01 : f32
      %add3A_3155 = vector.broadcast %add3A_3154 : f32 to vector<8x256xf32>
      %add3A_3156 = arith.addf %mul3A_3153, %add3A_3155 : vector<8x256xf32>
      %slice3A_3157 = vector.extract_strided_slice %add3A_3145 {offsets = [0, 256], sizes = [8, 256], strides = [1, 1]} : vector<8x1024xf32> to vector<8x256xf32>
      %mul3A_3158 = arith.constant 5.000000e-01 : f32
      %mul3A_3159 = vector.broadcast %mul3A_3158 : f32 to vector<8x256xf32>
      %mul3A_3160 = arith.mulf %mul3A_3159, %slice3A_3157 : vector<8x256xf32>
      %tanh3A_3161 = math.tanh %mul3A_3160 : vector<8x256xf32>
      %mul3A_3162 = arith.constant 5.000000e-01 : f32
      %mul3A_3163 = vector.broadcast %mul3A_3162 : f32 to vector<8x256xf32>
      %mul3A_3164 = arith.mulf %mul3A_3163, %tanh3A_3161 : vector<8x256xf32>
      %add3A_3165 = arith.constant 5.000000e-01 : f32
      %add3A_3166 = vector.broadcast %add3A_3165 : f32 to vector<8x256xf32>
      %add3A_3167 = arith.addf %mul3A_3164, %add3A_3166 : vector<8x256xf32>
      %slice3A_3168 = vector.extract_strided_slice %add3A_3145 {offsets = [0, 512], sizes = [8, 256], strides = [1, 1]} : vector<8x1024xf32> to vector<8x256xf32>
      %tanh3A_3169 = math.tanh %slice3A_3168 : vector<8x256xf32>
      %slice3A_3170 = vector.extract_strided_slice %add3A_3145 {offsets = [0, 768], sizes = [8, 256], strides = [1, 1]} : vector<8x1024xf32> to vector<8x256xf32>
      %mul3A_3171 = arith.constant 5.000000e-01 : f32
      %mul3A_3172 = vector.broadcast %mul3A_3171 : f32 to vector<8x256xf32>
      %mul3A_3173 = arith.mulf %mul3A_3172, %slice3A_3170 : vector<8x256xf32>
      %tanh3A_3174 = math.tanh %mul3A_3173 : vector<8x256xf32>
      %mul3A_3175 = arith.constant 5.000000e-01 : f32
      %mul3A_3176 = vector.broadcast %mul3A_3175 : f32 to vector<8x256xf32>
      %mul3A_3177 = arith.mulf %mul3A_3176, %tanh3A_3174 : vector<8x256xf32>
      %add3A_3178 = arith.constant 5.000000e-01 : f32
      %add3A_3179 = vector.broadcast %add3A_3178 : f32 to vector<8x256xf32>
      %add3A_3180 = arith.addf %mul3A_3177, %add3A_3179 : vector<8x256xf32>
      %mul3A_3181 = arith.mulf %add3A_3167, %mul3A_3065 : vector<8x256xf32>
      %mul3A_3182 = arith.mulf %add3A_3156, %tanh3A_3169 : vector<8x256xf32>
      %add3A_3183 = arith.addf %mul3A_3181, %mul3A_3182 : vector<8x256xf32>
      %add3A_3184 = arith.addi %mul3A_36, %sub3A_3133 : i32
      %lt3A_3185 = vector.broadcast %add3A_3184 : i32 to vector<8x1xi32>
      %lt3A_3186 = arith.cmpi slt, %lt3A_3185, %get3A_34 : vector<8x1xi32>
      %convert_element_type3A_3187 = arith.extui %lt3A_3186 : vector<8x1xi1> to vector<8x1xi32>
      %convert_element_type3A_3188 = arith.sitofp %convert_element_type3A_3187 : vector<8x1xi32> to vector<8x1xf32>
      %tanh3A_3189 = math.tanh %add3A_3183 : vector<8x256xf32>
      %mul3A_3190 = arith.mulf %add3A_3180, %tanh3A_3189 : vector<8x256xf32>
      %mul3A_3191 = vector.broadcast %convert_element_type3A_3188 : vector<8x1xf32> to vector<8x256xf32>
      %mul3A_3192 = arith.mulf %mul3A_3191, %mul3A_3190 : vector<8x256xf32>
      %mul3A_3193 = vector.broadcast %convert_element_type3A_3188 : vector<8x1xf32> to vector<8x256xf32>
      %mul3A_3194 = arith.mulf %mul3A_3193, %add3A_3183 : vector<8x256xf32>
      %swap3A_3195 = arith.index_cast %sub3A_3133 : i32 to index
      %swap3A_3196 = arith.constant 0 : index
      %swap3A_3197 = arith.constant 0 : index
      %swap3A_3198 = vector.load %arg18[%swap3A_3195, %swap3A_3196, %swap3A_3197] : memref<64x8x256xf32, #tpu.memory_space<vmem>>, vector<1x8x256xf32>
      %swap3A_3199 = vector.shape_cast %swap3A_3198 : vector<1x8x256xf32> to vector<8x256xf32>
      %swap3A_3200 = vector.shape_cast %mul3A_3192 : vector<8x256xf32> to vector<1x8x256xf32>
      tpu.vector_store %arg18[%swap3A_3195, %swap3A_3196, %swap3A_3197], %swap3A_3200 {strides = array<i32>} : memref<64x8x256xf32, #tpu.memory_space<vmem>>, vector<1x8x256xf32>,
      %scan3A_3201 = arith.constant 24 : i32
      %scan3A_3202 = arith.addi %scan3A_105, %scan3A_3201 : i32
      %mul3A_3203 = arith.constant 8 : i32
      %mul3A_3204 = arith.muli %scan3A_3202, %mul3A_3203 : i32
      %get3A_3205 = arith.index_cast %mul3A_3204 : i32 to index
      %get3A_3206 = arith.constant 0 : index
      %get3A_3207 = vector.load %arg15[%get3A_3205, %get3A_3206] : memref<512x1024xf32, #tpu.memory_space<vmem>>, vector<8x1024xf32>
      %convert_element_type3A_3208 = arith.truncf %mul3A_3125 : vector<8x256xf32> to vector<8x256xbf16>
      %get3A_3209 = arith.constant 0 : index
      %get3A_3210 = arith.constant 0 : index
      %get3A_3211 = vector.load %arg9[%get3A_3209, %get3A_3210] : memref<256x1024xbf16, #tpu.memory_space<vmem>>, vector<256x1024xbf16>
      %dot_general3A_3212 = arith.constant dense<0.000000e+00> : vector<8x1024xf32>
      %dot_general3A_3213 = tpu.matmul %convert_element_type3A_3208, %get3A_3211, %dot_general3A_3212 {dimension_numbers = #tpu.dot_dimension_numbers<[1], [0], [0], [1], [0, 0, 1, 1], [], []>, transpose_lhs_hint = false} : vector<8x256xbf16>, vector<256x1024xbf16>, vector<8x1024xf32> -> vector<8x1024xf32>
      %add3A_3214 = arith.addf %get3A_3207, %dot_general3A_3213 : vector<8x1024xf32>
      %slice3A_3215 = vector.extract_strided_slice %add3A_3214 {offsets = [0, 0], sizes = [8, 256], strides = [1, 1]} : vector<8x1024xf32> to vector<8x256xf32>
      %mul3A_3216 = arith.constant 5.000000e-01 : f32
      %mul3A_3217 = vector.broadcast %mul3A_3216 : f32 to vector<8x256xf32>
      %mul3A_3218 = arith.mulf %mul3A_3217, %slice3A_3215 : vector<8x256xf32>
      %tanh3A_3219 = math.tanh %mul3A_3218 : vector<8x256xf32>
      %mul3A_3220 = arith.constant 5.000000e-01 : f32
      %mul3A_3221 = vector.broadcast %mul3A_3220 : f32 to vector<8x256xf32>
      %mul3A_3222 = arith.mulf %mul3A_3221, %tanh3A_3219 : vector<8x256xf32>
      %add3A_3223 = arith.constant 5.000000e-01 : f32
      %add3A_3224 = vector.broadcast %add3A_3223 : f32 to vector<8x256xf32>
      %add3A_3225 = arith.addf %mul3A_3222, %add3A_3224 : vector<8x256xf32>
      %slice3A_3226 = vector.extract_strided_slice %add3A_3214 {offsets = [0, 256], sizes = [8, 256], strides = [1, 1]} : vector<8x1024xf32> to vector<8x256xf32>
      %mul3A_3227 = arith.constant 5.000000e-01 : f32
      %mul3A_3228 = vector.broadcast %mul3A_3227 : f32 to vector<8x256xf32>
      %mul3A_3229 = arith.mulf %mul3A_3228, %slice3A_3226 : vector<8x256xf32>
      %tanh3A_3230 = math.tanh %mul3A_3229 : vector<8x256xf32>
      %mul3A_3231 = arith.constant 5.000000e-01 : f32
      %mul3A_3232 = vector.broadcast %mul3A_3231 : f32 to vector<8x256xf32>
      %mul3A_3233 = arith.mulf %mul3A_3232, %tanh3A_3230 : vector<8x256xf32>
      %add3A_3234 = arith.constant 5.000000e-01 : f32
      %add3A_3235 = vector.broadcast %add3A_3234 : f32 to vector<8x256xf32>
      %add3A_3236 = arith.addf %mul3A_3233, %add3A_3235 : vector<8x256xf32>
      %slice3A_3237 = vector.extract_strided_slice %add3A_3214 {offsets = [0, 512], sizes = [8, 256], strides = [1, 1]} : vector<8x1024xf32> to vector<8x256xf32>
      %tanh3A_3238 = math.tanh %slice3A_3237 : vector<8x256xf32>
      %slice3A_3239 = vector.extract_strided_slice %add3A_3214 {offsets = [0, 768], sizes = [8, 256], strides = [1, 1]} : vector<8x1024xf32> to vector<8x256xf32>
      %mul3A_3240 = arith.constant 5.000000e-01 : f32
      %mul3A_3241 = vector.broadcast %mul3A_3240 : f32 to vector<8x256xf32>
      %mul3A_3242 = arith.mulf %mul3A_3241, %slice3A_3239 : vector<8x256xf32>
      %tanh3A_3243 = math.tanh %mul3A_3242 : vector<8x256xf32>
      %mul3A_3244 = arith.constant 5.000000e-01 : f32
      %mul3A_3245 = vector.broadcast %mul3A_3244 : f32 to vector<8x256xf32>
      %mul3A_3246 = arith.mulf %mul3A_3245, %tanh3A_3243 : vector<8x256xf32>
      %add3A_3247 = arith.constant 5.000000e-01 : f32
      %add3A_3248 = vector.broadcast %add3A_3247 : f32 to vector<8x256xf32>
      %add3A_3249 = arith.addf %mul3A_3246, %add3A_3248 : vector<8x256xf32>
      %mul3A_3250 = arith.mulf %add3A_3236, %add3A_3123 : vector<8x256xf32>
      %mul3A_3251 = arith.mulf %add3A_3225, %tanh3A_3238 : vector<8x256xf32>
      %add3A_3252 = arith.addf %mul3A_3250, %mul3A_3251 : vector<8x256xf32>
      %tanh3A_3253 = math.tanh %add3A_3252 : vector<8x256xf32>
      %mul3A_3254 = arith.mulf %add3A_3249, %tanh3A_3253 : vector<8x256xf32>
      %swap3A_3255 = arith.index_cast %scan3A_3202 : i32 to index
      %swap3A_3256 = arith.constant 0 : index
      %swap3A_3257 = arith.constant 0 : index
      %swap3A_3258 = vector.load %arg17[%swap3A_3255, %swap3A_3256, %swap3A_3257] : memref<64x8x256xf32, #tpu.memory_space<vmem>>, vector<1x8x256xf32>
      %swap3A_3259 = vector.shape_cast %swap3A_3258 : vector<1x8x256xf32> to vector<8x256xf32>
      %swap3A_3260 = vector.shape_cast %mul3A_3254 : vector<8x256xf32> to vector<1x8x256xf32>
      tpu.vector_store %arg17[%swap3A_3255, %swap3A_3256, %swap3A_3257], %swap3A_3260 {strides = array<i32>} : memref<64x8x256xf32, #tpu.memory_space<vmem>>, vector<1x8x256xf32>,
      %sub3A_3261 = arith.constant 63 : i32
      %sub3A_3262 = arith.subi %sub3A_3261, %scan3A_3202 : i32
      %mul3A_3263 = arith.constant 8 : i32
      %mul3A_3264 = arith.muli %sub3A_3262, %mul3A_3263 : i32
      %get3A_3265 = arith.index_cast %mul3A_3264 : i32 to index
      %get3A_3266 = arith.constant 0 : index
      %get3A_3267 = vector.load %arg16[%get3A_3265, %get3A_3266] : memref<512x1024xf32, #tpu.memory_space<vmem>>, vector<8x1024xf32>
      %convert_element_type3A_3268 = arith.truncf %mul3A_3192 : vector<8x256xf32> to vector<8x256xbf16>
      %get3A_3269 = arith.constant 0 : index
      %get3A_3270 = arith.constant 0 : index
      %get3A_3271 = vector.load %arg10[%get3A_3269, %get3A_3270] : memref<256x1024xbf16, #tpu.memory_space<vmem>>, vector<256x1024xbf16>
      %dot_general3A_3272 = arith.constant dense<0.000000e+00> : vector<8x1024xf32>
      %dot_general3A_3273 = tpu.matmul %convert_element_type3A_3268, %get3A_3271, %dot_general3A_3272 {dimension_numbers = #tpu.dot_dimension_numbers<[1], [0], [0], [1], [0, 0, 1, 1], [], []>, transpose_lhs_hint = false} : vector<8x256xbf16>, vector<256x1024xbf16>, vector<8x1024xf32> -> vector<8x1024xf32>
      %add3A_3274 = arith.addf %get3A_3267, %dot_general3A_3273 : vector<8x1024xf32>
      %slice3A_3275 = vector.extract_strided_slice %add3A_3274 {offsets = [0, 0], sizes = [8, 256], strides = [1, 1]} : vector<8x1024xf32> to vector<8x256xf32>
      %mul3A_3276 = arith.constant 5.000000e-01 : f32
      %mul3A_3277 = vector.broadcast %mul3A_3276 : f32 to vector<8x256xf32>
      %mul3A_3278 = arith.mulf %mul3A_3277, %slice3A_3275 : vector<8x256xf32>
      %tanh3A_3279 = math.tanh %mul3A_3278 : vector<8x256xf32>
      %mul3A_3280 = arith.constant 5.000000e-01 : f32
      %mul3A_3281 = vector.broadcast %mul3A_3280 : f32 to vector<8x256xf32>
      %mul3A_3282 = arith.mulf %mul3A_3281, %tanh3A_3279 : vector<8x256xf32>
      %add3A_3283 = arith.constant 5.000000e-01 : f32
      %add3A_3284 = vector.broadcast %add3A_3283 : f32 to vector<8x256xf32>
      %add3A_3285 = arith.addf %mul3A_3282, %add3A_3284 : vector<8x256xf32>
      %slice3A_3286 = vector.extract_strided_slice %add3A_3274 {offsets = [0, 256], sizes = [8, 256], strides = [1, 1]} : vector<8x1024xf32> to vector<8x256xf32>
      %mul3A_3287 = arith.constant 5.000000e-01 : f32
      %mul3A_3288 = vector.broadcast %mul3A_3287 : f32 to vector<8x256xf32>
      %mul3A_3289 = arith.mulf %mul3A_3288, %slice3A_3286 : vector<8x256xf32>
      %tanh3A_3290 = math.tanh %mul3A_3289 : vector<8x256xf32>
      %mul3A_3291 = arith.constant 5.000000e-01 : f32
      %mul3A_3292 = vector.broadcast %mul3A_3291 : f32 to vector<8x256xf32>
      %mul3A_3293 = arith.mulf %mul3A_3292, %tanh3A_3290 : vector<8x256xf32>
      %add3A_3294 = arith.constant 5.000000e-01 : f32
      %add3A_3295 = vector.broadcast %add3A_3294 : f32 to vector<8x256xf32>
      %add3A_3296 = arith.addf %mul3A_3293, %add3A_3295 : vector<8x256xf32>
      %slice3A_3297 = vector.extract_strided_slice %add3A_3274 {offsets = [0, 512], sizes = [8, 256], strides = [1, 1]} : vector<8x1024xf32> to vector<8x256xf32>
      %tanh3A_3298 = math.tanh %slice3A_3297 : vector<8x256xf32>
      %slice3A_3299 = vector.extract_strided_slice %add3A_3274 {offsets = [0, 768], sizes = [8, 256], strides = [1, 1]} : vector<8x1024xf32> to vector<8x256xf32>
      %mul3A_3300 = arith.constant 5.000000e-01 : f32
      %mul3A_3301 = vector.broadcast %mul3A_3300 : f32 to vector<8x256xf32>
      %mul3A_3302 = arith.mulf %mul3A_3301, %slice3A_3299 : vector<8x256xf32>
      %tanh3A_3303 = math.tanh %mul3A_3302 : vector<8x256xf32>
      %mul3A_3304 = arith.constant 5.000000e-01 : f32
      %mul3A_3305 = vector.broadcast %mul3A_3304 : f32 to vector<8x256xf32>
      %mul3A_3306 = arith.mulf %mul3A_3305, %tanh3A_3303 : vector<8x256xf32>
      %add3A_3307 = arith.constant 5.000000e-01 : f32
      %add3A_3308 = vector.broadcast %add3A_3307 : f32 to vector<8x256xf32>
      %add3A_3309 = arith.addf %mul3A_3306, %add3A_3308 : vector<8x256xf32>
      %mul3A_3310 = arith.mulf %add3A_3296, %mul3A_3194 : vector<8x256xf32>
      %mul3A_3311 = arith.mulf %add3A_3285, %tanh3A_3298 : vector<8x256xf32>
      %add3A_3312 = arith.addf %mul3A_3310, %mul3A_3311 : vector<8x256xf32>
      %add3A_3313 = arith.addi %mul3A_36, %sub3A_3262 : i32
      %lt3A_3314 = vector.broadcast %add3A_3313 : i32 to vector<8x1xi32>
      %lt3A_3315 = arith.cmpi slt, %lt3A_3314, %get3A_34 : vector<8x1xi32>
      %convert_element_type3A_3316 = arith.extui %lt3A_3315 : vector<8x1xi1> to vector<8x1xi32>
      %convert_element_type3A_3317 = arith.sitofp %convert_element_type3A_3316 : vector<8x1xi32> to vector<8x1xf32>
      %tanh3A_3318 = math.tanh %add3A_3312 : vector<8x256xf32>
      %mul3A_3319 = arith.mulf %add3A_3309, %tanh3A_3318 : vector<8x256xf32>
      %mul3A_3320 = vector.broadcast %convert_element_type3A_3317 : vector<8x1xf32> to vector<8x256xf32>
      %mul3A_3321 = arith.mulf %mul3A_3320, %mul3A_3319 : vector<8x256xf32>
      %mul3A_3322 = vector.broadcast %convert_element_type3A_3317 : vector<8x1xf32> to vector<8x256xf32>
      %mul3A_3323 = arith.mulf %mul3A_3322, %add3A_3312 : vector<8x256xf32>
      %swap3A_3324 = arith.index_cast %sub3A_3262 : i32 to index
      %swap3A_3325 = arith.constant 0 : index
      %swap3A_3326 = arith.constant 0 : index
      %swap3A_3327 = vector.load %arg18[%swap3A_3324, %swap3A_3325, %swap3A_3326] : memref<64x8x256xf32, #tpu.memory_space<vmem>>, vector<1x8x256xf32>
      %swap3A_3328 = vector.shape_cast %swap3A_3327 : vector<1x8x256xf32> to vector<8x256xf32>
      %swap3A_3329 = vector.shape_cast %mul3A_3321 : vector<8x256xf32> to vector<1x8x256xf32>
      tpu.vector_store %arg18[%swap3A_3324, %swap3A_3325, %swap3A_3326], %swap3A_3329 {strides = array<i32>} : memref<64x8x256xf32, #tpu.memory_space<vmem>>, vector<1x8x256xf32>,
      %scan3A_3330 = arith.constant 25 : i32
      %scan3A_3331 = arith.addi %scan3A_105, %scan3A_3330 : i32
      %mul3A_3332 = arith.constant 8 : i32
      %mul3A_3333 = arith.muli %scan3A_3331, %mul3A_3332 : i32
      %get3A_3334 = arith.index_cast %mul3A_3333 : i32 to index
      %get3A_3335 = arith.constant 0 : index
      %get3A_3336 = vector.load %arg15[%get3A_3334, %get3A_3335] : memref<512x1024xf32, #tpu.memory_space<vmem>>, vector<8x1024xf32>
      %convert_element_type3A_3337 = arith.truncf %mul3A_3254 : vector<8x256xf32> to vector<8x256xbf16>
      %get3A_3338 = arith.constant 0 : index
      %get3A_3339 = arith.constant 0 : index
      %get3A_3340 = vector.load %arg9[%get3A_3338, %get3A_3339] : memref<256x1024xbf16, #tpu.memory_space<vmem>>, vector<256x1024xbf16>
      %dot_general3A_3341 = arith.constant dense<0.000000e+00> : vector<8x1024xf32>
      %dot_general3A_3342 = tpu.matmul %convert_element_type3A_3337, %get3A_3340, %dot_general3A_3341 {dimension_numbers = #tpu.dot_dimension_numbers<[1], [0], [0], [1], [0, 0, 1, 1], [], []>, transpose_lhs_hint = false} : vector<8x256xbf16>, vector<256x1024xbf16>, vector<8x1024xf32> -> vector<8x1024xf32>
      %add3A_3343 = arith.addf %get3A_3336, %dot_general3A_3342 : vector<8x1024xf32>
      %slice3A_3344 = vector.extract_strided_slice %add3A_3343 {offsets = [0, 0], sizes = [8, 256], strides = [1, 1]} : vector<8x1024xf32> to vector<8x256xf32>
      %mul3A_3345 = arith.constant 5.000000e-01 : f32
      %mul3A_3346 = vector.broadcast %mul3A_3345 : f32 to vector<8x256xf32>
      %mul3A_3347 = arith.mulf %mul3A_3346, %slice3A_3344 : vector<8x256xf32>
      %tanh3A_3348 = math.tanh %mul3A_3347 : vector<8x256xf32>
      %mul3A_3349 = arith.constant 5.000000e-01 : f32
      %mul3A_3350 = vector.broadcast %mul3A_3349 : f32 to vector<8x256xf32>
      %mul3A_3351 = arith.mulf %mul3A_3350, %tanh3A_3348 : vector<8x256xf32>
      %add3A_3352 = arith.constant 5.000000e-01 : f32
      %add3A_3353 = vector.broadcast %add3A_3352 : f32 to vector<8x256xf32>
      %add3A_3354 = arith.addf %mul3A_3351, %add3A_3353 : vector<8x256xf32>
      %slice3A_3355 = vector.extract_strided_slice %add3A_3343 {offsets = [0, 256], sizes = [8, 256], strides = [1, 1]} : vector<8x1024xf32> to vector<8x256xf32>
      %mul3A_3356 = arith.constant 5.000000e-01 : f32
      %mul3A_3357 = vector.broadcast %mul3A_3356 : f32 to vector<8x256xf32>
      %mul3A_3358 = arith.mulf %mul3A_3357, %slice3A_3355 : vector<8x256xf32>
      %tanh3A_3359 = math.tanh %mul3A_3358 : vector<8x256xf32>
      %mul3A_3360 = arith.constant 5.000000e-01 : f32
      %mul3A_3361 = vector.broadcast %mul3A_3360 : f32 to vector<8x256xf32>
      %mul3A_3362 = arith.mulf %mul3A_3361, %tanh3A_3359 : vector<8x256xf32>
      %add3A_3363 = arith.constant 5.000000e-01 : f32
      %add3A_3364 = vector.broadcast %add3A_3363 : f32 to vector<8x256xf32>
      %add3A_3365 = arith.addf %mul3A_3362, %add3A_3364 : vector<8x256xf32>
      %slice3A_3366 = vector.extract_strided_slice %add3A_3343 {offsets = [0, 512], sizes = [8, 256], strides = [1, 1]} : vector<8x1024xf32> to vector<8x256xf32>
      %tanh3A_3367 = math.tanh %slice3A_3366 : vector<8x256xf32>
      %slice3A_3368 = vector.extract_strided_slice %add3A_3343 {offsets = [0, 768], sizes = [8, 256], strides = [1, 1]} : vector<8x1024xf32> to vector<8x256xf32>
      %mul3A_3369 = arith.constant 5.000000e-01 : f32
      %mul3A_3370 = vector.broadcast %mul3A_3369 : f32 to vector<8x256xf32>
      %mul3A_3371 = arith.mulf %mul3A_3370, %slice3A_3368 : vector<8x256xf32>
      %tanh3A_3372 = math.tanh %mul3A_3371 : vector<8x256xf32>
      %mul3A_3373 = arith.constant 5.000000e-01 : f32
      %mul3A_3374 = vector.broadcast %mul3A_3373 : f32 to vector<8x256xf32>
      %mul3A_3375 = arith.mulf %mul3A_3374, %tanh3A_3372 : vector<8x256xf32>
      %add3A_3376 = arith.constant 5.000000e-01 : f32
      %add3A_3377 = vector.broadcast %add3A_3376 : f32 to vector<8x256xf32>
      %add3A_3378 = arith.addf %mul3A_3375, %add3A_3377 : vector<8x256xf32>
      %mul3A_3379 = arith.mulf %add3A_3365, %add3A_3252 : vector<8x256xf32>
      %mul3A_3380 = arith.mulf %add3A_3354, %tanh3A_3367 : vector<8x256xf32>
      %add3A_3381 = arith.addf %mul3A_3379, %mul3A_3380 : vector<8x256xf32>
      %tanh3A_3382 = math.tanh %add3A_3381 : vector<8x256xf32>
      %mul3A_3383 = arith.mulf %add3A_3378, %tanh3A_3382 : vector<8x256xf32>
      %swap3A_3384 = arith.index_cast %scan3A_3331 : i32 to index
      %swap3A_3385 = arith.constant 0 : index
      %swap3A_3386 = arith.constant 0 : index
      %swap3A_3387 = vector.load %arg17[%swap3A_3384, %swap3A_3385, %swap3A_3386] : memref<64x8x256xf32, #tpu.memory_space<vmem>>, vector<1x8x256xf32>
      %swap3A_3388 = vector.shape_cast %swap3A_3387 : vector<1x8x256xf32> to vector<8x256xf32>
      %swap3A_3389 = vector.shape_cast %mul3A_3383 : vector<8x256xf32> to vector<1x8x256xf32>
      tpu.vector_store %arg17[%swap3A_3384, %swap3A_3385, %swap3A_3386], %swap3A_3389 {strides = array<i32>} : memref<64x8x256xf32, #tpu.memory_space<vmem>>, vector<1x8x256xf32>,
      %sub3A_3390 = arith.constant 63 : i32
      %sub3A_3391 = arith.subi %sub3A_3390, %scan3A_3331 : i32
      %mul3A_3392 = arith.constant 8 : i32
      %mul3A_3393 = arith.muli %sub3A_3391, %mul3A_3392 : i32
      %get3A_3394 = arith.index_cast %mul3A_3393 : i32 to index
      %get3A_3395 = arith.constant 0 : index
      %get3A_3396 = vector.load %arg16[%get3A_3394, %get3A_3395] : memref<512x1024xf32, #tpu.memory_space<vmem>>, vector<8x1024xf32>
      %convert_element_type3A_3397 = arith.truncf %mul3A_3321 : vector<8x256xf32> to vector<8x256xbf16>
      %get3A_3398 = arith.constant 0 : index
      %get3A_3399 = arith.constant 0 : index
      %get3A_3400 = vector.load %arg10[%get3A_3398, %get3A_3399] : memref<256x1024xbf16, #tpu.memory_space<vmem>>, vector<256x1024xbf16>
      %dot_general3A_3401 = arith.constant dense<0.000000e+00> : vector<8x1024xf32>
      %dot_general3A_3402 = tpu.matmul %convert_element_type3A_3397, %get3A_3400, %dot_general3A_3401 {dimension_numbers = #tpu.dot_dimension_numbers<[1], [0], [0], [1], [0, 0, 1, 1], [], []>, transpose_lhs_hint = false} : vector<8x256xbf16>, vector<256x1024xbf16>, vector<8x1024xf32> -> vector<8x1024xf32>
      %add3A_3403 = arith.addf %get3A_3396, %dot_general3A_3402 : vector<8x1024xf32>
      %slice3A_3404 = vector.extract_strided_slice %add3A_3403 {offsets = [0, 0], sizes = [8, 256], strides = [1, 1]} : vector<8x1024xf32> to vector<8x256xf32>
      %mul3A_3405 = arith.constant 5.000000e-01 : f32
      %mul3A_3406 = vector.broadcast %mul3A_3405 : f32 to vector<8x256xf32>
      %mul3A_3407 = arith.mulf %mul3A_3406, %slice3A_3404 : vector<8x256xf32>
      %tanh3A_3408 = math.tanh %mul3A_3407 : vector<8x256xf32>
      %mul3A_3409 = arith.constant 5.000000e-01 : f32
      %mul3A_3410 = vector.broadcast %mul3A_3409 : f32 to vector<8x256xf32>
      %mul3A_3411 = arith.mulf %mul3A_3410, %tanh3A_3408 : vector<8x256xf32>
      %add3A_3412 = arith.constant 5.000000e-01 : f32
      %add3A_3413 = vector.broadcast %add3A_3412 : f32 to vector<8x256xf32>
      %add3A_3414 = arith.addf %mul3A_3411, %add3A_3413 : vector<8x256xf32>
      %slice3A_3415 = vector.extract_strided_slice %add3A_3403 {offsets = [0, 256], sizes = [8, 256], strides = [1, 1]} : vector<8x1024xf32> to vector<8x256xf32>
      %mul3A_3416 = arith.constant 5.000000e-01 : f32
      %mul3A_3417 = vector.broadcast %mul3A_3416 : f32 to vector<8x256xf32>
      %mul3A_3418 = arith.mulf %mul3A_3417, %slice3A_3415 : vector<8x256xf32>
      %tanh3A_3419 = math.tanh %mul3A_3418 : vector<8x256xf32>
      %mul3A_3420 = arith.constant 5.000000e-01 : f32
      %mul3A_3421 = vector.broadcast %mul3A_3420 : f32 to vector<8x256xf32>
      %mul3A_3422 = arith.mulf %mul3A_3421, %tanh3A_3419 : vector<8x256xf32>
      %add3A_3423 = arith.constant 5.000000e-01 : f32
      %add3A_3424 = vector.broadcast %add3A_3423 : f32 to vector<8x256xf32>
      %add3A_3425 = arith.addf %mul3A_3422, %add3A_3424 : vector<8x256xf32>
      %slice3A_3426 = vector.extract_strided_slice %add3A_3403 {offsets = [0, 512], sizes = [8, 256], strides = [1, 1]} : vector<8x1024xf32> to vector<8x256xf32>
      %tanh3A_3427 = math.tanh %slice3A_3426 : vector<8x256xf32>
      %slice3A_3428 = vector.extract_strided_slice %add3A_3403 {offsets = [0, 768], sizes = [8, 256], strides = [1, 1]} : vector<8x1024xf32> to vector<8x256xf32>
      %mul3A_3429 = arith.constant 5.000000e-01 : f32
      %mul3A_3430 = vector.broadcast %mul3A_3429 : f32 to vector<8x256xf32>
      %mul3A_3431 = arith.mulf %mul3A_3430, %slice3A_3428 : vector<8x256xf32>
      %tanh3A_3432 = math.tanh %mul3A_3431 : vector<8x256xf32>
      %mul3A_3433 = arith.constant 5.000000e-01 : f32
      %mul3A_3434 = vector.broadcast %mul3A_3433 : f32 to vector<8x256xf32>
      %mul3A_3435 = arith.mulf %mul3A_3434, %tanh3A_3432 : vector<8x256xf32>
      %add3A_3436 = arith.constant 5.000000e-01 : f32
      %add3A_3437 = vector.broadcast %add3A_3436 : f32 to vector<8x256xf32>
      %add3A_3438 = arith.addf %mul3A_3435, %add3A_3437 : vector<8x256xf32>
      %mul3A_3439 = arith.mulf %add3A_3425, %mul3A_3323 : vector<8x256xf32>
      %mul3A_3440 = arith.mulf %add3A_3414, %tanh3A_3427 : vector<8x256xf32>
      %add3A_3441 = arith.addf %mul3A_3439, %mul3A_3440 : vector<8x256xf32>
      %add3A_3442 = arith.addi %mul3A_36, %sub3A_3391 : i32
      %lt3A_3443 = vector.broadcast %add3A_3442 : i32 to vector<8x1xi32>
      %lt3A_3444 = arith.cmpi slt, %lt3A_3443, %get3A_34 : vector<8x1xi32>
      %convert_element_type3A_3445 = arith.extui %lt3A_3444 : vector<8x1xi1> to vector<8x1xi32>
      %convert_element_type3A_3446 = arith.sitofp %convert_element_type3A_3445 : vector<8x1xi32> to vector<8x1xf32>
      %tanh3A_3447 = math.tanh %add3A_3441 : vector<8x256xf32>
      %mul3A_3448 = arith.mulf %add3A_3438, %tanh3A_3447 : vector<8x256xf32>
      %mul3A_3449 = vector.broadcast %convert_element_type3A_3446 : vector<8x1xf32> to vector<8x256xf32>
      %mul3A_3450 = arith.mulf %mul3A_3449, %mul3A_3448 : vector<8x256xf32>
      %mul3A_3451 = vector.broadcast %convert_element_type3A_3446 : vector<8x1xf32> to vector<8x256xf32>
      %mul3A_3452 = arith.mulf %mul3A_3451, %add3A_3441 : vector<8x256xf32>
      %swap3A_3453 = arith.index_cast %sub3A_3391 : i32 to index
      %swap3A_3454 = arith.constant 0 : index
      %swap3A_3455 = arith.constant 0 : index
      %swap3A_3456 = vector.load %arg18[%swap3A_3453, %swap3A_3454, %swap3A_3455] : memref<64x8x256xf32, #tpu.memory_space<vmem>>, vector<1x8x256xf32>
      %swap3A_3457 = vector.shape_cast %swap3A_3456 : vector<1x8x256xf32> to vector<8x256xf32>
      %swap3A_3458 = vector.shape_cast %mul3A_3450 : vector<8x256xf32> to vector<1x8x256xf32>
      tpu.vector_store %arg18[%swap3A_3453, %swap3A_3454, %swap3A_3455], %swap3A_3458 {strides = array<i32>} : memref<64x8x256xf32, #tpu.memory_space<vmem>>, vector<1x8x256xf32>,
      %scan3A_3459 = arith.constant 26 : i32
      %scan3A_3460 = arith.addi %scan3A_105, %scan3A_3459 : i32
      %mul3A_3461 = arith.constant 8 : i32
      %mul3A_3462 = arith.muli %scan3A_3460, %mul3A_3461 : i32
      %get3A_3463 = arith.index_cast %mul3A_3462 : i32 to index
      %get3A_3464 = arith.constant 0 : index
      %get3A_3465 = vector.load %arg15[%get3A_3463, %get3A_3464] : memref<512x1024xf32, #tpu.memory_space<vmem>>, vector<8x1024xf32>
      %convert_element_type3A_3466 = arith.truncf %mul3A_3383 : vector<8x256xf32> to vector<8x256xbf16>
      %get3A_3467 = arith.constant 0 : index
      %get3A_3468 = arith.constant 0 : index
      %get3A_3469 = vector.load %arg9[%get3A_3467, %get3A_3468] : memref<256x1024xbf16, #tpu.memory_space<vmem>>, vector<256x1024xbf16>
      %dot_general3A_3470 = arith.constant dense<0.000000e+00> : vector<8x1024xf32>
      %dot_general3A_3471 = tpu.matmul %convert_element_type3A_3466, %get3A_3469, %dot_general3A_3470 {dimension_numbers = #tpu.dot_dimension_numbers<[1], [0], [0], [1], [0, 0, 1, 1], [], []>, transpose_lhs_hint = false} : vector<8x256xbf16>, vector<256x1024xbf16>, vector<8x1024xf32> -> vector<8x1024xf32>
      %add3A_3472 = arith.addf %get3A_3465, %dot_general3A_3471 : vector<8x1024xf32>
      %slice3A_3473 = vector.extract_strided_slice %add3A_3472 {offsets = [0, 0], sizes = [8, 256], strides = [1, 1]} : vector<8x1024xf32> to vector<8x256xf32>
      %mul3A_3474 = arith.constant 5.000000e-01 : f32
      %mul3A_3475 = vector.broadcast %mul3A_3474 : f32 to vector<8x256xf32>
      %mul3A_3476 = arith.mulf %mul3A_3475, %slice3A_3473 : vector<8x256xf32>
      %tanh3A_3477 = math.tanh %mul3A_3476 : vector<8x256xf32>
      %mul3A_3478 = arith.constant 5.000000e-01 : f32
      %mul3A_3479 = vector.broadcast %mul3A_3478 : f32 to vector<8x256xf32>
      %mul3A_3480 = arith.mulf %mul3A_3479, %tanh3A_3477 : vector<8x256xf32>
      %add3A_3481 = arith.constant 5.000000e-01 : f32
      %add3A_3482 = vector.broadcast %add3A_3481 : f32 to vector<8x256xf32>
      %add3A_3483 = arith.addf %mul3A_3480, %add3A_3482 : vector<8x256xf32>
      %slice3A_3484 = vector.extract_strided_slice %add3A_3472 {offsets = [0, 256], sizes = [8, 256], strides = [1, 1]} : vector<8x1024xf32> to vector<8x256xf32>
      %mul3A_3485 = arith.constant 5.000000e-01 : f32
      %mul3A_3486 = vector.broadcast %mul3A_3485 : f32 to vector<8x256xf32>
      %mul3A_3487 = arith.mulf %mul3A_3486, %slice3A_3484 : vector<8x256xf32>
      %tanh3A_3488 = math.tanh %mul3A_3487 : vector<8x256xf32>
      %mul3A_3489 = arith.constant 5.000000e-01 : f32
      %mul3A_3490 = vector.broadcast %mul3A_3489 : f32 to vector<8x256xf32>
      %mul3A_3491 = arith.mulf %mul3A_3490, %tanh3A_3488 : vector<8x256xf32>
      %add3A_3492 = arith.constant 5.000000e-01 : f32
      %add3A_3493 = vector.broadcast %add3A_3492 : f32 to vector<8x256xf32>
      %add3A_3494 = arith.addf %mul3A_3491, %add3A_3493 : vector<8x256xf32>
      %slice3A_3495 = vector.extract_strided_slice %add3A_3472 {offsets = [0, 512], sizes = [8, 256], strides = [1, 1]} : vector<8x1024xf32> to vector<8x256xf32>
      %tanh3A_3496 = math.tanh %slice3A_3495 : vector<8x256xf32>
      %slice3A_3497 = vector.extract_strided_slice %add3A_3472 {offsets = [0, 768], sizes = [8, 256], strides = [1, 1]} : vector<8x1024xf32> to vector<8x256xf32>
      %mul3A_3498 = arith.constant 5.000000e-01 : f32
      %mul3A_3499 = vector.broadcast %mul3A_3498 : f32 to vector<8x256xf32>
      %mul3A_3500 = arith.mulf %mul3A_3499, %slice3A_3497 : vector<8x256xf32>
      %tanh3A_3501 = math.tanh %mul3A_3500 : vector<8x256xf32>
      %mul3A_3502 = arith.constant 5.000000e-01 : f32
      %mul3A_3503 = vector.broadcast %mul3A_3502 : f32 to vector<8x256xf32>
      %mul3A_3504 = arith.mulf %mul3A_3503, %tanh3A_3501 : vector<8x256xf32>
      %add3A_3505 = arith.constant 5.000000e-01 : f32
      %add3A_3506 = vector.broadcast %add3A_3505 : f32 to vector<8x256xf32>
      %add3A_3507 = arith.addf %mul3A_3504, %add3A_3506 : vector<8x256xf32>
      %mul3A_3508 = arith.mulf %add3A_3494, %add3A_3381 : vector<8x256xf32>
      %mul3A_3509 = arith.mulf %add3A_3483, %tanh3A_3496 : vector<8x256xf32>
      %add3A_3510 = arith.addf %mul3A_3508, %mul3A_3509 : vector<8x256xf32>
      %tanh3A_3511 = math.tanh %add3A_3510 : vector<8x256xf32>
      %mul3A_3512 = arith.mulf %add3A_3507, %tanh3A_3511 : vector<8x256xf32>
      %swap3A_3513 = arith.index_cast %scan3A_3460 : i32 to index
      %swap3A_3514 = arith.constant 0 : index
      %swap3A_3515 = arith.constant 0 : index
      %swap3A_3516 = vector.load %arg17[%swap3A_3513, %swap3A_3514, %swap3A_3515] : memref<64x8x256xf32, #tpu.memory_space<vmem>>, vector<1x8x256xf32>
      %swap3A_3517 = vector.shape_cast %swap3A_3516 : vector<1x8x256xf32> to vector<8x256xf32>
      %swap3A_3518 = vector.shape_cast %mul3A_3512 : vector<8x256xf32> to vector<1x8x256xf32>
      tpu.vector_store %arg17[%swap3A_3513, %swap3A_3514, %swap3A_3515], %swap3A_3518 {strides = array<i32>} : memref<64x8x256xf32, #tpu.memory_space<vmem>>, vector<1x8x256xf32>,
      %sub3A_3519 = arith.constant 63 : i32
      %sub3A_3520 = arith.subi %sub3A_3519, %scan3A_3460 : i32
      %mul3A_3521 = arith.constant 8 : i32
      %mul3A_3522 = arith.muli %sub3A_3520, %mul3A_3521 : i32
      %get3A_3523 = arith.index_cast %mul3A_3522 : i32 to index
      %get3A_3524 = arith.constant 0 : index
      %get3A_3525 = vector.load %arg16[%get3A_3523, %get3A_3524] : memref<512x1024xf32, #tpu.memory_space<vmem>>, vector<8x1024xf32>
      %convert_element_type3A_3526 = arith.truncf %mul3A_3450 : vector<8x256xf32> to vector<8x256xbf16>
      %get3A_3527 = arith.constant 0 : index
      %get3A_3528 = arith.constant 0 : index
      %get3A_3529 = vector.load %arg10[%get3A_3527, %get3A_3528] : memref<256x1024xbf16, #tpu.memory_space<vmem>>, vector<256x1024xbf16>
      %dot_general3A_3530 = arith.constant dense<0.000000e+00> : vector<8x1024xf32>
      %dot_general3A_3531 = tpu.matmul %convert_element_type3A_3526, %get3A_3529, %dot_general3A_3530 {dimension_numbers = #tpu.dot_dimension_numbers<[1], [0], [0], [1], [0, 0, 1, 1], [], []>, transpose_lhs_hint = false} : vector<8x256xbf16>, vector<256x1024xbf16>, vector<8x1024xf32> -> vector<8x1024xf32>
      %add3A_3532 = arith.addf %get3A_3525, %dot_general3A_3531 : vector<8x1024xf32>
      %slice3A_3533 = vector.extract_strided_slice %add3A_3532 {offsets = [0, 0], sizes = [8, 256], strides = [1, 1]} : vector<8x1024xf32> to vector<8x256xf32>
      %mul3A_3534 = arith.constant 5.000000e-01 : f32
      %mul3A_3535 = vector.broadcast %mul3A_3534 : f32 to vector<8x256xf32>
      %mul3A_3536 = arith.mulf %mul3A_3535, %slice3A_3533 : vector<8x256xf32>
      %tanh3A_3537 = math.tanh %mul3A_3536 : vector<8x256xf32>
      %mul3A_3538 = arith.constant 5.000000e-01 : f32
      %mul3A_3539 = vector.broadcast %mul3A_3538 : f32 to vector<8x256xf32>
      %mul3A_3540 = arith.mulf %mul3A_3539, %tanh3A_3537 : vector<8x256xf32>
      %add3A_3541 = arith.constant 5.000000e-01 : f32
      %add3A_3542 = vector.broadcast %add3A_3541 : f32 to vector<8x256xf32>
      %add3A_3543 = arith.addf %mul3A_3540, %add3A_3542 : vector<8x256xf32>
      %slice3A_3544 = vector.extract_strided_slice %add3A_3532 {offsets = [0, 256], sizes = [8, 256], strides = [1, 1]} : vector<8x1024xf32> to vector<8x256xf32>
      %mul3A_3545 = arith.constant 5.000000e-01 : f32
      %mul3A_3546 = vector.broadcast %mul3A_3545 : f32 to vector<8x256xf32>
      %mul3A_3547 = arith.mulf %mul3A_3546, %slice3A_3544 : vector<8x256xf32>
      %tanh3A_3548 = math.tanh %mul3A_3547 : vector<8x256xf32>
      %mul3A_3549 = arith.constant 5.000000e-01 : f32
      %mul3A_3550 = vector.broadcast %mul3A_3549 : f32 to vector<8x256xf32>
      %mul3A_3551 = arith.mulf %mul3A_3550, %tanh3A_3548 : vector<8x256xf32>
      %add3A_3552 = arith.constant 5.000000e-01 : f32
      %add3A_3553 = vector.broadcast %add3A_3552 : f32 to vector<8x256xf32>
      %add3A_3554 = arith.addf %mul3A_3551, %add3A_3553 : vector<8x256xf32>
      %slice3A_3555 = vector.extract_strided_slice %add3A_3532 {offsets = [0, 512], sizes = [8, 256], strides = [1, 1]} : vector<8x1024xf32> to vector<8x256xf32>
      %tanh3A_3556 = math.tanh %slice3A_3555 : vector<8x256xf32>
      %slice3A_3557 = vector.extract_strided_slice %add3A_3532 {offsets = [0, 768], sizes = [8, 256], strides = [1, 1]} : vector<8x1024xf32> to vector<8x256xf32>
      %mul3A_3558 = arith.constant 5.000000e-01 : f32
      %mul3A_3559 = vector.broadcast %mul3A_3558 : f32 to vector<8x256xf32>
      %mul3A_3560 = arith.mulf %mul3A_3559, %slice3A_3557 : vector<8x256xf32>
      %tanh3A_3561 = math.tanh %mul3A_3560 : vector<8x256xf32>
      %mul3A_3562 = arith.constant 5.000000e-01 : f32
      %mul3A_3563 = vector.broadcast %mul3A_3562 : f32 to vector<8x256xf32>
      %mul3A_3564 = arith.mulf %mul3A_3563, %tanh3A_3561 : vector<8x256xf32>
      %add3A_3565 = arith.constant 5.000000e-01 : f32
      %add3A_3566 = vector.broadcast %add3A_3565 : f32 to vector<8x256xf32>
      %add3A_3567 = arith.addf %mul3A_3564, %add3A_3566 : vector<8x256xf32>
      %mul3A_3568 = arith.mulf %add3A_3554, %mul3A_3452 : vector<8x256xf32>
      %mul3A_3569 = arith.mulf %add3A_3543, %tanh3A_3556 : vector<8x256xf32>
      %add3A_3570 = arith.addf %mul3A_3568, %mul3A_3569 : vector<8x256xf32>
      %add3A_3571 = arith.addi %mul3A_36, %sub3A_3520 : i32
      %lt3A_3572 = vector.broadcast %add3A_3571 : i32 to vector<8x1xi32>
      %lt3A_3573 = arith.cmpi slt, %lt3A_3572, %get3A_34 : vector<8x1xi32>
      %convert_element_type3A_3574 = arith.extui %lt3A_3573 : vector<8x1xi1> to vector<8x1xi32>
      %convert_element_type3A_3575 = arith.sitofp %convert_element_type3A_3574 : vector<8x1xi32> to vector<8x1xf32>
      %tanh3A_3576 = math.tanh %add3A_3570 : vector<8x256xf32>
      %mul3A_3577 = arith.mulf %add3A_3567, %tanh3A_3576 : vector<8x256xf32>
      %mul3A_3578 = vector.broadcast %convert_element_type3A_3575 : vector<8x1xf32> to vector<8x256xf32>
      %mul3A_3579 = arith.mulf %mul3A_3578, %mul3A_3577 : vector<8x256xf32>
      %mul3A_3580 = vector.broadcast %convert_element_type3A_3575 : vector<8x1xf32> to vector<8x256xf32>
      %mul3A_3581 = arith.mulf %mul3A_3580, %add3A_3570 : vector<8x256xf32>
      %swap3A_3582 = arith.index_cast %sub3A_3520 : i32 to index
      %swap3A_3583 = arith.constant 0 : index
      %swap3A_3584 = arith.constant 0 : index
      %swap3A_3585 = vector.load %arg18[%swap3A_3582, %swap3A_3583, %swap3A_3584] : memref<64x8x256xf32, #tpu.memory_space<vmem>>, vector<1x8x256xf32>
      %swap3A_3586 = vector.shape_cast %swap3A_3585 : vector<1x8x256xf32> to vector<8x256xf32>
      %swap3A_3587 = vector.shape_cast %mul3A_3579 : vector<8x256xf32> to vector<1x8x256xf32>
      tpu.vector_store %arg18[%swap3A_3582, %swap3A_3583, %swap3A_3584], %swap3A_3587 {strides = array<i32>} : memref<64x8x256xf32, #tpu.memory_space<vmem>>, vector<1x8x256xf32>,
      %scan3A_3588 = arith.constant 27 : i32
      %scan3A_3589 = arith.addi %scan3A_105, %scan3A_3588 : i32
      %mul3A_3590 = arith.constant 8 : i32
      %mul3A_3591 = arith.muli %scan3A_3589, %mul3A_3590 : i32
      %get3A_3592 = arith.index_cast %mul3A_3591 : i32 to index
      %get3A_3593 = arith.constant 0 : index
      %get3A_3594 = vector.load %arg15[%get3A_3592, %get3A_3593] : memref<512x1024xf32, #tpu.memory_space<vmem>>, vector<8x1024xf32>
      %convert_element_type3A_3595 = arith.truncf %mul3A_3512 : vector<8x256xf32> to vector<8x256xbf16>
      %get3A_3596 = arith.constant 0 : index
      %get3A_3597 = arith.constant 0 : index
      %get3A_3598 = vector.load %arg9[%get3A_3596, %get3A_3597] : memref<256x1024xbf16, #tpu.memory_space<vmem>>, vector<256x1024xbf16>
      %dot_general3A_3599 = arith.constant dense<0.000000e+00> : vector<8x1024xf32>
      %dot_general3A_3600 = tpu.matmul %convert_element_type3A_3595, %get3A_3598, %dot_general3A_3599 {dimension_numbers = #tpu.dot_dimension_numbers<[1], [0], [0], [1], [0, 0, 1, 1], [], []>, transpose_lhs_hint = false} : vector<8x256xbf16>, vector<256x1024xbf16>, vector<8x1024xf32> -> vector<8x1024xf32>
      %add3A_3601 = arith.addf %get3A_3594, %dot_general3A_3600 : vector<8x1024xf32>
      %slice3A_3602 = vector.extract_strided_slice %add3A_3601 {offsets = [0, 0], sizes = [8, 256], strides = [1, 1]} : vector<8x1024xf32> to vector<8x256xf32>
      %mul3A_3603 = arith.constant 5.000000e-01 : f32
      %mul3A_3604 = vector.broadcast %mul3A_3603 : f32 to vector<8x256xf32>
      %mul3A_3605 = arith.mulf %mul3A_3604, %slice3A_3602 : vector<8x256xf32>
      %tanh3A_3606 = math.tanh %mul3A_3605 : vector<8x256xf32>
      %mul3A_3607 = arith.constant 5.000000e-01 : f32
      %mul3A_3608 = vector.broadcast %mul3A_3607 : f32 to vector<8x256xf32>
      %mul3A_3609 = arith.mulf %mul3A_3608, %tanh3A_3606 : vector<8x256xf32>
      %add3A_3610 = arith.constant 5.000000e-01 : f32
      %add3A_3611 = vector.broadcast %add3A_3610 : f32 to vector<8x256xf32>
      %add3A_3612 = arith.addf %mul3A_3609, %add3A_3611 : vector<8x256xf32>
      %slice3A_3613 = vector.extract_strided_slice %add3A_3601 {offsets = [0, 256], sizes = [8, 256], strides = [1, 1]} : vector<8x1024xf32> to vector<8x256xf32>
      %mul3A_3614 = arith.constant 5.000000e-01 : f32
      %mul3A_3615 = vector.broadcast %mul3A_3614 : f32 to vector<8x256xf32>
      %mul3A_3616 = arith.mulf %mul3A_3615, %slice3A_3613 : vector<8x256xf32>
      %tanh3A_3617 = math.tanh %mul3A_3616 : vector<8x256xf32>
      %mul3A_3618 = arith.constant 5.000000e-01 : f32
      %mul3A_3619 = vector.broadcast %mul3A_3618 : f32 to vector<8x256xf32>
      %mul3A_3620 = arith.mulf %mul3A_3619, %tanh3A_3617 : vector<8x256xf32>
      %add3A_3621 = arith.constant 5.000000e-01 : f32
      %add3A_3622 = vector.broadcast %add3A_3621 : f32 to vector<8x256xf32>
      %add3A_3623 = arith.addf %mul3A_3620, %add3A_3622 : vector<8x256xf32>
      %slice3A_3624 = vector.extract_strided_slice %add3A_3601 {offsets = [0, 512], sizes = [8, 256], strides = [1, 1]} : vector<8x1024xf32> to vector<8x256xf32>
      %tanh3A_3625 = math.tanh %slice3A_3624 : vector<8x256xf32>
      %slice3A_3626 = vector.extract_strided_slice %add3A_3601 {offsets = [0, 768], sizes = [8, 256], strides = [1, 1]} : vector<8x1024xf32> to vector<8x256xf32>
      %mul3A_3627 = arith.constant 5.000000e-01 : f32
      %mul3A_3628 = vector.broadcast %mul3A_3627 : f32 to vector<8x256xf32>
      %mul3A_3629 = arith.mulf %mul3A_3628, %slice3A_3626 : vector<8x256xf32>
      %tanh3A_3630 = math.tanh %mul3A_3629 : vector<8x256xf32>
      %mul3A_3631 = arith.constant 5.000000e-01 : f32
      %mul3A_3632 = vector.broadcast %mul3A_3631 : f32 to vector<8x256xf32>
      %mul3A_3633 = arith.mulf %mul3A_3632, %tanh3A_3630 : vector<8x256xf32>
      %add3A_3634 = arith.constant 5.000000e-01 : f32
      %add3A_3635 = vector.broadcast %add3A_3634 : f32 to vector<8x256xf32>
      %add3A_3636 = arith.addf %mul3A_3633, %add3A_3635 : vector<8x256xf32>
      %mul3A_3637 = arith.mulf %add3A_3623, %add3A_3510 : vector<8x256xf32>
      %mul3A_3638 = arith.mulf %add3A_3612, %tanh3A_3625 : vector<8x256xf32>
      %add3A_3639 = arith.addf %mul3A_3637, %mul3A_3638 : vector<8x256xf32>
      %tanh3A_3640 = math.tanh %add3A_3639 : vector<8x256xf32>
      %mul3A_3641 = arith.mulf %add3A_3636, %tanh3A_3640 : vector<8x256xf32>
      %swap3A_3642 = arith.index_cast %scan3A_3589 : i32 to index
      %swap3A_3643 = arith.constant 0 : index
      %swap3A_3644 = arith.constant 0 : index
      %swap3A_3645 = vector.load %arg17[%swap3A_3642, %swap3A_3643, %swap3A_3644] : memref<64x8x256xf32, #tpu.memory_space<vmem>>, vector<1x8x256xf32>
      %swap3A_3646 = vector.shape_cast %swap3A_3645 : vector<1x8x256xf32> to vector<8x256xf32>
      %swap3A_3647 = vector.shape_cast %mul3A_3641 : vector<8x256xf32> to vector<1x8x256xf32>
      tpu.vector_store %arg17[%swap3A_3642, %swap3A_3643, %swap3A_3644], %swap3A_3647 {strides = array<i32>} : memref<64x8x256xf32, #tpu.memory_space<vmem>>, vector<1x8x256xf32>,
      %sub3A_3648 = arith.constant 63 : i32
      %sub3A_3649 = arith.subi %sub3A_3648, %scan3A_3589 : i32
      %mul3A_3650 = arith.constant 8 : i32
      %mul3A_3651 = arith.muli %sub3A_3649, %mul3A_3650 : i32
      %get3A_3652 = arith.index_cast %mul3A_3651 : i32 to index
      %get3A_3653 = arith.constant 0 : index
      %get3A_3654 = vector.load %arg16[%get3A_3652, %get3A_3653] : memref<512x1024xf32, #tpu.memory_space<vmem>>, vector<8x1024xf32>
      %convert_element_type3A_3655 = arith.truncf %mul3A_3579 : vector<8x256xf32> to vector<8x256xbf16>
      %get3A_3656 = arith.constant 0 : index
      %get3A_3657 = arith.constant 0 : index
      %get3A_3658 = vector.load %arg10[%get3A_3656, %get3A_3657] : memref<256x1024xbf16, #tpu.memory_space<vmem>>, vector<256x1024xbf16>
      %dot_general3A_3659 = arith.constant dense<0.000000e+00> : vector<8x1024xf32>
      %dot_general3A_3660 = tpu.matmul %convert_element_type3A_3655, %get3A_3658, %dot_general3A_3659 {dimension_numbers = #tpu.dot_dimension_numbers<[1], [0], [0], [1], [0, 0, 1, 1], [], []>, transpose_lhs_hint = false} : vector<8x256xbf16>, vector<256x1024xbf16>, vector<8x1024xf32> -> vector<8x1024xf32>
      %add3A_3661 = arith.addf %get3A_3654, %dot_general3A_3660 : vector<8x1024xf32>
      %slice3A_3662 = vector.extract_strided_slice %add3A_3661 {offsets = [0, 0], sizes = [8, 256], strides = [1, 1]} : vector<8x1024xf32> to vector<8x256xf32>
      %mul3A_3663 = arith.constant 5.000000e-01 : f32
      %mul3A_3664 = vector.broadcast %mul3A_3663 : f32 to vector<8x256xf32>
      %mul3A_3665 = arith.mulf %mul3A_3664, %slice3A_3662 : vector<8x256xf32>
      %tanh3A_3666 = math.tanh %mul3A_3665 : vector<8x256xf32>
      %mul3A_3667 = arith.constant 5.000000e-01 : f32
      %mul3A_3668 = vector.broadcast %mul3A_3667 : f32 to vector<8x256xf32>
      %mul3A_3669 = arith.mulf %mul3A_3668, %tanh3A_3666 : vector<8x256xf32>
      %add3A_3670 = arith.constant 5.000000e-01 : f32
      %add3A_3671 = vector.broadcast %add3A_3670 : f32 to vector<8x256xf32>
      %add3A_3672 = arith.addf %mul3A_3669, %add3A_3671 : vector<8x256xf32>
      %slice3A_3673 = vector.extract_strided_slice %add3A_3661 {offsets = [0, 256], sizes = [8, 256], strides = [1, 1]} : vector<8x1024xf32> to vector<8x256xf32>
      %mul3A_3674 = arith.constant 5.000000e-01 : f32
      %mul3A_3675 = vector.broadcast %mul3A_3674 : f32 to vector<8x256xf32>
      %mul3A_3676 = arith.mulf %mul3A_3675, %slice3A_3673 : vector<8x256xf32>
      %tanh3A_3677 = math.tanh %mul3A_3676 : vector<8x256xf32>
      %mul3A_3678 = arith.constant 5.000000e-01 : f32
      %mul3A_3679 = vector.broadcast %mul3A_3678 : f32 to vector<8x256xf32>
      %mul3A_3680 = arith.mulf %mul3A_3679, %tanh3A_3677 : vector<8x256xf32>
      %add3A_3681 = arith.constant 5.000000e-01 : f32
      %add3A_3682 = vector.broadcast %add3A_3681 : f32 to vector<8x256xf32>
      %add3A_3683 = arith.addf %mul3A_3680, %add3A_3682 : vector<8x256xf32>
      %slice3A_3684 = vector.extract_strided_slice %add3A_3661 {offsets = [0, 512], sizes = [8, 256], strides = [1, 1]} : vector<8x1024xf32> to vector<8x256xf32>
      %tanh3A_3685 = math.tanh %slice3A_3684 : vector<8x256xf32>
      %slice3A_3686 = vector.extract_strided_slice %add3A_3661 {offsets = [0, 768], sizes = [8, 256], strides = [1, 1]} : vector<8x1024xf32> to vector<8x256xf32>
      %mul3A_3687 = arith.constant 5.000000e-01 : f32
      %mul3A_3688 = vector.broadcast %mul3A_3687 : f32 to vector<8x256xf32>
      %mul3A_3689 = arith.mulf %mul3A_3688, %slice3A_3686 : vector<8x256xf32>
      %tanh3A_3690 = math.tanh %mul3A_3689 : vector<8x256xf32>
      %mul3A_3691 = arith.constant 5.000000e-01 : f32
      %mul3A_3692 = vector.broadcast %mul3A_3691 : f32 to vector<8x256xf32>
      %mul3A_3693 = arith.mulf %mul3A_3692, %tanh3A_3690 : vector<8x256xf32>
      %add3A_3694 = arith.constant 5.000000e-01 : f32
      %add3A_3695 = vector.broadcast %add3A_3694 : f32 to vector<8x256xf32>
      %add3A_3696 = arith.addf %mul3A_3693, %add3A_3695 : vector<8x256xf32>
      %mul3A_3697 = arith.mulf %add3A_3683, %mul3A_3581 : vector<8x256xf32>
      %mul3A_3698 = arith.mulf %add3A_3672, %tanh3A_3685 : vector<8x256xf32>
      %add3A_3699 = arith.addf %mul3A_3697, %mul3A_3698 : vector<8x256xf32>
      %add3A_3700 = arith.addi %mul3A_36, %sub3A_3649 : i32
      %lt3A_3701 = vector.broadcast %add3A_3700 : i32 to vector<8x1xi32>
      %lt3A_3702 = arith.cmpi slt, %lt3A_3701, %get3A_34 : vector<8x1xi32>
      %convert_element_type3A_3703 = arith.extui %lt3A_3702 : vector<8x1xi1> to vector<8x1xi32>
      %convert_element_type3A_3704 = arith.sitofp %convert_element_type3A_3703 : vector<8x1xi32> to vector<8x1xf32>
      %tanh3A_3705 = math.tanh %add3A_3699 : vector<8x256xf32>
      %mul3A_3706 = arith.mulf %add3A_3696, %tanh3A_3705 : vector<8x256xf32>
      %mul3A_3707 = vector.broadcast %convert_element_type3A_3704 : vector<8x1xf32> to vector<8x256xf32>
      %mul3A_3708 = arith.mulf %mul3A_3707, %mul3A_3706 : vector<8x256xf32>
      %mul3A_3709 = vector.broadcast %convert_element_type3A_3704 : vector<8x1xf32> to vector<8x256xf32>
      %mul3A_3710 = arith.mulf %mul3A_3709, %add3A_3699 : vector<8x256xf32>
      %swap3A_3711 = arith.index_cast %sub3A_3649 : i32 to index
      %swap3A_3712 = arith.constant 0 : index
      %swap3A_3713 = arith.constant 0 : index
      %swap3A_3714 = vector.load %arg18[%swap3A_3711, %swap3A_3712, %swap3A_3713] : memref<64x8x256xf32, #tpu.memory_space<vmem>>, vector<1x8x256xf32>
      %swap3A_3715 = vector.shape_cast %swap3A_3714 : vector<1x8x256xf32> to vector<8x256xf32>
      %swap3A_3716 = vector.shape_cast %mul3A_3708 : vector<8x256xf32> to vector<1x8x256xf32>
      tpu.vector_store %arg18[%swap3A_3711, %swap3A_3712, %swap3A_3713], %swap3A_3716 {strides = array<i32>} : memref<64x8x256xf32, #tpu.memory_space<vmem>>, vector<1x8x256xf32>,
      %scan3A_3717 = arith.constant 28 : i32
      %scan3A_3718 = arith.addi %scan3A_105, %scan3A_3717 : i32
      %mul3A_3719 = arith.constant 8 : i32
      %mul3A_3720 = arith.muli %scan3A_3718, %mul3A_3719 : i32
      %get3A_3721 = arith.index_cast %mul3A_3720 : i32 to index
      %get3A_3722 = arith.constant 0 : index
      %get3A_3723 = vector.load %arg15[%get3A_3721, %get3A_3722] : memref<512x1024xf32, #tpu.memory_space<vmem>>, vector<8x1024xf32>
      %convert_element_type3A_3724 = arith.truncf %mul3A_3641 : vector<8x256xf32> to vector<8x256xbf16>
      %get3A_3725 = arith.constant 0 : index
      %get3A_3726 = arith.constant 0 : index
      %get3A_3727 = vector.load %arg9[%get3A_3725, %get3A_3726] : memref<256x1024xbf16, #tpu.memory_space<vmem>>, vector<256x1024xbf16>
      %dot_general3A_3728 = arith.constant dense<0.000000e+00> : vector<8x1024xf32>
      %dot_general3A_3729 = tpu.matmul %convert_element_type3A_3724, %get3A_3727, %dot_general3A_3728 {dimension_numbers = #tpu.dot_dimension_numbers<[1], [0], [0], [1], [0, 0, 1, 1], [], []>, transpose_lhs_hint = false} : vector<8x256xbf16>, vector<256x1024xbf16>, vector<8x1024xf32> -> vector<8x1024xf32>
      %add3A_3730 = arith.addf %get3A_3723, %dot_general3A_3729 : vector<8x1024xf32>
      %slice3A_3731 = vector.extract_strided_slice %add3A_3730 {offsets = [0, 0], sizes = [8, 256], strides = [1, 1]} : vector<8x1024xf32> to vector<8x256xf32>
      %mul3A_3732 = arith.constant 5.000000e-01 : f32
      %mul3A_3733 = vector.broadcast %mul3A_3732 : f32 to vector<8x256xf32>
      %mul3A_3734 = arith.mulf %mul3A_3733, %slice3A_3731 : vector<8x256xf32>
      %tanh3A_3735 = math.tanh %mul3A_3734 : vector<8x256xf32>
      %mul3A_3736 = arith.constant 5.000000e-01 : f32
      %mul3A_3737 = vector.broadcast %mul3A_3736 : f32 to vector<8x256xf32>
      %mul3A_3738 = arith.mulf %mul3A_3737, %tanh3A_3735 : vector<8x256xf32>
      %add3A_3739 = arith.constant 5.000000e-01 : f32
      %add3A_3740 = vector.broadcast %add3A_3739 : f32 to vector<8x256xf32>
      %add3A_3741 = arith.addf %mul3A_3738, %add3A_3740 : vector<8x256xf32>
      %slice3A_3742 = vector.extract_strided_slice %add3A_3730 {offsets = [0, 256], sizes = [8, 256], strides = [1, 1]} : vector<8x1024xf32> to vector<8x256xf32>
      %mul3A_3743 = arith.constant 5.000000e-01 : f32
      %mul3A_3744 = vector.broadcast %mul3A_3743 : f32 to vector<8x256xf32>
      %mul3A_3745 = arith.mulf %mul3A_3744, %slice3A_3742 : vector<8x256xf32>
      %tanh3A_3746 = math.tanh %mul3A_3745 : vector<8x256xf32>
      %mul3A_3747 = arith.constant 5.000000e-01 : f32
      %mul3A_3748 = vector.broadcast %mul3A_3747 : f32 to vector<8x256xf32>
      %mul3A_3749 = arith.mulf %mul3A_3748, %tanh3A_3746 : vector<8x256xf32>
      %add3A_3750 = arith.constant 5.000000e-01 : f32
      %add3A_3751 = vector.broadcast %add3A_3750 : f32 to vector<8x256xf32>
      %add3A_3752 = arith.addf %mul3A_3749, %add3A_3751 : vector<8x256xf32>
      %slice3A_3753 = vector.extract_strided_slice %add3A_3730 {offsets = [0, 512], sizes = [8, 256], strides = [1, 1]} : vector<8x1024xf32> to vector<8x256xf32>
      %tanh3A_3754 = math.tanh %slice3A_3753 : vector<8x256xf32>
      %slice3A_3755 = vector.extract_strided_slice %add3A_3730 {offsets = [0, 768], sizes = [8, 256], strides = [1, 1]} : vector<8x1024xf32> to vector<8x256xf32>
      %mul3A_3756 = arith.constant 5.000000e-01 : f32
      %mul3A_3757 = vector.broadcast %mul3A_3756 : f32 to vector<8x256xf32>
      %mul3A_3758 = arith.mulf %mul3A_3757, %slice3A_3755 : vector<8x256xf32>
      %tanh3A_3759 = math.tanh %mul3A_3758 : vector<8x256xf32>
      %mul3A_3760 = arith.constant 5.000000e-01 : f32
      %mul3A_3761 = vector.broadcast %mul3A_3760 : f32 to vector<8x256xf32>
      %mul3A_3762 = arith.mulf %mul3A_3761, %tanh3A_3759 : vector<8x256xf32>
      %add3A_3763 = arith.constant 5.000000e-01 : f32
      %add3A_3764 = vector.broadcast %add3A_3763 : f32 to vector<8x256xf32>
      %add3A_3765 = arith.addf %mul3A_3762, %add3A_3764 : vector<8x256xf32>
      %mul3A_3766 = arith.mulf %add3A_3752, %add3A_3639 : vector<8x256xf32>
      %mul3A_3767 = arith.mulf %add3A_3741, %tanh3A_3754 : vector<8x256xf32>
      %add3A_3768 = arith.addf %mul3A_3766, %mul3A_3767 : vector<8x256xf32>
      %tanh3A_3769 = math.tanh %add3A_3768 : vector<8x256xf32>
      %mul3A_3770 = arith.mulf %add3A_3765, %tanh3A_3769 : vector<8x256xf32>
      %swap3A_3771 = arith.index_cast %scan3A_3718 : i32 to index
      %swap3A_3772 = arith.constant 0 : index
      %swap3A_3773 = arith.constant 0 : index
      %swap3A_3774 = vector.load %arg17[%swap3A_3771, %swap3A_3772, %swap3A_3773] : memref<64x8x256xf32, #tpu.memory_space<vmem>>, vector<1x8x256xf32>
      %swap3A_3775 = vector.shape_cast %swap3A_3774 : vector<1x8x256xf32> to vector<8x256xf32>
      %swap3A_3776 = vector.shape_cast %mul3A_3770 : vector<8x256xf32> to vector<1x8x256xf32>
      tpu.vector_store %arg17[%swap3A_3771, %swap3A_3772, %swap3A_3773], %swap3A_3776 {strides = array<i32>} : memref<64x8x256xf32, #tpu.memory_space<vmem>>, vector<1x8x256xf32>,
      %sub3A_3777 = arith.constant 63 : i32
      %sub3A_3778 = arith.subi %sub3A_3777, %scan3A_3718 : i32
      %mul3A_3779 = arith.constant 8 : i32
      %mul3A_3780 = arith.muli %sub3A_3778, %mul3A_3779 : i32
      %get3A_3781 = arith.index_cast %mul3A_3780 : i32 to index
      %get3A_3782 = arith.constant 0 : index
      %get3A_3783 = vector.load %arg16[%get3A_3781, %get3A_3782] : memref<512x1024xf32, #tpu.memory_space<vmem>>, vector<8x1024xf32>
      %convert_element_type3A_3784 = arith.truncf %mul3A_3708 : vector<8x256xf32> to vector<8x256xbf16>
      %get3A_3785 = arith.constant 0 : index
      %get3A_3786 = arith.constant 0 : index
      %get3A_3787 = vector.load %arg10[%get3A_3785, %get3A_3786] : memref<256x1024xbf16, #tpu.memory_space<vmem>>, vector<256x1024xbf16>
      %dot_general3A_3788 = arith.constant dense<0.000000e+00> : vector<8x1024xf32>
      %dot_general3A_3789 = tpu.matmul %convert_element_type3A_3784, %get3A_3787, %dot_general3A_3788 {dimension_numbers = #tpu.dot_dimension_numbers<[1], [0], [0], [1], [0, 0, 1, 1], [], []>, transpose_lhs_hint = false} : vector<8x256xbf16>, vector<256x1024xbf16>, vector<8x1024xf32> -> vector<8x1024xf32>
      %add3A_3790 = arith.addf %get3A_3783, %dot_general3A_3789 : vector<8x1024xf32>
      %slice3A_3791 = vector.extract_strided_slice %add3A_3790 {offsets = [0, 0], sizes = [8, 256], strides = [1, 1]} : vector<8x1024xf32> to vector<8x256xf32>
      %mul3A_3792 = arith.constant 5.000000e-01 : f32
      %mul3A_3793 = vector.broadcast %mul3A_3792 : f32 to vector<8x256xf32>
      %mul3A_3794 = arith.mulf %mul3A_3793, %slice3A_3791 : vector<8x256xf32>
      %tanh3A_3795 = math.tanh %mul3A_3794 : vector<8x256xf32>
      %mul3A_3796 = arith.constant 5.000000e-01 : f32
      %mul3A_3797 = vector.broadcast %mul3A_3796 : f32 to vector<8x256xf32>
      %mul3A_3798 = arith.mulf %mul3A_3797, %tanh3A_3795 : vector<8x256xf32>
      %add3A_3799 = arith.constant 5.000000e-01 : f32
      %add3A_3800 = vector.broadcast %add3A_3799 : f32 to vector<8x256xf32>
      %add3A_3801 = arith.addf %mul3A_3798, %add3A_3800 : vector<8x256xf32>
      %slice3A_3802 = vector.extract_strided_slice %add3A_3790 {offsets = [0, 256], sizes = [8, 256], strides = [1, 1]} : vector<8x1024xf32> to vector<8x256xf32>
      %mul3A_3803 = arith.constant 5.000000e-01 : f32
      %mul3A_3804 = vector.broadcast %mul3A_3803 : f32 to vector<8x256xf32>
      %mul3A_3805 = arith.mulf %mul3A_3804, %slice3A_3802 : vector<8x256xf32>
      %tanh3A_3806 = math.tanh %mul3A_3805 : vector<8x256xf32>
      %mul3A_3807 = arith.constant 5.000000e-01 : f32
      %mul3A_3808 = vector.broadcast %mul3A_3807 : f32 to vector<8x256xf32>
      %mul3A_3809 = arith.mulf %mul3A_3808, %tanh3A_3806 : vector<8x256xf32>
      %add3A_3810 = arith.constant 5.000000e-01 : f32
      %add3A_3811 = vector.broadcast %add3A_3810 : f32 to vector<8x256xf32>
      %add3A_3812 = arith.addf %mul3A_3809, %add3A_3811 : vector<8x256xf32>
      %slice3A_3813 = vector.extract_strided_slice %add3A_3790 {offsets = [0, 512], sizes = [8, 256], strides = [1, 1]} : vector<8x1024xf32> to vector<8x256xf32>
      %tanh3A_3814 = math.tanh %slice3A_3813 : vector<8x256xf32>
      %slice3A_3815 = vector.extract_strided_slice %add3A_3790 {offsets = [0, 768], sizes = [8, 256], strides = [1, 1]} : vector<8x1024xf32> to vector<8x256xf32>
      %mul3A_3816 = arith.constant 5.000000e-01 : f32
      %mul3A_3817 = vector.broadcast %mul3A_3816 : f32 to vector<8x256xf32>
      %mul3A_3818 = arith.mulf %mul3A_3817, %slice3A_3815 : vector<8x256xf32>
      %tanh3A_3819 = math.tanh %mul3A_3818 : vector<8x256xf32>
      %mul3A_3820 = arith.constant 5.000000e-01 : f32
      %mul3A_3821 = vector.broadcast %mul3A_3820 : f32 to vector<8x256xf32>
      %mul3A_3822 = arith.mulf %mul3A_3821, %tanh3A_3819 : vector<8x256xf32>
      %add3A_3823 = arith.constant 5.000000e-01 : f32
      %add3A_3824 = vector.broadcast %add3A_3823 : f32 to vector<8x256xf32>
      %add3A_3825 = arith.addf %mul3A_3822, %add3A_3824 : vector<8x256xf32>
      %mul3A_3826 = arith.mulf %add3A_3812, %mul3A_3710 : vector<8x256xf32>
      %mul3A_3827 = arith.mulf %add3A_3801, %tanh3A_3814 : vector<8x256xf32>
      %add3A_3828 = arith.addf %mul3A_3826, %mul3A_3827 : vector<8x256xf32>
      %add3A_3829 = arith.addi %mul3A_36, %sub3A_3778 : i32
      %lt3A_3830 = vector.broadcast %add3A_3829 : i32 to vector<8x1xi32>
      %lt3A_3831 = arith.cmpi slt, %lt3A_3830, %get3A_34 : vector<8x1xi32>
      %convert_element_type3A_3832 = arith.extui %lt3A_3831 : vector<8x1xi1> to vector<8x1xi32>
      %convert_element_type3A_3833 = arith.sitofp %convert_element_type3A_3832 : vector<8x1xi32> to vector<8x1xf32>
      %tanh3A_3834 = math.tanh %add3A_3828 : vector<8x256xf32>
      %mul3A_3835 = arith.mulf %add3A_3825, %tanh3A_3834 : vector<8x256xf32>
      %mul3A_3836 = vector.broadcast %convert_element_type3A_3833 : vector<8x1xf32> to vector<8x256xf32>
      %mul3A_3837 = arith.mulf %mul3A_3836, %mul3A_3835 : vector<8x256xf32>
      %mul3A_3838 = vector.broadcast %convert_element_type3A_3833 : vector<8x1xf32> to vector<8x256xf32>
      %mul3A_3839 = arith.mulf %mul3A_3838, %add3A_3828 : vector<8x256xf32>
      %swap3A_3840 = arith.index_cast %sub3A_3778 : i32 to index
      %swap3A_3841 = arith.constant 0 : index
      %swap3A_3842 = arith.constant 0 : index
      %swap3A_3843 = vector.load %arg18[%swap3A_3840, %swap3A_3841, %swap3A_3842] : memref<64x8x256xf32, #tpu.memory_space<vmem>>, vector<1x8x256xf32>
      %swap3A_3844 = vector.shape_cast %swap3A_3843 : vector<1x8x256xf32> to vector<8x256xf32>
      %swap3A_3845 = vector.shape_cast %mul3A_3837 : vector<8x256xf32> to vector<1x8x256xf32>
      tpu.vector_store %arg18[%swap3A_3840, %swap3A_3841, %swap3A_3842], %swap3A_3845 {strides = array<i32>} : memref<64x8x256xf32, #tpu.memory_space<vmem>>, vector<1x8x256xf32>,
      %scan3A_3846 = arith.constant 29 : i32
      %scan3A_3847 = arith.addi %scan3A_105, %scan3A_3846 : i32
      %mul3A_3848 = arith.constant 8 : i32
      %mul3A_3849 = arith.muli %scan3A_3847, %mul3A_3848 : i32
      %get3A_3850 = arith.index_cast %mul3A_3849 : i32 to index
      %get3A_3851 = arith.constant 0 : index
      %get3A_3852 = vector.load %arg15[%get3A_3850, %get3A_3851] : memref<512x1024xf32, #tpu.memory_space<vmem>>, vector<8x1024xf32>
      %convert_element_type3A_3853 = arith.truncf %mul3A_3770 : vector<8x256xf32> to vector<8x256xbf16>
      %get3A_3854 = arith.constant 0 : index
      %get3A_3855 = arith.constant 0 : index
      %get3A_3856 = vector.load %arg9[%get3A_3854, %get3A_3855] : memref<256x1024xbf16, #tpu.memory_space<vmem>>, vector<256x1024xbf16>
      %dot_general3A_3857 = arith.constant dense<0.000000e+00> : vector<8x1024xf32>
      %dot_general3A_3858 = tpu.matmul %convert_element_type3A_3853, %get3A_3856, %dot_general3A_3857 {dimension_numbers = #tpu.dot_dimension_numbers<[1], [0], [0], [1], [0, 0, 1, 1], [], []>, transpose_lhs_hint = false} : vector<8x256xbf16>, vector<256x1024xbf16>, vector<8x1024xf32> -> vector<8x1024xf32>
      %add3A_3859 = arith.addf %get3A_3852, %dot_general3A_3858 : vector<8x1024xf32>
      %slice3A_3860 = vector.extract_strided_slice %add3A_3859 {offsets = [0, 0], sizes = [8, 256], strides = [1, 1]} : vector<8x1024xf32> to vector<8x256xf32>
      %mul3A_3861 = arith.constant 5.000000e-01 : f32
      %mul3A_3862 = vector.broadcast %mul3A_3861 : f32 to vector<8x256xf32>
      %mul3A_3863 = arith.mulf %mul3A_3862, %slice3A_3860 : vector<8x256xf32>
      %tanh3A_3864 = math.tanh %mul3A_3863 : vector<8x256xf32>
      %mul3A_3865 = arith.constant 5.000000e-01 : f32
      %mul3A_3866 = vector.broadcast %mul3A_3865 : f32 to vector<8x256xf32>
      %mul3A_3867 = arith.mulf %mul3A_3866, %tanh3A_3864 : vector<8x256xf32>
      %add3A_3868 = arith.constant 5.000000e-01 : f32
      %add3A_3869 = vector.broadcast %add3A_3868 : f32 to vector<8x256xf32>
      %add3A_3870 = arith.addf %mul3A_3867, %add3A_3869 : vector<8x256xf32>
      %slice3A_3871 = vector.extract_strided_slice %add3A_3859 {offsets = [0, 256], sizes = [8, 256], strides = [1, 1]} : vector<8x1024xf32> to vector<8x256xf32>
      %mul3A_3872 = arith.constant 5.000000e-01 : f32
      %mul3A_3873 = vector.broadcast %mul3A_3872 : f32 to vector<8x256xf32>
      %mul3A_3874 = arith.mulf %mul3A_3873, %slice3A_3871 : vector<8x256xf32>
      %tanh3A_3875 = math.tanh %mul3A_3874 : vector<8x256xf32>
      %mul3A_3876 = arith.constant 5.000000e-01 : f32
      %mul3A_3877 = vector.broadcast %mul3A_3876 : f32 to vector<8x256xf32>
      %mul3A_3878 = arith.mulf %mul3A_3877, %tanh3A_3875 : vector<8x256xf32>
      %add3A_3879 = arith.constant 5.000000e-01 : f32
      %add3A_3880 = vector.broadcast %add3A_3879 : f32 to vector<8x256xf32>
      %add3A_3881 = arith.addf %mul3A_3878, %add3A_3880 : vector<8x256xf32>
      %slice3A_3882 = vector.extract_strided_slice %add3A_3859 {offsets = [0, 512], sizes = [8, 256], strides = [1, 1]} : vector<8x1024xf32> to vector<8x256xf32>
      %tanh3A_3883 = math.tanh %slice3A_3882 : vector<8x256xf32>
      %slice3A_3884 = vector.extract_strided_slice %add3A_3859 {offsets = [0, 768], sizes = [8, 256], strides = [1, 1]} : vector<8x1024xf32> to vector<8x256xf32>
      %mul3A_3885 = arith.constant 5.000000e-01 : f32
      %mul3A_3886 = vector.broadcast %mul3A_3885 : f32 to vector<8x256xf32>
      %mul3A_3887 = arith.mulf %mul3A_3886, %slice3A_3884 : vector<8x256xf32>
      %tanh3A_3888 = math.tanh %mul3A_3887 : vector<8x256xf32>
      %mul3A_3889 = arith.constant 5.000000e-01 : f32
      %mul3A_3890 = vector.broadcast %mul3A_3889 : f32 to vector<8x256xf32>
      %mul3A_3891 = arith.mulf %mul3A_3890, %tanh3A_3888 : vector<8x256xf32>
      %add3A_3892 = arith.constant 5.000000e-01 : f32
      %add3A_3893 = vector.broadcast %add3A_3892 : f32 to vector<8x256xf32>
      %add3A_3894 = arith.addf %mul3A_3891, %add3A_3893 : vector<8x256xf32>
      %mul3A_3895 = arith.mulf %add3A_3881, %add3A_3768 : vector<8x256xf32>
      %mul3A_3896 = arith.mulf %add3A_3870, %tanh3A_3883 : vector<8x256xf32>
      %add3A_3897 = arith.addf %mul3A_3895, %mul3A_3896 : vector<8x256xf32>
      %tanh3A_3898 = math.tanh %add3A_3897 : vector<8x256xf32>
      %mul3A_3899 = arith.mulf %add3A_3894, %tanh3A_3898 : vector<8x256xf32>
      %swap3A_3900 = arith.index_cast %scan3A_3847 : i32 to index
      %swap3A_3901 = arith.constant 0 : index
      %swap3A_3902 = arith.constant 0 : index
      %swap3A_3903 = vector.load %arg17[%swap3A_3900, %swap3A_3901, %swap3A_3902] : memref<64x8x256xf32, #tpu.memory_space<vmem>>, vector<1x8x256xf32>
      %swap3A_3904 = vector.shape_cast %swap3A_3903 : vector<1x8x256xf32> to vector<8x256xf32>
      %swap3A_3905 = vector.shape_cast %mul3A_3899 : vector<8x256xf32> to vector<1x8x256xf32>
      tpu.vector_store %arg17[%swap3A_3900, %swap3A_3901, %swap3A_3902], %swap3A_3905 {strides = array<i32>} : memref<64x8x256xf32, #tpu.memory_space<vmem>>, vector<1x8x256xf32>,
      %sub3A_3906 = arith.constant 63 : i32
      %sub3A_3907 = arith.subi %sub3A_3906, %scan3A_3847 : i32
      %mul3A_3908 = arith.constant 8 : i32
      %mul3A_3909 = arith.muli %sub3A_3907, %mul3A_3908 : i32
      %get3A_3910 = arith.index_cast %mul3A_3909 : i32 to index
      %get3A_3911 = arith.constant 0 : index
      %get3A_3912 = vector.load %arg16[%get3A_3910, %get3A_3911] : memref<512x1024xf32, #tpu.memory_space<vmem>>, vector<8x1024xf32>
      %convert_element_type3A_3913 = arith.truncf %mul3A_3837 : vector<8x256xf32> to vector<8x256xbf16>
      %get3A_3914 = arith.constant 0 : index
      %get3A_3915 = arith.constant 0 : index
      %get3A_3916 = vector.load %arg10[%get3A_3914, %get3A_3915] : memref<256x1024xbf16, #tpu.memory_space<vmem>>, vector<256x1024xbf16>
      %dot_general3A_3917 = arith.constant dense<0.000000e+00> : vector<8x1024xf32>
      %dot_general3A_3918 = tpu.matmul %convert_element_type3A_3913, %get3A_3916, %dot_general3A_3917 {dimension_numbers = #tpu.dot_dimension_numbers<[1], [0], [0], [1], [0, 0, 1, 1], [], []>, transpose_lhs_hint = false} : vector<8x256xbf16>, vector<256x1024xbf16>, vector<8x1024xf32> -> vector<8x1024xf32>
      %add3A_3919 = arith.addf %get3A_3912, %dot_general3A_3918 : vector<8x1024xf32>
      %slice3A_3920 = vector.extract_strided_slice %add3A_3919 {offsets = [0, 0], sizes = [8, 256], strides = [1, 1]} : vector<8x1024xf32> to vector<8x256xf32>
      %mul3A_3921 = arith.constant 5.000000e-01 : f32
      %mul3A_3922 = vector.broadcast %mul3A_3921 : f32 to vector<8x256xf32>
      %mul3A_3923 = arith.mulf %mul3A_3922, %slice3A_3920 : vector<8x256xf32>
      %tanh3A_3924 = math.tanh %mul3A_3923 : vector<8x256xf32>
      %mul3A_3925 = arith.constant 5.000000e-01 : f32
      %mul3A_3926 = vector.broadcast %mul3A_3925 : f32 to vector<8x256xf32>
      %mul3A_3927 = arith.mulf %mul3A_3926, %tanh3A_3924 : vector<8x256xf32>
      %add3A_3928 = arith.constant 5.000000e-01 : f32
      %add3A_3929 = vector.broadcast %add3A_3928 : f32 to vector<8x256xf32>
      %add3A_3930 = arith.addf %mul3A_3927, %add3A_3929 : vector<8x256xf32>
      %slice3A_3931 = vector.extract_strided_slice %add3A_3919 {offsets = [0, 256], sizes = [8, 256], strides = [1, 1]} : vector<8x1024xf32> to vector<8x256xf32>
      %mul3A_3932 = arith.constant 5.000000e-01 : f32
      %mul3A_3933 = vector.broadcast %mul3A_3932 : f32 to vector<8x256xf32>
      %mul3A_3934 = arith.mulf %mul3A_3933, %slice3A_3931 : vector<8x256xf32>
      %tanh3A_3935 = math.tanh %mul3A_3934 : vector<8x256xf32>
      %mul3A_3936 = arith.constant 5.000000e-01 : f32
      %mul3A_3937 = vector.broadcast %mul3A_3936 : f32 to vector<8x256xf32>
      %mul3A_3938 = arith.mulf %mul3A_3937, %tanh3A_3935 : vector<8x256xf32>
      %add3A_3939 = arith.constant 5.000000e-01 : f32
      %add3A_3940 = vector.broadcast %add3A_3939 : f32 to vector<8x256xf32>
      %add3A_3941 = arith.addf %mul3A_3938, %add3A_3940 : vector<8x256xf32>
      %slice3A_3942 = vector.extract_strided_slice %add3A_3919 {offsets = [0, 512], sizes = [8, 256], strides = [1, 1]} : vector<8x1024xf32> to vector<8x256xf32>
      %tanh3A_3943 = math.tanh %slice3A_3942 : vector<8x256xf32>
      %slice3A_3944 = vector.extract_strided_slice %add3A_3919 {offsets = [0, 768], sizes = [8, 256], strides = [1, 1]} : vector<8x1024xf32> to vector<8x256xf32>
      %mul3A_3945 = arith.constant 5.000000e-01 : f32
      %mul3A_3946 = vector.broadcast %mul3A_3945 : f32 to vector<8x256xf32>
      %mul3A_3947 = arith.mulf %mul3A_3946, %slice3A_3944 : vector<8x256xf32>
      %tanh3A_3948 = math.tanh %mul3A_3947 : vector<8x256xf32>
      %mul3A_3949 = arith.constant 5.000000e-01 : f32
      %mul3A_3950 = vector.broadcast %mul3A_3949 : f32 to vector<8x256xf32>
      %mul3A_3951 = arith.mulf %mul3A_3950, %tanh3A_3948 : vector<8x256xf32>
      %add3A_3952 = arith.constant 5.000000e-01 : f32
      %add3A_3953 = vector.broadcast %add3A_3952 : f32 to vector<8x256xf32>
      %add3A_3954 = arith.addf %mul3A_3951, %add3A_3953 : vector<8x256xf32>
      %mul3A_3955 = arith.mulf %add3A_3941, %mul3A_3839 : vector<8x256xf32>
      %mul3A_3956 = arith.mulf %add3A_3930, %tanh3A_3943 : vector<8x256xf32>
      %add3A_3957 = arith.addf %mul3A_3955, %mul3A_3956 : vector<8x256xf32>
      %add3A_3958 = arith.addi %mul3A_36, %sub3A_3907 : i32
      %lt3A_3959 = vector.broadcast %add3A_3958 : i32 to vector<8x1xi32>
      %lt3A_3960 = arith.cmpi slt, %lt3A_3959, %get3A_34 : vector<8x1xi32>
      %convert_element_type3A_3961 = arith.extui %lt3A_3960 : vector<8x1xi1> to vector<8x1xi32>
      %convert_element_type3A_3962 = arith.sitofp %convert_element_type3A_3961 : vector<8x1xi32> to vector<8x1xf32>
      %tanh3A_3963 = math.tanh %add3A_3957 : vector<8x256xf32>
      %mul3A_3964 = arith.mulf %add3A_3954, %tanh3A_3963 : vector<8x256xf32>
      %mul3A_3965 = vector.broadcast %convert_element_type3A_3962 : vector<8x1xf32> to vector<8x256xf32>
      %mul3A_3966 = arith.mulf %mul3A_3965, %mul3A_3964 : vector<8x256xf32>
      %mul3A_3967 = vector.broadcast %convert_element_type3A_3962 : vector<8x1xf32> to vector<8x256xf32>
      %mul3A_3968 = arith.mulf %mul3A_3967, %add3A_3957 : vector<8x256xf32>
      %swap3A_3969 = arith.index_cast %sub3A_3907 : i32 to index
      %swap3A_3970 = arith.constant 0 : index
      %swap3A_3971 = arith.constant 0 : index
      %swap3A_3972 = vector.load %arg18[%swap3A_3969, %swap3A_3970, %swap3A_3971] : memref<64x8x256xf32, #tpu.memory_space<vmem>>, vector<1x8x256xf32>
      %swap3A_3973 = vector.shape_cast %swap3A_3972 : vector<1x8x256xf32> to vector<8x256xf32>
      %swap3A_3974 = vector.shape_cast %mul3A_3966 : vector<8x256xf32> to vector<1x8x256xf32>
      tpu.vector_store %arg18[%swap3A_3969, %swap3A_3970, %swap3A_3971], %swap3A_3974 {strides = array<i32>} : memref<64x8x256xf32, #tpu.memory_space<vmem>>, vector<1x8x256xf32>,
      %scan3A_3975 = arith.constant 30 : i32
      %scan3A_3976 = arith.addi %scan3A_105, %scan3A_3975 : i32
      %mul3A_3977 = arith.constant 8 : i32
      %mul3A_3978 = arith.muli %scan3A_3976, %mul3A_3977 : i32
      %get3A_3979 = arith.index_cast %mul3A_3978 : i32 to index
      %get3A_3980 = arith.constant 0 : index
      %get3A_3981 = vector.load %arg15[%get3A_3979, %get3A_3980] : memref<512x1024xf32, #tpu.memory_space<vmem>>, vector<8x1024xf32>
      %convert_element_type3A_3982 = arith.truncf %mul3A_3899 : vector<8x256xf32> to vector<8x256xbf16>
      %get3A_3983 = arith.constant 0 : index
      %get3A_3984 = arith.constant 0 : index
      %get3A_3985 = vector.load %arg9[%get3A_3983, %get3A_3984] : memref<256x1024xbf16, #tpu.memory_space<vmem>>, vector<256x1024xbf16>
      %dot_general3A_3986 = arith.constant dense<0.000000e+00> : vector<8x1024xf32>
      %dot_general3A_3987 = tpu.matmul %convert_element_type3A_3982, %get3A_3985, %dot_general3A_3986 {dimension_numbers = #tpu.dot_dimension_numbers<[1], [0], [0], [1], [0, 0, 1, 1], [], []>, transpose_lhs_hint = false} : vector<8x256xbf16>, vector<256x1024xbf16>, vector<8x1024xf32> -> vector<8x1024xf32>
      %add3A_3988 = arith.addf %get3A_3981, %dot_general3A_3987 : vector<8x1024xf32>
      %slice3A_3989 = vector.extract_strided_slice %add3A_3988 {offsets = [0, 0], sizes = [8, 256], strides = [1, 1]} : vector<8x1024xf32> to vector<8x256xf32>
      %mul3A_3990 = arith.constant 5.000000e-01 : f32
      %mul3A_3991 = vector.broadcast %mul3A_3990 : f32 to vector<8x256xf32>
      %mul3A_3992 = arith.mulf %mul3A_3991, %slice3A_3989 : vector<8x256xf32>
      %tanh3A_3993 = math.tanh %mul3A_3992 : vector<8x256xf32>
      %mul3A_3994 = arith.constant 5.000000e-01 : f32
      %mul3A_3995 = vector.broadcast %mul3A_3994 : f32 to vector<8x256xf32>
      %mul3A_3996 = arith.mulf %mul3A_3995, %tanh3A_3993 : vector<8x256xf32>
      %add3A_3997 = arith.constant 5.000000e-01 : f32
      %add3A_3998 = vector.broadcast %add3A_3997 : f32 to vector<8x256xf32>
      %add3A_3999 = arith.addf %mul3A_3996, %add3A_3998 : vector<8x256xf32>
      %slice3A_4000 = vector.extract_strided_slice %add3A_3988 {offsets = [0, 256], sizes = [8, 256], strides = [1, 1]} : vector<8x1024xf32> to vector<8x256xf32>
      %mul3A_4001 = arith.constant 5.000000e-01 : f32
      %mul3A_4002 = vector.broadcast %mul3A_4001 : f32 to vector<8x256xf32>
      %mul3A_4003 = arith.mulf %mul3A_4002, %slice3A_4000 : vector<8x256xf32>
      %tanh3A_4004 = math.tanh %mul3A_4003 : vector<8x256xf32>
      %mul3A_4005 = arith.constant 5.000000e-01 : f32
      %mul3A_4006 = vector.broadcast %mul3A_4005 : f32 to vector<8x256xf32>
      %mul3A_4007 = arith.mulf %mul3A_4006, %tanh3A_4004 : vector<8x256xf32>
      %add3A_4008 = arith.constant 5.000000e-01 : f32
      %add3A_4009 = vector.broadcast %add3A_4008 : f32 to vector<8x256xf32>
      %add3A_4010 = arith.addf %mul3A_4007, %add3A_4009 : vector<8x256xf32>
      %slice3A_4011 = vector.extract_strided_slice %add3A_3988 {offsets = [0, 512], sizes = [8, 256], strides = [1, 1]} : vector<8x1024xf32> to vector<8x256xf32>
      %tanh3A_4012 = math.tanh %slice3A_4011 : vector<8x256xf32>
      %slice3A_4013 = vector.extract_strided_slice %add3A_3988 {offsets = [0, 768], sizes = [8, 256], strides = [1, 1]} : vector<8x1024xf32> to vector<8x256xf32>
      %mul3A_4014 = arith.constant 5.000000e-01 : f32
      %mul3A_4015 = vector.broadcast %mul3A_4014 : f32 to vector<8x256xf32>
      %mul3A_4016 = arith.mulf %mul3A_4015, %slice3A_4013 : vector<8x256xf32>
      %tanh3A_4017 = math.tanh %mul3A_4016 : vector<8x256xf32>
      %mul3A_4018 = arith.constant 5.000000e-01 : f32
      %mul3A_4019 = vector.broadcast %mul3A_4018 : f32 to vector<8x256xf32>
      %mul3A_4020 = arith.mulf %mul3A_4019, %tanh3A_4017 : vector<8x256xf32>
      %add3A_4021 = arith.constant 5.000000e-01 : f32
      %add3A_4022 = vector.broadcast %add3A_4021 : f32 to vector<8x256xf32>
      %add3A_4023 = arith.addf %mul3A_4020, %add3A_4022 : vector<8x256xf32>
      %mul3A_4024 = arith.mulf %add3A_4010, %add3A_3897 : vector<8x256xf32>
      %mul3A_4025 = arith.mulf %add3A_3999, %tanh3A_4012 : vector<8x256xf32>
      %add3A_4026 = arith.addf %mul3A_4024, %mul3A_4025 : vector<8x256xf32>
      %tanh3A_4027 = math.tanh %add3A_4026 : vector<8x256xf32>
      %mul3A_4028 = arith.mulf %add3A_4023, %tanh3A_4027 : vector<8x256xf32>
      %swap3A_4029 = arith.index_cast %scan3A_3976 : i32 to index
      %swap3A_4030 = arith.constant 0 : index
      %swap3A_4031 = arith.constant 0 : index
      %swap3A_4032 = vector.load %arg17[%swap3A_4029, %swap3A_4030, %swap3A_4031] : memref<64x8x256xf32, #tpu.memory_space<vmem>>, vector<1x8x256xf32>
      %swap3A_4033 = vector.shape_cast %swap3A_4032 : vector<1x8x256xf32> to vector<8x256xf32>
      %swap3A_4034 = vector.shape_cast %mul3A_4028 : vector<8x256xf32> to vector<1x8x256xf32>
      tpu.vector_store %arg17[%swap3A_4029, %swap3A_4030, %swap3A_4031], %swap3A_4034 {strides = array<i32>} : memref<64x8x256xf32, #tpu.memory_space<vmem>>, vector<1x8x256xf32>,
      %sub3A_4035 = arith.constant 63 : i32
      %sub3A_4036 = arith.subi %sub3A_4035, %scan3A_3976 : i32
      %mul3A_4037 = arith.constant 8 : i32
      %mul3A_4038 = arith.muli %sub3A_4036, %mul3A_4037 : i32
      %get3A_4039 = arith.index_cast %mul3A_4038 : i32 to index
      %get3A_4040 = arith.constant 0 : index
      %get3A_4041 = vector.load %arg16[%get3A_4039, %get3A_4040] : memref<512x1024xf32, #tpu.memory_space<vmem>>, vector<8x1024xf32>
      %convert_element_type3A_4042 = arith.truncf %mul3A_3966 : vector<8x256xf32> to vector<8x256xbf16>
      %get3A_4043 = arith.constant 0 : index
      %get3A_4044 = arith.constant 0 : index
      %get3A_4045 = vector.load %arg10[%get3A_4043, %get3A_4044] : memref<256x1024xbf16, #tpu.memory_space<vmem>>, vector<256x1024xbf16>
      %dot_general3A_4046 = arith.constant dense<0.000000e+00> : vector<8x1024xf32>
      %dot_general3A_4047 = tpu.matmul %convert_element_type3A_4042, %get3A_4045, %dot_general3A_4046 {dimension_numbers = #tpu.dot_dimension_numbers<[1], [0], [0], [1], [0, 0, 1, 1], [], []>, transpose_lhs_hint = false} : vector<8x256xbf16>, vector<256x1024xbf16>, vector<8x1024xf32> -> vector<8x1024xf32>
      %add3A_4048 = arith.addf %get3A_4041, %dot_general3A_4047 : vector<8x1024xf32>
      %slice3A_4049 = vector.extract_strided_slice %add3A_4048 {offsets = [0, 0], sizes = [8, 256], strides = [1, 1]} : vector<8x1024xf32> to vector<8x256xf32>
      %mul3A_4050 = arith.constant 5.000000e-01 : f32
      %mul3A_4051 = vector.broadcast %mul3A_4050 : f32 to vector<8x256xf32>
      %mul3A_4052 = arith.mulf %mul3A_4051, %slice3A_4049 : vector<8x256xf32>
      %tanh3A_4053 = math.tanh %mul3A_4052 : vector<8x256xf32>
      %mul3A_4054 = arith.constant 5.000000e-01 : f32
      %mul3A_4055 = vector.broadcast %mul3A_4054 : f32 to vector<8x256xf32>
      %mul3A_4056 = arith.mulf %mul3A_4055, %tanh3A_4053 : vector<8x256xf32>
      %add3A_4057 = arith.constant 5.000000e-01 : f32
      %add3A_4058 = vector.broadcast %add3A_4057 : f32 to vector<8x256xf32>
      %add3A_4059 = arith.addf %mul3A_4056, %add3A_4058 : vector<8x256xf32>
      %slice3A_4060 = vector.extract_strided_slice %add3A_4048 {offsets = [0, 256], sizes = [8, 256], strides = [1, 1]} : vector<8x1024xf32> to vector<8x256xf32>
      %mul3A_4061 = arith.constant 5.000000e-01 : f32
      %mul3A_4062 = vector.broadcast %mul3A_4061 : f32 to vector<8x256xf32>
      %mul3A_4063 = arith.mulf %mul3A_4062, %slice3A_4060 : vector<8x256xf32>
      %tanh3A_4064 = math.tanh %mul3A_4063 : vector<8x256xf32>
      %mul3A_4065 = arith.constant 5.000000e-01 : f32
      %mul3A_4066 = vector.broadcast %mul3A_4065 : f32 to vector<8x256xf32>
      %mul3A_4067 = arith.mulf %mul3A_4066, %tanh3A_4064 : vector<8x256xf32>
      %add3A_4068 = arith.constant 5.000000e-01 : f32
      %add3A_4069 = vector.broadcast %add3A_4068 : f32 to vector<8x256xf32>
      %add3A_4070 = arith.addf %mul3A_4067, %add3A_4069 : vector<8x256xf32>
      %slice3A_4071 = vector.extract_strided_slice %add3A_4048 {offsets = [0, 512], sizes = [8, 256], strides = [1, 1]} : vector<8x1024xf32> to vector<8x256xf32>
      %tanh3A_4072 = math.tanh %slice3A_4071 : vector<8x256xf32>
      %slice3A_4073 = vector.extract_strided_slice %add3A_4048 {offsets = [0, 768], sizes = [8, 256], strides = [1, 1]} : vector<8x1024xf32> to vector<8x256xf32>
      %mul3A_4074 = arith.constant 5.000000e-01 : f32
      %mul3A_4075 = vector.broadcast %mul3A_4074 : f32 to vector<8x256xf32>
      %mul3A_4076 = arith.mulf %mul3A_4075, %slice3A_4073 : vector<8x256xf32>
      %tanh3A_4077 = math.tanh %mul3A_4076 : vector<8x256xf32>
      %mul3A_4078 = arith.constant 5.000000e-01 : f32
      %mul3A_4079 = vector.broadcast %mul3A_4078 : f32 to vector<8x256xf32>
      %mul3A_4080 = arith.mulf %mul3A_4079, %tanh3A_4077 : vector<8x256xf32>
      %add3A_4081 = arith.constant 5.000000e-01 : f32
      %add3A_4082 = vector.broadcast %add3A_4081 : f32 to vector<8x256xf32>
      %add3A_4083 = arith.addf %mul3A_4080, %add3A_4082 : vector<8x256xf32>
      %mul3A_4084 = arith.mulf %add3A_4070, %mul3A_3968 : vector<8x256xf32>
      %mul3A_4085 = arith.mulf %add3A_4059, %tanh3A_4072 : vector<8x256xf32>
      %add3A_4086 = arith.addf %mul3A_4084, %mul3A_4085 : vector<8x256xf32>
      %add3A_4087 = arith.addi %mul3A_36, %sub3A_4036 : i32
      %lt3A_4088 = vector.broadcast %add3A_4087 : i32 to vector<8x1xi32>
      %lt3A_4089 = arith.cmpi slt, %lt3A_4088, %get3A_34 : vector<8x1xi32>
      %convert_element_type3A_4090 = arith.extui %lt3A_4089 : vector<8x1xi1> to vector<8x1xi32>
      %convert_element_type3A_4091 = arith.sitofp %convert_element_type3A_4090 : vector<8x1xi32> to vector<8x1xf32>
      %tanh3A_4092 = math.tanh %add3A_4086 : vector<8x256xf32>
      %mul3A_4093 = arith.mulf %add3A_4083, %tanh3A_4092 : vector<8x256xf32>
      %mul3A_4094 = vector.broadcast %convert_element_type3A_4091 : vector<8x1xf32> to vector<8x256xf32>
      %mul3A_4095 = arith.mulf %mul3A_4094, %mul3A_4093 : vector<8x256xf32>
      %mul3A_4096 = vector.broadcast %convert_element_type3A_4091 : vector<8x1xf32> to vector<8x256xf32>
      %mul3A_4097 = arith.mulf %mul3A_4096, %add3A_4086 : vector<8x256xf32>
      %swap3A_4098 = arith.index_cast %sub3A_4036 : i32 to index
      %swap3A_4099 = arith.constant 0 : index
      %swap3A_4100 = arith.constant 0 : index
      %swap3A_4101 = vector.load %arg18[%swap3A_4098, %swap3A_4099, %swap3A_4100] : memref<64x8x256xf32, #tpu.memory_space<vmem>>, vector<1x8x256xf32>
      %swap3A_4102 = vector.shape_cast %swap3A_4101 : vector<1x8x256xf32> to vector<8x256xf32>
      %swap3A_4103 = vector.shape_cast %mul3A_4095 : vector<8x256xf32> to vector<1x8x256xf32>
      tpu.vector_store %arg18[%swap3A_4098, %swap3A_4099, %swap3A_4100], %swap3A_4103 {strides = array<i32>} : memref<64x8x256xf32, #tpu.memory_space<vmem>>, vector<1x8x256xf32>,
      %scan3A_4104 = arith.constant 31 : i32
      %scan3A_4105 = arith.addi %scan3A_105, %scan3A_4104 : i32
      %mul3A_4106 = arith.constant 8 : i32
      %mul3A_4107 = arith.muli %scan3A_4105, %mul3A_4106 : i32
      %get3A_4108 = arith.index_cast %mul3A_4107 : i32 to index
      %get3A_4109 = arith.constant 0 : index
      %get3A_4110 = vector.load %arg15[%get3A_4108, %get3A_4109] : memref<512x1024xf32, #tpu.memory_space<vmem>>, vector<8x1024xf32>
      %convert_element_type3A_4111 = arith.truncf %mul3A_4028 : vector<8x256xf32> to vector<8x256xbf16>
      %get3A_4112 = arith.constant 0 : index
      %get3A_4113 = arith.constant 0 : index
      %get3A_4114 = vector.load %arg9[%get3A_4112, %get3A_4113] : memref<256x1024xbf16, #tpu.memory_space<vmem>>, vector<256x1024xbf16>
      %dot_general3A_4115 = arith.constant dense<0.000000e+00> : vector<8x1024xf32>
      %dot_general3A_4116 = tpu.matmul %convert_element_type3A_4111, %get3A_4114, %dot_general3A_4115 {dimension_numbers = #tpu.dot_dimension_numbers<[1], [0], [0], [1], [0, 0, 1, 1], [], []>, transpose_lhs_hint = false} : vector<8x256xbf16>, vector<256x1024xbf16>, vector<8x1024xf32> -> vector<8x1024xf32>
      %add3A_4117 = arith.addf %get3A_4110, %dot_general3A_4116 : vector<8x1024xf32>
      %slice3A_4118 = vector.extract_strided_slice %add3A_4117 {offsets = [0, 0], sizes = [8, 256], strides = [1, 1]} : vector<8x1024xf32> to vector<8x256xf32>
      %mul3A_4119 = arith.constant 5.000000e-01 : f32
      %mul3A_4120 = vector.broadcast %mul3A_4119 : f32 to vector<8x256xf32>
      %mul3A_4121 = arith.mulf %mul3A_4120, %slice3A_4118 : vector<8x256xf32>
      %tanh3A_4122 = math.tanh %mul3A_4121 : vector<8x256xf32>
      %mul3A_4123 = arith.constant 5.000000e-01 : f32
      %mul3A_4124 = vector.broadcast %mul3A_4123 : f32 to vector<8x256xf32>
      %mul3A_4125 = arith.mulf %mul3A_4124, %tanh3A_4122 : vector<8x256xf32>
      %add3A_4126 = arith.constant 5.000000e-01 : f32
      %add3A_4127 = vector.broadcast %add3A_4126 : f32 to vector<8x256xf32>
      %add3A_4128 = arith.addf %mul3A_4125, %add3A_4127 : vector<8x256xf32>
      %slice3A_4129 = vector.extract_strided_slice %add3A_4117 {offsets = [0, 256], sizes = [8, 256], strides = [1, 1]} : vector<8x1024xf32> to vector<8x256xf32>
      %mul3A_4130 = arith.constant 5.000000e-01 : f32
      %mul3A_4131 = vector.broadcast %mul3A_4130 : f32 to vector<8x256xf32>
      %mul3A_4132 = arith.mulf %mul3A_4131, %slice3A_4129 : vector<8x256xf32>
      %tanh3A_4133 = math.tanh %mul3A_4132 : vector<8x256xf32>
      %mul3A_4134 = arith.constant 5.000000e-01 : f32
      %mul3A_4135 = vector.broadcast %mul3A_4134 : f32 to vector<8x256xf32>
      %mul3A_4136 = arith.mulf %mul3A_4135, %tanh3A_4133 : vector<8x256xf32>
      %add3A_4137 = arith.constant 5.000000e-01 : f32
      %add3A_4138 = vector.broadcast %add3A_4137 : f32 to vector<8x256xf32>
      %add3A_4139 = arith.addf %mul3A_4136, %add3A_4138 : vector<8x256xf32>
      %slice3A_4140 = vector.extract_strided_slice %add3A_4117 {offsets = [0, 512], sizes = [8, 256], strides = [1, 1]} : vector<8x1024xf32> to vector<8x256xf32>
      %tanh3A_4141 = math.tanh %slice3A_4140 : vector<8x256xf32>
      %slice3A_4142 = vector.extract_strided_slice %add3A_4117 {offsets = [0, 768], sizes = [8, 256], strides = [1, 1]} : vector<8x1024xf32> to vector<8x256xf32>
      %mul3A_4143 = arith.constant 5.000000e-01 : f32
      %mul3A_4144 = vector.broadcast %mul3A_4143 : f32 to vector<8x256xf32>
      %mul3A_4145 = arith.mulf %mul3A_4144, %slice3A_4142 : vector<8x256xf32>
      %tanh3A_4146 = math.tanh %mul3A_4145 : vector<8x256xf32>
      %mul3A_4147 = arith.constant 5.000000e-01 : f32
      %mul3A_4148 = vector.broadcast %mul3A_4147 : f32 to vector<8x256xf32>
      %mul3A_4149 = arith.mulf %mul3A_4148, %tanh3A_4146 : vector<8x256xf32>
      %add3A_4150 = arith.constant 5.000000e-01 : f32
      %add3A_4151 = vector.broadcast %add3A_4150 : f32 to vector<8x256xf32>
      %add3A_4152 = arith.addf %mul3A_4149, %add3A_4151 : vector<8x256xf32>
      %mul3A_4153 = arith.mulf %add3A_4139, %add3A_4026 : vector<8x256xf32>
      %mul3A_4154 = arith.mulf %add3A_4128, %tanh3A_4141 : vector<8x256xf32>
      %add3A_4155 = arith.addf %mul3A_4153, %mul3A_4154 : vector<8x256xf32>
      %tanh3A_4156 = math.tanh %add3A_4155 : vector<8x256xf32>
      %mul3A_4157 = arith.mulf %add3A_4152, %tanh3A_4156 : vector<8x256xf32>
      %swap3A_4158 = arith.index_cast %scan3A_4105 : i32 to index
      %swap3A_4159 = arith.constant 0 : index
      %swap3A_4160 = arith.constant 0 : index
      %swap3A_4161 = vector.load %arg17[%swap3A_4158, %swap3A_4159, %swap3A_4160] : memref<64x8x256xf32, #tpu.memory_space<vmem>>, vector<1x8x256xf32>
      %swap3A_4162 = vector.shape_cast %swap3A_4161 : vector<1x8x256xf32> to vector<8x256xf32>
      %swap3A_4163 = vector.shape_cast %mul3A_4157 : vector<8x256xf32> to vector<1x8x256xf32>
      tpu.vector_store %arg17[%swap3A_4158, %swap3A_4159, %swap3A_4160], %swap3A_4163 {strides = array<i32>} : memref<64x8x256xf32, #tpu.memory_space<vmem>>, vector<1x8x256xf32>,
      %sub3A_4164 = arith.constant 63 : i32
      %sub3A_4165 = arith.subi %sub3A_4164, %scan3A_4105 : i32
      %mul3A_4166 = arith.constant 8 : i32
      %mul3A_4167 = arith.muli %sub3A_4165, %mul3A_4166 : i32
      %get3A_4168 = arith.index_cast %mul3A_4167 : i32 to index
      %get3A_4169 = arith.constant 0 : index
      %get3A_4170 = vector.load %arg16[%get3A_4168, %get3A_4169] : memref<512x1024xf32, #tpu.memory_space<vmem>>, vector<8x1024xf32>
      %convert_element_type3A_4171 = arith.truncf %mul3A_4095 : vector<8x256xf32> to vector<8x256xbf16>
      %get3A_4172 = arith.constant 0 : index
      %get3A_4173 = arith.constant 0 : index
      %get3A_4174 = vector.load %arg10[%get3A_4172, %get3A_4173] : memref<256x1024xbf16, #tpu.memory_space<vmem>>, vector<256x1024xbf16>
      %dot_general3A_4175 = arith.constant dense<0.000000e+00> : vector<8x1024xf32>
      %dot_general3A_4176 = tpu.matmul %convert_element_type3A_4171, %get3A_4174, %dot_general3A_4175 {dimension_numbers = #tpu.dot_dimension_numbers<[1], [0], [0], [1], [0, 0, 1, 1], [], []>, transpose_lhs_hint = false} : vector<8x256xbf16>, vector<256x1024xbf16>, vector<8x1024xf32> -> vector<8x1024xf32>
      %add3A_4177 = arith.addf %get3A_4170, %dot_general3A_4176 : vector<8x1024xf32>
      %slice3A_4178 = vector.extract_strided_slice %add3A_4177 {offsets = [0, 0], sizes = [8, 256], strides = [1, 1]} : vector<8x1024xf32> to vector<8x256xf32>
      %mul3A_4179 = arith.constant 5.000000e-01 : f32
      %mul3A_4180 = vector.broadcast %mul3A_4179 : f32 to vector<8x256xf32>
      %mul3A_4181 = arith.mulf %mul3A_4180, %slice3A_4178 : vector<8x256xf32>
      %tanh3A_4182 = math.tanh %mul3A_4181 : vector<8x256xf32>
      %mul3A_4183 = arith.constant 5.000000e-01 : f32
      %mul3A_4184 = vector.broadcast %mul3A_4183 : f32 to vector<8x256xf32>
      %mul3A_4185 = arith.mulf %mul3A_4184, %tanh3A_4182 : vector<8x256xf32>
      %add3A_4186 = arith.constant 5.000000e-01 : f32
      %add3A_4187 = vector.broadcast %add3A_4186 : f32 to vector<8x256xf32>
      %add3A_4188 = arith.addf %mul3A_4185, %add3A_4187 : vector<8x256xf32>
      %slice3A_4189 = vector.extract_strided_slice %add3A_4177 {offsets = [0, 256], sizes = [8, 256], strides = [1, 1]} : vector<8x1024xf32> to vector<8x256xf32>
      %mul3A_4190 = arith.constant 5.000000e-01 : f32
      %mul3A_4191 = vector.broadcast %mul3A_4190 : f32 to vector<8x256xf32>
      %mul3A_4192 = arith.mulf %mul3A_4191, %slice3A_4189 : vector<8x256xf32>
      %tanh3A_4193 = math.tanh %mul3A_4192 : vector<8x256xf32>
      %mul3A_4194 = arith.constant 5.000000e-01 : f32
      %mul3A_4195 = vector.broadcast %mul3A_4194 : f32 to vector<8x256xf32>
      %mul3A_4196 = arith.mulf %mul3A_4195, %tanh3A_4193 : vector<8x256xf32>
      %add3A_4197 = arith.constant 5.000000e-01 : f32
      %add3A_4198 = vector.broadcast %add3A_4197 : f32 to vector<8x256xf32>
      %add3A_4199 = arith.addf %mul3A_4196, %add3A_4198 : vector<8x256xf32>
      %slice3A_4200 = vector.extract_strided_slice %add3A_4177 {offsets = [0, 512], sizes = [8, 256], strides = [1, 1]} : vector<8x1024xf32> to vector<8x256xf32>
      %tanh3A_4201 = math.tanh %slice3A_4200 : vector<8x256xf32>
      %slice3A_4202 = vector.extract_strided_slice %add3A_4177 {offsets = [0, 768], sizes = [8, 256], strides = [1, 1]} : vector<8x1024xf32> to vector<8x256xf32>
      %mul3A_4203 = arith.constant 5.000000e-01 : f32
      %mul3A_4204 = vector.broadcast %mul3A_4203 : f32 to vector<8x256xf32>
      %mul3A_4205 = arith.mulf %mul3A_4204, %slice3A_4202 : vector<8x256xf32>
      %tanh3A_4206 = math.tanh %mul3A_4205 : vector<8x256xf32>
      %mul3A_4207 = arith.constant 5.000000e-01 : f32
      %mul3A_4208 = vector.broadcast %mul3A_4207 : f32 to vector<8x256xf32>
      %mul3A_4209 = arith.mulf %mul3A_4208, %tanh3A_4206 : vector<8x256xf32>
      %add3A_4210 = arith.constant 5.000000e-01 : f32
      %add3A_4211 = vector.broadcast %add3A_4210 : f32 to vector<8x256xf32>
      %add3A_4212 = arith.addf %mul3A_4209, %add3A_4211 : vector<8x256xf32>
      %mul3A_4213 = arith.mulf %add3A_4199, %mul3A_4097 : vector<8x256xf32>
      %mul3A_4214 = arith.mulf %add3A_4188, %tanh3A_4201 : vector<8x256xf32>
      %add3A_4215 = arith.addf %mul3A_4213, %mul3A_4214 : vector<8x256xf32>
      %add3A_4216 = arith.addi %mul3A_36, %sub3A_4165 : i32
      %lt3A_4217 = vector.broadcast %add3A_4216 : i32 to vector<8x1xi32>
      %lt3A_4218 = arith.cmpi slt, %lt3A_4217, %get3A_34 : vector<8x1xi32>
      %convert_element_type3A_4219 = arith.extui %lt3A_4218 : vector<8x1xi1> to vector<8x1xi32>
      %convert_element_type3A_4220 = arith.sitofp %convert_element_type3A_4219 : vector<8x1xi32> to vector<8x1xf32>
      %tanh3A_4221 = math.tanh %add3A_4215 : vector<8x256xf32>
      %mul3A_4222 = arith.mulf %add3A_4212, %tanh3A_4221 : vector<8x256xf32>
      %mul3A_4223 = vector.broadcast %convert_element_type3A_4220 : vector<8x1xf32> to vector<8x256xf32>
      %mul3A_4224 = arith.mulf %mul3A_4223, %mul3A_4222 : vector<8x256xf32>
      %mul3A_4225 = vector.broadcast %convert_element_type3A_4220 : vector<8x1xf32> to vector<8x256xf32>
      %mul3A_4226 = arith.mulf %mul3A_4225, %add3A_4215 : vector<8x256xf32>
      %swap3A_4227 = arith.index_cast %sub3A_4165 : i32 to index
      %swap3A_4228 = arith.constant 0 : index
      %swap3A_4229 = arith.constant 0 : index
      %swap3A_4230 = vector.load %arg18[%swap3A_4227, %swap3A_4228, %swap3A_4229] : memref<64x8x256xf32, #tpu.memory_space<vmem>>, vector<1x8x256xf32>
      %swap3A_4231 = vector.shape_cast %swap3A_4230 : vector<1x8x256xf32> to vector<8x256xf32>
      %swap3A_4232 = vector.shape_cast %mul3A_4224 : vector<8x256xf32> to vector<1x8x256xf32>
      tpu.vector_store %arg18[%swap3A_4227, %swap3A_4228, %swap3A_4229], %swap3A_4232 {strides = array<i32>} : memref<64x8x256xf32, #tpu.memory_space<vmem>>, vector<1x8x256xf32>,
      scf.yield %mul3A_4157, %add3A_4155, %mul3A_4224, %mul3A_4226 : vector<8x256xf32>, vector<8x256xf32>, vector<8x256xf32>, vector<8x256xf32>
    }
    %scan3A_53 = arith.constant 64 : i32
    %swap3A_54 = arith.constant 0 : index
    %swap3A_55 = arith.constant 0 : index
    %swap3A_56 = vector.load %arg19[%swap3A_54, %swap3A_55] : memref<8x256xf32, #tpu.memory_space<vmem>>, vector<8x256xf32>
    tpu.vector_store %arg19[%swap3A_54, %swap3A_55], %scan3A_52#0 {strides = array<i32>} : memref<8x256xf32, #tpu.memory_space<vmem>>, vector<8x256xf32>,
    %swap3A_57 = arith.constant 0 : index
    %swap3A_58 = arith.constant 0 : index
    %swap3A_59 = vector.load %arg20[%swap3A_57, %swap3A_58] : memref<8x256xf32, #tpu.memory_space<vmem>>, vector<8x256xf32>
    tpu.vector_store %arg20[%swap3A_57, %swap3A_58], %scan3A_52#1 {strides = array<i32>} : memref<8x256xf32, #tpu.memory_space<vmem>>, vector<8x256xf32>,
    %swap3A_60 = arith.constant 0 : index
    %swap3A_61 = arith.constant 0 : index
    %swap3A_62 = vector.load %arg21[%swap3A_60, %swap3A_61] : memref<8x256xf32, #tpu.memory_space<vmem>>, vector<8x256xf32>
    tpu.vector_store %arg21[%swap3A_60, %swap3A_61], %scan3A_52#2 {strides = array<i32>} : memref<8x256xf32, #tpu.memory_space<vmem>>, vector<8x256xf32>,
    %swap3A_63 = arith.constant 0 : index
    %swap3A_64 = arith.constant 0 : index
    %swap3A_65 = vector.load %arg22[%swap3A_63, %swap3A_64] : memref<8x256xf32, #tpu.memory_space<vmem>>, vector<8x256xf32>
    tpu.vector_store %arg22[%swap3A_63, %swap3A_64], %scan3A_52#3 {strides = array<i32>} : memref<8x256xf32, #tpu.memory_space<vmem>>, vector<8x256xf32>,
    %get3A_66 = arith.constant 0 : index
    %get3A_67 = arith.constant 0 : index
    %get3A_68 = arith.constant 0 : index
    %get3A_69 = vector.load %arg17[%get3A_66, %get3A_67, %get3A_68] : memref<64x8x256xf32, #tpu.memory_space<vmem>>, vector<64x8x256xf32>
    %get3A_70 = arith.constant 0 : index
    %get3A_71 = arith.constant 0 : index
    %get3A_72 = vector.load %arg11[%get3A_70, %get3A_71] : memref<1x256xf32, #tpu.memory_space<vmem>>, vector<1x256xf32>
    %broadcast_in_dim3A = vector.shape_cast %get3A_72 : vector<1x256xf32> to vector<1x1x256xf32>
    %mul3A_73 = vector.broadcast %broadcast_in_dim3A : vector<1x1x256xf32> to vector<64x8x256xf32>
    %mul3A_74 = arith.mulf %get3A_69, %mul3A_73 : vector<64x8x256xf32>
    %reduce_sum3A = arith.constant dense<0.000000e+00> : vector<64x8xf32>
    %reduce_sum3A_75 = vector.multi_reduction <add>, %mul3A_74, %reduce_sum3A [2] : vector<64x8x256xf32> to vector<64x8xf32>
    %mul3A_76 = arith.constant 64 : i32
    %mul3A_77 = arith.muli %arg0, %mul3A_76 : i32
    %swap3A_78 = arith.index_cast %mul3A_77 : i32 to index
    %swap3A_79 = arith.constant 0 : index
    %swap3A_80 = vector.load %arg23[%swap3A_78, %swap3A_79] : memref<512x8xf32, #tpu.memory_space<vmem>>, vector<64x8xf32>
    tpu.vector_store %arg23[%swap3A_78, %swap3A_79], %reduce_sum3A_75 {strides = array<i32>} : memref<512x8xf32, #tpu.memory_space<vmem>>, vector<64x8xf32>,
    %get3A_81 = arith.constant 0 : index
    %get3A_82 = arith.constant 0 : index
    %get3A_83 = arith.constant 0 : index
    %get3A_84 = vector.load %arg18[%get3A_81, %get3A_82, %get3A_83] : memref<64x8x256xf32, #tpu.memory_space<vmem>>, vector<64x8x256xf32>
    %get3A_85 = arith.constant 0 : index
    %get3A_86 = arith.constant 0 : index
    %get3A_87 = vector.load %arg12[%get3A_85, %get3A_86] : memref<1x256xf32, #tpu.memory_space<vmem>>, vector<1x256xf32>
    %broadcast_in_dim3A_88 = vector.shape_cast %get3A_87 : vector<1x256xf32> to vector<1x1x256xf32>
    %mul3A_89 = vector.broadcast %broadcast_in_dim3A_88 : vector<1x1x256xf32> to vector<64x8x256xf32>
    %mul3A_90 = arith.mulf %get3A_84, %mul3A_89 : vector<64x8x256xf32>
    %reduce_sum3A_91 = arith.constant dense<0.000000e+00> : vector<64x8xf32>
    %reduce_sum3A_92 = vector.multi_reduction <add>, %mul3A_90, %reduce_sum3A_91 [2] : vector<64x8x256xf32> to vector<64x8xf32>
    %sub3A_93 = arith.constant 7 : i32
    %sub3A_94 = arith.subi %sub3A_93, %arg0 : i32
    %mul3A_95 = arith.constant 64 : i32
    %mul3A_96 = arith.muli %sub3A_94, %mul3A_95 : i32
    %swap3A_97 = arith.index_cast %mul3A_96 : i32 to index
    %swap3A_98 = arith.constant 0 : index
    %swap3A_99 = vector.load %arg24[%swap3A_97, %swap3A_98] : memref<512x8xf32, #tpu.memory_space<vmem>>, vector<64x8xf32>
    tpu.vector_store %arg24[%swap3A_97, %swap3A_98], %reduce_sum3A_92 {strides = array<i32>} : memref<512x8xf32, #tpu.memory_space<vmem>>, vector<64x8xf32>,
    %eq3A_100 = arith.constant 7 : i32
    %eq3A_101 = arith.cmpi eq, %arg0, %eq3A_100 : i32
    %convert_element_type3A_102 = arith.extui %eq3A_101 : i1 to i32
    %cond3A_103 = arith.constant 0 : i32
    %cond3A_104 = arith.cmpi ne, %convert_element_type3A_102, %cond3A_103 : i32
    scf.if %cond3A_104 {
      %iota3A = tpu.iota {dimensions = array<i32: 0>} : vector<512x8xi32>
      %get3A_105 = arith.constant 0 : index
      %get3A_106 = arith.constant 0 : index
      %get3A_107 = vector.load %arg2[%get3A_105, %get3A_106] : memref<1x8xi32, #tpu.memory_space<vmem>>, vector<1x8xi32>
      %lt3A = vector.broadcast %get3A_107 : vector<1x8xi32> to vector<512x8xi32>
      %lt3A_108 = arith.cmpi slt, %iota3A, %lt3A : vector<512x8xi32>
      %convert_element_type3A_109 = arith.extui %lt3A_108 : vector<512x8xi1> to vector<512x8xi32>
      %convert_element_type3A_110 = arith.sitofp %convert_element_type3A_109 : vector<512x8xi32> to vector<512x8xf32>
      %get3A_111 = arith.constant 0 : index
      %get3A_112 = arith.constant 0 : index
      %get3A_113 = vector.load %arg23[%get3A_111, %get3A_112] : memref<512x8xf32, #tpu.memory_space<vmem>>, vector<512x8xf32>
      %get3A_114 = arith.constant 0 : index
      %get3A_115 = arith.constant 0 : index
      %get3A_116 = vector.load %arg24[%get3A_114, %get3A_115] : memref<512x8xf32, #tpu.memory_space<vmem>>, vector<512x8xf32>
      %add3A_117 = arith.addf %get3A_113, %get3A_116 : vector<512x8xf32>
      %get3A_118 = arith.constant 0 : index
      %get3A_119 = arith.constant 0 : index
      %get3A_120 = vector.load %arg13[%get3A_118, %get3A_119] : memref<1x1xf32, #tpu.memory_space<vmem>>, vector<1x1xf32>
      %add3A_121 = vector.broadcast %get3A_120 : vector<1x1xf32> to vector<512x8xf32>
      %add3A_122 = arith.addf %add3A_117, %add3A_121 : vector<512x8xf32>
      %mul3A_123 = arith.constant 5.000000e-01 : f32
      %mul3A_124 = vector.broadcast %mul3A_123 : f32 to vector<512x8xf32>
      %mul3A_125 = arith.mulf %mul3A_124, %add3A_122 : vector<512x8xf32>
      %tanh3A = math.tanh %mul3A_125 : vector<512x8xf32>
      %mul3A_126 = arith.constant 5.000000e-01 : f32
      %mul3A_127 = vector.broadcast %mul3A_126 : f32 to vector<512x8xf32>
      %mul3A_128 = arith.mulf %mul3A_127, %tanh3A : vector<512x8xf32>
      %add3A_129 = arith.constant 5.000000e-01 : f32
      %add3A_130 = vector.broadcast %add3A_129 : f32 to vector<512x8xf32>
      %add3A_131 = arith.addf %mul3A_128, %add3A_130 : vector<512x8xf32>
      %mul3A_132 = arith.mulf %add3A_131, %convert_element_type3A_110 : vector<512x8xf32>
      %transpose3A = tpu.transpose %mul3A_132, [1, 0] : vector<512x8xf32> -> vector<8x512xf32>
      %swap3A_133 = arith.constant 0 : index
      %swap3A_134 = arith.constant 0 : index
      %swap3A_135 = vector.load %arg14[%swap3A_133, %swap3A_134] : memref<8x512xf32, #tpu.memory_space<vmem>>, vector<8x512xf32>
      tpu.vector_store %arg14[%swap3A_133, %swap3A_134], %transpose3A {strides = array<i32>} : memref<8x512xf32, #tpu.memory_space<vmem>>, vector<8x512xf32>,
    } else {
    }
    return
  }
  func.func @transform_0(%arg0: i32) -> (i32, i32) {
    %c0_i32 = arith.constant 0 : i32
    %c0_i32_0 = arith.constant 0 : i32
    %c0_i32_1 = arith.constant 0 : i32
    return %c0_i32, %c0_i32_0 : i32, i32
  }
  func.func @transform_1(%arg0: i32) -> (i32, i32) {
    %c0_i32 = arith.constant 0 : i32
    %c0_i32_0 = arith.constant 0 : i32
    %c0_i32_1 = arith.constant 0 : i32
    return %c0_i32, %c0_i32_0 : i32, i32
  }
  func.func @transform_2(%arg0: i32) -> (i32, i32) {
    %c0_i32 = arith.constant 0 : i32
    %c0_i32_0 = arith.constant 0 : i32
    return %arg0, %c0_i32 : i32, i32
  }
  func.func @transform_3(%arg0: i32) -> (i32, i32) {
    %sub3A = arith.constant 7 : i32
    %sub3A_0 = arith.subi %sub3A, %arg0 : i32
    %c0_i32 = arith.constant 0 : i32
    %c0_i32_1 = arith.constant 0 : i32
    return %sub3A_0, %c0_i32 : i32, i32
  }
  func.func @transform_4(%arg0: i32) -> (i32, i32) {
    %c0_i32 = arith.constant 0 : i32
    %c0_i32_0 = arith.constant 0 : i32
    %c0_i32_1 = arith.constant 0 : i32
    return %c0_i32, %c0_i32_0 : i32, i32
  }
  func.func @transform_5(%arg0: i32) -> (i32, i32) {
    %c0_i32 = arith.constant 0 : i32
    %c0_i32_0 = arith.constant 0 : i32
    %c0_i32_1 = arith.constant 0 : i32
    return %c0_i32, %c0_i32_0 : i32, i32
  }
  func.func @transform_6(%arg0: i32) -> (i32, i32) {
    %c0_i32 = arith.constant 0 : i32
    %c0_i32_0 = arith.constant 0 : i32
    %c0_i32_1 = arith.constant 0 : i32
    return %c0_i32, %c0_i32_0 : i32, i32
  }
  func.func @transform_7(%arg0: i32) -> (i32, i32) {
    %c0_i32 = arith.constant 0 : i32
    %c0_i32_0 = arith.constant 0 : i32
    %c0_i32_1 = arith.constant 0 : i32
    return %c0_i32, %c0_i32_0 : i32, i32
  }
  func.func @transform_8(%arg0: i32) -> (i32, i32) {
    %c0_i32 = arith.constant 0 : i32
    %c0_i32_0 = arith.constant 0 : i32
    %c0_i32_1 = arith.constant 0 : i32
    return %c0_i32, %c0_i32_0 : i32, i32
  }
  func.func @transform_9(%arg0: i32) -> (i32, i32) {
    %c0_i32 = arith.constant 0 : i32
    %c0_i32_0 = arith.constant 0 : i32
    %c0_i32_1 = arith.constant 0 : i32
    return %c0_i32, %c0_i32_0 : i32, i32
  }
  func.func @transform_10(%arg0: i32) -> (i32, i32) {
    %c0_i32 = arith.constant 0 : i32
    %c0_i32_0 = arith.constant 0 : i32
    %c0_i32_1 = arith.constant 0 : i32
    return %c0_i32, %c0_i32_0 : i32, i32
  }
  func.func @transform_11(%arg0: i32) -> (i32, i32) {
    %c0_i32 = arith.constant 0 : i32
    %c0_i32_0 = arith.constant 0 : i32
    %c0_i32_1 = arith.constant 0 : i32
    return %c0_i32, %c0_i32_0 : i32, i32
  }
  func.func @transform_12(%arg0: i32) -> (i32, i32) {
    %c0_i32 = arith.constant 0 : i32
    %c0_i32_0 = arith.constant 0 : i32
    %c0_i32_1 = arith.constant 0 : i32
    return %c0_i32, %c0_i32_0 : i32, i32
  }
  func.func @transform_13(%arg0: i32) -> (i32, i32) {
    %c0_i32 = arith.constant 0 : i32
    %c0_i32_0 = arith.constant 0 : i32
    %c0_i32_1 = arith.constant 0 : i32
    return %c0_i32, %c0_i32_0 : i32, i32
  }
}

</mosaic_0001>

<sc_bundles>
// kernel: kernel.4.cloned.1.call-start
scs
__scs_entry_jumppad:
0x0: {  	(pc) =	sbr.rel $0x88, $3  }
0x1: {  	(tag) =	ssettag $0x0;
	lr =	simm.s32 $0x1  }
0x2: {  	[smem:$0x3F98] =	sst lr;
	_ =	strace $0xD0000000  }
0x3: {  	_ = 	snop  }
0x4: {  	_ = 	snop  }
0x5: {  	_ = 	snop  }
0x6: {  	_ = 	snop  }
0x7: {  	_ = 	snop  }
__scs_overlays_trampoline_lowered:
0x8: {  	[smem:$0x3FA7] =	sst s0  }
0x9: {  	[smem:$0x3FA8] =	sst s1  }
0xa: {  	[smem:$0x3FA9] =	sst s2  }
0xb: {  	[smem:$0x3FAA] =	sst s3  }
0xc: {  	[smem:$0x3FAB] =	sst s4  }
0xd: {  	[smem:$0x3FAC] =	sst s5  }
0xe: {  	[smem:$0x3FAD] =	sst s6  }
0xf: {  	[smem:$0x3FAE] =	sst s7  }
0x10: {  	[smem:$0x3FAF] =	sst s8  }
0x11: {  	[smem:$0x3FB0] =	sst s9;
	s0 =	simm.s32 @!p0 $0x0  }
0x12: {  	s1 =	sld [smem:$0x3F96];
	s0 =	simm.s32 @p0 $0x1  }
0x13: {  	[smem:$0x3FB1] =	sst s0;
	s0 =	simm.s32 @!p1 $0x0  }
0x14: {  	s2 =	sld [smem:$0x3F95];
	s0 =	simm.s32 @p1 $0x1  }
0x15: {  	[smem:$0x3FB2] =	sst s0;
	s0 =	simm.s32 @!p2 $0x0  }
0x16: {  	s3 =	sld [smem:$0x3FDB];
	s0 =	simm.s32 @p2 $0x1  }
0x17: {  	s4 =	simm.s32 $0x1BF5;
	[smem:$0x3FB4] =	sst s0  }
0x18: {  	s0 =	sld [smem:$0x3F97];
	_ =	swait.ge [sflag:s4], $0x0  }
0x19: {  	s7 =	sld [smem:$0x3F98]  }
0x1a: {  	s8 =	sadd.s32 $0xFFFFE003, lr  }
0x1b: {  	s9 =	sadd.s32 $0xFFFFFEF7, lr;
	s5 =	simm.s32 $0xFFFFFFFF;
	p2 =	slt.u32 s8, $0xFFFFF086  }
0x1c: {  	p1 =	slt.u32 s9, $0xF7A;
	s5 =	simm.s32 @!p2 $0x0  }
0x1d: {  	s5 =	simm.s32 @p1 $0x1;
	p0 =	seq.s32 s7, s2  }
0x1e: {  	s7 =	smul.u32 @!p0 $0xF7A, s2;
	p2 =	seq.s32 @!p0 s5, $0x0  }
0x1f: {  	s9 =	smul.u32 $0xF7A, s1;
	s8 =	simm.s32 @!p0 $0x1BF5;
	p2 =	por !p2, p0  }
0x20: {  	[sflag:s8] =	ssyncset.s32 @!p0 $0xFFFFF086;
	s6 =	sadd.s32 @!p0 s3, s7;
	s7 =	simm.s32 @!p0 $0x108  }
0x21: {  	s3 =	sadd.s32 s3, s9;
	s6 =	sadd.s32 @!p0 $0x88, s6;
	s7 =	simm.s32 @p2 $0x1082  }
0x22: {  	[simem:s7], [sflag:s8] =	dma.local @!p0 [hbm:s6], $0xF7A  }
0x23: {  	s9 =	sor.u32 $0xD0000000, s2;
	s6 =	simm.s32 $0x108;
	_ =	swait.ge @!p0 [sflag:s8], $0x0  }
0x24: {  	s3 =	sadd.s32 $0x88, s3;
	s6 =	simm.s32 @!p1 $0x1082;
	[sflag:s4] =	ssyncset.s32 $0xFFFFF086  }
0x25: {  	[simem:s6], [sflag:s4] =	dma.local [hbm:s3], $0xF7A  }
0x26: {  	[smem:$0x3F98] =	sst s1;
	(tag) =	ssettag s2;
	_ =	strace s9  }
0x27: {  	s1 =	sld [smem:$0x3FA8]  }
0x28: {  	s2 =	sld [smem:$0x3FA9]  }
0x29: {  	s4 =	sld [smem:$0x3FAB]  }
0x2a: {  	p0 =	seq.s32 s5, $0x0;
	s5 =	sld [smem:$0x3FAC]  }
0x2b: {  	s6 =	sld [smem:$0x3FAD]  }
0x2c: {  	s7 =	sld [smem:$0x3FAE]  }
0x2d: {  	s3 =	simm.s32 $0x108;
	s8 =	sld [smem:$0x3FAF]  }
0x2e: {  	s3 =	simm.s32 @!p0 $0x1082;
	s9 =	sld [smem:$0x3FB0]  }
0x2f: {  	lr =	sadd.s32 s0, s3;
	s0 =	sld [smem:$0x3FA7]  }
0x30: {  	s3 =	sld [smem:$0x3FAA]  }
0x31: {  	[smem:$0x3FB3] =	sst s10  }
0x32: {  	s10 =	sld [smem:$0x3FB1];
	_ =	sdelay $0x3  }
0x33: {  	p0 =	seq.s32 s10, $0x1;
	s10 =	sld [smem:$0x3FB3];
	_ =	sdelay $0x3  }
0x34: {  	[smem:$0x3FB3] =	sst s10  }
0x35: {  	s10 =	sld [smem:$0x3FB2];
	_ =	sdelay $0x3  }
0x36: {  	p1 =	seq.s32 s10, $0x1;
	s10 =	sld [smem:$0x3FB3];
	_ =	sdelay $0x3  }
0x37: {  	[smem:$0x3FB3] =	sst s10  }
0x38: {  	s10 =	sld [smem:$0x3FB4]  }
0x39: {  	_ = 	snop;
	(pc) =	sbr.ind lr, $3  }
0x3a: {  	_ = 	snop  }
0x3b: {  	_ = 	snop  }
0x3c: {  	p2 =	seq.s32 s10, $0x1;
	s10 =	sld [smem:$0x3FB3]  }
0x3d: {  	_ =	shalt  }
0x3e: {  	_ =	shalt  }
0x3f: {  	_ =	shalt  }
0x40: {  	_ =	shalt  }
0x41: {  	_ =	shalt  }
0x42: {  	_ =	shalt  }
0x43: {  	_ =	shalt  }
0x44: {  	_ =	shalt  }
0x45: {  	_ =	shalt  }
0x46: {  	_ =	shalt  }
0x47: {  	_ =	shalt  }
0x48: {  	_ =	shalt  }
0x49: {  	_ =	shalt  }
0x4a: {  	_ =	shalt  }
0x4b: {  	_ =	shalt  }
0x4c: {  	_ =	shalt  }
0x4d: {  	_ =	shalt  }
0x4e: {  	_ =	shalt  }
0x4f: {  	_ =	shalt  }
0x50: {  	_ =	shalt  }
0x51: {  	_ =	shalt  }
0x52: {  	_ =	shalt  }
0x53: {  	_ =	shalt  }
0x54: {  	_ =	shalt  }
0x55: {  	_ =	shalt  }
0x56: {  	_ =	shalt  }
0x57: {  	_ =	shalt  }
0x58: {  	_ =	shalt  }
0x59: {  	_ =	shalt  }
0x5a: {  	_ =	shalt  }
0x5b: {  	_ =	shalt  }
0x5c: {  	_ =	shalt  }
0x5d: {  	_ =	shalt  }
0x5e: {  	_ =	shalt  }
0x5f: {  	_ =	shalt  }
0x60: {  	_ =	shalt  }
0x61: {  	_ =	shalt  }
0x62: {  	_ =	shalt  }
0x63: {  	_ =	shalt  }
0x64: {  	_ =	shalt  }
0x65: {  	_ =	shalt  }
0x66: {  	_ =	shalt  }
0x67: {  	_ =	shalt  }
0x68: {  	_ =	shalt  }
0x69: {  	_ =	shalt  }
0x6a: {  	_ =	shalt  }
0x6b: {  	_ =	shalt  }
0x6c: {  	_ =	shalt  }
0x6d: {  	_ =	shalt  }
0x6e: {  	_ =	shalt  }
0x6f: {  	_ =	shalt  }
0x70: {  	_ =	shalt  }
0x71: {  	_ =	shalt  }
0x72: {  	_ =	shalt  }
0x73: {  	_ =	shalt  }
0x74: {  	_ =	shalt  }
0x75: {  	_ =	shalt  }
0x76: {  	_ =	shalt  }
0x77: {  	_ =	shalt  }
0x78: {  	_ =	shalt  }
0x79: {  	_ =	shalt  }
0x7a: {  	_ =	shalt  }
0x7b: {  	_ =	shalt  }
0x7c: {  	_ =	shalt  }
0x7d: {  	_ =	shalt  }
0x7e: {  	_ =	shalt  }
0x7f: {  	_ =	shalt  }
0x80: {  	_ =	shalt  }
0x81: {  	_ =	shalt  }
0x82: {  	_ =	shalt  }
0x83: {  	_ =	shalt  }
0x84: {  	_ =	shalt  }
0x85: {  	_ =	shalt  }
0x86: {  	_ =	shalt  }
0x87: {  	_ =	shalt  }
.Lfunc_end0:
.L_simem_size_0:
called_computation_lowered:
.L_overlay_start_0:
0x88: {  	s2 =	sld [smem:$0x3FD9]  }
0x89: {  	s3 =	sld [smem:$0x3FFE];
	_ =	sdelay $0x1  }
0x8a: {  	s1 =	srdreg.scid  }
0x8b: {  	s0 =	sand.u32 $0x1, s1  }
0x8c: {  	s17 =	sshll.u32 s0, $0xA;
	s2 =	sadd.s32 s3, s2  }
0x8d: {  	s2 =	sadd.s32 s2, s17  }
0x8e: {  	[smem:$0x3FBF] =	sst s2  }
0x8f: {  	_ = 	snop  }
0x90: {  	s2 =	sld [smem:$0x3FC7]  }
0x91: {  	s18 =	sld [smem:$0x3FD0];
	(tm) =	ssettm $0x1  }
0x92: {  	s4 =	sld [smem:$0x3FFB];
	_ =	sdelay $0x3  }
0x93: {  	_ =	strace s4  }
0x94: {  	s4 =	sld [smem:$0x3FFC];
	_ =	sdelay $0x3  }
0x95: {  	_ =	strace s4  }
0x96: {  	s4 =	sld [smem:$0x3FFD];
	_ =	sdelay $0x3  }
0x97: {  	_ =	strace s4  }
0x98: {  	_ =	strace $0x8FFFFFFF  }
0x99: {  	s19 =	sld [smem:$0x3FDB];
	_ =	sdelay $0x1  }
0x9a: {  	s5 =	simm.s32 $_scs_section_size  }
0x9b: {  	s6 =	simm.s32 $_size__tile_overlayer_lowered;
	s7 =	simm.s32 $_tile_overlayer_lowered  }
0x9c: {  	s22 =	simm.s32 $0x1BFF;
	s21 =	sshll.u32 s7, $0x1;
	s4 =	sadd.s32 s5, s19  }
0x9d: {  	s8 =	simm.s32 $0x0;
	s20 =	sshll.u32 s6, $0x1;
	s6 =	sadd.s32 s21, s4  }
0x9e: {  	[timem:s8], [sflag:s22] =	dma.local [hbm:s6], s20  }
0x9f: {  	_ =	swait.ge [sflag:s22], s20  }
0xa0: {  	s5 =	ssub.s32 $0x0, s20;
	[sflag:s22] =	ssyncset.done $0x0  }
0xa1: {  	[sflag:s22] =	ssyncadd.s32 s5;
	_ =	sdelay $0x1  }
0xa2: {  	s23 =	simm.s32 $0x1B8B  }
0xa3: {  	_ =	swait.ge [sflag:s23], $0x1  }
0xa4: {  	[sflag:s23] =	ssyncset.done $0x0  }
0xa5: {  	s25 =	simm.s32 $0x1B8E;
	s24 =	sld [smem:$0x3FFE];
	[sflag:s23] =	ssyncadd.s32 $0xFFFFFFFF  }
0xa6: {  	s26 =	simm.s32 $execute0_lowered;
	[smem:$0x3FD2] =	sst s25  }
0xa7: {  	s6 =	sshll.u32 s26, $0x1;
	_ =	strace $0x80000046;
	[dreg:$0x1] =	wrdreg $0xFFFFFFFF  }
0xa8: {  	s28 =	simm.s32 $_size_execute0_lowered;
	s4 =	sadd.s32 s4, s6;
	[dreg:$0x0] =	wrdreg $0x0  }
0xa9: {  	s6 =	sshll.u32 s28, $0x1;
	[dreg:$0x2] =	wrdreg s4  }
0xaa: {  	[dreg:$0x3] =	wrdreg s6  }
0xab: {  	[dreg:$0x4] =	wrdreg $0xC0  }
0xac: {  	_ =	task [dreg:s8], $0x5FFFF  }
0xad: {  	[dreg:$0x1] =	wrdreg $0xFFFFFFFF  }
0xae: {  	[dreg:$0x0] =	wrdreg $0x60  }
0xaf: {  	[dreg:$0x2] =	wrdreg s2  }
0xb0: {  	[dreg:$0x3] =	wrdreg s18  }
0xb1: {  	[dreg:$0x4] =	wrdreg s24  }
0xb2: {  	[dreg:$0x5] =	wrdreg $0x9  }
0xb3: {  	_ =	task.clear_ibuf [dreg:s8], $0x6FFFF;
	_ =	strace $0x90000046  }
0xb4: {  	s29 =	simm.s32 $0x9;
	_ =	strace $0x80000048  }
0xb5: {  	_ =	swait.ge [sflag:s29], $0x1  }
0xb6: {  	[sflag:s29] =	ssyncadd.s32 $0xFFFFFFFF  }
0xb7: {  	_ =	strace $0x90000048  }
0xb8: {  	_ =	sfence  }
0xb9: {  	s30 =	sld [smem:$0x0];
	_ =	sdelay $0x2  }
0xba: {  	s31 =	sshll.u32 s1, $0xD;
	s1 =	sshrl.u32 s1, $0x2  }
0xbb: {  	s3 =	sand.u32 $0x4000, s31;
	s1 =	sadd.s32 s1, s30  }
0xbc: {  	s0 =	sor.u32 s3, s0;
	s1 =	sshll.u32 s1, $0x11  }
0xbd: {  	s0 =	sor.u32 s1, s0  }
0xbe: {  	s0 =	sadd.s32 $0x8F2B, s0  }
0xbf: {  	[sflag:s0] =	ssyncadd.remote.s32 $0x1  }
0xc0: {  	_ =	sfence.sel $0xFFFF  }
0xc1: {  	[dreg:$0x0] =	wrdreg $0xFFFFFFFF;
	(pc) =	sbr.abs _section_cstart, $3  }
0xc2: {  	[dreg:$0x1] =	wrdreg $0xFFFFFFFF  }
0xc3: {  	_ =	task.clear_ibuf [dreg:s8], $0x2FFFF;
	_ =	strace $0x9FFFFFFF  }
0xc4: {  	(tm) =	ssettm $0x7FFFFFFF  }
0xc5: {  	_ =	shalt  }
tec
execute0_lowered:
.L_overlay_start_1:
0x0: {  	(tag) =	ssettag $0x1  }
0x1: {  	s1 =	rddreg [dreg:$0x0];
	s2 =	srdreg.scid  }
0x2: {  	s4 =	rddreg [dreg:$0x1];
	s0 =	stileid.u32  }
0x3: {  	s8 =	rddreg [dreg:$0x2];
	s3 =	simm.s32 $0x0;
	s6 =	sand.u32 $0x1, s2  }
0x4: {  	s5 =	sshll.u32 s0, $0x8;
	s2 =	rddreg [dreg:$0x3];
	s7 =	sshll.u32 s6, $0x7  }
0x5: {  	[smem:$0x7FF] =	sst s3;
	s9 =	sor.u32 s7, s5  }
0x6: {  	_ =	strace $0x80000047;
	s10 =	ssub.s32 $0x2, s6;
	s5 =	sshrl.u32 s9, $0x3  }
0x7: {  	s6 =	simm.s32 $0x80;
	s5 =	sadd.s32 s4, s5;
	s4 =	simm.s32 $0x2  }
0x8: {  	[tilespmem:s3], [sflag:$0x2] =	stream.linear.gather [hbm4b:s5+s3], $0x80, $0x38;
	[tilespmem:$0x4080] =	vst v63  }
0x9: {  	s7 =	simm.s32 $0x1;
	s11 =	sshrl.u32 s10, $0x1;
	_ =	swait.ge [sflag:s4], $0x80  }
0xa: {  	s9 =	sshll.u32 s9, $0x4;
	s31 =	ssub.s32 s10, s11;
	[sflag:s4] =	ssyncset.done $0x0  }
0xb: {  	s8 =	sadd.s32 s9, s8;
	s9 =	smax.u32 s31, $0x1;
	[sflag:s4] =	ssyncadd.s32 $0xFFFFFF80  }
0xc: {  	[tilespmem:s6], [sflag:$0x1] =	stream.indirect.gather [hbm4b:s1+s6], $0x80, s3, s6, $0xb8;
	[tilespmem:$0x4080] =	vst v63  }
0xd: {  	p0 =	sne.s32 s9, $0x1;
	_ =	swait.ge [sflag:s7], $0x4000  }
.Ltmp0:
0xe: {  	[sflag:s7] =	ssyncset.done $0x0;
	(pc) =	sbr.rel @!p0 .LBB2_2-.Ltmp0, $4  }
0xf: {  	s8 =	sadd.s32 $0x1400, s8;
	[sflag:s7] =	ssyncadd.s32 $0xFFFFC000  }
0x10: {  	[hbm4b:s8+s3] =	stream.linear.scatter [tilespmem:s6], [sflag:$0x2], $0x4000, $0x38;
	[tilespmem:$0x4080] =	vst v63  }
0x11: {  	_ =	swait.ge [sflag:s4], $0x4000  }
0x12: {  	s9 =	sadd.s32 $0xFFFFFFFF, s9;
	[sflag:s4] =	ssyncset.done $0x0  }
.LBB2_1:
0x13: {  	p0 =	sne.s32 s9, $0x1;
	s9 =	sadd.s32 $0xFFFFFFFF, s9;
	[sflag:s4] =	ssyncadd.s32 $0xFFFFC000  }
0x14: {  	[tilespmem:s3], [sflag:$0x2] =	stream.linear.gather [hbm4b:s5+s3], $0x80, $0x38;
	[tilespmem:$0x4080] =	vst v63  }
0x15: {  	_ =	swait.ge [sflag:s4], $0x80  }
0x16: {  	[sflag:s4] =	ssyncset.done $0x0  }
0x17: {  	[sflag:s4] =	ssyncadd.s32 $0xFFFFFF80  }
0x18: {  	[tilespmem:s6], [sflag:$0x1] =	stream.indirect.gather [hbm4b:s1+s6], $0x80, s3, s6, $0xb8;
	[tilespmem:$0x4080] =	vst v63  }
0x19: {  	_ =	swait.ge [sflag:s7], $0x4000  }
.Ltmp1:
0x1a: {  	[sflag:s7] =	ssyncset.done $0x0;
	(pc) =	sbr.rel @p0 .LBB2_1-.Ltmp1, $4  }
0x1b: {  	[sflag:s7] =	ssyncadd.s32 $0xFFFFC000  }
0x1c: {  	[hbm4b:s8+s3] =	stream.linear.scatter [tilespmem:s6], [sflag:$0x2], $0x4000, $0x38;
	[tilespmem:$0x4080] =	vst v63  }
0x1d: {  	_ =	swait.ge [sflag:s4], $0x4000  }
0x1e: {  	[sflag:s4] =	ssyncset.done $0x0  }
.LBB2_2:
0x1f: {  	[sflag:s4] =	ssyncadd.s32 $0xFFFFC000  }
0x20: {  	_ =	sfence.sel $0x180000  }
0x21: {  	[bflag:$0x0] =	sbarrier.arrive $0xFFFF  }
0x22: {  	p0 =	sne.s32 s0, $0x0;
	_ =	strace $0x90000047  }
0x23: {  	s0 =	sadd.s32 @!p0 $0x100000, s2;
	[bflag:$0x2] =	sbarrier.arrive $0xFFFF  }
0x24: {  	[sflag:s0] =	ssyncadd.tile.s32 @!p0 $0x1;
	_ =	shalt  }
.Lfunc_end2:
_tile_overlayer_lowered:
.L_overlay_start_2:
0x25: {  	(tag) =	ssettag $0x2  }
0x26: {  	s0 =	rddreg [dreg:$0x0];
	s2 =	stileid.u32  }
0x27: {  	s1 =	rddreg [dreg:$0x1];
	p0 =	sne.s32 s2, $0x0  }
0x28: {  	s3 =	rddreg [dreg:$0x2];
	[bflag:$0x3] =	sbarrier.arrive $0xFFFF;
	s2 =	simm.s32 @!p0 $0x1C02  }
0x29: {  	[timem:s3], [sflag:s2] =	dma.local @!p0 [hbm:s0], s1  }
0x2a: {  	s0 =	simm.s32 @!p0 $0x2  }
0x2b: {  	_ =	swait.ge @!p0 [sflag:s0], s1  }
0x2c: {  	s1 =	ssub.s32 @!p0 $0x0, s1;
	[sflag:s0] =	ssyncset.done @!p0 $0x0  }
0x2d: {  	[sflag:s0] =	ssyncadd.s32 @!p0 s1  }
0x2e: {  	[bflag:$0x3] =	sbarrier.arrive $0xFFFF  }
0x2f: {  	_ =	shalt  }

</sc_bundles>
